<compile_context>
chip_gen: v7x
topology: tpu7x:2x2x1
jax: 0.10.2.dev20260603
libtpu: 0.0.44.dev20260713+nightly
codegen_flags: <defaults>
</compile_context>

<pallas_src>
import jax
import jax.numpy as jnp
import numpy as np
from jax import lax
from jax.experimental import pallas as pl
from jax.experimental.pallas import tpu as pltpu
from jax.experimental.pallas import tpu_sc as plsc

_A = 32768
_NHEADS = 4
_ROWS = 128
_BLK = 2048

_CB = 8192
_NA = _A - _CB
_NB1 = _NA // _BLK
_BLK2 = 8192
_NB2 = _CB // _BLK2

_TINY = np.float32(np.finfo(np.float32).tiny)
_BIG_I32 = np.int32(2**31 - 1)


def _threefry_bits(k1, k2, x1):
  ks2 = k1 ^ k2 ^ np.uint32(0x1BD11BDA)
  ks = (k1, k2, ks2)
  rotations = ((13, 15, 26, 6), (17, 29, 16, 24))

  def rotl(v, d):
    return (v << np.uint32(d)) | (v >> np.uint32(32 - d))

  x0 = jnp.zeros_like(x1) + k1
  for i in range(5):
    for r in rotations[i % 2]:
      x0 = x0 + x1
      x1 = rotl(x1, r)
      x1 = x1 ^ x0
    x0 = x0 + ks[(i + 1) % 3]
    x1 = x1 + ks[(i + 2) % 3] + np.uint32(i + 1)
  return x0 ^ x1


def _gumbel_from_bits(bits):
  float_bits = (bits >> np.uint32(9)) | np.uint32(0x3F800000)
  f = pltpu.bitcast(float_bits, jnp.float32) - np.float32(1.0)
  u = jnp.maximum(f, _TINY)
  return jnp.log(-jnp.log(u))



def _tc1_kernel(keys_ref, x_ref, val_out, idx_out, best_val, best_idx, p_base):
  h = pl.program_id(0)
  cb = pl.program_id(1)

  k1 = keys_ref[h, 0]
  k2 = keys_ref[h, 1]

  @pl.when((h == 0) & (cb == 0))
  def _():
    row = lax.broadcasted_iota(jnp.uint32, (_ROWS, _BLK), 0)
    col = lax.broadcasted_iota(jnp.uint32, (_ROWS, _BLK), 1)
    p_base[...] = row * np.uint32(_A) + col

  x1 = p_base[...] + (k2 + (cb * _BLK).astype(jnp.uint32))
  bits = _threefry_bits(k1, k2, x1)
  v = x_ref[...] - _gumbel_from_bits(bits)

  m = jnp.max(v, axis=1, keepdims=True)
  col = lax.broadcasted_iota(jnp.int32, (_ROWS, _BLK), 1)
  cand = jnp.where(v == m, col, _BIG_I32)
  idx = jnp.min(cand, axis=1, keepdims=True) + cb * _BLK

  @pl.when(cb == 0)
  def _():
    best_val[...] = m
    best_idx[...] = idx

  @pl.when(cb != 0)
  def _():
    better = m > best_val[...]
    best_val[...] = jnp.where(better, m, best_val[...])
    best_idx[...] = jnp.where(better, idx, best_idx[...])

  @pl.when(cb == _NB1 - 1)
  def _():
    lane = lax.broadcasted_iota(jnp.int32, (_ROWS, _NHEADS), 1)
    val_out[...] = jnp.where(lane == h, best_val[...], val_out[...])
    idx_out[...] = jnp.where(lane == h, best_idx[...], idx_out[...])



def _sc_bits_kernel(keys_hbm, bits_hbm, kv, buf0, buf1, sem0, sem1):
  wid = lax.axis_index("s") * 2 + lax.axis_index("c")
  pltpu.sync_copy(keys_hbm, kv)

  lane = lax.iota(jnp.int32, 16).astype(jnp.uint32)

  def fill(t, buf):
    hr = wid * 16 + t
    h = hr // _ROWS
    r = hr - h * _ROWS
    k1v = kv[h, 0, :]
    k2v = kv[h, 1, :]
    base = (r * _A + _NA).astype(jnp.uint32)

    def vec(j, c):
      p = lane + (base + (j * 16).astype(jnp.uint32))
      bits = _threefry_bits(k1v, k2v, p + k2v)
      buf[pl.ds(pl.multiple_of(j * 16, 16), 16)] = bits
      return c

    lax.fori_loop(0, _CB // 16, vec, 0, unroll=8)
    return hr

  def pair(t, carry):
    for buf, sem in ((buf0, sem0), (buf1, sem1)):
      @pl.when(t > 0)
      def _():
        pltpu.make_async_copy(buf, bits_hbm.at[0, :], sem).wait()
      hr = fill(2 * t if buf is buf0 else 2 * t + 1, buf)
      pltpu.async_copy(buf, bits_hbm.at[hr, :], sem)
    return carry

  lax.fori_loop(0, 8, pair, 0)
  pltpu.make_async_copy(buf0, bits_hbm.at[0, :], sem0).wait()
  pltpu.make_async_copy(buf1, bits_hbm.at[0, :], sem1).wait()



def _tc2_kernel(pval_ref, pidx_ref, bits_ref, x_ref, out_ref, s_val, s_idx):
  h = pl.program_id(0)
  cb = pl.program_id(1)

  @pl.when((h == 0) & (cb == 0))
  def _():
    s_val[...] = pval_ref[...]
    s_idx[...] = pidx_ref[...]

  v = x_ref[...] - _gumbel_from_bits(bits_ref[...])

  m = jnp.max(v, axis=1, keepdims=True)
  col = lax.broadcasted_iota(jnp.int32, (_ROWS, _BLK2), 1)
  cand = jnp.where(v == m, col, _BIG_I32)
  idx = (jnp.min(cand, axis=1, keepdims=True)
         + (_NA + cb * _BLK2))

  lane = lax.broadcasted_iota(jnp.int32, (_ROWS, _NHEADS), 1)
  better = (lane == h) & (m > s_val[...])
  s_val[...] = jnp.where(better, jnp.broadcast_to(m, (_ROWS, _NHEADS)),
                         s_val[...])
  s_idx[...] = jnp.where(better, jnp.broadcast_to(idx, (_ROWS, _NHEADS)),
                         s_idx[...])

  @pl.when((h == _NHEADS - 1) & (cb == _NB2 - 1))
  def _():
    out_ref[...] = s_idx[...].T



@jax.jit
def kernel(x):
  base = jax.random.key(42)
  keys = jnp.stack(
      [jax.random.key_data(jax.random.fold_in(base, i)) for i in range(_NHEADS)]
  ).astype(jnp.uint32)
  keys_exp = jnp.broadcast_to(keys[:, :, None], (_NHEADS, 2, 16))

  sc_bits = pl.kernel(
      _sc_bits_kernel,
      out_type=jax.ShapeDtypeStruct((_NHEADS * _ROWS, _CB), jnp.uint32),
      mesh=plsc.VectorSubcoreMesh(core_axis_name="c", subcore_axis_name="s"),
      scratch_types=[
          pltpu.VMEM((_NHEADS, 2, 16), jnp.uint32),
          pltpu.VMEM((_CB,), jnp.uint32),
          pltpu.VMEM((_CB,), jnp.uint32),
          pltpu.SemaphoreType.DMA,
          pltpu.SemaphoreType.DMA,
      ],
  )(keys_exp)

  pval, pidx = pl.pallas_call(
      _tc1_kernel,
      grid=(_NHEADS, _NB1),
      in_specs=[
          pl.BlockSpec(memory_space=pltpu.SMEM),
          pl.BlockSpec((_ROWS, _BLK), lambda h, cb: (0, h * (_A // _BLK) + cb)),
      ],
      out_specs=[
          pl.BlockSpec((_ROWS, _NHEADS), lambda h, cb: (0, 0)),
          pl.BlockSpec((_ROWS, _NHEADS), lambda h, cb: (0, 0)),
      ],
      out_shape=[
          jax.ShapeDtypeStruct((_ROWS, _NHEADS), jnp.float32),
          jax.ShapeDtypeStruct((_ROWS, _NHEADS), jnp.int32),
      ],
      scratch_shapes=[
          pltpu.VMEM((_ROWS, 1), jnp.float32),
          pltpu.VMEM((_ROWS, 1), jnp.int32),
          pltpu.VMEM((_ROWS, _BLK), jnp.uint32),
      ],
      compiler_params=pltpu.CompilerParams(
          dimension_semantics=("arbitrary", "arbitrary"),
      ),
  )(keys, x)

  out = pl.pallas_call(
      _tc2_kernel,
      grid=(_NHEADS, _NB2),
      in_specs=[
          pl.BlockSpec((_ROWS, _NHEADS), lambda h, cb: (0, 0)),
          pl.BlockSpec((_ROWS, _NHEADS), lambda h, cb: (0, 0)),
          pl.BlockSpec((_ROWS, _BLK2), lambda h, cb: (h, cb)),
          pl.BlockSpec(
              (_ROWS, _BLK2),
              lambda h, cb: (0, h * (_A // _BLK2) + (_NA // _BLK2) + cb)),
      ],
      out_specs=pl.BlockSpec((_NHEADS, _ROWS), lambda h, cb: (0, 0)),
      out_shape=jax.ShapeDtypeStruct((_NHEADS, _ROWS), jnp.int32),
      scratch_shapes=[
          pltpu.VMEM((_ROWS, _NHEADS), jnp.float32),
          pltpu.VMEM((_ROWS, _NHEADS), jnp.int32),
      ],
      compiler_params=pltpu.CompilerParams(
          dimension_semantics=("arbitrary", "arbitrary"),
      ),
  )(pval, pidx, sc_bits, x)

  return out.reshape(-1)

# --- scband reference (transcript-rebuilt; emitter-appended) ---
"""Pipeline reference for scband-multi-categorical-head-79448305041996 (READ-ONLY COPY).

The authoritative reference and input builder live on the scoring server;
editing this copy changes nothing except your own understanding.
"""

import jax, jax.numpy as jnp
import numpy as np

ACTION_DIMS = (32768, 32768, 32768, 32768)


def setup_inputs(seed: int = 0) -> dict:
    key = jax.random.key(seed)
    x = jax.random.normal(key, (128, int(sum(ACTION_DIMS))), dtype=jnp.float32)
    return {"x": x}


def reference(x):
    # MultiCategoricalHead.__call__: split logits along last axis into one chunk per
    # action dimension, sample a categorical from each chunk with its own rng,
    # and concatenate the integer samples.
    split_points = np.cumsum(np.array(ACTION_DIMS))[:-1].tolist()
    splits = jnp.split(x, split_points, axis=-1)
    base = jax.random.key(42)  # stands in for make_rng('dist') per head
    rngs = [jax.random.fold_in(base, i) for i in range(len(ACTION_DIMS))]
    samples = [jax.random.categorical(rngs[i], logits=s) for i, s in enumerate(splits)]
    return jnp.concatenate(samples)

if __name__ == "__main__":
    import jax
    _d = setup_inputs()
    print(jax.jit(kernel)(*tuple(_d.values())))

</pallas_src>

<mosaic_0001>
#map = affine_map<(d0, d1) -> (0, 0, 0)>
#map1 = affine_map<(d0, d1) -> (0, 0)>
module attributes {stable_mosaic.version = 14 : i64} {
  func.func @_sc_bits_kernel(%arg0: i32, %arg1: i32, %arg2: memref<4x2x16xi32, #tpu.memory_space<hbm>>, %arg3: memref<512x8192xi32, #tpu.memory_space<hbm>>, %arg4: memref<4x2x16xi32, #tpu.memory_space<vmem>>, %arg5: memref<8192xi32, #tpu.memory_space<vmem>>, %arg6: memref<8192xi32, #tpu.memory_space<vmem>>, %arg7: memref<!tpu.dma_semaphore, #tpu.memory_space<semaphore_mem>>, %arg8: memref<!tpu.dma_semaphore, #tpu.memory_space<semaphore_mem>>) attributes {dimension_semantics = [#tpu.dimension_semantics<core_parallel>, #tpu.dimension_semantics<subcore_parallel>], iteration_bounds = array<i64: 2, 16>, scalar_prefetch = 0 : i64, scratch_operands = 5 : i64, tpu.core_type = #tpu.core_type<sc_vector_subcore>, window_params = [{transform_indices = #map}, {transform_indices = #map1}]} {
    %mul3A = arith.constant 2 : i32
    %mul3A_0 = arith.muli %arg1, %mul3A : i32
    %add3A = arith.addi %mul3A_0, %arg0 : i32
    "tpu.region"() ({
      %run_scoped3A = tpu.sem_alloc : memref<!tpu.dma_semaphore, #tpu.memory_space<semaphore_mem>>
      tpu.enqueue_dma source(%arg2 : memref<4x2x16xi32, #tpu.memory_space<hbm>>) target(%arg4 : memref<4x2x16xi32, #tpu.memory_space<vmem>>) target_semaphore(%run_scoped3A : memref<!tpu.dma_semaphore, #tpu.memory_space<semaphore_mem>>)
      tpu.wait_dma2 semaphore(%run_scoped3A : memref<!tpu.dma_semaphore, #tpu.memory_space<semaphore_mem>>) src(%arg2 : memref<4x2x16xi32, #tpu.memory_space<hbm>>) dst(%arg4 : memref<4x2x16xi32, #tpu.memory_space<vmem>>)
      tpu.yield
    }) : () -> ()
    %iota3A = tpu.iota {dimensions = array<i32: 0>} : vector<16xi32>
    %scan3A = arith.constant 0 : i32
    %scan3A_1 = arith.constant 0 : i32
    %scan3A_2 = arith.constant 8 : i32
    %scan3A_3 = arith.addi %scan3A_1, %scan3A_2 : i32
    %scan3A_4 = arith.constant 1 : i32
    scf.for %scan3A_19 = %scan3A_1 to %scan3A_3 step %scan3A_4  : i32 {
      %gt3A = arith.constant 0 : i32
      %gt3A_20 = arith.cmpi sgt, %scan3A_19, %gt3A : i32
      %convert_element_type3A = arith.extui %gt3A_20 : i1 to i32
      %cond3A = arith.constant 0 : i32
      %cond3A_21 = arith.cmpi ne, %convert_element_type3A, %cond3A : i32
      scf.if %cond3A_21 {
        %dma_wait3A_139 = arith.constant 0 : i32
        %dma_wait3A_140 = arith.constant 0 : i32
        %dma_wait3A_141 = tpu.memref_slice %arg3[%dma_wait3A_139, %dma_wait3A_140] : memref<512x8192xi32, #tpu.memory_space<hbm>> -> memref<1x8192xi32, #tpu.memory_space<hbm>>
        %dma_wait3A_142 = tpu.memref_squeeze %dma_wait3A_141 : memref<1x8192xi32, #tpu.memory_space<hbm>> -> memref<8192xi32, #tpu.memory_space<hbm>>
        %dma_wait3A_143 = arith.constant 0 : i32
        %dma_wait3A_144 = tpu.memref_slice %arg3[%dma_wait3A_139, %dma_wait3A_143] : memref<512x8192xi32, #tpu.memory_space<hbm>> -> memref<1x8192xi32, #tpu.memory_space<hbm>>
        %dma_wait3A_145 = tpu.memref_squeeze %dma_wait3A_144 : memref<1x8192xi32, #tpu.memory_space<hbm>> -> memref<8192xi32, #tpu.memory_space<hbm>>
        tpu.wait_dma2 semaphore(%arg7 : memref<!tpu.dma_semaphore, #tpu.memory_space<semaphore_mem>>) src(%arg5 : memref<8192xi32, #tpu.memory_space<vmem>>) dst(%dma_wait3A_145 : memref<8192xi32, #tpu.memory_space<hbm>>)
      } else {
      }
      %mul3A_22 = arith.constant 2 : i32
      %mul3A_23 = arith.muli %mul3A_22, %scan3A_19 : i32
      %mul3A_24 = arith.constant 16 : i32
      %mul3A_25 = arith.muli %add3A, %mul3A_24 : i32
      %add3A_26 = arith.addi %mul3A_25, %mul3A_23 : i32
      %jit3A = arith.constant 128 : i32
      %div3A = arith.divsi %add3A_26, %jit3A : i32
      %sign3A = arith.constant 0 : i32
      %sign3A_27 = arith.cmpi sgt, %add3A_26, %sign3A : i32
      %sign3A_28 = arith.extui %sign3A_27 : i1 to i32
      %sign3A_29 = arith.constant 0 : i32
      %sign3A_30 = arith.cmpi slt, %add3A_26, %sign3A_29 : i32
      %sign3A_31 = arith.extui %sign3A_30 : i1 to i32
      %sign3A_32 = arith.subi %sign3A_28, %sign3A_31 : i32
      %sign3A_33 = arith.constant 0 : i32
      %sign3A_34 = arith.cmpi sgt, %jit3A, %sign3A_33 : i32
      %sign3A_35 = arith.extui %sign3A_34 : i1 to i32
      %sign3A_36 = arith.constant 0 : i32
      %sign3A_37 = arith.cmpi slt, %jit3A, %sign3A_36 : i32
      %sign3A_38 = arith.extui %sign3A_37 : i1 to i32
      %sign3A_39 = arith.subi %sign3A_35, %sign3A_38 : i32
      %ne3A = arith.cmpi ne, %sign3A_32, %sign3A_39 : i32
      %rem3A = arith.remsi %add3A_26, %jit3A : i32
      %ne3A_40 = arith.constant 0 : i32
      %ne3A_41 = arith.cmpi ne, %rem3A, %ne3A_40 : i32
      %and3A = arith.andi %ne3A, %ne3A_41 : i1
      %sub3A = arith.constant 1 : i32
      %sub3A_42 = arith.subi %div3A, %sub3A : i32
      %select_n3A = arith.select %and3A, %sub3A_42, %div3A : i32
      %mul3A_43 = arith.constant 128 : i32
      %mul3A_44 = arith.muli %select_n3A, %mul3A_43 : i32
      %sub3A_45 = arith.subi %add3A_26, %mul3A_44 : i32
      %get3A = arith.constant 0 : i32
      %get3A_46 = arith.index_cast %select_n3A : i32 to index
      %get3A_47 = arith.index_cast %get3A : i32 to index
      %get3A_48 = arith.constant 0 : index
      %get3A_49 = tpu.vector_load %arg4[%get3A_46, %get3A_47, %get3A_48] {strides = array<i32>} : memref<4x2x16xi32, #tpu.memory_space<vmem>>, vector<1x1x16xi32>,
      %get3A_50 = vector.shape_cast %get3A_49 : vector<1x1x16xi32> to vector<16xi32>
      %get3A_51 = arith.constant 1 : i32
      %get3A_52 = arith.index_cast %select_n3A : i32 to index
      %get3A_53 = arith.index_cast %get3A_51 : i32 to index
      %get3A_54 = arith.constant 0 : index
      %get3A_55 = tpu.vector_load %arg4[%get3A_52, %get3A_53, %get3A_54] {strides = array<i32>} : memref<4x2x16xi32, #tpu.memory_space<vmem>>, vector<1x1x16xi32>,
      %get3A_56 = vector.shape_cast %get3A_55 : vector<1x1x16xi32> to vector<16xi32>
      %mul3A_57 = arith.constant 32768 : i32
      %mul3A_58 = arith.muli %sub3A_45, %mul3A_57 : i32
      %add3A_59 = arith.constant 24576 : i32
      %add3A_60 = arith.addi %mul3A_58, %add3A_59 : i32
      %scan3A_61 = arith.constant 0 : i32
      %scan3A_62 = arith.constant 0 : i32
      %scan3A_63 = arith.constant 512 : i32
      %scan3A_64 = arith.addi %scan3A_62, %scan3A_63 : i32
      %scan3A_65 = arith.constant 8 : i32
      scf.for %scan3A_139 = %scan3A_62 to %scan3A_64 step %scan3A_65  : i32 {
        %mul3A_140 = arith.constant 16 : i32
        %mul3A_141 = arith.muli %scan3A_139, %mul3A_140 : i32
        %add3A_142 = arith.addi %add3A_60, %mul3A_141 : i32
        %add3A_143 = vector.broadcast %add3A_142 : i32 to vector<16xi32>
        %add3A_144 = arith.addi %iota3A, %add3A_143 : vector<16xi32>
        %add3A_145 = arith.addi %add3A_144, %get3A_56 : vector<16xi32>
        %xor3A = arith.xori %get3A_50, %get3A_56 : vector<16xi32>
        %xor3A_146 = arith.constant 466688986 : i32
        %xor3A_147 = vector.broadcast %xor3A_146 : i32 to vector<16xi32>
        %xor3A_148 = arith.xori %xor3A, %xor3A_147 : vector<16xi32>
        %broadcast_in_dim3A = arith.constant 0 : i32
        %broadcast_in_dim3A_149 = vector.broadcast %broadcast_in_dim3A : i32 to vector<16xi32>
        %add3A_150 = arith.addi %broadcast_in_dim3A_149, %get3A_50 : vector<16xi32>
        %add3A_151 = arith.addi %add3A_150, %add3A_145 : vector<16xi32>
        %shift_left3A = arith.constant 13 : i32
        %shift_left3A_152 = vector.broadcast %shift_left3A : i32 to vector<16xi32>
        %shift_left3A_153 = arith.shli %add3A_145, %shift_left3A_152 : vector<16xi32>
        %shift_right_logical3A = arith.constant 19 : i32
        %shift_right_logical3A_154 = vector.broadcast %shift_right_logical3A : i32 to vector<16xi32>
        %shift_right_logical3A_155 = arith.shrui %add3A_145, %shift_right_logical3A_154 : vector<16xi32>
        %or3A = arith.ori %shift_left3A_153, %shift_right_logical3A_155 : vector<16xi32>
        %xor3A_156 = arith.xori %or3A, %add3A_151 : vector<16xi32>
        %add3A_157 = arith.addi %add3A_151, %xor3A_156 : vector<16xi32>
        %shift_left3A_158 = arith.constant 15 : i32
        %shift_left3A_159 = vector.broadcast %shift_left3A_158 : i32 to vector<16xi32>
        %shift_left3A_160 = arith.shli %xor3A_156, %shift_left3A_159 : vector<16xi32>
        %shift_right_logical3A_161 = arith.constant 17 : i32
        %shift_right_logical3A_162 = vector.broadcast %shift_right_logical3A_161 : i32 to vector<16xi32>
        %shift_right_logical3A_163 = arith.shrui %xor3A_156, %shift_right_logical3A_162 : vector<16xi32>
        %or3A_164 = arith.ori %shift_left3A_160, %shift_right_logical3A_163 : vector<16xi32>
        %xor3A_165 = arith.xori %or3A_164, %add3A_157 : vector<16xi32>
        %add3A_166 = arith.addi %add3A_157, %xor3A_165 : vector<16xi32>
        %shift_left3A_167 = arith.constant 26 : i32
        %shift_left3A_168 = vector.broadcast %shift_left3A_167 : i32 to vector<16xi32>
        %shift_left3A_169 = arith.shli %xor3A_165, %shift_left3A_168 : vector<16xi32>
        %shift_right_logical3A_170 = arith.constant 6 : i32
        %shift_right_logical3A_171 = vector.broadcast %shift_right_logical3A_170 : i32 to vector<16xi32>
        %shift_right_logical3A_172 = arith.shrui %xor3A_165, %shift_right_logical3A_171 : vector<16xi32>
        %or3A_173 = arith.ori %shift_left3A_169, %shift_right_logical3A_172 : vector<16xi32>
        %xor3A_174 = arith.xori %or3A_173, %add3A_166 : vector<16xi32>
        %add3A_175 = arith.addi %add3A_166, %xor3A_174 : vector<16xi32>
        %shift_left3A_176 = arith.constant 6 : i32
        %shift_left3A_177 = vector.broadcast %shift_left3A_176 : i32 to vector<16xi32>
        %shift_left3A_178 = arith.shli %xor3A_174, %shift_left3A_177 : vector<16xi32>
        %shift_right_logical3A_179 = arith.constant 26 : i32
        %shift_right_logical3A_180 = vector.broadcast %shift_right_logical3A_179 : i32 to vector<16xi32>
        %shift_right_logical3A_181 = arith.shrui %xor3A_174, %shift_right_logical3A_180 : vector<16xi32>
        %or3A_182 = arith.ori %shift_left3A_178, %shift_right_logical3A_181 : vector<16xi32>
        %xor3A_183 = arith.xori %or3A_182, %add3A_175 : vector<16xi32>
        %add3A_184 = arith.addi %add3A_175, %get3A_56 : vector<16xi32>
        %add3A_185 = arith.addi %xor3A_183, %xor3A_148 : vector<16xi32>
        %add3A_186 = arith.constant 1 : i32
        %add3A_187 = vector.broadcast %add3A_186 : i32 to vector<16xi32>
        %add3A_188 = arith.addi %add3A_185, %add3A_187 : vector<16xi32>
        %add3A_189 = arith.addi %add3A_184, %add3A_188 : vector<16xi32>
        %shift_left3A_190 = arith.constant 17 : i32
        %shift_left3A_191 = vector.broadcast %shift_left3A_190 : i32 to vector<16xi32>
        %shift_left3A_192 = arith.shli %add3A_188, %shift_left3A_191 : vector<16xi32>
        %shift_right_logical3A_193 = arith.constant 15 : i32
        %shift_right_logical3A_194 = vector.broadcast %shift_right_logical3A_193 : i32 to vector<16xi32>
        %shift_right_logical3A_195 = arith.shrui %add3A_188, %shift_right_logical3A_194 : vector<16xi32>
        %or3A_196 = arith.ori %shift_left3A_192, %shift_right_logical3A_195 : vector<16xi32>
        %xor3A_197 = arith.xori %or3A_196, %add3A_189 : vector<16xi32>
        %add3A_198 = arith.addi %add3A_189, %xor3A_197 : vector<16xi32>
        %shift_left3A_199 = arith.constant 29 : i32
        %shift_left3A_200 = vector.broadcast %shift_left3A_199 : i32 to vector<16xi32>
        %shift_left3A_201 = arith.shli %xor3A_197, %shift_left3A_200 : vector<16xi32>
        %shift_right_logical3A_202 = arith.constant 3 : i32
        %shift_right_logical3A_203 = vector.broadcast %shift_right_logical3A_202 : i32 to vector<16xi32>
        %shift_right_logical3A_204 = arith.shrui %xor3A_197, %shift_right_logical3A_203 : vector<16xi32>
        %or3A_205 = arith.ori %shift_left3A_201, %shift_right_logical3A_204 : vector<16xi32>
        %xor3A_206 = arith.xori %or3A_205, %add3A_198 : vector<16xi32>
        %add3A_207 = arith.addi %add3A_198, %xor3A_206 : vector<16xi32>
        %shift_left3A_208 = arith.constant 16 : i32
        %shift_left3A_209 = vector.broadcast %shift_left3A_208 : i32 to vector<16xi32>
        %shift_left3A_210 = arith.shli %xor3A_206, %shift_left3A_209 : vector<16xi32>
        %shift_right_logical3A_211 = arith.constant 16 : i32
        %shift_right_logical3A_212 = vector.broadcast %shift_right_logical3A_211 : i32 to vector<16xi32>
        %shift_right_logical3A_213 = arith.shrui %xor3A_206, %shift_right_logical3A_212 : vector<16xi32>
        %or3A_214 = arith.ori %shift_left3A_210, %shift_right_logical3A_213 : vector<16xi32>
        %xor3A_215 = arith.xori %or3A_214, %add3A_207 : vector<16xi32>
        %add3A_216 = arith.addi %add3A_207, %xor3A_215 : vector<16xi32>
        %shift_left3A_217 = arith.constant 24 : i32
        %shift_left3A_218 = vector.broadcast %shift_left3A_217 : i32 to vector<16xi32>
        %shift_left3A_219 = arith.shli %xor3A_215, %shift_left3A_218 : vector<16xi32>
        %shift_right_logical3A_220 = arith.constant 8 : i32
        %shift_right_logical3A_221 = vector.broadcast %shift_right_logical3A_220 : i32 to vector<16xi32>
        %shift_right_logical3A_222 = arith.shrui %xor3A_215, %shift_right_logical3A_221 : vector<16xi32>
        %or3A_223 = arith.ori %shift_left3A_219, %shift_right_logical3A_222 : vector<16xi32>
        %xor3A_224 = arith.xori %or3A_223, %add3A_216 : vector<16xi32>
        %add3A_225 = arith.addi %add3A_216, %xor3A_148 : vector<16xi32>
        %add3A_226 = arith.addi %xor3A_224, %get3A_50 : vector<16xi32>
        %add3A_227 = arith.constant 2 : i32
        %add3A_228 = vector.broadcast %add3A_227 : i32 to vector<16xi32>
        %add3A_229 = arith.addi %add3A_226, %add3A_228 : vector<16xi32>
        %add3A_230 = arith.addi %add3A_225, %add3A_229 : vector<16xi32>
        %shift_left3A_231 = arith.constant 13 : i32
        %shift_left3A_232 = vector.broadcast %shift_left3A_231 : i32 to vector<16xi32>
        %shift_left3A_233 = arith.shli %add3A_229, %shift_left3A_232 : vector<16xi32>
        %shift_right_logical3A_234 = arith.constant 19 : i32
        %shift_right_logical3A_235 = vector.broadcast %shift_right_logical3A_234 : i32 to vector<16xi32>
        %shift_right_logical3A_236 = arith.shrui %add3A_229, %shift_right_logical3A_235 : vector<16xi32>
        %or3A_237 = arith.ori %shift_left3A_233, %shift_right_logical3A_236 : vector<16xi32>
        %xor3A_238 = arith.xori %or3A_237, %add3A_230 : vector<16xi32>
        %add3A_239 = arith.addi %add3A_230, %xor3A_238 : vector<16xi32>
        %shift_left3A_240 = arith.constant 15 : i32
        %shift_left3A_241 = vector.broadcast %shift_left3A_240 : i32 to vector<16xi32>
        %shift_left3A_242 = arith.shli %xor3A_238, %shift_left3A_241 : vector<16xi32>
        %shift_right_logical3A_243 = arith.constant 17 : i32
        %shift_right_logical3A_244 = vector.broadcast %shift_right_logical3A_243 : i32 to vector<16xi32>
        %shift_right_logical3A_245 = arith.shrui %xor3A_238, %shift_right_logical3A_244 : vector<16xi32>
        %or3A_246 = arith.ori %shift_left3A_242, %shift_right_logical3A_245 : vector<16xi32>
        %xor3A_247 = arith.xori %or3A_246, %add3A_239 : vector<16xi32>
        %add3A_248 = arith.addi %add3A_239, %xor3A_247 : vector<16xi32>
        %shift_left3A_249 = arith.constant 26 : i32
        %shift_left3A_250 = vector.broadcast %shift_left3A_249 : i32 to vector<16xi32>
        %shift_left3A_251 = arith.shli %xor3A_247, %shift_left3A_250 : vector<16xi32>
        %shift_right_logical3A_252 = arith.constant 6 : i32
        %shift_right_logical3A_253 = vector.broadcast %shift_right_logical3A_252 : i32 to vector<16xi32>
        %shift_right_logical3A_254 = arith.shrui %xor3A_247, %shift_right_logical3A_253 : vector<16xi32>
        %or3A_255 = arith.ori %shift_left3A_251, %shift_right_logical3A_254 : vector<16xi32>
        %xor3A_256 = arith.xori %or3A_255, %add3A_248 : vector<16xi32>
        %add3A_257 = arith.addi %add3A_248, %xor3A_256 : vector<16xi32>
        %shift_left3A_258 = arith.constant 6 : i32
        %shift_left3A_259 = vector.broadcast %shift_left3A_258 : i32 to vector<16xi32>
        %shift_left3A_260 = arith.shli %xor3A_256, %shift_left3A_259 : vector<16xi32>
        %shift_right_logical3A_261 = arith.constant 26 : i32
        %shift_right_logical3A_262 = vector.broadcast %shift_right_logical3A_261 : i32 to vector<16xi32>
        %shift_right_logical3A_263 = arith.shrui %xor3A_256, %shift_right_logical3A_262 : vector<16xi32>
        %or3A_264 = arith.ori %shift_left3A_260, %shift_right_logical3A_263 : vector<16xi32>
        %xor3A_265 = arith.xori %or3A_264, %add3A_257 : vector<16xi32>
        %add3A_266 = arith.addi %add3A_257, %get3A_50 : vector<16xi32>
        %add3A_267 = arith.addi %xor3A_265, %get3A_56 : vector<16xi32>
        %add3A_268 = arith.constant 3 : i32
        %add3A_269 = vector.broadcast %add3A_268 : i32 to vector<16xi32>
        %add3A_270 = arith.addi %add3A_267, %add3A_269 : vector<16xi32>
        %add3A_271 = arith.addi %add3A_266, %add3A_270 : vector<16xi32>
        %shift_left3A_272 = arith.constant 17 : i32
        %shift_left3A_273 = vector.broadcast %shift_left3A_272 : i32 to vector<16xi32>
        %shift_left3A_274 = arith.shli %add3A_270, %shift_left3A_273 : vector<16xi32>
        %shift_right_logical3A_275 = arith.constant 15 : i32
        %shift_right_logical3A_276 = vector.broadcast %shift_right_logical3A_275 : i32 to vector<16xi32>
        %shift_right_logical3A_277 = arith.shrui %add3A_270, %shift_right_logical3A_276 : vector<16xi32>
        %or3A_278 = arith.ori %shift_left3A_274, %shift_right_logical3A_277 : vector<16xi32>
        %xor3A_279 = arith.xori %or3A_278, %add3A_271 : vector<16xi32>
        %add3A_280 = arith.addi %add3A_271, %xor3A_279 : vector<16xi32>
        %shift_left3A_281 = arith.constant 29 : i32
        %shift_left3A_282 = vector.broadcast %shift_left3A_281 : i32 to vector<16xi32>
        %shift_left3A_283 = arith.shli %xor3A_279, %shift_left3A_282 : vector<16xi32>
        %shift_right_logical3A_284 = arith.constant 3 : i32
        %shift_right_logical3A_285 = vector.broadcast %shift_right_logical3A_284 : i32 to vector<16xi32>
        %shift_right_logical3A_286 = arith.shrui %xor3A_279, %shift_right_logical3A_285 : vector<16xi32>
        %or3A_287 = arith.ori %shift_left3A_283, %shift_right_logical3A_286 : vector<16xi32>
        %xor3A_288 = arith.xori %or3A_287, %add3A_280 : vector<16xi32>
        %add3A_289 = arith.addi %add3A_280, %xor3A_288 : vector<16xi32>
        %shift_left3A_290 = arith.constant 16 : i32
        %shift_left3A_291 = vector.broadcast %shift_left3A_290 : i32 to vector<16xi32>
        %shift_left3A_292 = arith.shli %xor3A_288, %shift_left3A_291 : vector<16xi32>
        %shift_right_logical3A_293 = arith.constant 16 : i32
        %shift_right_logical3A_294 = vector.broadcast %shift_right_logical3A_293 : i32 to vector<16xi32>
        %shift_right_logical3A_295 = arith.shrui %xor3A_288, %shift_right_logical3A_294 : vector<16xi32>
        %or3A_296 = arith.ori %shift_left3A_292, %shift_right_logical3A_295 : vector<16xi32>
        %xor3A_297 = arith.xori %or3A_296, %add3A_289 : vector<16xi32>
        %add3A_298 = arith.addi %add3A_289, %xor3A_297 : vector<16xi32>
        %shift_left3A_299 = arith.constant 24 : i32
        %shift_left3A_300 = vector.broadcast %shift_left3A_299 : i32 to vector<16xi32>
        %shift_left3A_301 = arith.shli %xor3A_297, %shift_left3A_300 : vector<16xi32>
        %shift_right_logical3A_302 = arith.constant 8 : i32
        %shift_right_logical3A_303 = vector.broadcast %shift_right_logical3A_302 : i32 to vector<16xi32>
        %shift_right_logical3A_304 = arith.shrui %xor3A_297, %shift_right_logical3A_303 : vector<16xi32>
        %or3A_305 = arith.ori %shift_left3A_301, %shift_right_logical3A_304 : vector<16xi32>
        %xor3A_306 = arith.xori %or3A_305, %add3A_298 : vector<16xi32>
        %add3A_307 = arith.addi %add3A_298, %get3A_56 : vector<16xi32>
        %add3A_308 = arith.addi %xor3A_306, %xor3A_148 : vector<16xi32>
        %add3A_309 = arith.constant 4 : i32
        %add3A_310 = vector.broadcast %add3A_309 : i32 to vector<16xi32>
        %add3A_311 = arith.addi %add3A_308, %add3A_310 : vector<16xi32>
        %add3A_312 = arith.addi %add3A_307, %add3A_311 : vector<16xi32>
        %shift_left3A_313 = arith.constant 13 : i32
        %shift_left3A_314 = vector.broadcast %shift_left3A_313 : i32 to vector<16xi32>
        %shift_left3A_315 = arith.shli %add3A_311, %shift_left3A_314 : vector<16xi32>
        %shift_right_logical3A_316 = arith.constant 19 : i32
        %shift_right_logical3A_317 = vector.broadcast %shift_right_logical3A_316 : i32 to vector<16xi32>
        %shift_right_logical3A_318 = arith.shrui %add3A_311, %shift_right_logical3A_317 : vector<16xi32>
        %or3A_319 = arith.ori %shift_left3A_315, %shift_right_logical3A_318 : vector<16xi32>
        %xor3A_320 = arith.xori %or3A_319, %add3A_312 : vector<16xi32>
        %add3A_321 = arith.addi %add3A_312, %xor3A_320 : vector<16xi32>
        %shift_left3A_322 = arith.constant 15 : i32
        %shift_left3A_323 = vector.broadcast %shift_left3A_322 : i32 to vector<16xi32>
        %shift_left3A_324 = arith.shli %xor3A_320, %shift_left3A_323 : vector<16xi32>
        %shift_right_logical3A_325 = arith.constant 17 : i32
        %shift_right_logical3A_326 = vector.broadcast %shift_right_logical3A_325 : i32 to vector<16xi32>
        %shift_right_logical3A_327 = arith.shrui %xor3A_320, %shift_right_logical3A_326 : vector<16xi32>
        %or3A_328 = arith.ori %shift_left3A_324, %shift_right_logical3A_327 : vector<16xi32>
        %xor3A_329 = arith.xori %or3A_328, %add3A_321 : vector<16xi32>
        %add3A_330 = arith.addi %add3A_321, %xor3A_329 : vector<16xi32>
        %shift_left3A_331 = arith.constant 26 : i32
        %shift_left3A_332 = vector.broadcast %shift_left3A_331 : i32 to vector<16xi32>
        %shift_left3A_333 = arith.shli %xor3A_329, %shift_left3A_332 : vector<16xi32>
        %shift_right_logical3A_334 = arith.constant 6 : i32
        %shift_right_logical3A_335 = vector.broadcast %shift_right_logical3A_334 : i32 to vector<16xi32>
        %shift_right_logical3A_336 = arith.shrui %xor3A_329, %shift_right_logical3A_335 : vector<16xi32>
        %or3A_337 = arith.ori %shift_left3A_333, %shift_right_logical3A_336 : vector<16xi32>
        %xor3A_338 = arith.xori %or3A_337, %add3A_330 : vector<16xi32>
        %add3A_339 = arith.addi %add3A_330, %xor3A_338 : vector<16xi32>
        %shift_left3A_340 = arith.constant 6 : i32
        %shift_left3A_341 = vector.broadcast %shift_left3A_340 : i32 to vector<16xi32>
        %shift_left3A_342 = arith.shli %xor3A_338, %shift_left3A_341 : vector<16xi32>
        %shift_right_logical3A_343 = arith.constant 26 : i32
        %shift_right_logical3A_344 = vector.broadcast %shift_right_logical3A_343 : i32 to vector<16xi32>
        %shift_right_logical3A_345 = arith.shrui %xor3A_338, %shift_right_logical3A_344 : vector<16xi32>
        %or3A_346 = arith.ori %shift_left3A_342, %shift_right_logical3A_345 : vector<16xi32>
        %xor3A_347 = arith.xori %or3A_346, %add3A_339 : vector<16xi32>
        %add3A_348 = arith.addi %add3A_339, %xor3A_148 : vector<16xi32>
        %add3A_349 = arith.addi %xor3A_347, %get3A_50 : vector<16xi32>
        %add3A_350 = arith.constant 5 : i32
        %add3A_351 = vector.broadcast %add3A_350 : i32 to vector<16xi32>
        %add3A_352 = arith.addi %add3A_349, %add3A_351 : vector<16xi32>
        %xor3A_353 = arith.xori %add3A_348, %add3A_352 : vector<16xi32>
        %mul3A_354 = arith.constant 16 : i32
        %mul3A_355 = arith.muli %scan3A_139, %mul3A_354 : i32
        %multiple_of3A = tpu.assume_multiple %mul3A_355, 16 : i32
        %swap3A = arith.index_cast %multiple_of3A : i32 to index
        %swap3A_356 = tpu.vector_load %arg5[%swap3A] {strides = array<i32>} : memref<8192xi32, #tpu.memory_space<vmem>>, vector<16xi32>,
        %swap3A_357 = vector.shape_cast %swap3A_356 : vector<16xi32> to vector<16xi32>
        %swap3A_358 = vector.shape_cast %xor3A_353 : vector<16xi32> to vector<16xi32>
        tpu.vector_store %arg5[%swap3A], %swap3A_358 {strides = array<i32>} : memref<8192xi32, #tpu.memory_space<vmem>>, vector<16xi32>,
        %scan3A_359 = arith.constant 1 : i32
        %scan3A_360 = arith.addi %scan3A_139, %scan3A_359 : i32
        %mul3A_361 = arith.constant 16 : i32
        %mul3A_362 = arith.muli %scan3A_360, %mul3A_361 : i32
        %add3A_363 = arith.addi %add3A_60, %mul3A_362 : i32
        %add3A_364 = vector.broadcast %add3A_363 : i32 to vector<16xi32>
        %add3A_365 = arith.addi %iota3A, %add3A_364 : vector<16xi32>
        %add3A_366 = arith.addi %add3A_365, %get3A_56 : vector<16xi32>
        %xor3A_367 = arith.xori %get3A_50, %get3A_56 : vector<16xi32>
        %xor3A_368 = arith.constant 466688986 : i32
        %xor3A_369 = vector.broadcast %xor3A_368 : i32 to vector<16xi32>
        %xor3A_370 = arith.xori %xor3A_367, %xor3A_369 : vector<16xi32>
        %broadcast_in_dim3A_371 = arith.constant 0 : i32
        %broadcast_in_dim3A_372 = vector.broadcast %broadcast_in_dim3A_371 : i32 to vector<16xi32>
        %add3A_373 = arith.addi %broadcast_in_dim3A_372, %get3A_50 : vector<16xi32>
        %add3A_374 = arith.addi %add3A_373, %add3A_366 : vector<16xi32>
        %shift_left3A_375 = arith.constant 13 : i32
        %shift_left3A_376 = vector.broadcast %shift_left3A_375 : i32 to vector<16xi32>
        %shift_left3A_377 = arith.shli %add3A_366, %shift_left3A_376 : vector<16xi32>
        %shift_right_logical3A_378 = arith.constant 19 : i32
        %shift_right_logical3A_379 = vector.broadcast %shift_right_logical3A_378 : i32 to vector<16xi32>
        %shift_right_logical3A_380 = arith.shrui %add3A_366, %shift_right_logical3A_379 : vector<16xi32>
        %or3A_381 = arith.ori %shift_left3A_377, %shift_right_logical3A_380 : vector<16xi32>
        %xor3A_382 = arith.xori %or3A_381, %add3A_374 : vector<16xi32>
        %add3A_383 = arith.addi %add3A_374, %xor3A_382 : vector<16xi32>
        %shift_left3A_384 = arith.constant 15 : i32
        %shift_left3A_385 = vector.broadcast %shift_left3A_384 : i32 to vector<16xi32>
        %shift_left3A_386 = arith.shli %xor3A_382, %shift_left3A_385 : vector<16xi32>
        %shift_right_logical3A_387 = arith.constant 17 : i32
        %shift_right_logical3A_388 = vector.broadcast %shift_right_logical3A_387 : i32 to vector<16xi32>
        %shift_right_logical3A_389 = arith.shrui %xor3A_382, %shift_right_logical3A_388 : vector<16xi32>
        %or3A_390 = arith.ori %shift_left3A_386, %shift_right_logical3A_389 : vector<16xi32>
        %xor3A_391 = arith.xori %or3A_390, %add3A_383 : vector<16xi32>
        %add3A_392 = arith.addi %add3A_383, %xor3A_391 : vector<16xi32>
        %shift_left3A_393 = arith.constant 26 : i32
        %shift_left3A_394 = vector.broadcast %shift_left3A_393 : i32 to vector<16xi32>
        %shift_left3A_395 = arith.shli %xor3A_391, %shift_left3A_394 : vector<16xi32>
        %shift_right_logical3A_396 = arith.constant 6 : i32
        %shift_right_logical3A_397 = vector.broadcast %shift_right_logical3A_396 : i32 to vector<16xi32>
        %shift_right_logical3A_398 = arith.shrui %xor3A_391, %shift_right_logical3A_397 : vector<16xi32>
        %or3A_399 = arith.ori %shift_left3A_395, %shift_right_logical3A_398 : vector<16xi32>
        %xor3A_400 = arith.xori %or3A_399, %add3A_392 : vector<16xi32>
        %add3A_401 = arith.addi %add3A_392, %xor3A_400 : vector<16xi32>
        %shift_left3A_402 = arith.constant 6 : i32
        %shift_left3A_403 = vector.broadcast %shift_left3A_402 : i32 to vector<16xi32>
        %shift_left3A_404 = arith.shli %xor3A_400, %shift_left3A_403 : vector<16xi32>
        %shift_right_logical3A_405 = arith.constant 26 : i32
        %shift_right_logical3A_406 = vector.broadcast %shift_right_logical3A_405 : i32 to vector<16xi32>
        %shift_right_logical3A_407 = arith.shrui %xor3A_400, %shift_right_logical3A_406 : vector<16xi32>
        %or3A_408 = arith.ori %shift_left3A_404, %shift_right_logical3A_407 : vector<16xi32>
        %xor3A_409 = arith.xori %or3A_408, %add3A_401 : vector<16xi32>
        %add3A_410 = arith.addi %add3A_401, %get3A_56 : vector<16xi32>
        %add3A_411 = arith.addi %xor3A_409, %xor3A_370 : vector<16xi32>
        %add3A_412 = arith.constant 1 : i32
        %add3A_413 = vector.broadcast %add3A_412 : i32 to vector<16xi32>
        %add3A_414 = arith.addi %add3A_411, %add3A_413 : vector<16xi32>
        %add3A_415 = arith.addi %add3A_410, %add3A_414 : vector<16xi32>
        %shift_left3A_416 = arith.constant 17 : i32
        %shift_left3A_417 = vector.broadcast %shift_left3A_416 : i32 to vector<16xi32>
        %shift_left3A_418 = arith.shli %add3A_414, %shift_left3A_417 : vector<16xi32>
        %shift_right_logical3A_419 = arith.constant 15 : i32
        %shift_right_logical3A_420 = vector.broadcast %shift_right_logical3A_419 : i32 to vector<16xi32>
        %shift_right_logical3A_421 = arith.shrui %add3A_414, %shift_right_logical3A_420 : vector<16xi32>
        %or3A_422 = arith.ori %shift_left3A_418, %shift_right_logical3A_421 : vector<16xi32>
        %xor3A_423 = arith.xori %or3A_422, %add3A_415 : vector<16xi32>
        %add3A_424 = arith.addi %add3A_415, %xor3A_423 : vector<16xi32>
        %shift_left3A_425 = arith.constant 29 : i32
        %shift_left3A_426 = vector.broadcast %shift_left3A_425 : i32 to vector<16xi32>
        %shift_left3A_427 = arith.shli %xor3A_423, %shift_left3A_426 : vector<16xi32>
        %shift_right_logical3A_428 = arith.constant 3 : i32
        %shift_right_logical3A_429 = vector.broadcast %shift_right_logical3A_428 : i32 to vector<16xi32>
        %shift_right_logical3A_430 = arith.shrui %xor3A_423, %shift_right_logical3A_429 : vector<16xi32>
        %or3A_431 = arith.ori %shift_left3A_427, %shift_right_logical3A_430 : vector<16xi32>
        %xor3A_432 = arith.xori %or3A_431, %add3A_424 : vector<16xi32>
        %add3A_433 = arith.addi %add3A_424, %xor3A_432 : vector<16xi32>
        %shift_left3A_434 = arith.constant 16 : i32
        %shift_left3A_435 = vector.broadcast %shift_left3A_434 : i32 to vector<16xi32>
        %shift_left3A_436 = arith.shli %xor3A_432, %shift_left3A_435 : vector<16xi32>
        %shift_right_logical3A_437 = arith.constant 16 : i32
        %shift_right_logical3A_438 = vector.broadcast %shift_right_logical3A_437 : i32 to vector<16xi32>
        %shift_right_logical3A_439 = arith.shrui %xor3A_432, %shift_right_logical3A_438 : vector<16xi32>
        %or3A_440 = arith.ori %shift_left3A_436, %shift_right_logical3A_439 : vector<16xi32>
        %xor3A_441 = arith.xori %or3A_440, %add3A_433 : vector<16xi32>
        %add3A_442 = arith.addi %add3A_433, %xor3A_441 : vector<16xi32>
        %shift_left3A_443 = arith.constant 24 : i32
        %shift_left3A_444 = vector.broadcast %shift_left3A_443 : i32 to vector<16xi32>
        %shift_left3A_445 = arith.shli %xor3A_441, %shift_left3A_444 : vector<16xi32>
        %shift_right_logical3A_446 = arith.constant 8 : i32
        %shift_right_logical3A_447 = vector.broadcast %shift_right_logical3A_446 : i32 to vector<16xi32>
        %shift_right_logical3A_448 = arith.shrui %xor3A_441, %shift_right_logical3A_447 : vector<16xi32>
        %or3A_449 = arith.ori %shift_left3A_445, %shift_right_logical3A_448 : vector<16xi32>
        %xor3A_450 = arith.xori %or3A_449, %add3A_442 : vector<16xi32>
        %add3A_451 = arith.addi %add3A_442, %xor3A_370 : vector<16xi32>
        %add3A_452 = arith.addi %xor3A_450, %get3A_50 : vector<16xi32>
        %add3A_453 = arith.constant 2 : i32
        %add3A_454 = vector.broadcast %add3A_453 : i32 to vector<16xi32>
        %add3A_455 = arith.addi %add3A_452, %add3A_454 : vector<16xi32>
        %add3A_456 = arith.addi %add3A_451, %add3A_455 : vector<16xi32>
        %shift_left3A_457 = arith.constant 13 : i32
        %shift_left3A_458 = vector.broadcast %shift_left3A_457 : i32 to vector<16xi32>
        %shift_left3A_459 = arith.shli %add3A_455, %shift_left3A_458 : vector<16xi32>
        %shift_right_logical3A_460 = arith.constant 19 : i32
        %shift_right_logical3A_461 = vector.broadcast %shift_right_logical3A_460 : i32 to vector<16xi32>
        %shift_right_logical3A_462 = arith.shrui %add3A_455, %shift_right_logical3A_461 : vector<16xi32>
        %or3A_463 = arith.ori %shift_left3A_459, %shift_right_logical3A_462 : vector<16xi32>
        %xor3A_464 = arith.xori %or3A_463, %add3A_456 : vector<16xi32>
        %add3A_465 = arith.addi %add3A_456, %xor3A_464 : vector<16xi32>
        %shift_left3A_466 = arith.constant 15 : i32
        %shift_left3A_467 = vector.broadcast %shift_left3A_466 : i32 to vector<16xi32>
        %shift_left3A_468 = arith.shli %xor3A_464, %shift_left3A_467 : vector<16xi32>
        %shift_right_logical3A_469 = arith.constant 17 : i32
        %shift_right_logical3A_470 = vector.broadcast %shift_right_logical3A_469 : i32 to vector<16xi32>
        %shift_right_logical3A_471 = arith.shrui %xor3A_464, %shift_right_logical3A_470 : vector<16xi32>
        %or3A_472 = arith.ori %shift_left3A_468, %shift_right_logical3A_471 : vector<16xi32>
        %xor3A_473 = arith.xori %or3A_472, %add3A_465 : vector<16xi32>
        %add3A_474 = arith.addi %add3A_465, %xor3A_473 : vector<16xi32>
        %shift_left3A_475 = arith.constant 26 : i32
        %shift_left3A_476 = vector.broadcast %shift_left3A_475 : i32 to vector<16xi32>
        %shift_left3A_477 = arith.shli %xor3A_473, %shift_left3A_476 : vector<16xi32>
        %shift_right_logical3A_478 = arith.constant 6 : i32
        %shift_right_logical3A_479 = vector.broadcast %shift_right_logical3A_478 : i32 to vector<16xi32>
        %shift_right_logical3A_480 = arith.shrui %xor3A_473, %shift_right_logical3A_479 : vector<16xi32>
        %or3A_481 = arith.ori %shift_left3A_477, %shift_right_logical3A_480 : vector<16xi32>
        %xor3A_482 = arith.xori %or3A_481, %add3A_474 : vector<16xi32>
        %add3A_483 = arith.addi %add3A_474, %xor3A_482 : vector<16xi32>
        %shift_left3A_484 = arith.constant 6 : i32
        %shift_left3A_485 = vector.broadcast %shift_left3A_484 : i32 to vector<16xi32>
        %shift_left3A_486 = arith.shli %xor3A_482, %shift_left3A_485 : vector<16xi32>
        %shift_right_logical3A_487 = arith.constant 26 : i32
        %shift_right_logical3A_488 = vector.broadcast %shift_right_logical3A_487 : i32 to vector<16xi32>
        %shift_right_logical3A_489 = arith.shrui %xor3A_482, %shift_right_logical3A_488 : vector<16xi32>
        %or3A_490 = arith.ori %shift_left3A_486, %shift_right_logical3A_489 : vector<16xi32>
        %xor3A_491 = arith.xori %or3A_490, %add3A_483 : vector<16xi32>
        %add3A_492 = arith.addi %add3A_483, %get3A_50 : vector<16xi32>
        %add3A_493 = arith.addi %xor3A_491, %get3A_56 : vector<16xi32>
        %add3A_494 = arith.constant 3 : i32
        %add3A_495 = vector.broadcast %add3A_494 : i32 to vector<16xi32>
        %add3A_496 = arith.addi %add3A_493, %add3A_495 : vector<16xi32>
        %add3A_497 = arith.addi %add3A_492, %add3A_496 : vector<16xi32>
        %shift_left3A_498 = arith.constant 17 : i32
        %shift_left3A_499 = vector.broadcast %shift_left3A_498 : i32 to vector<16xi32>
        %shift_left3A_500 = arith.shli %add3A_496, %shift_left3A_499 : vector<16xi32>
        %shift_right_logical3A_501 = arith.constant 15 : i32
        %shift_right_logical3A_502 = vector.broadcast %shift_right_logical3A_501 : i32 to vector<16xi32>
        %shift_right_logical3A_503 = arith.shrui %add3A_496, %shift_right_logical3A_502 : vector<16xi32>
        %or3A_504 = arith.ori %shift_left3A_500, %shift_right_logical3A_503 : vector<16xi32>
        %xor3A_505 = arith.xori %or3A_504, %add3A_497 : vector<16xi32>
        %add3A_506 = arith.addi %add3A_497, %xor3A_505 : vector<16xi32>
        %shift_left3A_507 = arith.constant 29 : i32
        %shift_left3A_508 = vector.broadcast %shift_left3A_507 : i32 to vector<16xi32>
        %shift_left3A_509 = arith.shli %xor3A_505, %shift_left3A_508 : vector<16xi32>
        %shift_right_logical3A_510 = arith.constant 3 : i32
        %shift_right_logical3A_511 = vector.broadcast %shift_right_logical3A_510 : i32 to vector<16xi32>
        %shift_right_logical3A_512 = arith.shrui %xor3A_505, %shift_right_logical3A_511 : vector<16xi32>
        %or3A_513 = arith.ori %shift_left3A_509, %shift_right_logical3A_512 : vector<16xi32>
        %xor3A_514 = arith.xori %or3A_513, %add3A_506 : vector<16xi32>
        %add3A_515 = arith.addi %add3A_506, %xor3A_514 : vector<16xi32>
        %shift_left3A_516 = arith.constant 16 : i32
        %shift_left3A_517 = vector.broadcast %shift_left3A_516 : i32 to vector<16xi32>
        %shift_left3A_518 = arith.shli %xor3A_514, %shift_left3A_517 : vector<16xi32>
        %shift_right_logical3A_519 = arith.constant 16 : i32
        %shift_right_logical3A_520 = vector.broadcast %shift_right_logical3A_519 : i32 to vector<16xi32>
        %shift_right_logical3A_521 = arith.shrui %xor3A_514, %shift_right_logical3A_520 : vector<16xi32>
        %or3A_522 = arith.ori %shift_left3A_518, %shift_right_logical3A_521 : vector<16xi32>
        %xor3A_523 = arith.xori %or3A_522, %add3A_515 : vector<16xi32>
        %add3A_524 = arith.addi %add3A_515, %xor3A_523 : vector<16xi32>
        %shift_left3A_525 = arith.constant 24 : i32
        %shift_left3A_526 = vector.broadcast %shift_left3A_525 : i32 to vector<16xi32>
        %shift_left3A_527 = arith.shli %xor3A_523, %shift_left3A_526 : vector<16xi32>
        %shift_right_logical3A_528 = arith.constant 8 : i32
        %shift_right_logical3A_529 = vector.broadcast %shift_right_logical3A_528 : i32 to vector<16xi32>
        %shift_right_logical3A_530 = arith.shrui %xor3A_523, %shift_right_logical3A_529 : vector<16xi32>
        %or3A_531 = arith.ori %shift_left3A_527, %shift_right_logical3A_530 : vector<16xi32>
        %xor3A_532 = arith.xori %or3A_531, %add3A_524 : vector<16xi32>
        %add3A_533 = arith.addi %add3A_524, %get3A_56 : vector<16xi32>
        %add3A_534 = arith.addi %xor3A_532, %xor3A_370 : vector<16xi32>
        %add3A_535 = arith.constant 4 : i32
        %add3A_536 = vector.broadcast %add3A_535 : i32 to vector<16xi32>
        %add3A_537 = arith.addi %add3A_534, %add3A_536 : vector<16xi32>
        %add3A_538 = arith.addi %add3A_533, %add3A_537 : vector<16xi32>
        %shift_left3A_539 = arith.constant 13 : i32
        %shift_left3A_540 = vector.broadcast %shift_left3A_539 : i32 to vector<16xi32>
        %shift_left3A_541 = arith.shli %add3A_537, %shift_left3A_540 : vector<16xi32>
        %shift_right_logical3A_542 = arith.constant 19 : i32
        %shift_right_logical3A_543 = vector.broadcast %shift_right_logical3A_542 : i32 to vector<16xi32>
        %shift_right_logical3A_544 = arith.shrui %add3A_537, %shift_right_logical3A_543 : vector<16xi32>
        %or3A_545 = arith.ori %shift_left3A_541, %shift_right_logical3A_544 : vector<16xi32>
        %xor3A_546 = arith.xori %or3A_545, %add3A_538 : vector<16xi32>
        %add3A_547 = arith.addi %add3A_538, %xor3A_546 : vector<16xi32>
        %shift_left3A_548 = arith.constant 15 : i32
        %shift_left3A_549 = vector.broadcast %shift_left3A_548 : i32 to vector<16xi32>
        %shift_left3A_550 = arith.shli %xor3A_546, %shift_left3A_549 : vector<16xi32>
        %shift_right_logical3A_551 = arith.constant 17 : i32
        %shift_right_logical3A_552 = vector.broadcast %shift_right_logical3A_551 : i32 to vector<16xi32>
        %shift_right_logical3A_553 = arith.shrui %xor3A_546, %shift_right_logical3A_552 : vector<16xi32>
        %or3A_554 = arith.ori %shift_left3A_550, %shift_right_logical3A_553 : vector<16xi32>
        %xor3A_555 = arith.xori %or3A_554, %add3A_547 : vector<16xi32>
        %add3A_556 = arith.addi %add3A_547, %xor3A_555 : vector<16xi32>
        %shift_left3A_557 = arith.constant 26 : i32
        %shift_left3A_558 = vector.broadcast %shift_left3A_557 : i32 to vector<16xi32>
        %shift_left3A_559 = arith.shli %xor3A_555, %shift_left3A_558 : vector<16xi32>
        %shift_right_logical3A_560 = arith.constant 6 : i32
        %shift_right_logical3A_561 = vector.broadcast %shift_right_logical3A_560 : i32 to vector<16xi32>
        %shift_right_logical3A_562 = arith.shrui %xor3A_555, %shift_right_logical3A_561 : vector<16xi32>
        %or3A_563 = arith.ori %shift_left3A_559, %shift_right_logical3A_562 : vector<16xi32>
        %xor3A_564 = arith.xori %or3A_563, %add3A_556 : vector<16xi32>
        %add3A_565 = arith.addi %add3A_556, %xor3A_564 : vector<16xi32>
        %shift_left3A_566 = arith.constant 6 : i32
        %shift_left3A_567 = vector.broadcast %shift_left3A_566 : i32 to vector<16xi32>
        %shift_left3A_568 = arith.shli %xor3A_564, %shift_left3A_567 : vector<16xi32>
        %shift_right_logical3A_569 = arith.constant 26 : i32
        %shift_right_logical3A_570 = vector.broadcast %shift_right_logical3A_569 : i32 to vector<16xi32>
        %shift_right_logical3A_571 = arith.shrui %xor3A_564, %shift_right_logical3A_570 : vector<16xi32>
        %or3A_572 = arith.ori %shift_left3A_568, %shift_right_logical3A_571 : vector<16xi32>
        %xor3A_573 = arith.xori %or3A_572, %add3A_565 : vector<16xi32>
        %add3A_574 = arith.addi %add3A_565, %xor3A_370 : vector<16xi32>
        %add3A_575 = arith.addi %xor3A_573, %get3A_50 : vector<16xi32>
        %add3A_576 = arith.constant 5 : i32
        %add3A_577 = vector.broadcast %add3A_576 : i32 to vector<16xi32>
        %add3A_578 = arith.addi %add3A_575, %add3A_577 : vector<16xi32>
        %xor3A_579 = arith.xori %add3A_574, %add3A_578 : vector<16xi32>
        %mul3A_580 = arith.constant 16 : i32
        %mul3A_581 = arith.muli %scan3A_360, %mul3A_580 : i32
        %multiple_of3A_582 = tpu.assume_multiple %mul3A_581, 16 : i32
        %swap3A_583 = arith.index_cast %multiple_of3A_582 : i32 to index
        %swap3A_584 = tpu.vector_load %arg5[%swap3A_583] {strides = array<i32>} : memref<8192xi32, #tpu.memory_space<vmem>>, vector<16xi32>,
        %swap3A_585 = vector.shape_cast %swap3A_584 : vector<16xi32> to vector<16xi32>
        %swap3A_586 = vector.shape_cast %xor3A_579 : vector<16xi32> to vector<16xi32>
        tpu.vector_store %arg5[%swap3A_583], %swap3A_586 {strides = array<i32>} : memref<8192xi32, #tpu.memory_space<vmem>>, vector<16xi32>,
        %scan3A_587 = arith.constant 2 : i32
        %scan3A_588 = arith.addi %scan3A_139, %scan3A_587 : i32
        %mul3A_589 = arith.constant 16 : i32
        %mul3A_590 = arith.muli %scan3A_588, %mul3A_589 : i32
        %add3A_591 = arith.addi %add3A_60, %mul3A_590 : i32
        %add3A_592 = vector.broadcast %add3A_591 : i32 to vector<16xi32>
        %add3A_593 = arith.addi %iota3A, %add3A_592 : vector<16xi32>
        %add3A_594 = arith.addi %add3A_593, %get3A_56 : vector<16xi32>
        %xor3A_595 = arith.xori %get3A_50, %get3A_56 : vector<16xi32>
        %xor3A_596 = arith.constant 466688986 : i32
        %xor3A_597 = vector.broadcast %xor3A_596 : i32 to vector<16xi32>
        %xor3A_598 = arith.xori %xor3A_595, %xor3A_597 : vector<16xi32>
        %broadcast_in_dim3A_599 = arith.constant 0 : i32
        %broadcast_in_dim3A_600 = vector.broadcast %broadcast_in_dim3A_599 : i32 to vector<16xi32>
        %add3A_601 = arith.addi %broadcast_in_dim3A_600, %get3A_50 : vector<16xi32>
        %add3A_602 = arith.addi %add3A_601, %add3A_594 : vector<16xi32>
        %shift_left3A_603 = arith.constant 13 : i32
        %shift_left3A_604 = vector.broadcast %shift_left3A_603 : i32 to vector<16xi32>
        %shift_left3A_605 = arith.shli %add3A_594, %shift_left3A_604 : vector<16xi32>
        %shift_right_logical3A_606 = arith.constant 19 : i32
        %shift_right_logical3A_607 = vector.broadcast %shift_right_logical3A_606 : i32 to vector<16xi32>
        %shift_right_logical3A_608 = arith.shrui %add3A_594, %shift_right_logical3A_607 : vector<16xi32>
        %or3A_609 = arith.ori %shift_left3A_605, %shift_right_logical3A_608 : vector<16xi32>
        %xor3A_610 = arith.xori %or3A_609, %add3A_602 : vector<16xi32>
        %add3A_611 = arith.addi %add3A_602, %xor3A_610 : vector<16xi32>
        %shift_left3A_612 = arith.constant 15 : i32
        %shift_left3A_613 = vector.broadcast %shift_left3A_612 : i32 to vector<16xi32>
        %shift_left3A_614 = arith.shli %xor3A_610, %shift_left3A_613 : vector<16xi32>
        %shift_right_logical3A_615 = arith.constant 17 : i32
        %shift_right_logical3A_616 = vector.broadcast %shift_right_logical3A_615 : i32 to vector<16xi32>
        %shift_right_logical3A_617 = arith.shrui %xor3A_610, %shift_right_logical3A_616 : vector<16xi32>
        %or3A_618 = arith.ori %shift_left3A_614, %shift_right_logical3A_617 : vector<16xi32>
        %xor3A_619 = arith.xori %or3A_618, %add3A_611 : vector<16xi32>
        %add3A_620 = arith.addi %add3A_611, %xor3A_619 : vector<16xi32>
        %shift_left3A_621 = arith.constant 26 : i32
        %shift_left3A_622 = vector.broadcast %shift_left3A_621 : i32 to vector<16xi32>
        %shift_left3A_623 = arith.shli %xor3A_619, %shift_left3A_622 : vector<16xi32>
        %shift_right_logical3A_624 = arith.constant 6 : i32
        %shift_right_logical3A_625 = vector.broadcast %shift_right_logical3A_624 : i32 to vector<16xi32>
        %shift_right_logical3A_626 = arith.shrui %xor3A_619, %shift_right_logical3A_625 : vector<16xi32>
        %or3A_627 = arith.ori %shift_left3A_623, %shift_right_logical3A_626 : vector<16xi32>
        %xor3A_628 = arith.xori %or3A_627, %add3A_620 : vector<16xi32>
        %add3A_629 = arith.addi %add3A_620, %xor3A_628 : vector<16xi32>
        %shift_left3A_630 = arith.constant 6 : i32
        %shift_left3A_631 = vector.broadcast %shift_left3A_630 : i32 to vector<16xi32>
        %shift_left3A_632 = arith.shli %xor3A_628, %shift_left3A_631 : vector<16xi32>
        %shift_right_logical3A_633 = arith.constant 26 : i32
        %shift_right_logical3A_634 = vector.broadcast %shift_right_logical3A_633 : i32 to vector<16xi32>
        %shift_right_logical3A_635 = arith.shrui %xor3A_628, %shift_right_logical3A_634 : vector<16xi32>
        %or3A_636 = arith.ori %shift_left3A_632, %shift_right_logical3A_635 : vector<16xi32>
        %xor3A_637 = arith.xori %or3A_636, %add3A_629 : vector<16xi32>
        %add3A_638 = arith.addi %add3A_629, %get3A_56 : vector<16xi32>
        %add3A_639 = arith.addi %xor3A_637, %xor3A_598 : vector<16xi32>
        %add3A_640 = arith.constant 1 : i32
        %add3A_641 = vector.broadcast %add3A_640 : i32 to vector<16xi32>
        %add3A_642 = arith.addi %add3A_639, %add3A_641 : vector<16xi32>
        %add3A_643 = arith.addi %add3A_638, %add3A_642 : vector<16xi32>
        %shift_left3A_644 = arith.constant 17 : i32
        %shift_left3A_645 = vector.broadcast %shift_left3A_644 : i32 to vector<16xi32>
        %shift_left3A_646 = arith.shli %add3A_642, %shift_left3A_645 : vector<16xi32>
        %shift_right_logical3A_647 = arith.constant 15 : i32
        %shift_right_logical3A_648 = vector.broadcast %shift_right_logical3A_647 : i32 to vector<16xi32>
        %shift_right_logical3A_649 = arith.shrui %add3A_642, %shift_right_logical3A_648 : vector<16xi32>
        %or3A_650 = arith.ori %shift_left3A_646, %shift_right_logical3A_649 : vector<16xi32>
        %xor3A_651 = arith.xori %or3A_650, %add3A_643 : vector<16xi32>
        %add3A_652 = arith.addi %add3A_643, %xor3A_651 : vector<16xi32>
        %shift_left3A_653 = arith.constant 29 : i32
        %shift_left3A_654 = vector.broadcast %shift_left3A_653 : i32 to vector<16xi32>
        %shift_left3A_655 = arith.shli %xor3A_651, %shift_left3A_654 : vector<16xi32>
        %shift_right_logical3A_656 = arith.constant 3 : i32
        %shift_right_logical3A_657 = vector.broadcast %shift_right_logical3A_656 : i32 to vector<16xi32>
        %shift_right_logical3A_658 = arith.shrui %xor3A_651, %shift_right_logical3A_657 : vector<16xi32>
        %or3A_659 = arith.ori %shift_left3A_655, %shift_right_logical3A_658 : vector<16xi32>
        %xor3A_660 = arith.xori %or3A_659, %add3A_652 : vector<16xi32>
        %add3A_661 = arith.addi %add3A_652, %xor3A_660 : vector<16xi32>
        %shift_left3A_662 = arith.constant 16 : i32
        %shift_left3A_663 = vector.broadcast %shift_left3A_662 : i32 to vector<16xi32>
        %shift_left3A_664 = arith.shli %xor3A_660, %shift_left3A_663 : vector<16xi32>
        %shift_right_logical3A_665 = arith.constant 16 : i32
        %shift_right_logical3A_666 = vector.broadcast %shift_right_logical3A_665 : i32 to vector<16xi32>
        %shift_right_logical3A_667 = arith.shrui %xor3A_660, %shift_right_logical3A_666 : vector<16xi32>
        %or3A_668 = arith.ori %shift_left3A_664, %shift_right_logical3A_667 : vector<16xi32>
        %xor3A_669 = arith.xori %or3A_668, %add3A_661 : vector<16xi32>
        %add3A_670 = arith.addi %add3A_661, %xor3A_669 : vector<16xi32>
        %shift_left3A_671 = arith.constant 24 : i32
        %shift_left3A_672 = vector.broadcast %shift_left3A_671 : i32 to vector<16xi32>
        %shift_left3A_673 = arith.shli %xor3A_669, %shift_left3A_672 : vector<16xi32>
        %shift_right_logical3A_674 = arith.constant 8 : i32
        %shift_right_logical3A_675 = vector.broadcast %shift_right_logical3A_674 : i32 to vector<16xi32>
        %shift_right_logical3A_676 = arith.shrui %xor3A_669, %shift_right_logical3A_675 : vector<16xi32>
        %or3A_677 = arith.ori %shift_left3A_673, %shift_right_logical3A_676 : vector<16xi32>
        %xor3A_678 = arith.xori %or3A_677, %add3A_670 : vector<16xi32>
        %add3A_679 = arith.addi %add3A_670, %xor3A_598 : vector<16xi32>
        %add3A_680 = arith.addi %xor3A_678, %get3A_50 : vector<16xi32>
        %add3A_681 = arith.constant 2 : i32
        %add3A_682 = vector.broadcast %add3A_681 : i32 to vector<16xi32>
        %add3A_683 = arith.addi %add3A_680, %add3A_682 : vector<16xi32>
        %add3A_684 = arith.addi %add3A_679, %add3A_683 : vector<16xi32>
        %shift_left3A_685 = arith.constant 13 : i32
        %shift_left3A_686 = vector.broadcast %shift_left3A_685 : i32 to vector<16xi32>
        %shift_left3A_687 = arith.shli %add3A_683, %shift_left3A_686 : vector<16xi32>
        %shift_right_logical3A_688 = arith.constant 19 : i32
        %shift_right_logical3A_689 = vector.broadcast %shift_right_logical3A_688 : i32 to vector<16xi32>
        %shift_right_logical3A_690 = arith.shrui %add3A_683, %shift_right_logical3A_689 : vector<16xi32>
        %or3A_691 = arith.ori %shift_left3A_687, %shift_right_logical3A_690 : vector<16xi32>
        %xor3A_692 = arith.xori %or3A_691, %add3A_684 : vector<16xi32>
        %add3A_693 = arith.addi %add3A_684, %xor3A_692 : vector<16xi32>
        %shift_left3A_694 = arith.constant 15 : i32
        %shift_left3A_695 = vector.broadcast %shift_left3A_694 : i32 to vector<16xi32>
        %shift_left3A_696 = arith.shli %xor3A_692, %shift_left3A_695 : vector<16xi32>
        %shift_right_logical3A_697 = arith.constant 17 : i32
        %shift_right_logical3A_698 = vector.broadcast %shift_right_logical3A_697 : i32 to vector<16xi32>
        %shift_right_logical3A_699 = arith.shrui %xor3A_692, %shift_right_logical3A_698 : vector<16xi32>
        %or3A_700 = arith.ori %shift_left3A_696, %shift_right_logical3A_699 : vector<16xi32>
        %xor3A_701 = arith.xori %or3A_700, %add3A_693 : vector<16xi32>
        %add3A_702 = arith.addi %add3A_693, %xor3A_701 : vector<16xi32>
        %shift_left3A_703 = arith.constant 26 : i32
        %shift_left3A_704 = vector.broadcast %shift_left3A_703 : i32 to vector<16xi32>
        %shift_left3A_705 = arith.shli %xor3A_701, %shift_left3A_704 : vector<16xi32>
        %shift_right_logical3A_706 = arith.constant 6 : i32
        %shift_right_logical3A_707 = vector.broadcast %shift_right_logical3A_706 : i32 to vector<16xi32>
        %shift_right_logical3A_708 = arith.shrui %xor3A_701, %shift_right_logical3A_707 : vector<16xi32>
        %or3A_709 = arith.ori %shift_left3A_705, %shift_right_logical3A_708 : vector<16xi32>
        %xor3A_710 = arith.xori %or3A_709, %add3A_702 : vector<16xi32>
        %add3A_711 = arith.addi %add3A_702, %xor3A_710 : vector<16xi32>
        %shift_left3A_712 = arith.constant 6 : i32
        %shift_left3A_713 = vector.broadcast %shift_left3A_712 : i32 to vector<16xi32>
        %shift_left3A_714 = arith.shli %xor3A_710, %shift_left3A_713 : vector<16xi32>
        %shift_right_logical3A_715 = arith.constant 26 : i32
        %shift_right_logical3A_716 = vector.broadcast %shift_right_logical3A_715 : i32 to vector<16xi32>
        %shift_right_logical3A_717 = arith.shrui %xor3A_710, %shift_right_logical3A_716 : vector<16xi32>
        %or3A_718 = arith.ori %shift_left3A_714, %shift_right_logical3A_717 : vector<16xi32>
        %xor3A_719 = arith.xori %or3A_718, %add3A_711 : vector<16xi32>
        %add3A_720 = arith.addi %add3A_711, %get3A_50 : vector<16xi32>
        %add3A_721 = arith.addi %xor3A_719, %get3A_56 : vector<16xi32>
        %add3A_722 = arith.constant 3 : i32
        %add3A_723 = vector.broadcast %add3A_722 : i32 to vector<16xi32>
        %add3A_724 = arith.addi %add3A_721, %add3A_723 : vector<16xi32>
        %add3A_725 = arith.addi %add3A_720, %add3A_724 : vector<16xi32>
        %shift_left3A_726 = arith.constant 17 : i32
        %shift_left3A_727 = vector.broadcast %shift_left3A_726 : i32 to vector<16xi32>
        %shift_left3A_728 = arith.shli %add3A_724, %shift_left3A_727 : vector<16xi32>
        %shift_right_logical3A_729 = arith.constant 15 : i32
        %shift_right_logical3A_730 = vector.broadcast %shift_right_logical3A_729 : i32 to vector<16xi32>
        %shift_right_logical3A_731 = arith.shrui %add3A_724, %shift_right_logical3A_730 : vector<16xi32>
        %or3A_732 = arith.ori %shift_left3A_728, %shift_right_logical3A_731 : vector<16xi32>
        %xor3A_733 = arith.xori %or3A_732, %add3A_725 : vector<16xi32>
        %add3A_734 = arith.addi %add3A_725, %xor3A_733 : vector<16xi32>
        %shift_left3A_735 = arith.constant 29 : i32
        %shift_left3A_736 = vector.broadcast %shift_left3A_735 : i32 to vector<16xi32>
        %shift_left3A_737 = arith.shli %xor3A_733, %shift_left3A_736 : vector<16xi32>
        %shift_right_logical3A_738 = arith.constant 3 : i32
        %shift_right_logical3A_739 = vector.broadcast %shift_right_logical3A_738 : i32 to vector<16xi32>
        %shift_right_logical3A_740 = arith.shrui %xor3A_733, %shift_right_logical3A_739 : vector<16xi32>
        %or3A_741 = arith.ori %shift_left3A_737, %shift_right_logical3A_740 : vector<16xi32>
        %xor3A_742 = arith.xori %or3A_741, %add3A_734 : vector<16xi32>
        %add3A_743 = arith.addi %add3A_734, %xor3A_742 : vector<16xi32>
        %shift_left3A_744 = arith.constant 16 : i32
        %shift_left3A_745 = vector.broadcast %shift_left3A_744 : i32 to vector<16xi32>
        %shift_left3A_746 = arith.shli %xor3A_742, %shift_left3A_745 : vector<16xi32>
        %shift_right_logical3A_747 = arith.constant 16 : i32
        %shift_right_logical3A_748 = vector.broadcast %shift_right_logical3A_747 : i32 to vector<16xi32>
        %shift_right_logical3A_749 = arith.shrui %xor3A_742, %shift_right_logical3A_748 : vector<16xi32>
        %or3A_750 = arith.ori %shift_left3A_746, %shift_right_logical3A_749 : vector<16xi32>
        %xor3A_751 = arith.xori %or3A_750, %add3A_743 : vector<16xi32>
        %add3A_752 = arith.addi %add3A_743, %xor3A_751 : vector<16xi32>
        %shift_left3A_753 = arith.constant 24 : i32
        %shift_left3A_754 = vector.broadcast %shift_left3A_753 : i32 to vector<16xi32>
        %shift_left3A_755 = arith.shli %xor3A_751, %shift_left3A_754 : vector<16xi32>
        %shift_right_logical3A_756 = arith.constant 8 : i32
        %shift_right_logical3A_757 = vector.broadcast %shift_right_logical3A_756 : i32 to vector<16xi32>
        %shift_right_logical3A_758 = arith.shrui %xor3A_751, %shift_right_logical3A_757 : vector<16xi32>
        %or3A_759 = arith.ori %shift_left3A_755, %shift_right_logical3A_758 : vector<16xi32>
        %xor3A_760 = arith.xori %or3A_759, %add3A_752 : vector<16xi32>
        %add3A_761 = arith.addi %add3A_752, %get3A_56 : vector<16xi32>
        %add3A_762 = arith.addi %xor3A_760, %xor3A_598 : vector<16xi32>
        %add3A_763 = arith.constant 4 : i32
        %add3A_764 = vector.broadcast %add3A_763 : i32 to vector<16xi32>
        %add3A_765 = arith.addi %add3A_762, %add3A_764 : vector<16xi32>
        %add3A_766 = arith.addi %add3A_761, %add3A_765 : vector<16xi32>
        %shift_left3A_767 = arith.constant 13 : i32
        %shift_left3A_768 = vector.broadcast %shift_left3A_767 : i32 to vector<16xi32>
        %shift_left3A_769 = arith.shli %add3A_765, %shift_left3A_768 : vector<16xi32>
        %shift_right_logical3A_770 = arith.constant 19 : i32
        %shift_right_logical3A_771 = vector.broadcast %shift_right_logical3A_770 : i32 to vector<16xi32>
        %shift_right_logical3A_772 = arith.shrui %add3A_765, %shift_right_logical3A_771 : vector<16xi32>
        %or3A_773 = arith.ori %shift_left3A_769, %shift_right_logical3A_772 : vector<16xi32>
        %xor3A_774 = arith.xori %or3A_773, %add3A_766 : vector<16xi32>
        %add3A_775 = arith.addi %add3A_766, %xor3A_774 : vector<16xi32>
        %shift_left3A_776 = arith.constant 15 : i32
        %shift_left3A_777 = vector.broadcast %shift_left3A_776 : i32 to vector<16xi32>
        %shift_left3A_778 = arith.shli %xor3A_774, %shift_left3A_777 : vector<16xi32>
        %shift_right_logical3A_779 = arith.constant 17 : i32
        %shift_right_logical3A_780 = vector.broadcast %shift_right_logical3A_779 : i32 to vector<16xi32>
        %shift_right_logical3A_781 = arith.shrui %xor3A_774, %shift_right_logical3A_780 : vector<16xi32>
        %or3A_782 = arith.ori %shift_left3A_778, %shift_right_logical3A_781 : vector<16xi32>
        %xor3A_783 = arith.xori %or3A_782, %add3A_775 : vector<16xi32>
        %add3A_784 = arith.addi %add3A_775, %xor3A_783 : vector<16xi32>
        %shift_left3A_785 = arith.constant 26 : i32
        %shift_left3A_786 = vector.broadcast %shift_left3A_785 : i32 to vector<16xi32>
        %shift_left3A_787 = arith.shli %xor3A_783, %shift_left3A_786 : vector<16xi32>
        %shift_right_logical3A_788 = arith.constant 6 : i32
        %shift_right_logical3A_789 = vector.broadcast %shift_right_logical3A_788 : i32 to vector<16xi32>
        %shift_right_logical3A_790 = arith.shrui %xor3A_783, %shift_right_logical3A_789 : vector<16xi32>
        %or3A_791 = arith.ori %shift_left3A_787, %shift_right_logical3A_790 : vector<16xi32>
        %xor3A_792 = arith.xori %or3A_791, %add3A_784 : vector<16xi32>
        %add3A_793 = arith.addi %add3A_784, %xor3A_792 : vector<16xi32>
        %shift_left3A_794 = arith.constant 6 : i32
        %shift_left3A_795 = vector.broadcast %shift_left3A_794 : i32 to vector<16xi32>
        %shift_left3A_796 = arith.shli %xor3A_792, %shift_left3A_795 : vector<16xi32>
        %shift_right_logical3A_797 = arith.constant 26 : i32
        %shift_right_logical3A_798 = vector.broadcast %shift_right_logical3A_797 : i32 to vector<16xi32>
        %shift_right_logical3A_799 = arith.shrui %xor3A_792, %shift_right_logical3A_798 : vector<16xi32>
        %or3A_800 = arith.ori %shift_left3A_796, %shift_right_logical3A_799 : vector<16xi32>
        %xor3A_801 = arith.xori %or3A_800, %add3A_793 : vector<16xi32>
        %add3A_802 = arith.addi %add3A_793, %xor3A_598 : vector<16xi32>
        %add3A_803 = arith.addi %xor3A_801, %get3A_50 : vector<16xi32>
        %add3A_804 = arith.constant 5 : i32
        %add3A_805 = vector.broadcast %add3A_804 : i32 to vector<16xi32>
        %add3A_806 = arith.addi %add3A_803, %add3A_805 : vector<16xi32>
        %xor3A_807 = arith.xori %add3A_802, %add3A_806 : vector<16xi32>
        %mul3A_808 = arith.constant 16 : i32
        %mul3A_809 = arith.muli %scan3A_588, %mul3A_808 : i32
        %multiple_of3A_810 = tpu.assume_multiple %mul3A_809, 16 : i32
        %swap3A_811 = arith.index_cast %multiple_of3A_810 : i32 to index
        %swap3A_812 = tpu.vector_load %arg5[%swap3A_811] {strides = array<i32>} : memref<8192xi32, #tpu.memory_space<vmem>>, vector<16xi32>,
        %swap3A_813 = vector.shape_cast %swap3A_812 : vector<16xi32> to vector<16xi32>
        %swap3A_814 = vector.shape_cast %xor3A_807 : vector<16xi32> to vector<16xi32>
        tpu.vector_store %arg5[%swap3A_811], %swap3A_814 {strides = array<i32>} : memref<8192xi32, #tpu.memory_space<vmem>>, vector<16xi32>,
        %scan3A_815 = arith.constant 3 : i32
        %scan3A_816 = arith.addi %scan3A_139, %scan3A_815 : i32
        %mul3A_817 = arith.constant 16 : i32
        %mul3A_818 = arith.muli %scan3A_816, %mul3A_817 : i32
        %add3A_819 = arith.addi %add3A_60, %mul3A_818 : i32
        %add3A_820 = vector.broadcast %add3A_819 : i32 to vector<16xi32>
        %add3A_821 = arith.addi %iota3A, %add3A_820 : vector<16xi32>
        %add3A_822 = arith.addi %add3A_821, %get3A_56 : vector<16xi32>
        %xor3A_823 = arith.xori %get3A_50, %get3A_56 : vector<16xi32>
        %xor3A_824 = arith.constant 466688986 : i32
        %xor3A_825 = vector.broadcast %xor3A_824 : i32 to vector<16xi32>
        %xor3A_826 = arith.xori %xor3A_823, %xor3A_825 : vector<16xi32>
        %broadcast_in_dim3A_827 = arith.constant 0 : i32
        %broadcast_in_dim3A_828 = vector.broadcast %broadcast_in_dim3A_827 : i32 to vector<16xi32>
        %add3A_829 = arith.addi %broadcast_in_dim3A_828, %get3A_50 : vector<16xi32>
        %add3A_830 = arith.addi %add3A_829, %add3A_822 : vector<16xi32>
        %shift_left3A_831 = arith.constant 13 : i32
        %shift_left3A_832 = vector.broadcast %shift_left3A_831 : i32 to vector<16xi32>
        %shift_left3A_833 = arith.shli %add3A_822, %shift_left3A_832 : vector<16xi32>
        %shift_right_logical3A_834 = arith.constant 19 : i32
        %shift_right_logical3A_835 = vector.broadcast %shift_right_logical3A_834 : i32 to vector<16xi32>
        %shift_right_logical3A_836 = arith.shrui %add3A_822, %shift_right_logical3A_835 : vector<16xi32>
        %or3A_837 = arith.ori %shift_left3A_833, %shift_right_logical3A_836 : vector<16xi32>
        %xor3A_838 = arith.xori %or3A_837, %add3A_830 : vector<16xi32>
        %add3A_839 = arith.addi %add3A_830, %xor3A_838 : vector<16xi32>
        %shift_left3A_840 = arith.constant 15 : i32
        %shift_left3A_841 = vector.broadcast %shift_left3A_840 : i32 to vector<16xi32>
        %shift_left3A_842 = arith.shli %xor3A_838, %shift_left3A_841 : vector<16xi32>
        %shift_right_logical3A_843 = arith.constant 17 : i32
        %shift_right_logical3A_844 = vector.broadcast %shift_right_logical3A_843 : i32 to vector<16xi32>
        %shift_right_logical3A_845 = arith.shrui %xor3A_838, %shift_right_logical3A_844 : vector<16xi32>
        %or3A_846 = arith.ori %shift_left3A_842, %shift_right_logical3A_845 : vector<16xi32>
        %xor3A_847 = arith.xori %or3A_846, %add3A_839 : vector<16xi32>
        %add3A_848 = arith.addi %add3A_839, %xor3A_847 : vector<16xi32>
        %shift_left3A_849 = arith.constant 26 : i32
        %shift_left3A_850 = vector.broadcast %shift_left3A_849 : i32 to vector<16xi32>
        %shift_left3A_851 = arith.shli %xor3A_847, %shift_left3A_850 : vector<16xi32>
        %shift_right_logical3A_852 = arith.constant 6 : i32
        %shift_right_logical3A_853 = vector.broadcast %shift_right_logical3A_852 : i32 to vector<16xi32>
        %shift_right_logical3A_854 = arith.shrui %xor3A_847, %shift_right_logical3A_853 : vector<16xi32>
        %or3A_855 = arith.ori %shift_left3A_851, %shift_right_logical3A_854 : vector<16xi32>
        %xor3A_856 = arith.xori %or3A_855, %add3A_848 : vector<16xi32>
        %add3A_857 = arith.addi %add3A_848, %xor3A_856 : vector<16xi32>
        %shift_left3A_858 = arith.constant 6 : i32
        %shift_left3A_859 = vector.broadcast %shift_left3A_858 : i32 to vector<16xi32>
        %shift_left3A_860 = arith.shli %xor3A_856, %shift_left3A_859 : vector<16xi32>
        %shift_right_logical3A_861 = arith.constant 26 : i32
        %shift_right_logical3A_862 = vector.broadcast %shift_right_logical3A_861 : i32 to vector<16xi32>
        %shift_right_logical3A_863 = arith.shrui %xor3A_856, %shift_right_logical3A_862 : vector<16xi32>
        %or3A_864 = arith.ori %shift_left3A_860, %shift_right_logical3A_863 : vector<16xi32>
        %xor3A_865 = arith.xori %or3A_864, %add3A_857 : vector<16xi32>
        %add3A_866 = arith.addi %add3A_857, %get3A_56 : vector<16xi32>
        %add3A_867 = arith.addi %xor3A_865, %xor3A_826 : vector<16xi32>
        %add3A_868 = arith.constant 1 : i32
        %add3A_869 = vector.broadcast %add3A_868 : i32 to vector<16xi32>
        %add3A_870 = arith.addi %add3A_867, %add3A_869 : vector<16xi32>
        %add3A_871 = arith.addi %add3A_866, %add3A_870 : vector<16xi32>
        %shift_left3A_872 = arith.constant 17 : i32
        %shift_left3A_873 = vector.broadcast %shift_left3A_872 : i32 to vector<16xi32>
        %shift_left3A_874 = arith.shli %add3A_870, %shift_left3A_873 : vector<16xi32>
        %shift_right_logical3A_875 = arith.constant 15 : i32
        %shift_right_logical3A_876 = vector.broadcast %shift_right_logical3A_875 : i32 to vector<16xi32>
        %shift_right_logical3A_877 = arith.shrui %add3A_870, %shift_right_logical3A_876 : vector<16xi32>
        %or3A_878 = arith.ori %shift_left3A_874, %shift_right_logical3A_877 : vector<16xi32>
        %xor3A_879 = arith.xori %or3A_878, %add3A_871 : vector<16xi32>
        %add3A_880 = arith.addi %add3A_871, %xor3A_879 : vector<16xi32>
        %shift_left3A_881 = arith.constant 29 : i32
        %shift_left3A_882 = vector.broadcast %shift_left3A_881 : i32 to vector<16xi32>
        %shift_left3A_883 = arith.shli %xor3A_879, %shift_left3A_882 : vector<16xi32>
        %shift_right_logical3A_884 = arith.constant 3 : i32
        %shift_right_logical3A_885 = vector.broadcast %shift_right_logical3A_884 : i32 to vector<16xi32>
        %shift_right_logical3A_886 = arith.shrui %xor3A_879, %shift_right_logical3A_885 : vector<16xi32>
        %or3A_887 = arith.ori %shift_left3A_883, %shift_right_logical3A_886 : vector<16xi32>
        %xor3A_888 = arith.xori %or3A_887, %add3A_880 : vector<16xi32>
        %add3A_889 = arith.addi %add3A_880, %xor3A_888 : vector<16xi32>
        %shift_left3A_890 = arith.constant 16 : i32
        %shift_left3A_891 = vector.broadcast %shift_left3A_890 : i32 to vector<16xi32>
        %shift_left3A_892 = arith.shli %xor3A_888, %shift_left3A_891 : vector<16xi32>
        %shift_right_logical3A_893 = arith.constant 16 : i32
        %shift_right_logical3A_894 = vector.broadcast %shift_right_logical3A_893 : i32 to vector<16xi32>
        %shift_right_logical3A_895 = arith.shrui %xor3A_888, %shift_right_logical3A_894 : vector<16xi32>
        %or3A_896 = arith.ori %shift_left3A_892, %shift_right_logical3A_895 : vector<16xi32>
        %xor3A_897 = arith.xori %or3A_896, %add3A_889 : vector<16xi32>
        %add3A_898 = arith.addi %add3A_889, %xor3A_897 : vector<16xi32>
        %shift_left3A_899 = arith.constant 24 : i32
        %shift_left3A_900 = vector.broadcast %shift_left3A_899 : i32 to vector<16xi32>
        %shift_left3A_901 = arith.shli %xor3A_897, %shift_left3A_900 : vector<16xi32>
        %shift_right_logical3A_902 = arith.constant 8 : i32
        %shift_right_logical3A_903 = vector.broadcast %shift_right_logical3A_902 : i32 to vector<16xi32>
        %shift_right_logical3A_904 = arith.shrui %xor3A_897, %shift_right_logical3A_903 : vector<16xi32>
        %or3A_905 = arith.ori %shift_left3A_901, %shift_right_logical3A_904 : vector<16xi32>
        %xor3A_906 = arith.xori %or3A_905, %add3A_898 : vector<16xi32>
        %add3A_907 = arith.addi %add3A_898, %xor3A_826 : vector<16xi32>
        %add3A_908 = arith.addi %xor3A_906, %get3A_50 : vector<16xi32>
        %add3A_909 = arith.constant 2 : i32
        %add3A_910 = vector.broadcast %add3A_909 : i32 to vector<16xi32>
        %add3A_911 = arith.addi %add3A_908, %add3A_910 : vector<16xi32>
        %add3A_912 = arith.addi %add3A_907, %add3A_911 : vector<16xi32>
        %shift_left3A_913 = arith.constant 13 : i32
        %shift_left3A_914 = vector.broadcast %shift_left3A_913 : i32 to vector<16xi32>
        %shift_left3A_915 = arith.shli %add3A_911, %shift_left3A_914 : vector<16xi32>
        %shift_right_logical3A_916 = arith.constant 19 : i32
        %shift_right_logical3A_917 = vector.broadcast %shift_right_logical3A_916 : i32 to vector<16xi32>
        %shift_right_logical3A_918 = arith.shrui %add3A_911, %shift_right_logical3A_917 : vector<16xi32>
        %or3A_919 = arith.ori %shift_left3A_915, %shift_right_logical3A_918 : vector<16xi32>
        %xor3A_920 = arith.xori %or3A_919, %add3A_912 : vector<16xi32>
        %add3A_921 = arith.addi %add3A_912, %xor3A_920 : vector<16xi32>
        %shift_left3A_922 = arith.constant 15 : i32
        %shift_left3A_923 = vector.broadcast %shift_left3A_922 : i32 to vector<16xi32>
        %shift_left3A_924 = arith.shli %xor3A_920, %shift_left3A_923 : vector<16xi32>
        %shift_right_logical3A_925 = arith.constant 17 : i32
        %shift_right_logical3A_926 = vector.broadcast %shift_right_logical3A_925 : i32 to vector<16xi32>
        %shift_right_logical3A_927 = arith.shrui %xor3A_920, %shift_right_logical3A_926 : vector<16xi32>
        %or3A_928 = arith.ori %shift_left3A_924, %shift_right_logical3A_927 : vector<16xi32>
        %xor3A_929 = arith.xori %or3A_928, %add3A_921 : vector<16xi32>
        %add3A_930 = arith.addi %add3A_921, %xor3A_929 : vector<16xi32>
        %shift_left3A_931 = arith.constant 26 : i32
        %shift_left3A_932 = vector.broadcast %shift_left3A_931 : i32 to vector<16xi32>
        %shift_left3A_933 = arith.shli %xor3A_929, %shift_left3A_932 : vector<16xi32>
        %shift_right_logical3A_934 = arith.constant 6 : i32
        %shift_right_logical3A_935 = vector.broadcast %shift_right_logical3A_934 : i32 to vector<16xi32>
        %shift_right_logical3A_936 = arith.shrui %xor3A_929, %shift_right_logical3A_935 : vector<16xi32>
        %or3A_937 = arith.ori %shift_left3A_933, %shift_right_logical3A_936 : vector<16xi32>
        %xor3A_938 = arith.xori %or3A_937, %add3A_930 : vector<16xi32>
        %add3A_939 = arith.addi %add3A_930, %xor3A_938 : vector<16xi32>
        %shift_left3A_940 = arith.constant 6 : i32
        %shift_left3A_941 = vector.broadcast %shift_left3A_940 : i32 to vector<16xi32>
        %shift_left3A_942 = arith.shli %xor3A_938, %shift_left3A_941 : vector<16xi32>
        %shift_right_logical3A_943 = arith.constant 26 : i32
        %shift_right_logical3A_944 = vector.broadcast %shift_right_logical3A_943 : i32 to vector<16xi32>
        %shift_right_logical3A_945 = arith.shrui %xor3A_938, %shift_right_logical3A_944 : vector<16xi32>
        %or3A_946 = arith.ori %shift_left3A_942, %shift_right_logical3A_945 : vector<16xi32>
        %xor3A_947 = arith.xori %or3A_946, %add3A_939 : vector<16xi32>
        %add3A_948 = arith.addi %add3A_939, %get3A_50 : vector<16xi32>
        %add3A_949 = arith.addi %xor3A_947, %get3A_56 : vector<16xi32>
        %add3A_950 = arith.constant 3 : i32
        %add3A_951 = vector.broadcast %add3A_950 : i32 to vector<16xi32>
        %add3A_952 = arith.addi %add3A_949, %add3A_951 : vector<16xi32>
        %add3A_953 = arith.addi %add3A_948, %add3A_952 : vector<16xi32>
        %shift_left3A_954 = arith.constant 17 : i32
        %shift_left3A_955 = vector.broadcast %shift_left3A_954 : i32 to vector<16xi32>
        %shift_left3A_956 = arith.shli %add3A_952, %shift_left3A_955 : vector<16xi32>
        %shift_right_logical3A_957 = arith.constant 15 : i32
        %shift_right_logical3A_958 = vector.broadcast %shift_right_logical3A_957 : i32 to vector<16xi32>
        %shift_right_logical3A_959 = arith.shrui %add3A_952, %shift_right_logical3A_958 : vector<16xi32>
        %or3A_960 = arith.ori %shift_left3A_956, %shift_right_logical3A_959 : vector<16xi32>
        %xor3A_961 = arith.xori %or3A_960, %add3A_953 : vector<16xi32>
        %add3A_962 = arith.addi %add3A_953, %xor3A_961 : vector<16xi32>
        %shift_left3A_963 = arith.constant 29 : i32
        %shift_left3A_964 = vector.broadcast %shift_left3A_963 : i32 to vector<16xi32>
        %shift_left3A_965 = arith.shli %xor3A_961, %shift_left3A_964 : vector<16xi32>
        %shift_right_logical3A_966 = arith.constant 3 : i32
        %shift_right_logical3A_967 = vector.broadcast %shift_right_logical3A_966 : i32 to vector<16xi32>
        %shift_right_logical3A_968 = arith.shrui %xor3A_961, %shift_right_logical3A_967 : vector<16xi32>
        %or3A_969 = arith.ori %shift_left3A_965, %shift_right_logical3A_968 : vector<16xi32>
        %xor3A_970 = arith.xori %or3A_969, %add3A_962 : vector<16xi32>
        %add3A_971 = arith.addi %add3A_962, %xor3A_970 : vector<16xi32>
        %shift_left3A_972 = arith.constant 16 : i32
        %shift_left3A_973 = vector.broadcast %shift_left3A_972 : i32 to vector<16xi32>
        %shift_left3A_974 = arith.shli %xor3A_970, %shift_left3A_973 : vector<16xi32>
        %shift_right_logical3A_975 = arith.constant 16 : i32
        %shift_right_logical3A_976 = vector.broadcast %shift_right_logical3A_975 : i32 to vector<16xi32>
        %shift_right_logical3A_977 = arith.shrui %xor3A_970, %shift_right_logical3A_976 : vector<16xi32>
        %or3A_978 = arith.ori %shift_left3A_974, %shift_right_logical3A_977 : vector<16xi32>
        %xor3A_979 = arith.xori %or3A_978, %add3A_971 : vector<16xi32>
        %add3A_980 = arith.addi %add3A_971, %xor3A_979 : vector<16xi32>
        %shift_left3A_981 = arith.constant 24 : i32
        %shift_left3A_982 = vector.broadcast %shift_left3A_981 : i32 to vector<16xi32>
        %shift_left3A_983 = arith.shli %xor3A_979, %shift_left3A_982 : vector<16xi32>
        %shift_right_logical3A_984 = arith.constant 8 : i32
        %shift_right_logical3A_985 = vector.broadcast %shift_right_logical3A_984 : i32 to vector<16xi32>
        %shift_right_logical3A_986 = arith.shrui %xor3A_979, %shift_right_logical3A_985 : vector<16xi32>
        %or3A_987 = arith.ori %shift_left3A_983, %shift_right_logical3A_986 : vector<16xi32>
        %xor3A_988 = arith.xori %or3A_987, %add3A_980 : vector<16xi32>
        %add3A_989 = arith.addi %add3A_980, %get3A_56 : vector<16xi32>
        %add3A_990 = arith.addi %xor3A_988, %xor3A_826 : vector<16xi32>
        %add3A_991 = arith.constant 4 : i32
        %add3A_992 = vector.broadcast %add3A_991 : i32 to vector<16xi32>
        %add3A_993 = arith.addi %add3A_990, %add3A_992 : vector<16xi32>
        %add3A_994 = arith.addi %add3A_989, %add3A_993 : vector<16xi32>
        %shift_left3A_995 = arith.constant 13 : i32
        %shift_left3A_996 = vector.broadcast %shift_left3A_995 : i32 to vector<16xi32>
        %shift_left3A_997 = arith.shli %add3A_993, %shift_left3A_996 : vector<16xi32>
        %shift_right_logical3A_998 = arith.constant 19 : i32
        %shift_right_logical3A_999 = vector.broadcast %shift_right_logical3A_998 : i32 to vector<16xi32>
        %shift_right_logical3A_1000 = arith.shrui %add3A_993, %shift_right_logical3A_999 : vector<16xi32>
        %or3A_1001 = arith.ori %shift_left3A_997, %shift_right_logical3A_1000 : vector<16xi32>
        %xor3A_1002 = arith.xori %or3A_1001, %add3A_994 : vector<16xi32>
        %add3A_1003 = arith.addi %add3A_994, %xor3A_1002 : vector<16xi32>
        %shift_left3A_1004 = arith.constant 15 : i32
        %shift_left3A_1005 = vector.broadcast %shift_left3A_1004 : i32 to vector<16xi32>
        %shift_left3A_1006 = arith.shli %xor3A_1002, %shift_left3A_1005 : vector<16xi32>
        %shift_right_logical3A_1007 = arith.constant 17 : i32
        %shift_right_logical3A_1008 = vector.broadcast %shift_right_logical3A_1007 : i32 to vector<16xi32>
        %shift_right_logical3A_1009 = arith.shrui %xor3A_1002, %shift_right_logical3A_1008 : vector<16xi32>
        %or3A_1010 = arith.ori %shift_left3A_1006, %shift_right_logical3A_1009 : vector<16xi32>
        %xor3A_1011 = arith.xori %or3A_1010, %add3A_1003 : vector<16xi32>
        %add3A_1012 = arith.addi %add3A_1003, %xor3A_1011 : vector<16xi32>
        %shift_left3A_1013 = arith.constant 26 : i32
        %shift_left3A_1014 = vector.broadcast %shift_left3A_1013 : i32 to vector<16xi32>
        %shift_left3A_1015 = arith.shli %xor3A_1011, %shift_left3A_1014 : vector<16xi32>
        %shift_right_logical3A_1016 = arith.constant 6 : i32
        %shift_right_logical3A_1017 = vector.broadcast %shift_right_logical3A_1016 : i32 to vector<16xi32>
        %shift_right_logical3A_1018 = arith.shrui %xor3A_1011, %shift_right_logical3A_1017 : vector<16xi32>
        %or3A_1019 = arith.ori %shift_left3A_1015, %shift_right_logical3A_1018 : vector<16xi32>
        %xor3A_1020 = arith.xori %or3A_1019, %add3A_1012 : vector<16xi32>
        %add3A_1021 = arith.addi %add3A_1012, %xor3A_1020 : vector<16xi32>
        %shift_left3A_1022 = arith.constant 6 : i32
        %shift_left3A_1023 = vector.broadcast %shift_left3A_1022 : i32 to vector<16xi32>
        %shift_left3A_1024 = arith.shli %xor3A_1020, %shift_left3A_1023 : vector<16xi32>
        %shift_right_logical3A_1025 = arith.constant 26 : i32
        %shift_right_logical3A_1026 = vector.broadcast %shift_right_logical3A_1025 : i32 to vector<16xi32>
        %shift_right_logical3A_1027 = arith.shrui %xor3A_1020, %shift_right_logical3A_1026 : vector<16xi32>
        %or3A_1028 = arith.ori %shift_left3A_1024, %shift_right_logical3A_1027 : vector<16xi32>
        %xor3A_1029 = arith.xori %or3A_1028, %add3A_1021 : vector<16xi32>
        %add3A_1030 = arith.addi %add3A_1021, %xor3A_826 : vector<16xi32>
        %add3A_1031 = arith.addi %xor3A_1029, %get3A_50 : vector<16xi32>
        %add3A_1032 = arith.constant 5 : i32
        %add3A_1033 = vector.broadcast %add3A_1032 : i32 to vector<16xi32>
        %add3A_1034 = arith.addi %add3A_1031, %add3A_1033 : vector<16xi32>
        %xor3A_1035 = arith.xori %add3A_1030, %add3A_1034 : vector<16xi32>
        %mul3A_1036 = arith.constant 16 : i32
        %mul3A_1037 = arith.muli %scan3A_816, %mul3A_1036 : i32
        %multiple_of3A_1038 = tpu.assume_multiple %mul3A_1037, 16 : i32
        %swap3A_1039 = arith.index_cast %multiple_of3A_1038 : i32 to index
        %swap3A_1040 = tpu.vector_load %arg5[%swap3A_1039] {strides = array<i32>} : memref<8192xi32, #tpu.memory_space<vmem>>, vector<16xi32>,
        %swap3A_1041 = vector.shape_cast %swap3A_1040 : vector<16xi32> to vector<16xi32>
        %swap3A_1042 = vector.shape_cast %xor3A_1035 : vector<16xi32> to vector<16xi32>
        tpu.vector_store %arg5[%swap3A_1039], %swap3A_1042 {strides = array<i32>} : memref<8192xi32, #tpu.memory_space<vmem>>, vector<16xi32>,
        %scan3A_1043 = arith.constant 4 : i32
        %scan3A_1044 = arith.addi %scan3A_139, %scan3A_1043 : i32
        %mul3A_1045 = arith.constant 16 : i32
        %mul3A_1046 = arith.muli %scan3A_1044, %mul3A_1045 : i32
        %add3A_1047 = arith.addi %add3A_60, %mul3A_1046 : i32
        %add3A_1048 = vector.broadcast %add3A_1047 : i32 to vector<16xi32>
        %add3A_1049 = arith.addi %iota3A, %add3A_1048 : vector<16xi32>
        %add3A_1050 = arith.addi %add3A_1049, %get3A_56 : vector<16xi32>
        %xor3A_1051 = arith.xori %get3A_50, %get3A_56 : vector<16xi32>
        %xor3A_1052 = arith.constant 466688986 : i32
        %xor3A_1053 = vector.broadcast %xor3A_1052 : i32 to vector<16xi32>
        %xor3A_1054 = arith.xori %xor3A_1051, %xor3A_1053 : vector<16xi32>
        %broadcast_in_dim3A_1055 = arith.constant 0 : i32
        %broadcast_in_dim3A_1056 = vector.broadcast %broadcast_in_dim3A_1055 : i32 to vector<16xi32>
        %add3A_1057 = arith.addi %broadcast_in_dim3A_1056, %get3A_50 : vector<16xi32>
        %add3A_1058 = arith.addi %add3A_1057, %add3A_1050 : vector<16xi32>
        %shift_left3A_1059 = arith.constant 13 : i32
        %shift_left3A_1060 = vector.broadcast %shift_left3A_1059 : i32 to vector<16xi32>
        %shift_left3A_1061 = arith.shli %add3A_1050, %shift_left3A_1060 : vector<16xi32>
        %shift_right_logical3A_1062 = arith.constant 19 : i32
        %shift_right_logical3A_1063 = vector.broadcast %shift_right_logical3A_1062 : i32 to vector<16xi32>
        %shift_right_logical3A_1064 = arith.shrui %add3A_1050, %shift_right_logical3A_1063 : vector<16xi32>
        %or3A_1065 = arith.ori %shift_left3A_1061, %shift_right_logical3A_1064 : vector<16xi32>
        %xor3A_1066 = arith.xori %or3A_1065, %add3A_1058 : vector<16xi32>
        %add3A_1067 = arith.addi %add3A_1058, %xor3A_1066 : vector<16xi32>
        %shift_left3A_1068 = arith.constant 15 : i32
        %shift_left3A_1069 = vector.broadcast %shift_left3A_1068 : i32 to vector<16xi32>
        %shift_left3A_1070 = arith.shli %xor3A_1066, %shift_left3A_1069 : vector<16xi32>
        %shift_right_logical3A_1071 = arith.constant 17 : i32
        %shift_right_logical3A_1072 = vector.broadcast %shift_right_logical3A_1071 : i32 to vector<16xi32>
        %shift_right_logical3A_1073 = arith.shrui %xor3A_1066, %shift_right_logical3A_1072 : vector<16xi32>
        %or3A_1074 = arith.ori %shift_left3A_1070, %shift_right_logical3A_1073 : vector<16xi32>
        %xor3A_1075 = arith.xori %or3A_1074, %add3A_1067 : vector<16xi32>
        %add3A_1076 = arith.addi %add3A_1067, %xor3A_1075 : vector<16xi32>
        %shift_left3A_1077 = arith.constant 26 : i32
        %shift_left3A_1078 = vector.broadcast %shift_left3A_1077 : i32 to vector<16xi32>
        %shift_left3A_1079 = arith.shli %xor3A_1075, %shift_left3A_1078 : vector<16xi32>
        %shift_right_logical3A_1080 = arith.constant 6 : i32
        %shift_right_logical3A_1081 = vector.broadcast %shift_right_logical3A_1080 : i32 to vector<16xi32>
        %shift_right_logical3A_1082 = arith.shrui %xor3A_1075, %shift_right_logical3A_1081 : vector<16xi32>
        %or3A_1083 = arith.ori %shift_left3A_1079, %shift_right_logical3A_1082 : vector<16xi32>
        %xor3A_1084 = arith.xori %or3A_1083, %add3A_1076 : vector<16xi32>
        %add3A_1085 = arith.addi %add3A_1076, %xor3A_1084 : vector<16xi32>
        %shift_left3A_1086 = arith.constant 6 : i32
        %shift_left3A_1087 = vector.broadcast %shift_left3A_1086 : i32 to vector<16xi32>
        %shift_left3A_1088 = arith.shli %xor3A_1084, %shift_left3A_1087 : vector<16xi32>
        %shift_right_logical3A_1089 = arith.constant 26 : i32
        %shift_right_logical3A_1090 = vector.broadcast %shift_right_logical3A_1089 : i32 to vector<16xi32>
        %shift_right_logical3A_1091 = arith.shrui %xor3A_1084, %shift_right_logical3A_1090 : vector<16xi32>
        %or3A_1092 = arith.ori %shift_left3A_1088, %shift_right_logical3A_1091 : vector<16xi32>
        %xor3A_1093 = arith.xori %or3A_1092, %add3A_1085 : vector<16xi32>
        %add3A_1094 = arith.addi %add3A_1085, %get3A_56 : vector<16xi32>
        %add3A_1095 = arith.addi %xor3A_1093, %xor3A_1054 : vector<16xi32>
        %add3A_1096 = arith.constant 1 : i32
        %add3A_1097 = vector.broadcast %add3A_1096 : i32 to vector<16xi32>
        %add3A_1098 = arith.addi %add3A_1095, %add3A_1097 : vector<16xi32>
        %add3A_1099 = arith.addi %add3A_1094, %add3A_1098 : vector<16xi32>
        %shift_left3A_1100 = arith.constant 17 : i32
        %shift_left3A_1101 = vector.broadcast %shift_left3A_1100 : i32 to vector<16xi32>
        %shift_left3A_1102 = arith.shli %add3A_1098, %shift_left3A_1101 : vector<16xi32>
        %shift_right_logical3A_1103 = arith.constant 15 : i32
        %shift_right_logical3A_1104 = vector.broadcast %shift_right_logical3A_1103 : i32 to vector<16xi32>
        %shift_right_logical3A_1105 = arith.shrui %add3A_1098, %shift_right_logical3A_1104 : vector<16xi32>
        %or3A_1106 = arith.ori %shift_left3A_1102, %shift_right_logical3A_1105 : vector<16xi32>
        %xor3A_1107 = arith.xori %or3A_1106, %add3A_1099 : vector<16xi32>
        %add3A_1108 = arith.addi %add3A_1099, %xor3A_1107 : vector<16xi32>
        %shift_left3A_1109 = arith.constant 29 : i32
        %shift_left3A_1110 = vector.broadcast %shift_left3A_1109 : i32 to vector<16xi32>
        %shift_left3A_1111 = arith.shli %xor3A_1107, %shift_left3A_1110 : vector<16xi32>
        %shift_right_logical3A_1112 = arith.constant 3 : i32
        %shift_right_logical3A_1113 = vector.broadcast %shift_right_logical3A_1112 : i32 to vector<16xi32>
        %shift_right_logical3A_1114 = arith.shrui %xor3A_1107, %shift_right_logical3A_1113 : vector<16xi32>
        %or3A_1115 = arith.ori %shift_left3A_1111, %shift_right_logical3A_1114 : vector<16xi32>
        %xor3A_1116 = arith.xori %or3A_1115, %add3A_1108 : vector<16xi32>
        %add3A_1117 = arith.addi %add3A_1108, %xor3A_1116 : vector<16xi32>
        %shift_left3A_1118 = arith.constant 16 : i32
        %shift_left3A_1119 = vector.broadcast %shift_left3A_1118 : i32 to vector<16xi32>
        %shift_left3A_1120 = arith.shli %xor3A_1116, %shift_left3A_1119 : vector<16xi32>
        %shift_right_logical3A_1121 = arith.constant 16 : i32
        %shift_right_logical3A_1122 = vector.broadcast %shift_right_logical3A_1121 : i32 to vector<16xi32>
        %shift_right_logical3A_1123 = arith.shrui %xor3A_1116, %shift_right_logical3A_1122 : vector<16xi32>
        %or3A_1124 = arith.ori %shift_left3A_1120, %shift_right_logical3A_1123 : vector<16xi32>
        %xor3A_1125 = arith.xori %or3A_1124, %add3A_1117 : vector<16xi32>
        %add3A_1126 = arith.addi %add3A_1117, %xor3A_1125 : vector<16xi32>
        %shift_left3A_1127 = arith.constant 24 : i32
        %shift_left3A_1128 = vector.broadcast %shift_left3A_1127 : i32 to vector<16xi32>
        %shift_left3A_1129 = arith.shli %xor3A_1125, %shift_left3A_1128 : vector<16xi32>
        %shift_right_logical3A_1130 = arith.constant 8 : i32
        %shift_right_logical3A_1131 = vector.broadcast %shift_right_logical3A_1130 : i32 to vector<16xi32>
        %shift_right_logical3A_1132 = arith.shrui %xor3A_1125, %shift_right_logical3A_1131 : vector<16xi32>
        %or3A_1133 = arith.ori %shift_left3A_1129, %shift_right_logical3A_1132 : vector<16xi32>
        %xor3A_1134 = arith.xori %or3A_1133, %add3A_1126 : vector<16xi32>
        %add3A_1135 = arith.addi %add3A_1126, %xor3A_1054 : vector<16xi32>
        %add3A_1136 = arith.addi %xor3A_1134, %get3A_50 : vector<16xi32>
        %add3A_1137 = arith.constant 2 : i32
        %add3A_1138 = vector.broadcast %add3A_1137 : i32 to vector<16xi32>
        %add3A_1139 = arith.addi %add3A_1136, %add3A_1138 : vector<16xi32>
        %add3A_1140 = arith.addi %add3A_1135, %add3A_1139 : vector<16xi32>
        %shift_left3A_1141 = arith.constant 13 : i32
        %shift_left3A_1142 = vector.broadcast %shift_left3A_1141 : i32 to vector<16xi32>
        %shift_left3A_1143 = arith.shli %add3A_1139, %shift_left3A_1142 : vector<16xi32>
        %shift_right_logical3A_1144 = arith.constant 19 : i32
        %shift_right_logical3A_1145 = vector.broadcast %shift_right_logical3A_1144 : i32 to vector<16xi32>
        %shift_right_logical3A_1146 = arith.shrui %add3A_1139, %shift_right_logical3A_1145 : vector<16xi32>
        %or3A_1147 = arith.ori %shift_left3A_1143, %shift_right_logical3A_1146 : vector<16xi32>
        %xor3A_1148 = arith.xori %or3A_1147, %add3A_1140 : vector<16xi32>
        %add3A_1149 = arith.addi %add3A_1140, %xor3A_1148 : vector<16xi32>
        %shift_left3A_1150 = arith.constant 15 : i32
        %shift_left3A_1151 = vector.broadcast %shift_left3A_1150 : i32 to vector<16xi32>
        %shift_left3A_1152 = arith.shli %xor3A_1148, %shift_left3A_1151 : vector<16xi32>
        %shift_right_logical3A_1153 = arith.constant 17 : i32
        %shift_right_logical3A_1154 = vector.broadcast %shift_right_logical3A_1153 : i32 to vector<16xi32>
        %shift_right_logical3A_1155 = arith.shrui %xor3A_1148, %shift_right_logical3A_1154 : vector<16xi32>
        %or3A_1156 = arith.ori %shift_left3A_1152, %shift_right_logical3A_1155 : vector<16xi32>
        %xor3A_1157 = arith.xori %or3A_1156, %add3A_1149 : vector<16xi32>
        %add3A_1158 = arith.addi %add3A_1149, %xor3A_1157 : vector<16xi32>
        %shift_left3A_1159 = arith.constant 26 : i32
        %shift_left3A_1160 = vector.broadcast %shift_left3A_1159 : i32 to vector<16xi32>
        %shift_left3A_1161 = arith.shli %xor3A_1157, %shift_left3A_1160 : vector<16xi32>
        %shift_right_logical3A_1162 = arith.constant 6 : i32
        %shift_right_logical3A_1163 = vector.broadcast %shift_right_logical3A_1162 : i32 to vector<16xi32>
        %shift_right_logical3A_1164 = arith.shrui %xor3A_1157, %shift_right_logical3A_1163 : vector<16xi32>
        %or3A_1165 = arith.ori %shift_left3A_1161, %shift_right_logical3A_1164 : vector<16xi32>
        %xor3A_1166 = arith.xori %or3A_1165, %add3A_1158 : vector<16xi32>
        %add3A_1167 = arith.addi %add3A_1158, %xor3A_1166 : vector<16xi32>
        %shift_left3A_1168 = arith.constant 6 : i32
        %shift_left3A_1169 = vector.broadcast %shift_left3A_1168 : i32 to vector<16xi32>
        %shift_left3A_1170 = arith.shli %xor3A_1166, %shift_left3A_1169 : vector<16xi32>
        %shift_right_logical3A_1171 = arith.constant 26 : i32
        %shift_right_logical3A_1172 = vector.broadcast %shift_right_logical3A_1171 : i32 to vector<16xi32>
        %shift_right_logical3A_1173 = arith.shrui %xor3A_1166, %shift_right_logical3A_1172 : vector<16xi32>
        %or3A_1174 = arith.ori %shift_left3A_1170, %shift_right_logical3A_1173 : vector<16xi32>
        %xor3A_1175 = arith.xori %or3A_1174, %add3A_1167 : vector<16xi32>
        %add3A_1176 = arith.addi %add3A_1167, %get3A_50 : vector<16xi32>
        %add3A_1177 = arith.addi %xor3A_1175, %get3A_56 : vector<16xi32>
        %add3A_1178 = arith.constant 3 : i32
        %add3A_1179 = vector.broadcast %add3A_1178 : i32 to vector<16xi32>
        %add3A_1180 = arith.addi %add3A_1177, %add3A_1179 : vector<16xi32>
        %add3A_1181 = arith.addi %add3A_1176, %add3A_1180 : vector<16xi32>
        %shift_left3A_1182 = arith.constant 17 : i32
        %shift_left3A_1183 = vector.broadcast %shift_left3A_1182 : i32 to vector<16xi32>
        %shift_left3A_1184 = arith.shli %add3A_1180, %shift_left3A_1183 : vector<16xi32>
        %shift_right_logical3A_1185 = arith.constant 15 : i32
        %shift_right_logical3A_1186 = vector.broadcast %shift_right_logical3A_1185 : i32 to vector<16xi32>
        %shift_right_logical3A_1187 = arith.shrui %add3A_1180, %shift_right_logical3A_1186 : vector<16xi32>
        %or3A_1188 = arith.ori %shift_left3A_1184, %shift_right_logical3A_1187 : vector<16xi32>
        %xor3A_1189 = arith.xori %or3A_1188, %add3A_1181 : vector<16xi32>
        %add3A_1190 = arith.addi %add3A_1181, %xor3A_1189 : vector<16xi32>
        %shift_left3A_1191 = arith.constant 29 : i32
        %shift_left3A_1192 = vector.broadcast %shift_left3A_1191 : i32 to vector<16xi32>
        %shift_left3A_1193 = arith.shli %xor3A_1189, %shift_left3A_1192 : vector<16xi32>
        %shift_right_logical3A_1194 = arith.constant 3 : i32
        %shift_right_logical3A_1195 = vector.broadcast %shift_right_logical3A_1194 : i32 to vector<16xi32>
        %shift_right_logical3A_1196 = arith.shrui %xor3A_1189, %shift_right_logical3A_1195 : vector<16xi32>
        %or3A_1197 = arith.ori %shift_left3A_1193, %shift_right_logical3A_1196 : vector<16xi32>
        %xor3A_1198 = arith.xori %or3A_1197, %add3A_1190 : vector<16xi32>
        %add3A_1199 = arith.addi %add3A_1190, %xor3A_1198 : vector<16xi32>
        %shift_left3A_1200 = arith.constant 16 : i32
        %shift_left3A_1201 = vector.broadcast %shift_left3A_1200 : i32 to vector<16xi32>
        %shift_left3A_1202 = arith.shli %xor3A_1198, %shift_left3A_1201 : vector<16xi32>
        %shift_right_logical3A_1203 = arith.constant 16 : i32
        %shift_right_logical3A_1204 = vector.broadcast %shift_right_logical3A_1203 : i32 to vector<16xi32>
        %shift_right_logical3A_1205 = arith.shrui %xor3A_1198, %shift_right_logical3A_1204 : vector<16xi32>
        %or3A_1206 = arith.ori %shift_left3A_1202, %shift_right_logical3A_1205 : vector<16xi32>
        %xor3A_1207 = arith.xori %or3A_1206, %add3A_1199 : vector<16xi32>
        %add3A_1208 = arith.addi %add3A_1199, %xor3A_1207 : vector<16xi32>
        %shift_left3A_1209 = arith.constant 24 : i32
        %shift_left3A_1210 = vector.broadcast %shift_left3A_1209 : i32 to vector<16xi32>
        %shift_left3A_1211 = arith.shli %xor3A_1207, %shift_left3A_1210 : vector<16xi32>
        %shift_right_logical3A_1212 = arith.constant 8 : i32
        %shift_right_logical3A_1213 = vector.broadcast %shift_right_logical3A_1212 : i32 to vector<16xi32>
        %shift_right_logical3A_1214 = arith.shrui %xor3A_1207, %shift_right_logical3A_1213 : vector<16xi32>
        %or3A_1215 = arith.ori %shift_left3A_1211, %shift_right_logical3A_1214 : vector<16xi32>
        %xor3A_1216 = arith.xori %or3A_1215, %add3A_1208 : vector<16xi32>
        %add3A_1217 = arith.addi %add3A_1208, %get3A_56 : vector<16xi32>
        %add3A_1218 = arith.addi %xor3A_1216, %xor3A_1054 : vector<16xi32>
        %add3A_1219 = arith.constant 4 : i32
        %add3A_1220 = vector.broadcast %add3A_1219 : i32 to vector<16xi32>
        %add3A_1221 = arith.addi %add3A_1218, %add3A_1220 : vector<16xi32>
        %add3A_1222 = arith.addi %add3A_1217, %add3A_1221 : vector<16xi32>
        %shift_left3A_1223 = arith.constant 13 : i32
        %shift_left3A_1224 = vector.broadcast %shift_left3A_1223 : i32 to vector<16xi32>
        %shift_left3A_1225 = arith.shli %add3A_1221, %shift_left3A_1224 : vector<16xi32>
        %shift_right_logical3A_1226 = arith.constant 19 : i32
        %shift_right_logical3A_1227 = vector.broadcast %shift_right_logical3A_1226 : i32 to vector<16xi32>
        %shift_right_logical3A_1228 = arith.shrui %add3A_1221, %shift_right_logical3A_1227 : vector<16xi32>
        %or3A_1229 = arith.ori %shift_left3A_1225, %shift_right_logical3A_1228 : vector<16xi32>
        %xor3A_1230 = arith.xori %or3A_1229, %add3A_1222 : vector<16xi32>
        %add3A_1231 = arith.addi %add3A_1222, %xor3A_1230 : vector<16xi32>
        %shift_left3A_1232 = arith.constant 15 : i32
        %shift_left3A_1233 = vector.broadcast %shift_left3A_1232 : i32 to vector<16xi32>
        %shift_left3A_1234 = arith.shli %xor3A_1230, %shift_left3A_1233 : vector<16xi32>
        %shift_right_logical3A_1235 = arith.constant 17 : i32
        %shift_right_logical3A_1236 = vector.broadcast %shift_right_logical3A_1235 : i32 to vector<16xi32>
        %shift_right_logical3A_1237 = arith.shrui %xor3A_1230, %shift_right_logical3A_1236 : vector<16xi32>
        %or3A_1238 = arith.ori %shift_left3A_1234, %shift_right_logical3A_1237 : vector<16xi32>
        %xor3A_1239 = arith.xori %or3A_1238, %add3A_1231 : vector<16xi32>
        %add3A_1240 = arith.addi %add3A_1231, %xor3A_1239 : vector<16xi32>
        %shift_left3A_1241 = arith.constant 26 : i32
        %shift_left3A_1242 = vector.broadcast %shift_left3A_1241 : i32 to vector<16xi32>
        %shift_left3A_1243 = arith.shli %xor3A_1239, %shift_left3A_1242 : vector<16xi32>
        %shift_right_logical3A_1244 = arith.constant 6 : i32
        %shift_right_logical3A_1245 = vector.broadcast %shift_right_logical3A_1244 : i32 to vector<16xi32>
        %shift_right_logical3A_1246 = arith.shrui %xor3A_1239, %shift_right_logical3A_1245 : vector<16xi32>
        %or3A_1247 = arith.ori %shift_left3A_1243, %shift_right_logical3A_1246 : vector<16xi32>
        %xor3A_1248 = arith.xori %or3A_1247, %add3A_1240 : vector<16xi32>
        %add3A_1249 = arith.addi %add3A_1240, %xor3A_1248 : vector<16xi32>
        %shift_left3A_1250 = arith.constant 6 : i32
        %shift_left3A_1251 = vector.broadcast %shift_left3A_1250 : i32 to vector<16xi32>
        %shift_left3A_1252 = arith.shli %xor3A_1248, %shift_left3A_1251 : vector<16xi32>
        %shift_right_logical3A_1253 = arith.constant 26 : i32
        %shift_right_logical3A_1254 = vector.broadcast %shift_right_logical3A_1253 : i32 to vector<16xi32>
        %shift_right_logical3A_1255 = arith.shrui %xor3A_1248, %shift_right_logical3A_1254 : vector<16xi32>
        %or3A_1256 = arith.ori %shift_left3A_1252, %shift_right_logical3A_1255 : vector<16xi32>
        %xor3A_1257 = arith.xori %or3A_1256, %add3A_1249 : vector<16xi32>
        %add3A_1258 = arith.addi %add3A_1249, %xor3A_1054 : vector<16xi32>
        %add3A_1259 = arith.addi %xor3A_1257, %get3A_50 : vector<16xi32>
        %add3A_1260 = arith.constant 5 : i32
        %add3A_1261 = vector.broadcast %add3A_1260 : i32 to vector<16xi32>
        %add3A_1262 = arith.addi %add3A_1259, %add3A_1261 : vector<16xi32>
        %xor3A_1263 = arith.xori %add3A_1258, %add3A_1262 : vector<16xi32>
        %mul3A_1264 = arith.constant 16 : i32
        %mul3A_1265 = arith.muli %scan3A_1044, %mul3A_1264 : i32
        %multiple_of3A_1266 = tpu.assume_multiple %mul3A_1265, 16 : i32
        %swap3A_1267 = arith.index_cast %multiple_of3A_1266 : i32 to index
        %swap3A_1268 = tpu.vector_load %arg5[%swap3A_1267] {strides = array<i32>} : memref<8192xi32, #tpu.memory_space<vmem>>, vector<16xi32>,
        %swap3A_1269 = vector.shape_cast %swap3A_1268 : vector<16xi32> to vector<16xi32>
        %swap3A_1270 = vector.shape_cast %xor3A_1263 : vector<16xi32> to vector<16xi32>
        tpu.vector_store %arg5[%swap3A_1267], %swap3A_1270 {strides = array<i32>} : memref<8192xi32, #tpu.memory_space<vmem>>, vector<16xi32>,
        %scan3A_1271 = arith.constant 5 : i32
        %scan3A_1272 = arith.addi %scan3A_139, %scan3A_1271 : i32
        %mul3A_1273 = arith.constant 16 : i32
        %mul3A_1274 = arith.muli %scan3A_1272, %mul3A_1273 : i32
        %add3A_1275 = arith.addi %add3A_60, %mul3A_1274 : i32
        %add3A_1276 = vector.broadcast %add3A_1275 : i32 to vector<16xi32>
        %add3A_1277 = arith.addi %iota3A, %add3A_1276 : vector<16xi32>
        %add3A_1278 = arith.addi %add3A_1277, %get3A_56 : vector<16xi32>
        %xor3A_1279 = arith.xori %get3A_50, %get3A_56 : vector<16xi32>
        %xor3A_1280 = arith.constant 466688986 : i32
        %xor3A_1281 = vector.broadcast %xor3A_1280 : i32 to vector<16xi32>
        %xor3A_1282 = arith.xori %xor3A_1279, %xor3A_1281 : vector<16xi32>
        %broadcast_in_dim3A_1283 = arith.constant 0 : i32
        %broadcast_in_dim3A_1284 = vector.broadcast %broadcast_in_dim3A_1283 : i32 to vector<16xi32>
        %add3A_1285 = arith.addi %broadcast_in_dim3A_1284, %get3A_50 : vector<16xi32>
        %add3A_1286 = arith.addi %add3A_1285, %add3A_1278 : vector<16xi32>
        %shift_left3A_1287 = arith.constant 13 : i32
        %shift_left3A_1288 = vector.broadcast %shift_left3A_1287 : i32 to vector<16xi32>
        %shift_left3A_1289 = arith.shli %add3A_1278, %shift_left3A_1288 : vector<16xi32>
        %shift_right_logical3A_1290 = arith.constant 19 : i32
        %shift_right_logical3A_1291 = vector.broadcast %shift_right_logical3A_1290 : i32 to vector<16xi32>
        %shift_right_logical3A_1292 = arith.shrui %add3A_1278, %shift_right_logical3A_1291 : vector<16xi32>
        %or3A_1293 = arith.ori %shift_left3A_1289, %shift_right_logical3A_1292 : vector<16xi32>
        %xor3A_1294 = arith.xori %or3A_1293, %add3A_1286 : vector<16xi32>
        %add3A_1295 = arith.addi %add3A_1286, %xor3A_1294 : vector<16xi32>
        %shift_left3A_1296 = arith.constant 15 : i32
        %shift_left3A_1297 = vector.broadcast %shift_left3A_1296 : i32 to vector<16xi32>
        %shift_left3A_1298 = arith.shli %xor3A_1294, %shift_left3A_1297 : vector<16xi32>
        %shift_right_logical3A_1299 = arith.constant 17 : i32
        %shift_right_logical3A_1300 = vector.broadcast %shift_right_logical3A_1299 : i32 to vector<16xi32>
        %shift_right_logical3A_1301 = arith.shrui %xor3A_1294, %shift_right_logical3A_1300 : vector<16xi32>
        %or3A_1302 = arith.ori %shift_left3A_1298, %shift_right_logical3A_1301 : vector<16xi32>
        %xor3A_1303 = arith.xori %or3A_1302, %add3A_1295 : vector<16xi32>
        %add3A_1304 = arith.addi %add3A_1295, %xor3A_1303 : vector<16xi32>
        %shift_left3A_1305 = arith.constant 26 : i32
        %shift_left3A_1306 = vector.broadcast %shift_left3A_1305 : i32 to vector<16xi32>
        %shift_left3A_1307 = arith.shli %xor3A_1303, %shift_left3A_1306 : vector<16xi32>
        %shift_right_logical3A_1308 = arith.constant 6 : i32
        %shift_right_logical3A_1309 = vector.broadcast %shift_right_logical3A_1308 : i32 to vector<16xi32>
        %shift_right_logical3A_1310 = arith.shrui %xor3A_1303, %shift_right_logical3A_1309 : vector<16xi32>
        %or3A_1311 = arith.ori %shift_left3A_1307, %shift_right_logical3A_1310 : vector<16xi32>
        %xor3A_1312 = arith.xori %or3A_1311, %add3A_1304 : vector<16xi32>
        %add3A_1313 = arith.addi %add3A_1304, %xor3A_1312 : vector<16xi32>
        %shift_left3A_1314 = arith.constant 6 : i32
        %shift_left3A_1315 = vector.broadcast %shift_left3A_1314 : i32 to vector<16xi32>
        %shift_left3A_1316 = arith.shli %xor3A_1312, %shift_left3A_1315 : vector<16xi32>
        %shift_right_logical3A_1317 = arith.constant 26 : i32
        %shift_right_logical3A_1318 = vector.broadcast %shift_right_logical3A_1317 : i32 to vector<16xi32>
        %shift_right_logical3A_1319 = arith.shrui %xor3A_1312, %shift_right_logical3A_1318 : vector<16xi32>
        %or3A_1320 = arith.ori %shift_left3A_1316, %shift_right_logical3A_1319 : vector<16xi32>
        %xor3A_1321 = arith.xori %or3A_1320, %add3A_1313 : vector<16xi32>
        %add3A_1322 = arith.addi %add3A_1313, %get3A_56 : vector<16xi32>
        %add3A_1323 = arith.addi %xor3A_1321, %xor3A_1282 : vector<16xi32>
        %add3A_1324 = arith.constant 1 : i32
        %add3A_1325 = vector.broadcast %add3A_1324 : i32 to vector<16xi32>
        %add3A_1326 = arith.addi %add3A_1323, %add3A_1325 : vector<16xi32>
        %add3A_1327 = arith.addi %add3A_1322, %add3A_1326 : vector<16xi32>
        %shift_left3A_1328 = arith.constant 17 : i32
        %shift_left3A_1329 = vector.broadcast %shift_left3A_1328 : i32 to vector<16xi32>
        %shift_left3A_1330 = arith.shli %add3A_1326, %shift_left3A_1329 : vector<16xi32>
        %shift_right_logical3A_1331 = arith.constant 15 : i32
        %shift_right_logical3A_1332 = vector.broadcast %shift_right_logical3A_1331 : i32 to vector<16xi32>
        %shift_right_logical3A_1333 = arith.shrui %add3A_1326, %shift_right_logical3A_1332 : vector<16xi32>
        %or3A_1334 = arith.ori %shift_left3A_1330, %shift_right_logical3A_1333 : vector<16xi32>
        %xor3A_1335 = arith.xori %or3A_1334, %add3A_1327 : vector<16xi32>
        %add3A_1336 = arith.addi %add3A_1327, %xor3A_1335 : vector<16xi32>
        %shift_left3A_1337 = arith.constant 29 : i32
        %shift_left3A_1338 = vector.broadcast %shift_left3A_1337 : i32 to vector<16xi32>
        %shift_left3A_1339 = arith.shli %xor3A_1335, %shift_left3A_1338 : vector<16xi32>
        %shift_right_logical3A_1340 = arith.constant 3 : i32
        %shift_right_logical3A_1341 = vector.broadcast %shift_right_logical3A_1340 : i32 to vector<16xi32>
        %shift_right_logical3A_1342 = arith.shrui %xor3A_1335, %shift_right_logical3A_1341 : vector<16xi32>
        %or3A_1343 = arith.ori %shift_left3A_1339, %shift_right_logical3A_1342 : vector<16xi32>
        %xor3A_1344 = arith.xori %or3A_1343, %add3A_1336 : vector<16xi32>
        %add3A_1345 = arith.addi %add3A_1336, %xor3A_1344 : vector<16xi32>
        %shift_left3A_1346 = arith.constant 16 : i32
        %shift_left3A_1347 = vector.broadcast %shift_left3A_1346 : i32 to vector<16xi32>
        %shift_left3A_1348 = arith.shli %xor3A_1344, %shift_left3A_1347 : vector<16xi32>
        %shift_right_logical3A_1349 = arith.constant 16 : i32
        %shift_right_logical3A_1350 = vector.broadcast %shift_right_logical3A_1349 : i32 to vector<16xi32>
        %shift_right_logical3A_1351 = arith.shrui %xor3A_1344, %shift_right_logical3A_1350 : vector<16xi32>
        %or3A_1352 = arith.ori %shift_left3A_1348, %shift_right_logical3A_1351 : vector<16xi32>
        %xor3A_1353 = arith.xori %or3A_1352, %add3A_1345 : vector<16xi32>
        %add3A_1354 = arith.addi %add3A_1345, %xor3A_1353 : vector<16xi32>
        %shift_left3A_1355 = arith.constant 24 : i32
        %shift_left3A_1356 = vector.broadcast %shift_left3A_1355 : i32 to vector<16xi32>
        %shift_left3A_1357 = arith.shli %xor3A_1353, %shift_left3A_1356 : vector<16xi32>
        %shift_right_logical3A_1358 = arith.constant 8 : i32
        %shift_right_logical3A_1359 = vector.broadcast %shift_right_logical3A_1358 : i32 to vector<16xi32>
        %shift_right_logical3A_1360 = arith.shrui %xor3A_1353, %shift_right_logical3A_1359 : vector<16xi32>
        %or3A_1361 = arith.ori %shift_left3A_1357, %shift_right_logical3A_1360 : vector<16xi32>
        %xor3A_1362 = arith.xori %or3A_1361, %add3A_1354 : vector<16xi32>
        %add3A_1363 = arith.addi %add3A_1354, %xor3A_1282 : vector<16xi32>
        %add3A_1364 = arith.addi %xor3A_1362, %get3A_50 : vector<16xi32>
        %add3A_1365 = arith.constant 2 : i32
        %add3A_1366 = vector.broadcast %add3A_1365 : i32 to vector<16xi32>
        %add3A_1367 = arith.addi %add3A_1364, %add3A_1366 : vector<16xi32>
        %add3A_1368 = arith.addi %add3A_1363, %add3A_1367 : vector<16xi32>
        %shift_left3A_1369 = arith.constant 13 : i32
        %shift_left3A_1370 = vector.broadcast %shift_left3A_1369 : i32 to vector<16xi32>
        %shift_left3A_1371 = arith.shli %add3A_1367, %shift_left3A_1370 : vector<16xi32>
        %shift_right_logical3A_1372 = arith.constant 19 : i32
        %shift_right_logical3A_1373 = vector.broadcast %shift_right_logical3A_1372 : i32 to vector<16xi32>
        %shift_right_logical3A_1374 = arith.shrui %add3A_1367, %shift_right_logical3A_1373 : vector<16xi32>
        %or3A_1375 = arith.ori %shift_left3A_1371, %shift_right_logical3A_1374 : vector<16xi32>
        %xor3A_1376 = arith.xori %or3A_1375, %add3A_1368 : vector<16xi32>
        %add3A_1377 = arith.addi %add3A_1368, %xor3A_1376 : vector<16xi32>
        %shift_left3A_1378 = arith.constant 15 : i32
        %shift_left3A_1379 = vector.broadcast %shift_left3A_1378 : i32 to vector<16xi32>
        %shift_left3A_1380 = arith.shli %xor3A_1376, %shift_left3A_1379 : vector<16xi32>
        %shift_right_logical3A_1381 = arith.constant 17 : i32
        %shift_right_logical3A_1382 = vector.broadcast %shift_right_logical3A_1381 : i32 to vector<16xi32>
        %shift_right_logical3A_1383 = arith.shrui %xor3A_1376, %shift_right_logical3A_1382 : vector<16xi32>
        %or3A_1384 = arith.ori %shift_left3A_1380, %shift_right_logical3A_1383 : vector<16xi32>
        %xor3A_1385 = arith.xori %or3A_1384, %add3A_1377 : vector<16xi32>
        %add3A_1386 = arith.addi %add3A_1377, %xor3A_1385 : vector<16xi32>
        %shift_left3A_1387 = arith.constant 26 : i32
        %shift_left3A_1388 = vector.broadcast %shift_left3A_1387 : i32 to vector<16xi32>
        %shift_left3A_1389 = arith.shli %xor3A_1385, %shift_left3A_1388 : vector<16xi32>
        %shift_right_logical3A_1390 = arith.constant 6 : i32
        %shift_right_logical3A_1391 = vector.broadcast %shift_right_logical3A_1390 : i32 to vector<16xi32>
        %shift_right_logical3A_1392 = arith.shrui %xor3A_1385, %shift_right_logical3A_1391 : vector<16xi32>
        %or3A_1393 = arith.ori %shift_left3A_1389, %shift_right_logical3A_1392 : vector<16xi32>
        %xor3A_1394 = arith.xori %or3A_1393, %add3A_1386 : vector<16xi32>
        %add3A_1395 = arith.addi %add3A_1386, %xor3A_1394 : vector<16xi32>
        %shift_left3A_1396 = arith.constant 6 : i32
        %shift_left3A_1397 = vector.broadcast %shift_left3A_1396 : i32 to vector<16xi32>
        %shift_left3A_1398 = arith.shli %xor3A_1394, %shift_left3A_1397 : vector<16xi32>
        %shift_right_logical3A_1399 = arith.constant 26 : i32
        %shift_right_logical3A_1400 = vector.broadcast %shift_right_logical3A_1399 : i32 to vector<16xi32>
        %shift_right_logical3A_1401 = arith.shrui %xor3A_1394, %shift_right_logical3A_1400 : vector<16xi32>
        %or3A_1402 = arith.ori %shift_left3A_1398, %shift_right_logical3A_1401 : vector<16xi32>
        %xor3A_1403 = arith.xori %or3A_1402, %add3A_1395 : vector<16xi32>
        %add3A_1404 = arith.addi %add3A_1395, %get3A_50 : vector<16xi32>
        %add3A_1405 = arith.addi %xor3A_1403, %get3A_56 : vector<16xi32>
        %add3A_1406 = arith.constant 3 : i32
        %add3A_1407 = vector.broadcast %add3A_1406 : i32 to vector<16xi32>
        %add3A_1408 = arith.addi %add3A_1405, %add3A_1407 : vector<16xi32>
        %add3A_1409 = arith.addi %add3A_1404, %add3A_1408 : vector<16xi32>
        %shift_left3A_1410 = arith.constant 17 : i32
        %shift_left3A_1411 = vector.broadcast %shift_left3A_1410 : i32 to vector<16xi32>
        %shift_left3A_1412 = arith.shli %add3A_1408, %shift_left3A_1411 : vector<16xi32>
        %shift_right_logical3A_1413 = arith.constant 15 : i32
        %shift_right_logical3A_1414 = vector.broadcast %shift_right_logical3A_1413 : i32 to vector<16xi32>
        %shift_right_logical3A_1415 = arith.shrui %add3A_1408, %shift_right_logical3A_1414 : vector<16xi32>
        %or3A_1416 = arith.ori %shift_left3A_1412, %shift_right_logical3A_1415 : vector<16xi32>
        %xor3A_1417 = arith.xori %or3A_1416, %add3A_1409 : vector<16xi32>
        %add3A_1418 = arith.addi %add3A_1409, %xor3A_1417 : vector<16xi32>
        %shift_left3A_1419 = arith.constant 29 : i32
        %shift_left3A_1420 = vector.broadcast %shift_left3A_1419 : i32 to vector<16xi32>
        %shift_left3A_1421 = arith.shli %xor3A_1417, %shift_left3A_1420 : vector<16xi32>
        %shift_right_logical3A_1422 = arith.constant 3 : i32
        %shift_right_logical3A_1423 = vector.broadcast %shift_right_logical3A_1422 : i32 to vector<16xi32>
        %shift_right_logical3A_1424 = arith.shrui %xor3A_1417, %shift_right_logical3A_1423 : vector<16xi32>
        %or3A_1425 = arith.ori %shift_left3A_1421, %shift_right_logical3A_1424 : vector<16xi32>
        %xor3A_1426 = arith.xori %or3A_1425, %add3A_1418 : vector<16xi32>
        %add3A_1427 = arith.addi %add3A_1418, %xor3A_1426 : vector<16xi32>
        %shift_left3A_1428 = arith.constant 16 : i32
        %shift_left3A_1429 = vector.broadcast %shift_left3A_1428 : i32 to vector<16xi32>
        %shift_left3A_1430 = arith.shli %xor3A_1426, %shift_left3A_1429 : vector<16xi32>
        %shift_right_logical3A_1431 = arith.constant 16 : i32
        %shift_right_logical3A_1432 = vector.broadcast %shift_right_logical3A_1431 : i32 to vector<16xi32>
        %shift_right_logical3A_1433 = arith.shrui %xor3A_1426, %shift_right_logical3A_1432 : vector<16xi32>
        %or3A_1434 = arith.ori %shift_left3A_1430, %shift_right_logical3A_1433 : vector<16xi32>
        %xor3A_1435 = arith.xori %or3A_1434, %add3A_1427 : vector<16xi32>
        %add3A_1436 = arith.addi %add3A_1427, %xor3A_1435 : vector<16xi32>
        %shift_left3A_1437 = arith.constant 24 : i32
        %shift_left3A_1438 = vector.broadcast %shift_left3A_1437 : i32 to vector<16xi32>
        %shift_left3A_1439 = arith.shli %xor3A_1435, %shift_left3A_1438 : vector<16xi32>
        %shift_right_logical3A_1440 = arith.constant 8 : i32
        %shift_right_logical3A_1441 = vector.broadcast %shift_right_logical3A_1440 : i32 to vector<16xi32>
        %shift_right_logical3A_1442 = arith.shrui %xor3A_1435, %shift_right_logical3A_1441 : vector<16xi32>
        %or3A_1443 = arith.ori %shift_left3A_1439, %shift_right_logical3A_1442 : vector<16xi32>
        %xor3A_1444 = arith.xori %or3A_1443, %add3A_1436 : vector<16xi32>
        %add3A_1445 = arith.addi %add3A_1436, %get3A_56 : vector<16xi32>
        %add3A_1446 = arith.addi %xor3A_1444, %xor3A_1282 : vector<16xi32>
        %add3A_1447 = arith.constant 4 : i32
        %add3A_1448 = vector.broadcast %add3A_1447 : i32 to vector<16xi32>
        %add3A_1449 = arith.addi %add3A_1446, %add3A_1448 : vector<16xi32>
        %add3A_1450 = arith.addi %add3A_1445, %add3A_1449 : vector<16xi32>
        %shift_left3A_1451 = arith.constant 13 : i32
        %shift_left3A_1452 = vector.broadcast %shift_left3A_1451 : i32 to vector<16xi32>
        %shift_left3A_1453 = arith.shli %add3A_1449, %shift_left3A_1452 : vector<16xi32>
        %shift_right_logical3A_1454 = arith.constant 19 : i32
        %shift_right_logical3A_1455 = vector.broadcast %shift_right_logical3A_1454 : i32 to vector<16xi32>
        %shift_right_logical3A_1456 = arith.shrui %add3A_1449, %shift_right_logical3A_1455 : vector<16xi32>
        %or3A_1457 = arith.ori %shift_left3A_1453, %shift_right_logical3A_1456 : vector<16xi32>
        %xor3A_1458 = arith.xori %or3A_1457, %add3A_1450 : vector<16xi32>
        %add3A_1459 = arith.addi %add3A_1450, %xor3A_1458 : vector<16xi32>
        %shift_left3A_1460 = arith.constant 15 : i32
        %shift_left3A_1461 = vector.broadcast %shift_left3A_1460 : i32 to vector<16xi32>
        %shift_left3A_1462 = arith.shli %xor3A_1458, %shift_left3A_1461 : vector<16xi32>
        %shift_right_logical3A_1463 = arith.constant 17 : i32
        %shift_right_logical3A_1464 = vector.broadcast %shift_right_logical3A_1463 : i32 to vector<16xi32>
        %shift_right_logical3A_1465 = arith.shrui %xor3A_1458, %shift_right_logical3A_1464 : vector<16xi32>
        %or3A_1466 = arith.ori %shift_left3A_1462, %shift_right_logical3A_1465 : vector<16xi32>
        %xor3A_1467 = arith.xori %or3A_1466, %add3A_1459 : vector<16xi32>
        %add3A_1468 = arith.addi %add3A_1459, %xor3A_1467 : vector<16xi32>
        %shift_left3A_1469 = arith.constant 26 : i32
        %shift_left3A_1470 = vector.broadcast %shift_left3A_1469 : i32 to vector<16xi32>
        %shift_left3A_1471 = arith.shli %xor3A_1467, %shift_left3A_1470 : vector<16xi32>
        %shift_right_logical3A_1472 = arith.constant 6 : i32
        %shift_right_logical3A_1473 = vector.broadcast %shift_right_logical3A_1472 : i32 to vector<16xi32>
        %shift_right_logical3A_1474 = arith.shrui %xor3A_1467, %shift_right_logical3A_1473 : vector<16xi32>
        %or3A_1475 = arith.ori %shift_left3A_1471, %shift_right_logical3A_1474 : vector<16xi32>
        %xor3A_1476 = arith.xori %or3A_1475, %add3A_1468 : vector<16xi32>
        %add3A_1477 = arith.addi %add3A_1468, %xor3A_1476 : vector<16xi32>
        %shift_left3A_1478 = arith.constant 6 : i32
        %shift_left3A_1479 = vector.broadcast %shift_left3A_1478 : i32 to vector<16xi32>
        %shift_left3A_1480 = arith.shli %xor3A_1476, %shift_left3A_1479 : vector<16xi32>
        %shift_right_logical3A_1481 = arith.constant 26 : i32
        %shift_right_logical3A_1482 = vector.broadcast %shift_right_logical3A_1481 : i32 to vector<16xi32>
        %shift_right_logical3A_1483 = arith.shrui %xor3A_1476, %shift_right_logical3A_1482 : vector<16xi32>
        %or3A_1484 = arith.ori %shift_left3A_1480, %shift_right_logical3A_1483 : vector<16xi32>
        %xor3A_1485 = arith.xori %or3A_1484, %add3A_1477 : vector<16xi32>
        %add3A_1486 = arith.addi %add3A_1477, %xor3A_1282 : vector<16xi32>
        %add3A_1487 = arith.addi %xor3A_1485, %get3A_50 : vector<16xi32>
        %add3A_1488 = arith.constant 5 : i32
        %add3A_1489 = vector.broadcast %add3A_1488 : i32 to vector<16xi32>
        %add3A_1490 = arith.addi %add3A_1487, %add3A_1489 : vector<16xi32>
        %xor3A_1491 = arith.xori %add3A_1486, %add3A_1490 : vector<16xi32>
        %mul3A_1492 = arith.constant 16 : i32
        %mul3A_1493 = arith.muli %scan3A_1272, %mul3A_1492 : i32
        %multiple_of3A_1494 = tpu.assume_multiple %mul3A_1493, 16 : i32
        %swap3A_1495 = arith.index_cast %multiple_of3A_1494 : i32 to index
        %swap3A_1496 = tpu.vector_load %arg5[%swap3A_1495] {strides = array<i32>} : memref<8192xi32, #tpu.memory_space<vmem>>, vector<16xi32>,
        %swap3A_1497 = vector.shape_cast %swap3A_1496 : vector<16xi32> to vector<16xi32>
        %swap3A_1498 = vector.shape_cast %xor3A_1491 : vector<16xi32> to vector<16xi32>
        tpu.vector_store %arg5[%swap3A_1495], %swap3A_1498 {strides = array<i32>} : memref<8192xi32, #tpu.memory_space<vmem>>, vector<16xi32>,
        %scan3A_1499 = arith.constant 6 : i32
        %scan3A_1500 = arith.addi %scan3A_139, %scan3A_1499 : i32
        %mul3A_1501 = arith.constant 16 : i32
        %mul3A_1502 = arith.muli %scan3A_1500, %mul3A_1501 : i32
        %add3A_1503 = arith.addi %add3A_60, %mul3A_1502 : i32
        %add3A_1504 = vector.broadcast %add3A_1503 : i32 to vector<16xi32>
        %add3A_1505 = arith.addi %iota3A, %add3A_1504 : vector<16xi32>
        %add3A_1506 = arith.addi %add3A_1505, %get3A_56 : vector<16xi32>
        %xor3A_1507 = arith.xori %get3A_50, %get3A_56 : vector<16xi32>
        %xor3A_1508 = arith.constant 466688986 : i32
        %xor3A_1509 = vector.broadcast %xor3A_1508 : i32 to vector<16xi32>
        %xor3A_1510 = arith.xori %xor3A_1507, %xor3A_1509 : vector<16xi32>
        %broadcast_in_dim3A_1511 = arith.constant 0 : i32
        %broadcast_in_dim3A_1512 = vector.broadcast %broadcast_in_dim3A_1511 : i32 to vector<16xi32>
        %add3A_1513 = arith.addi %broadcast_in_dim3A_1512, %get3A_50 : vector<16xi32>
        %add3A_1514 = arith.addi %add3A_1513, %add3A_1506 : vector<16xi32>
        %shift_left3A_1515 = arith.constant 13 : i32
        %shift_left3A_1516 = vector.broadcast %shift_left3A_1515 : i32 to vector<16xi32>
        %shift_left3A_1517 = arith.shli %add3A_1506, %shift_left3A_1516 : vector<16xi32>
        %shift_right_logical3A_1518 = arith.constant 19 : i32
        %shift_right_logical3A_1519 = vector.broadcast %shift_right_logical3A_1518 : i32 to vector<16xi32>
        %shift_right_logical3A_1520 = arith.shrui %add3A_1506, %shift_right_logical3A_1519 : vector<16xi32>
        %or3A_1521 = arith.ori %shift_left3A_1517, %shift_right_logical3A_1520 : vector<16xi32>
        %xor3A_1522 = arith.xori %or3A_1521, %add3A_1514 : vector<16xi32>
        %add3A_1523 = arith.addi %add3A_1514, %xor3A_1522 : vector<16xi32>
        %shift_left3A_1524 = arith.constant 15 : i32
        %shift_left3A_1525 = vector.broadcast %shift_left3A_1524 : i32 to vector<16xi32>
        %shift_left3A_1526 = arith.shli %xor3A_1522, %shift_left3A_1525 : vector<16xi32>
        %shift_right_logical3A_1527 = arith.constant 17 : i32
        %shift_right_logical3A_1528 = vector.broadcast %shift_right_logical3A_1527 : i32 to vector<16xi32>
        %shift_right_logical3A_1529 = arith.shrui %xor3A_1522, %shift_right_logical3A_1528 : vector<16xi32>
        %or3A_1530 = arith.ori %shift_left3A_1526, %shift_right_logical3A_1529 : vector<16xi32>
        %xor3A_1531 = arith.xori %or3A_1530, %add3A_1523 : vector<16xi32>
        %add3A_1532 = arith.addi %add3A_1523, %xor3A_1531 : vector<16xi32>
        %shift_left3A_1533 = arith.constant 26 : i32
        %shift_left3A_1534 = vector.broadcast %shift_left3A_1533 : i32 to vector<16xi32>
        %shift_left3A_1535 = arith.shli %xor3A_1531, %shift_left3A_1534 : vector<16xi32>
        %shift_right_logical3A_1536 = arith.constant 6 : i32
        %shift_right_logical3A_1537 = vector.broadcast %shift_right_logical3A_1536 : i32 to vector<16xi32>
        %shift_right_logical3A_1538 = arith.shrui %xor3A_1531, %shift_right_logical3A_1537 : vector<16xi32>
        %or3A_1539 = arith.ori %shift_left3A_1535, %shift_right_logical3A_1538 : vector<16xi32>
        %xor3A_1540 = arith.xori %or3A_1539, %add3A_1532 : vector<16xi32>
        %add3A_1541 = arith.addi %add3A_1532, %xor3A_1540 : vector<16xi32>
        %shift_left3A_1542 = arith.constant 6 : i32
        %shift_left3A_1543 = vector.broadcast %shift_left3A_1542 : i32 to vector<16xi32>
        %shift_left3A_1544 = arith.shli %xor3A_1540, %shift_left3A_1543 : vector<16xi32>
        %shift_right_logical3A_1545 = arith.constant 26 : i32
        %shift_right_logical3A_1546 = vector.broadcast %shift_right_logical3A_1545 : i32 to vector<16xi32>
        %shift_right_logical3A_1547 = arith.shrui %xor3A_1540, %shift_right_logical3A_1546 : vector<16xi32>
        %or3A_1548 = arith.ori %shift_left3A_1544, %shift_right_logical3A_1547 : vector<16xi32>
        %xor3A_1549 = arith.xori %or3A_1548, %add3A_1541 : vector<16xi32>
        %add3A_1550 = arith.addi %add3A_1541, %get3A_56 : vector<16xi32>
        %add3A_1551 = arith.addi %xor3A_1549, %xor3A_1510 : vector<16xi32>
        %add3A_1552 = arith.constant 1 : i32
        %add3A_1553 = vector.broadcast %add3A_1552 : i32 to vector<16xi32>
        %add3A_1554 = arith.addi %add3A_1551, %add3A_1553 : vector<16xi32>
        %add3A_1555 = arith.addi %add3A_1550, %add3A_1554 : vector<16xi32>
        %shift_left3A_1556 = arith.constant 17 : i32
        %shift_left3A_1557 = vector.broadcast %shift_left3A_1556 : i32 to vector<16xi32>
        %shift_left3A_1558 = arith.shli %add3A_1554, %shift_left3A_1557 : vector<16xi32>
        %shift_right_logical3A_1559 = arith.constant 15 : i32
        %shift_right_logical3A_1560 = vector.broadcast %shift_right_logical3A_1559 : i32 to vector<16xi32>
        %shift_right_logical3A_1561 = arith.shrui %add3A_1554, %shift_right_logical3A_1560 : vector<16xi32>
        %or3A_1562 = arith.ori %shift_left3A_1558, %shift_right_logical3A_1561 : vector<16xi32>
        %xor3A_1563 = arith.xori %or3A_1562, %add3A_1555 : vector<16xi32>
        %add3A_1564 = arith.addi %add3A_1555, %xor3A_1563 : vector<16xi32>
        %shift_left3A_1565 = arith.constant 29 : i32
        %shift_left3A_1566 = vector.broadcast %shift_left3A_1565 : i32 to vector<16xi32>
        %shift_left3A_1567 = arith.shli %xor3A_1563, %shift_left3A_1566 : vector<16xi32>
        %shift_right_logical3A_1568 = arith.constant 3 : i32
        %shift_right_logical3A_1569 = vector.broadcast %shift_right_logical3A_1568 : i32 to vector<16xi32>
        %shift_right_logical3A_1570 = arith.shrui %xor3A_1563, %shift_right_logical3A_1569 : vector<16xi32>
        %or3A_1571 = arith.ori %shift_left3A_1567, %shift_right_logical3A_1570 : vector<16xi32>
        %xor3A_1572 = arith.xori %or3A_1571, %add3A_1564 : vector<16xi32>
        %add3A_1573 = arith.addi %add3A_1564, %xor3A_1572 : vector<16xi32>
        %shift_left3A_1574 = arith.constant 16 : i32
        %shift_left3A_1575 = vector.broadcast %shift_left3A_1574 : i32 to vector<16xi32>
        %shift_left3A_1576 = arith.shli %xor3A_1572, %shift_left3A_1575 : vector<16xi32>
        %shift_right_logical3A_1577 = arith.constant 16 : i32
        %shift_right_logical3A_1578 = vector.broadcast %shift_right_logical3A_1577 : i32 to vector<16xi32>
        %shift_right_logical3A_1579 = arith.shrui %xor3A_1572, %shift_right_logical3A_1578 : vector<16xi32>
        %or3A_1580 = arith.ori %shift_left3A_1576, %shift_right_logical3A_1579 : vector<16xi32>
        %xor3A_1581 = arith.xori %or3A_1580, %add3A_1573 : vector<16xi32>
        %add3A_1582 = arith.addi %add3A_1573, %xor3A_1581 : vector<16xi32>
        %shift_left3A_1583 = arith.constant 24 : i32
        %shift_left3A_1584 = vector.broadcast %shift_left3A_1583 : i32 to vector<16xi32>
        %shift_left3A_1585 = arith.shli %xor3A_1581, %shift_left3A_1584 : vector<16xi32>
        %shift_right_logical3A_1586 = arith.constant 8 : i32
        %shift_right_logical3A_1587 = vector.broadcast %shift_right_logical3A_1586 : i32 to vector<16xi32>
        %shift_right_logical3A_1588 = arith.shrui %xor3A_1581, %shift_right_logical3A_1587 : vector<16xi32>
        %or3A_1589 = arith.ori %shift_left3A_1585, %shift_right_logical3A_1588 : vector<16xi32>
        %xor3A_1590 = arith.xori %or3A_1589, %add3A_1582 : vector<16xi32>
        %add3A_1591 = arith.addi %add3A_1582, %xor3A_1510 : vector<16xi32>
        %add3A_1592 = arith.addi %xor3A_1590, %get3A_50 : vector<16xi32>
        %add3A_1593 = arith.constant 2 : i32
        %add3A_1594 = vector.broadcast %add3A_1593 : i32 to vector<16xi32>
        %add3A_1595 = arith.addi %add3A_1592, %add3A_1594 : vector<16xi32>
        %add3A_1596 = arith.addi %add3A_1591, %add3A_1595 : vector<16xi32>
        %shift_left3A_1597 = arith.constant 13 : i32
        %shift_left3A_1598 = vector.broadcast %shift_left3A_1597 : i32 to vector<16xi32>
        %shift_left3A_1599 = arith.shli %add3A_1595, %shift_left3A_1598 : vector<16xi32>
        %shift_right_logical3A_1600 = arith.constant 19 : i32
        %shift_right_logical3A_1601 = vector.broadcast %shift_right_logical3A_1600 : i32 to vector<16xi32>
        %shift_right_logical3A_1602 = arith.shrui %add3A_1595, %shift_right_logical3A_1601 : vector<16xi32>
        %or3A_1603 = arith.ori %shift_left3A_1599, %shift_right_logical3A_1602 : vector<16xi32>
        %xor3A_1604 = arith.xori %or3A_1603, %add3A_1596 : vector<16xi32>
        %add3A_1605 = arith.addi %add3A_1596, %xor3A_1604 : vector<16xi32>
        %shift_left3A_1606 = arith.constant 15 : i32
        %shift_left3A_1607 = vector.broadcast %shift_left3A_1606 : i32 to vector<16xi32>
        %shift_left3A_1608 = arith.shli %xor3A_1604, %shift_left3A_1607 : vector<16xi32>
        %shift_right_logical3A_1609 = arith.constant 17 : i32
        %shift_right_logical3A_1610 = vector.broadcast %shift_right_logical3A_1609 : i32 to vector<16xi32>
        %shift_right_logical3A_1611 = arith.shrui %xor3A_1604, %shift_right_logical3A_1610 : vector<16xi32>
        %or3A_1612 = arith.ori %shift_left3A_1608, %shift_right_logical3A_1611 : vector<16xi32>
        %xor3A_1613 = arith.xori %or3A_1612, %add3A_1605 : vector<16xi32>
        %add3A_1614 = arith.addi %add3A_1605, %xor3A_1613 : vector<16xi32>
        %shift_left3A_1615 = arith.constant 26 : i32
        %shift_left3A_1616 = vector.broadcast %shift_left3A_1615 : i32 to vector<16xi32>
        %shift_left3A_1617 = arith.shli %xor3A_1613, %shift_left3A_1616 : vector<16xi32>
        %shift_right_logical3A_1618 = arith.constant 6 : i32
        %shift_right_logical3A_1619 = vector.broadcast %shift_right_logical3A_1618 : i32 to vector<16xi32>
        %shift_right_logical3A_1620 = arith.shrui %xor3A_1613, %shift_right_logical3A_1619 : vector<16xi32>
        %or3A_1621 = arith.ori %shift_left3A_1617, %shift_right_logical3A_1620 : vector<16xi32>
        %xor3A_1622 = arith.xori %or3A_1621, %add3A_1614 : vector<16xi32>
        %add3A_1623 = arith.addi %add3A_1614, %xor3A_1622 : vector<16xi32>
        %shift_left3A_1624 = arith.constant 6 : i32
        %shift_left3A_1625 = vector.broadcast %shift_left3A_1624 : i32 to vector<16xi32>
        %shift_left3A_1626 = arith.shli %xor3A_1622, %shift_left3A_1625 : vector<16xi32>
        %shift_right_logical3A_1627 = arith.constant 26 : i32
        %shift_right_logical3A_1628 = vector.broadcast %shift_right_logical3A_1627 : i32 to vector<16xi32>
        %shift_right_logical3A_1629 = arith.shrui %xor3A_1622, %shift_right_logical3A_1628 : vector<16xi32>
        %or3A_1630 = arith.ori %shift_left3A_1626, %shift_right_logical3A_1629 : vector<16xi32>
        %xor3A_1631 = arith.xori %or3A_1630, %add3A_1623 : vector<16xi32>
        %add3A_1632 = arith.addi %add3A_1623, %get3A_50 : vector<16xi32>
        %add3A_1633 = arith.addi %xor3A_1631, %get3A_56 : vector<16xi32>
        %add3A_1634 = arith.constant 3 : i32
        %add3A_1635 = vector.broadcast %add3A_1634 : i32 to vector<16xi32>
        %add3A_1636 = arith.addi %add3A_1633, %add3A_1635 : vector<16xi32>
        %add3A_1637 = arith.addi %add3A_1632, %add3A_1636 : vector<16xi32>
        %shift_left3A_1638 = arith.constant 17 : i32
        %shift_left3A_1639 = vector.broadcast %shift_left3A_1638 : i32 to vector<16xi32>
        %shift_left3A_1640 = arith.shli %add3A_1636, %shift_left3A_1639 : vector<16xi32>
        %shift_right_logical3A_1641 = arith.constant 15 : i32
        %shift_right_logical3A_1642 = vector.broadcast %shift_right_logical3A_1641 : i32 to vector<16xi32>
        %shift_right_logical3A_1643 = arith.shrui %add3A_1636, %shift_right_logical3A_1642 : vector<16xi32>
        %or3A_1644 = arith.ori %shift_left3A_1640, %shift_right_logical3A_1643 : vector<16xi32>
        %xor3A_1645 = arith.xori %or3A_1644, %add3A_1637 : vector<16xi32>
        %add3A_1646 = arith.addi %add3A_1637, %xor3A_1645 : vector<16xi32>
        %shift_left3A_1647 = arith.constant 29 : i32
        %shift_left3A_1648 = vector.broadcast %shift_left3A_1647 : i32 to vector<16xi32>
        %shift_left3A_1649 = arith.shli %xor3A_1645, %shift_left3A_1648 : vector<16xi32>
        %shift_right_logical3A_1650 = arith.constant 3 : i32
        %shift_right_logical3A_1651 = vector.broadcast %shift_right_logical3A_1650 : i32 to vector<16xi32>
        %shift_right_logical3A_1652 = arith.shrui %xor3A_1645, %shift_right_logical3A_1651 : vector<16xi32>
        %or3A_1653 = arith.ori %shift_left3A_1649, %shift_right_logical3A_1652 : vector<16xi32>
        %xor3A_1654 = arith.xori %or3A_1653, %add3A_1646 : vector<16xi32>
        %add3A_1655 = arith.addi %add3A_1646, %xor3A_1654 : vector<16xi32>
        %shift_left3A_1656 = arith.constant 16 : i32
        %shift_left3A_1657 = vector.broadcast %shift_left3A_1656 : i32 to vector<16xi32>
        %shift_left3A_1658 = arith.shli %xor3A_1654, %shift_left3A_1657 : vector<16xi32>
        %shift_right_logical3A_1659 = arith.constant 16 : i32
        %shift_right_logical3A_1660 = vector.broadcast %shift_right_logical3A_1659 : i32 to vector<16xi32>
        %shift_right_logical3A_1661 = arith.shrui %xor3A_1654, %shift_right_logical3A_1660 : vector<16xi32>
        %or3A_1662 = arith.ori %shift_left3A_1658, %shift_right_logical3A_1661 : vector<16xi32>
        %xor3A_1663 = arith.xori %or3A_1662, %add3A_1655 : vector<16xi32>
        %add3A_1664 = arith.addi %add3A_1655, %xor3A_1663 : vector<16xi32>
        %shift_left3A_1665 = arith.constant 24 : i32
        %shift_left3A_1666 = vector.broadcast %shift_left3A_1665 : i32 to vector<16xi32>
        %shift_left3A_1667 = arith.shli %xor3A_1663, %shift_left3A_1666 : vector<16xi32>
        %shift_right_logical3A_1668 = arith.constant 8 : i32
        %shift_right_logical3A_1669 = vector.broadcast %shift_right_logical3A_1668 : i32 to vector<16xi32>
        %shift_right_logical3A_1670 = arith.shrui %xor3A_1663, %shift_right_logical3A_1669 : vector<16xi32>
        %or3A_1671 = arith.ori %shift_left3A_1667, %shift_right_logical3A_1670 : vector<16xi32>
        %xor3A_1672 = arith.xori %or3A_1671, %add3A_1664 : vector<16xi32>
        %add3A_1673 = arith.addi %add3A_1664, %get3A_56 : vector<16xi32>
        %add3A_1674 = arith.addi %xor3A_1672, %xor3A_1510 : vector<16xi32>
        %add3A_1675 = arith.constant 4 : i32
        %add3A_1676 = vector.broadcast %add3A_1675 : i32 to vector<16xi32>
        %add3A_1677 = arith.addi %add3A_1674, %add3A_1676 : vector<16xi32>
        %add3A_1678 = arith.addi %add3A_1673, %add3A_1677 : vector<16xi32>
        %shift_left3A_1679 = arith.constant 13 : i32
        %shift_left3A_1680 = vector.broadcast %shift_left3A_1679 : i32 to vector<16xi32>
        %shift_left3A_1681 = arith.shli %add3A_1677, %shift_left3A_1680 : vector<16xi32>
        %shift_right_logical3A_1682 = arith.constant 19 : i32
        %shift_right_logical3A_1683 = vector.broadcast %shift_right_logical3A_1682 : i32 to vector<16xi32>
        %shift_right_logical3A_1684 = arith.shrui %add3A_1677, %shift_right_logical3A_1683 : vector<16xi32>
        %or3A_1685 = arith.ori %shift_left3A_1681, %shift_right_logical3A_1684 : vector<16xi32>
        %xor3A_1686 = arith.xori %or3A_1685, %add3A_1678 : vector<16xi32>
        %add3A_1687 = arith.addi %add3A_1678, %xor3A_1686 : vector<16xi32>
        %shift_left3A_1688 = arith.constant 15 : i32
        %shift_left3A_1689 = vector.broadcast %shift_left3A_1688 : i32 to vector<16xi32>
        %shift_left3A_1690 = arith.shli %xor3A_1686, %shift_left3A_1689 : vector<16xi32>
        %shift_right_logical3A_1691 = arith.constant 17 : i32
        %shift_right_logical3A_1692 = vector.broadcast %shift_right_logical3A_1691 : i32 to vector<16xi32>
        %shift_right_logical3A_1693 = arith.shrui %xor3A_1686, %shift_right_logical3A_1692 : vector<16xi32>
        %or3A_1694 = arith.ori %shift_left3A_1690, %shift_right_logical3A_1693 : vector<16xi32>
        %xor3A_1695 = arith.xori %or3A_1694, %add3A_1687 : vector<16xi32>
        %add3A_1696 = arith.addi %add3A_1687, %xor3A_1695 : vector<16xi32>
        %shift_left3A_1697 = arith.constant 26 : i32
        %shift_left3A_1698 = vector.broadcast %shift_left3A_1697 : i32 to vector<16xi32>
        %shift_left3A_1699 = arith.shli %xor3A_1695, %shift_left3A_1698 : vector<16xi32>
        %shift_right_logical3A_1700 = arith.constant 6 : i32
        %shift_right_logical3A_1701 = vector.broadcast %shift_right_logical3A_1700 : i32 to vector<16xi32>
        %shift_right_logical3A_1702 = arith.shrui %xor3A_1695, %shift_right_logical3A_1701 : vector<16xi32>
        %or3A_1703 = arith.ori %shift_left3A_1699, %shift_right_logical3A_1702 : vector<16xi32>
        %xor3A_1704 = arith.xori %or3A_1703, %add3A_1696 : vector<16xi32>
        %add3A_1705 = arith.addi %add3A_1696, %xor3A_1704 : vector<16xi32>
        %shift_left3A_1706 = arith.constant 6 : i32
        %shift_left3A_1707 = vector.broadcast %shift_left3A_1706 : i32 to vector<16xi32>
        %shift_left3A_1708 = arith.shli %xor3A_1704, %shift_left3A_1707 : vector<16xi32>
        %shift_right_logical3A_1709 = arith.constant 26 : i32
        %shift_right_logical3A_1710 = vector.broadcast %shift_right_logical3A_1709 : i32 to vector<16xi32>
        %shift_right_logical3A_1711 = arith.shrui %xor3A_1704, %shift_right_logical3A_1710 : vector<16xi32>
        %or3A_1712 = arith.ori %shift_left3A_1708, %shift_right_logical3A_1711 : vector<16xi32>
        %xor3A_1713 = arith.xori %or3A_1712, %add3A_1705 : vector<16xi32>
        %add3A_1714 = arith.addi %add3A_1705, %xor3A_1510 : vector<16xi32>
        %add3A_1715 = arith.addi %xor3A_1713, %get3A_50 : vector<16xi32>
        %add3A_1716 = arith.constant 5 : i32
        %add3A_1717 = vector.broadcast %add3A_1716 : i32 to vector<16xi32>
        %add3A_1718 = arith.addi %add3A_1715, %add3A_1717 : vector<16xi32>
        %xor3A_1719 = arith.xori %add3A_1714, %add3A_1718 : vector<16xi32>
        %mul3A_1720 = arith.constant 16 : i32
        %mul3A_1721 = arith.muli %scan3A_1500, %mul3A_1720 : i32
        %multiple_of3A_1722 = tpu.assume_multiple %mul3A_1721, 16 : i32
        %swap3A_1723 = arith.index_cast %multiple_of3A_1722 : i32 to index
        %swap3A_1724 = tpu.vector_load %arg5[%swap3A_1723] {strides = array<i32>} : memref<8192xi32, #tpu.memory_space<vmem>>, vector<16xi32>,
        %swap3A_1725 = vector.shape_cast %swap3A_1724 : vector<16xi32> to vector<16xi32>
        %swap3A_1726 = vector.shape_cast %xor3A_1719 : vector<16xi32> to vector<16xi32>
        tpu.vector_store %arg5[%swap3A_1723], %swap3A_1726 {strides = array<i32>} : memref<8192xi32, #tpu.memory_space<vmem>>, vector<16xi32>,
        %scan3A_1727 = arith.constant 7 : i32
        %scan3A_1728 = arith.addi %scan3A_139, %scan3A_1727 : i32
        %mul3A_1729 = arith.constant 16 : i32
        %mul3A_1730 = arith.muli %scan3A_1728, %mul3A_1729 : i32
        %add3A_1731 = arith.addi %add3A_60, %mul3A_1730 : i32
        %add3A_1732 = vector.broadcast %add3A_1731 : i32 to vector<16xi32>
        %add3A_1733 = arith.addi %iota3A, %add3A_1732 : vector<16xi32>
        %add3A_1734 = arith.addi %add3A_1733, %get3A_56 : vector<16xi32>
        %xor3A_1735 = arith.xori %get3A_50, %get3A_56 : vector<16xi32>
        %xor3A_1736 = arith.constant 466688986 : i32
        %xor3A_1737 = vector.broadcast %xor3A_1736 : i32 to vector<16xi32>
        %xor3A_1738 = arith.xori %xor3A_1735, %xor3A_1737 : vector<16xi32>
        %broadcast_in_dim3A_1739 = arith.constant 0 : i32
        %broadcast_in_dim3A_1740 = vector.broadcast %broadcast_in_dim3A_1739 : i32 to vector<16xi32>
        %add3A_1741 = arith.addi %broadcast_in_dim3A_1740, %get3A_50 : vector<16xi32>
        %add3A_1742 = arith.addi %add3A_1741, %add3A_1734 : vector<16xi32>
        %shift_left3A_1743 = arith.constant 13 : i32
        %shift_left3A_1744 = vector.broadcast %shift_left3A_1743 : i32 to vector<16xi32>
        %shift_left3A_1745 = arith.shli %add3A_1734, %shift_left3A_1744 : vector<16xi32>
        %shift_right_logical3A_1746 = arith.constant 19 : i32
        %shift_right_logical3A_1747 = vector.broadcast %shift_right_logical3A_1746 : i32 to vector<16xi32>
        %shift_right_logical3A_1748 = arith.shrui %add3A_1734, %shift_right_logical3A_1747 : vector<16xi32>
        %or3A_1749 = arith.ori %shift_left3A_1745, %shift_right_logical3A_1748 : vector<16xi32>
        %xor3A_1750 = arith.xori %or3A_1749, %add3A_1742 : vector<16xi32>
        %add3A_1751 = arith.addi %add3A_1742, %xor3A_1750 : vector<16xi32>
        %shift_left3A_1752 = arith.constant 15 : i32
        %shift_left3A_1753 = vector.broadcast %shift_left3A_1752 : i32 to vector<16xi32>
        %shift_left3A_1754 = arith.shli %xor3A_1750, %shift_left3A_1753 : vector<16xi32>
        %shift_right_logical3A_1755 = arith.constant 17 : i32
        %shift_right_logical3A_1756 = vector.broadcast %shift_right_logical3A_1755 : i32 to vector<16xi32>
        %shift_right_logical3A_1757 = arith.shrui %xor3A_1750, %shift_right_logical3A_1756 : vector<16xi32>
        %or3A_1758 = arith.ori %shift_left3A_1754, %shift_right_logical3A_1757 : vector<16xi32>
        %xor3A_1759 = arith.xori %or3A_1758, %add3A_1751 : vector<16xi32>
        %add3A_1760 = arith.addi %add3A_1751, %xor3A_1759 : vector<16xi32>
        %shift_left3A_1761 = arith.constant 26 : i32
        %shift_left3A_1762 = vector.broadcast %shift_left3A_1761 : i32 to vector<16xi32>
        %shift_left3A_1763 = arith.shli %xor3A_1759, %shift_left3A_1762 : vector<16xi32>
        %shift_right_logical3A_1764 = arith.constant 6 : i32
        %shift_right_logical3A_1765 = vector.broadcast %shift_right_logical3A_1764 : i32 to vector<16xi32>
        %shift_right_logical3A_1766 = arith.shrui %xor3A_1759, %shift_right_logical3A_1765 : vector<16xi32>
        %or3A_1767 = arith.ori %shift_left3A_1763, %shift_right_logical3A_1766 : vector<16xi32>
        %xor3A_1768 = arith.xori %or3A_1767, %add3A_1760 : vector<16xi32>
        %add3A_1769 = arith.addi %add3A_1760, %xor3A_1768 : vector<16xi32>
        %shift_left3A_1770 = arith.constant 6 : i32
        %shift_left3A_1771 = vector.broadcast %shift_left3A_1770 : i32 to vector<16xi32>
        %shift_left3A_1772 = arith.shli %xor3A_1768, %shift_left3A_1771 : vector<16xi32>
        %shift_right_logical3A_1773 = arith.constant 26 : i32
        %shift_right_logical3A_1774 = vector.broadcast %shift_right_logical3A_1773 : i32 to vector<16xi32>
        %shift_right_logical3A_1775 = arith.shrui %xor3A_1768, %shift_right_logical3A_1774 : vector<16xi32>
        %or3A_1776 = arith.ori %shift_left3A_1772, %shift_right_logical3A_1775 : vector<16xi32>
        %xor3A_1777 = arith.xori %or3A_1776, %add3A_1769 : vector<16xi32>
        %add3A_1778 = arith.addi %add3A_1769, %get3A_56 : vector<16xi32>
        %add3A_1779 = arith.addi %xor3A_1777, %xor3A_1738 : vector<16xi32>
        %add3A_1780 = arith.constant 1 : i32
        %add3A_1781 = vector.broadcast %add3A_1780 : i32 to vector<16xi32>
        %add3A_1782 = arith.addi %add3A_1779, %add3A_1781 : vector<16xi32>
        %add3A_1783 = arith.addi %add3A_1778, %add3A_1782 : vector<16xi32>
        %shift_left3A_1784 = arith.constant 17 : i32
        %shift_left3A_1785 = vector.broadcast %shift_left3A_1784 : i32 to vector<16xi32>
        %shift_left3A_1786 = arith.shli %add3A_1782, %shift_left3A_1785 : vector<16xi32>
        %shift_right_logical3A_1787 = arith.constant 15 : i32
        %shift_right_logical3A_1788 = vector.broadcast %shift_right_logical3A_1787 : i32 to vector<16xi32>
        %shift_right_logical3A_1789 = arith.shrui %add3A_1782, %shift_right_logical3A_1788 : vector<16xi32>
        %or3A_1790 = arith.ori %shift_left3A_1786, %shift_right_logical3A_1789 : vector<16xi32>
        %xor3A_1791 = arith.xori %or3A_1790, %add3A_1783 : vector<16xi32>
        %add3A_1792 = arith.addi %add3A_1783, %xor3A_1791 : vector<16xi32>
        %shift_left3A_1793 = arith.constant 29 : i32
        %shift_left3A_1794 = vector.broadcast %shift_left3A_1793 : i32 to vector<16xi32>
        %shift_left3A_1795 = arith.shli %xor3A_1791, %shift_left3A_1794 : vector<16xi32>
        %shift_right_logical3A_1796 = arith.constant 3 : i32
        %shift_right_logical3A_1797 = vector.broadcast %shift_right_logical3A_1796 : i32 to vector<16xi32>
        %shift_right_logical3A_1798 = arith.shrui %xor3A_1791, %shift_right_logical3A_1797 : vector<16xi32>
        %or3A_1799 = arith.ori %shift_left3A_1795, %shift_right_logical3A_1798 : vector<16xi32>
        %xor3A_1800 = arith.xori %or3A_1799, %add3A_1792 : vector<16xi32>
        %add3A_1801 = arith.addi %add3A_1792, %xor3A_1800 : vector<16xi32>
        %shift_left3A_1802 = arith.constant 16 : i32
        %shift_left3A_1803 = vector.broadcast %shift_left3A_1802 : i32 to vector<16xi32>
        %shift_left3A_1804 = arith.shli %xor3A_1800, %shift_left3A_1803 : vector<16xi32>
        %shift_right_logical3A_1805 = arith.constant 16 : i32
        %shift_right_logical3A_1806 = vector.broadcast %shift_right_logical3A_1805 : i32 to vector<16xi32>
        %shift_right_logical3A_1807 = arith.shrui %xor3A_1800, %shift_right_logical3A_1806 : vector<16xi32>
        %or3A_1808 = arith.ori %shift_left3A_1804, %shift_right_logical3A_1807 : vector<16xi32>
        %xor3A_1809 = arith.xori %or3A_1808, %add3A_1801 : vector<16xi32>
        %add3A_1810 = arith.addi %add3A_1801, %xor3A_1809 : vector<16xi32>
        %shift_left3A_1811 = arith.constant 24 : i32
        %shift_left3A_1812 = vector.broadcast %shift_left3A_1811 : i32 to vector<16xi32>
        %shift_left3A_1813 = arith.shli %xor3A_1809, %shift_left3A_1812 : vector<16xi32>
        %shift_right_logical3A_1814 = arith.constant 8 : i32
        %shift_right_logical3A_1815 = vector.broadcast %shift_right_logical3A_1814 : i32 to vector<16xi32>
        %shift_right_logical3A_1816 = arith.shrui %xor3A_1809, %shift_right_logical3A_1815 : vector<16xi32>
        %or3A_1817 = arith.ori %shift_left3A_1813, %shift_right_logical3A_1816 : vector<16xi32>
        %xor3A_1818 = arith.xori %or3A_1817, %add3A_1810 : vector<16xi32>
        %add3A_1819 = arith.addi %add3A_1810, %xor3A_1738 : vector<16xi32>
        %add3A_1820 = arith.addi %xor3A_1818, %get3A_50 : vector<16xi32>
        %add3A_1821 = arith.constant 2 : i32
        %add3A_1822 = vector.broadcast %add3A_1821 : i32 to vector<16xi32>
        %add3A_1823 = arith.addi %add3A_1820, %add3A_1822 : vector<16xi32>
        %add3A_1824 = arith.addi %add3A_1819, %add3A_1823 : vector<16xi32>
        %shift_left3A_1825 = arith.constant 13 : i32
        %shift_left3A_1826 = vector.broadcast %shift_left3A_1825 : i32 to vector<16xi32>
        %shift_left3A_1827 = arith.shli %add3A_1823, %shift_left3A_1826 : vector<16xi32>
        %shift_right_logical3A_1828 = arith.constant 19 : i32
        %shift_right_logical3A_1829 = vector.broadcast %shift_right_logical3A_1828 : i32 to vector<16xi32>
        %shift_right_logical3A_1830 = arith.shrui %add3A_1823, %shift_right_logical3A_1829 : vector<16xi32>
        %or3A_1831 = arith.ori %shift_left3A_1827, %shift_right_logical3A_1830 : vector<16xi32>
        %xor3A_1832 = arith.xori %or3A_1831, %add3A_1824 : vector<16xi32>
        %add3A_1833 = arith.addi %add3A_1824, %xor3A_1832 : vector<16xi32>
        %shift_left3A_1834 = arith.constant 15 : i32
        %shift_left3A_1835 = vector.broadcast %shift_left3A_1834 : i32 to vector<16xi32>
        %shift_left3A_1836 = arith.shli %xor3A_1832, %shift_left3A_1835 : vector<16xi32>
        %shift_right_logical3A_1837 = arith.constant 17 : i32
        %shift_right_logical3A_1838 = vector.broadcast %shift_right_logical3A_1837 : i32 to vector<16xi32>
        %shift_right_logical3A_1839 = arith.shrui %xor3A_1832, %shift_right_logical3A_1838 : vector<16xi32>
        %or3A_1840 = arith.ori %shift_left3A_1836, %shift_right_logical3A_1839 : vector<16xi32>
        %xor3A_1841 = arith.xori %or3A_1840, %add3A_1833 : vector<16xi32>
        %add3A_1842 = arith.addi %add3A_1833, %xor3A_1841 : vector<16xi32>
        %shift_left3A_1843 = arith.constant 26 : i32
        %shift_left3A_1844 = vector.broadcast %shift_left3A_1843 : i32 to vector<16xi32>
        %shift_left3A_1845 = arith.shli %xor3A_1841, %shift_left3A_1844 : vector<16xi32>
        %shift_right_logical3A_1846 = arith.constant 6 : i32
        %shift_right_logical3A_1847 = vector.broadcast %shift_right_logical3A_1846 : i32 to vector<16xi32>
        %shift_right_logical3A_1848 = arith.shrui %xor3A_1841, %shift_right_logical3A_1847 : vector<16xi32>
        %or3A_1849 = arith.ori %shift_left3A_1845, %shift_right_logical3A_1848 : vector<16xi32>
        %xor3A_1850 = arith.xori %or3A_1849, %add3A_1842 : vector<16xi32>
        %add3A_1851 = arith.addi %add3A_1842, %xor3A_1850 : vector<16xi32>
        %shift_left3A_1852 = arith.constant 6 : i32
        %shift_left3A_1853 = vector.broadcast %shift_left3A_1852 : i32 to vector<16xi32>
        %shift_left3A_1854 = arith.shli %xor3A_1850, %shift_left3A_1853 : vector<16xi32>
        %shift_right_logical3A_1855 = arith.constant 26 : i32
        %shift_right_logical3A_1856 = vector.broadcast %shift_right_logical3A_1855 : i32 to vector<16xi32>
        %shift_right_logical3A_1857 = arith.shrui %xor3A_1850, %shift_right_logical3A_1856 : vector<16xi32>
        %or3A_1858 = arith.ori %shift_left3A_1854, %shift_right_logical3A_1857 : vector<16xi32>
        %xor3A_1859 = arith.xori %or3A_1858, %add3A_1851 : vector<16xi32>
        %add3A_1860 = arith.addi %add3A_1851, %get3A_50 : vector<16xi32>
        %add3A_1861 = arith.addi %xor3A_1859, %get3A_56 : vector<16xi32>
        %add3A_1862 = arith.constant 3 : i32
        %add3A_1863 = vector.broadcast %add3A_1862 : i32 to vector<16xi32>
        %add3A_1864 = arith.addi %add3A_1861, %add3A_1863 : vector<16xi32>
        %add3A_1865 = arith.addi %add3A_1860, %add3A_1864 : vector<16xi32>
        %shift_left3A_1866 = arith.constant 17 : i32
        %shift_left3A_1867 = vector.broadcast %shift_left3A_1866 : i32 to vector<16xi32>
        %shift_left3A_1868 = arith.shli %add3A_1864, %shift_left3A_1867 : vector<16xi32>
        %shift_right_logical3A_1869 = arith.constant 15 : i32
        %shift_right_logical3A_1870 = vector.broadcast %shift_right_logical3A_1869 : i32 to vector<16xi32>
        %shift_right_logical3A_1871 = arith.shrui %add3A_1864, %shift_right_logical3A_1870 : vector<16xi32>
        %or3A_1872 = arith.ori %shift_left3A_1868, %shift_right_logical3A_1871 : vector<16xi32>
        %xor3A_1873 = arith.xori %or3A_1872, %add3A_1865 : vector<16xi32>
        %add3A_1874 = arith.addi %add3A_1865, %xor3A_1873 : vector<16xi32>
        %shift_left3A_1875 = arith.constant 29 : i32
        %shift_left3A_1876 = vector.broadcast %shift_left3A_1875 : i32 to vector<16xi32>
        %shift_left3A_1877 = arith.shli %xor3A_1873, %shift_left3A_1876 : vector<16xi32>
        %shift_right_logical3A_1878 = arith.constant 3 : i32
        %shift_right_logical3A_1879 = vector.broadcast %shift_right_logical3A_1878 : i32 to vector<16xi32>
        %shift_right_logical3A_1880 = arith.shrui %xor3A_1873, %shift_right_logical3A_1879 : vector<16xi32>
        %or3A_1881 = arith.ori %shift_left3A_1877, %shift_right_logical3A_1880 : vector<16xi32>
        %xor3A_1882 = arith.xori %or3A_1881, %add3A_1874 : vector<16xi32>
        %add3A_1883 = arith.addi %add3A_1874, %xor3A_1882 : vector<16xi32>
        %shift_left3A_1884 = arith.constant 16 : i32
        %shift_left3A_1885 = vector.broadcast %shift_left3A_1884 : i32 to vector<16xi32>
        %shift_left3A_1886 = arith.shli %xor3A_1882, %shift_left3A_1885 : vector<16xi32>
        %shift_right_logical3A_1887 = arith.constant 16 : i32
        %shift_right_logical3A_1888 = vector.broadcast %shift_right_logical3A_1887 : i32 to vector<16xi32>
        %shift_right_logical3A_1889 = arith.shrui %xor3A_1882, %shift_right_logical3A_1888 : vector<16xi32>
        %or3A_1890 = arith.ori %shift_left3A_1886, %shift_right_logical3A_1889 : vector<16xi32>
        %xor3A_1891 = arith.xori %or3A_1890, %add3A_1883 : vector<16xi32>
        %add3A_1892 = arith.addi %add3A_1883, %xor3A_1891 : vector<16xi32>
        %shift_left3A_1893 = arith.constant 24 : i32
        %shift_left3A_1894 = vector.broadcast %shift_left3A_1893 : i32 to vector<16xi32>
        %shift_left3A_1895 = arith.shli %xor3A_1891, %shift_left3A_1894 : vector<16xi32>
        %shift_right_logical3A_1896 = arith.constant 8 : i32
        %shift_right_logical3A_1897 = vector.broadcast %shift_right_logical3A_1896 : i32 to vector<16xi32>
        %shift_right_logical3A_1898 = arith.shrui %xor3A_1891, %shift_right_logical3A_1897 : vector<16xi32>
        %or3A_1899 = arith.ori %shift_left3A_1895, %shift_right_logical3A_1898 : vector<16xi32>
        %xor3A_1900 = arith.xori %or3A_1899, %add3A_1892 : vector<16xi32>
        %add3A_1901 = arith.addi %add3A_1892, %get3A_56 : vector<16xi32>
        %add3A_1902 = arith.addi %xor3A_1900, %xor3A_1738 : vector<16xi32>
        %add3A_1903 = arith.constant 4 : i32
        %add3A_1904 = vector.broadcast %add3A_1903 : i32 to vector<16xi32>
        %add3A_1905 = arith.addi %add3A_1902, %add3A_1904 : vector<16xi32>
        %add3A_1906 = arith.addi %add3A_1901, %add3A_1905 : vector<16xi32>
        %shift_left3A_1907 = arith.constant 13 : i32
        %shift_left3A_1908 = vector.broadcast %shift_left3A_1907 : i32 to vector<16xi32>
        %shift_left3A_1909 = arith.shli %add3A_1905, %shift_left3A_1908 : vector<16xi32>
        %shift_right_logical3A_1910 = arith.constant 19 : i32
        %shift_right_logical3A_1911 = vector.broadcast %shift_right_logical3A_1910 : i32 to vector<16xi32>
        %shift_right_logical3A_1912 = arith.shrui %add3A_1905, %shift_right_logical3A_1911 : vector<16xi32>
        %or3A_1913 = arith.ori %shift_left3A_1909, %shift_right_logical3A_1912 : vector<16xi32>
        %xor3A_1914 = arith.xori %or3A_1913, %add3A_1906 : vector<16xi32>
        %add3A_1915 = arith.addi %add3A_1906, %xor3A_1914 : vector<16xi32>
        %shift_left3A_1916 = arith.constant 15 : i32
        %shift_left3A_1917 = vector.broadcast %shift_left3A_1916 : i32 to vector<16xi32>
        %shift_left3A_1918 = arith.shli %xor3A_1914, %shift_left3A_1917 : vector<16xi32>
        %shift_right_logical3A_1919 = arith.constant 17 : i32
        %shift_right_logical3A_1920 = vector.broadcast %shift_right_logical3A_1919 : i32 to vector<16xi32>
        %shift_right_logical3A_1921 = arith.shrui %xor3A_1914, %shift_right_logical3A_1920 : vector<16xi32>
        %or3A_1922 = arith.ori %shift_left3A_1918, %shift_right_logical3A_1921 : vector<16xi32>
        %xor3A_1923 = arith.xori %or3A_1922, %add3A_1915 : vector<16xi32>
        %add3A_1924 = arith.addi %add3A_1915, %xor3A_1923 : vector<16xi32>
        %shift_left3A_1925 = arith.constant 26 : i32
        %shift_left3A_1926 = vector.broadcast %shift_left3A_1925 : i32 to vector<16xi32>
        %shift_left3A_1927 = arith.shli %xor3A_1923, %shift_left3A_1926 : vector<16xi32>
        %shift_right_logical3A_1928 = arith.constant 6 : i32
        %shift_right_logical3A_1929 = vector.broadcast %shift_right_logical3A_1928 : i32 to vector<16xi32>
        %shift_right_logical3A_1930 = arith.shrui %xor3A_1923, %shift_right_logical3A_1929 : vector<16xi32>
        %or3A_1931 = arith.ori %shift_left3A_1927, %shift_right_logical3A_1930 : vector<16xi32>
        %xor3A_1932 = arith.xori %or3A_1931, %add3A_1924 : vector<16xi32>
        %add3A_1933 = arith.addi %add3A_1924, %xor3A_1932 : vector<16xi32>
        %shift_left3A_1934 = arith.constant 6 : i32
        %shift_left3A_1935 = vector.broadcast %shift_left3A_1934 : i32 to vector<16xi32>
        %shift_left3A_1936 = arith.shli %xor3A_1932, %shift_left3A_1935 : vector<16xi32>
        %shift_right_logical3A_1937 = arith.constant 26 : i32
        %shift_right_logical3A_1938 = vector.broadcast %shift_right_logical3A_1937 : i32 to vector<16xi32>
        %shift_right_logical3A_1939 = arith.shrui %xor3A_1932, %shift_right_logical3A_1938 : vector<16xi32>
        %or3A_1940 = arith.ori %shift_left3A_1936, %shift_right_logical3A_1939 : vector<16xi32>
        %xor3A_1941 = arith.xori %or3A_1940, %add3A_1933 : vector<16xi32>
        %add3A_1942 = arith.addi %add3A_1933, %xor3A_1738 : vector<16xi32>
        %add3A_1943 = arith.addi %xor3A_1941, %get3A_50 : vector<16xi32>
        %add3A_1944 = arith.constant 5 : i32
        %add3A_1945 = vector.broadcast %add3A_1944 : i32 to vector<16xi32>
        %add3A_1946 = arith.addi %add3A_1943, %add3A_1945 : vector<16xi32>
        %xor3A_1947 = arith.xori %add3A_1942, %add3A_1946 : vector<16xi32>
        %mul3A_1948 = arith.constant 16 : i32
        %mul3A_1949 = arith.muli %scan3A_1728, %mul3A_1948 : i32
        %multiple_of3A_1950 = tpu.assume_multiple %mul3A_1949, 16 : i32
        %swap3A_1951 = arith.index_cast %multiple_of3A_1950 : i32 to index
        %swap3A_1952 = tpu.vector_load %arg5[%swap3A_1951] {strides = array<i32>} : memref<8192xi32, #tpu.memory_space<vmem>>, vector<16xi32>,
        %swap3A_1953 = vector.shape_cast %swap3A_1952 : vector<16xi32> to vector<16xi32>
        %swap3A_1954 = vector.shape_cast %xor3A_1947 : vector<16xi32> to vector<16xi32>
        tpu.vector_store %arg5[%swap3A_1951], %swap3A_1954 {strides = array<i32>} : memref<8192xi32, #tpu.memory_space<vmem>>, vector<16xi32>,
      }
      %scan3A_66 = arith.constant 512 : i32
      %dma_start3A = arith.constant 0 : i32
      %dma_start3A_67 = tpu.memref_slice %arg3[%add3A_26, %dma_start3A] : memref<512x8192xi32, #tpu.memory_space<hbm>> -> memref<1x8192xi32, #tpu.memory_space<hbm>>
      %dma_start3A_68 = tpu.memref_squeeze %dma_start3A_67 : memref<1x8192xi32, #tpu.memory_space<hbm>> -> memref<8192xi32, #tpu.memory_space<hbm>>
      %dma_start3A_69 = arith.constant 0 : i32
      %dma_start3A_70 = tpu.memref_slice %arg3[%add3A_26, %dma_start3A_69] : memref<512x8192xi32, #tpu.memory_space<hbm>> -> memref<1x8192xi32, #tpu.memory_space<hbm>>
      %dma_start3A_71 = tpu.memref_squeeze %dma_start3A_70 : memref<1x8192xi32, #tpu.memory_space<hbm>> -> memref<8192xi32, #tpu.memory_space<hbm>>
      tpu.enqueue_dma source(%arg5 : memref<8192xi32, #tpu.memory_space<vmem>>) target(%dma_start3A_71 : memref<8192xi32, #tpu.memory_space<hbm>>) target_semaphore(%arg7 : memref<!tpu.dma_semaphore, #tpu.memory_space<semaphore_mem>>)
      %gt3A_72 = arith.constant 0 : i32
      %gt3A_73 = arith.cmpi sgt, %scan3A_19, %gt3A_72 : i32
      %convert_element_type3A_74 = arith.extui %gt3A_73 : i1 to i32
      %cond3A_75 = arith.constant 0 : i32
      %cond3A_76 = arith.cmpi ne, %convert_element_type3A_74, %cond3A_75 : i32
      scf.if %cond3A_76 {
        %dma_wait3A_139 = arith.constant 0 : i32
        %dma_wait3A_140 = arith.constant 0 : i32
        %dma_wait3A_141 = tpu.memref_slice %arg3[%dma_wait3A_139, %dma_wait3A_140] : memref<512x8192xi32, #tpu.memory_space<hbm>> -> memref<1x8192xi32, #tpu.memory_space<hbm>>
        %dma_wait3A_142 = tpu.memref_squeeze %dma_wait3A_141 : memref<1x8192xi32, #tpu.memory_space<hbm>> -> memref<8192xi32, #tpu.memory_space<hbm>>
        %dma_wait3A_143 = arith.constant 0 : i32
        %dma_wait3A_144 = tpu.memref_slice %arg3[%dma_wait3A_139, %dma_wait3A_143] : memref<512x8192xi32, #tpu.memory_space<hbm>> -> memref<1x8192xi32, #tpu.memory_space<hbm>>
        %dma_wait3A_145 = tpu.memref_squeeze %dma_wait3A_144 : memref<1x8192xi32, #tpu.memory_space<hbm>> -> memref<8192xi32, #tpu.memory_space<hbm>>
        tpu.wait_dma2 semaphore(%arg8 : memref<!tpu.dma_semaphore, #tpu.memory_space<semaphore_mem>>) src(%arg6 : memref<8192xi32, #tpu.memory_space<vmem>>) dst(%dma_wait3A_145 : memref<8192xi32, #tpu.memory_space<hbm>>)
      } else {
      }
      %mul3A_77 = arith.constant 2 : i32
      %mul3A_78 = arith.muli %mul3A_77, %scan3A_19 : i32
      %add3A_79 = arith.constant 1 : i32
      %add3A_80 = arith.addi %mul3A_78, %add3A_79 : i32
      %mul3A_81 = arith.constant 16 : i32
      %mul3A_82 = arith.muli %add3A, %mul3A_81 : i32
      %add3A_83 = arith.addi %mul3A_82, %add3A_80 : i32
      %jit3A_84 = arith.constant 128 : i32
      %div3A_85 = arith.divsi %add3A_83, %jit3A_84 : i32
      %sign3A_86 = arith.constant 0 : i32
      %sign3A_87 = arith.cmpi sgt, %add3A_83, %sign3A_86 : i32
      %sign3A_88 = arith.extui %sign3A_87 : i1 to i32
      %sign3A_89 = arith.constant 0 : i32
      %sign3A_90 = arith.cmpi slt, %add3A_83, %sign3A_89 : i32
      %sign3A_91 = arith.extui %sign3A_90 : i1 to i32
      %sign3A_92 = arith.subi %sign3A_88, %sign3A_91 : i32
      %sign3A_93 = arith.constant 0 : i32
      %sign3A_94 = arith.cmpi sgt, %jit3A_84, %sign3A_93 : i32
      %sign3A_95 = arith.extui %sign3A_94 : i1 to i32
      %sign3A_96 = arith.constant 0 : i32
      %sign3A_97 = arith.cmpi slt, %jit3A_84, %sign3A_96 : i32
      %sign3A_98 = arith.extui %sign3A_97 : i1 to i32
      %sign3A_99 = arith.subi %sign3A_95, %sign3A_98 : i32
      %ne3A_100 = arith.cmpi ne, %sign3A_92, %sign3A_99 : i32
      %rem3A_101 = arith.remsi %add3A_83, %jit3A_84 : i32
      %ne3A_102 = arith.constant 0 : i32
      %ne3A_103 = arith.cmpi ne, %rem3A_101, %ne3A_102 : i32
      %and3A_104 = arith.andi %ne3A_100, %ne3A_103 : i1
      %sub3A_105 = arith.constant 1 : i32
      %sub3A_106 = arith.subi %div3A_85, %sub3A_105 : i32
      %select_n3A_107 = arith.select %and3A_104, %sub3A_106, %div3A_85 : i32
      %mul3A_108 = arith.constant 128 : i32
      %mul3A_109 = arith.muli %select_n3A_107, %mul3A_108 : i32
      %sub3A_110 = arith.subi %add3A_83, %mul3A_109 : i32
      %get3A_111 = arith.constant 0 : i32
      %get3A_112 = arith.index_cast %select_n3A_107 : i32 to index
      %get3A_113 = arith.index_cast %get3A_111 : i32 to index
      %get3A_114 = arith.constant 0 : index
      %get3A_115 = tpu.vector_load %arg4[%get3A_112, %get3A_113, %get3A_114] {strides = array<i32>} : memref<4x2x16xi32, #tpu.memory_space<vmem>>, vector<1x1x16xi32>,
      %get3A_116 = vector.shape_cast %get3A_115 : vector<1x1x16xi32> to vector<16xi32>
      %get3A_117 = arith.constant 1 : i32
      %get3A_118 = arith.index_cast %select_n3A_107 : i32 to index
      %get3A_119 = arith.index_cast %get3A_117 : i32 to index
      %get3A_120 = arith.constant 0 : index
      %get3A_121 = tpu.vector_load %arg4[%get3A_118, %get3A_119, %get3A_120] {strides = array<i32>} : memref<4x2x16xi32, #tpu.memory_space<vmem>>, vector<1x1x16xi32>,
      %get3A_122 = vector.shape_cast %get3A_121 : vector<1x1x16xi32> to vector<16xi32>
      %mul3A_123 = arith.constant 32768 : i32
      %mul3A_124 = arith.muli %sub3A_110, %mul3A_123 : i32
      %add3A_125 = arith.constant 24576 : i32
      %add3A_126 = arith.addi %mul3A_124, %add3A_125 : i32
      %scan3A_127 = arith.constant 0 : i32
      %scan3A_128 = arith.constant 0 : i32
      %scan3A_129 = arith.constant 512 : i32
      %scan3A_130 = arith.addi %scan3A_128, %scan3A_129 : i32
      %scan3A_131 = arith.constant 8 : i32
      scf.for %scan3A_139 = %scan3A_128 to %scan3A_130 step %scan3A_131  : i32 {
        %mul3A_140 = arith.constant 16 : i32
        %mul3A_141 = arith.muli %scan3A_139, %mul3A_140 : i32
        %add3A_142 = arith.addi %add3A_126, %mul3A_141 : i32
        %add3A_143 = vector.broadcast %add3A_142 : i32 to vector<16xi32>
        %add3A_144 = arith.addi %iota3A, %add3A_143 : vector<16xi32>
        %add3A_145 = arith.addi %add3A_144, %get3A_122 : vector<16xi32>
        %xor3A = arith.xori %get3A_116, %get3A_122 : vector<16xi32>
        %xor3A_146 = arith.constant 466688986 : i32
        %xor3A_147 = vector.broadcast %xor3A_146 : i32 to vector<16xi32>
        %xor3A_148 = arith.xori %xor3A, %xor3A_147 : vector<16xi32>
        %broadcast_in_dim3A = arith.constant 0 : i32
        %broadcast_in_dim3A_149 = vector.broadcast %broadcast_in_dim3A : i32 to vector<16xi32>
        %add3A_150 = arith.addi %broadcast_in_dim3A_149, %get3A_116 : vector<16xi32>
        %add3A_151 = arith.addi %add3A_150, %add3A_145 : vector<16xi32>
        %shift_left3A = arith.constant 13 : i32
        %shift_left3A_152 = vector.broadcast %shift_left3A : i32 to vector<16xi32>
        %shift_left3A_153 = arith.shli %add3A_145, %shift_left3A_152 : vector<16xi32>
        %shift_right_logical3A = arith.constant 19 : i32
        %shift_right_logical3A_154 = vector.broadcast %shift_right_logical3A : i32 to vector<16xi32>
        %shift_right_logical3A_155 = arith.shrui %add3A_145, %shift_right_logical3A_154 : vector<16xi32>
        %or3A = arith.ori %shift_left3A_153, %shift_right_logical3A_155 : vector<16xi32>
        %xor3A_156 = arith.xori %or3A, %add3A_151 : vector<16xi32>
        %add3A_157 = arith.addi %add3A_151, %xor3A_156 : vector<16xi32>
        %shift_left3A_158 = arith.constant 15 : i32
        %shift_left3A_159 = vector.broadcast %shift_left3A_158 : i32 to vector<16xi32>
        %shift_left3A_160 = arith.shli %xor3A_156, %shift_left3A_159 : vector<16xi32>
        %shift_right_logical3A_161 = arith.constant 17 : i32
        %shift_right_logical3A_162 = vector.broadcast %shift_right_logical3A_161 : i32 to vector<16xi32>
        %shift_right_logical3A_163 = arith.shrui %xor3A_156, %shift_right_logical3A_162 : vector<16xi32>
        %or3A_164 = arith.ori %shift_left3A_160, %shift_right_logical3A_163 : vector<16xi32>
        %xor3A_165 = arith.xori %or3A_164, %add3A_157 : vector<16xi32>
        %add3A_166 = arith.addi %add3A_157, %xor3A_165 : vector<16xi32>
        %shift_left3A_167 = arith.constant 26 : i32
        %shift_left3A_168 = vector.broadcast %shift_left3A_167 : i32 to vector<16xi32>
        %shift_left3A_169 = arith.shli %xor3A_165, %shift_left3A_168 : vector<16xi32>
        %shift_right_logical3A_170 = arith.constant 6 : i32
        %shift_right_logical3A_171 = vector.broadcast %shift_right_logical3A_170 : i32 to vector<16xi32>
        %shift_right_logical3A_172 = arith.shrui %xor3A_165, %shift_right_logical3A_171 : vector<16xi32>
        %or3A_173 = arith.ori %shift_left3A_169, %shift_right_logical3A_172 : vector<16xi32>
        %xor3A_174 = arith.xori %or3A_173, %add3A_166 : vector<16xi32>
        %add3A_175 = arith.addi %add3A_166, %xor3A_174 : vector<16xi32>
        %shift_left3A_176 = arith.constant 6 : i32
        %shift_left3A_177 = vector.broadcast %shift_left3A_176 : i32 to vector<16xi32>
        %shift_left3A_178 = arith.shli %xor3A_174, %shift_left3A_177 : vector<16xi32>
        %shift_right_logical3A_179 = arith.constant 26 : i32
        %shift_right_logical3A_180 = vector.broadcast %shift_right_logical3A_179 : i32 to vector<16xi32>
        %shift_right_logical3A_181 = arith.shrui %xor3A_174, %shift_right_logical3A_180 : vector<16xi32>
        %or3A_182 = arith.ori %shift_left3A_178, %shift_right_logical3A_181 : vector<16xi32>
        %xor3A_183 = arith.xori %or3A_182, %add3A_175 : vector<16xi32>
        %add3A_184 = arith.addi %add3A_175, %get3A_122 : vector<16xi32>
        %add3A_185 = arith.addi %xor3A_183, %xor3A_148 : vector<16xi32>
        %add3A_186 = arith.constant 1 : i32
        %add3A_187 = vector.broadcast %add3A_186 : i32 to vector<16xi32>
        %add3A_188 = arith.addi %add3A_185, %add3A_187 : vector<16xi32>
        %add3A_189 = arith.addi %add3A_184, %add3A_188 : vector<16xi32>
        %shift_left3A_190 = arith.constant 17 : i32
        %shift_left3A_191 = vector.broadcast %shift_left3A_190 : i32 to vector<16xi32>
        %shift_left3A_192 = arith.shli %add3A_188, %shift_left3A_191 : vector<16xi32>
        %shift_right_logical3A_193 = arith.constant 15 : i32
        %shift_right_logical3A_194 = vector.broadcast %shift_right_logical3A_193 : i32 to vector<16xi32>
        %shift_right_logical3A_195 = arith.shrui %add3A_188, %shift_right_logical3A_194 : vector<16xi32>
        %or3A_196 = arith.ori %shift_left3A_192, %shift_right_logical3A_195 : vector<16xi32>
        %xor3A_197 = arith.xori %or3A_196, %add3A_189 : vector<16xi32>
        %add3A_198 = arith.addi %add3A_189, %xor3A_197 : vector<16xi32>
        %shift_left3A_199 = arith.constant 29 : i32
        %shift_left3A_200 = vector.broadcast %shift_left3A_199 : i32 to vector<16xi32>
        %shift_left3A_201 = arith.shli %xor3A_197, %shift_left3A_200 : vector<16xi32>
        %shift_right_logical3A_202 = arith.constant 3 : i32
        %shift_right_logical3A_203 = vector.broadcast %shift_right_logical3A_202 : i32 to vector<16xi32>
        %shift_right_logical3A_204 = arith.shrui %xor3A_197, %shift_right_logical3A_203 : vector<16xi32>
        %or3A_205 = arith.ori %shift_left3A_201, %shift_right_logical3A_204 : vector<16xi32>
        %xor3A_206 = arith.xori %or3A_205, %add3A_198 : vector<16xi32>
        %add3A_207 = arith.addi %add3A_198, %xor3A_206 : vector<16xi32>
        %shift_left3A_208 = arith.constant 16 : i32
        %shift_left3A_209 = vector.broadcast %shift_left3A_208 : i32 to vector<16xi32>
        %shift_left3A_210 = arith.shli %xor3A_206, %shift_left3A_209 : vector<16xi32>
        %shift_right_logical3A_211 = arith.constant 16 : i32
        %shift_right_logical3A_212 = vector.broadcast %shift_right_logical3A_211 : i32 to vector<16xi32>
        %shift_right_logical3A_213 = arith.shrui %xor3A_206, %shift_right_logical3A_212 : vector<16xi32>
        %or3A_214 = arith.ori %shift_left3A_210, %shift_right_logical3A_213 : vector<16xi32>
        %xor3A_215 = arith.xori %or3A_214, %add3A_207 : vector<16xi32>
        %add3A_216 = arith.addi %add3A_207, %xor3A_215 : vector<16xi32>
        %shift_left3A_217 = arith.constant 24 : i32
        %shift_left3A_218 = vector.broadcast %shift_left3A_217 : i32 to vector<16xi32>
        %shift_left3A_219 = arith.shli %xor3A_215, %shift_left3A_218 : vector<16xi32>
        %shift_right_logical3A_220 = arith.constant 8 : i32
        %shift_right_logical3A_221 = vector.broadcast %shift_right_logical3A_220 : i32 to vector<16xi32>
        %shift_right_logical3A_222 = arith.shrui %xor3A_215, %shift_right_logical3A_221 : vector<16xi32>
        %or3A_223 = arith.ori %shift_left3A_219, %shift_right_logical3A_222 : vector<16xi32>
        %xor3A_224 = arith.xori %or3A_223, %add3A_216 : vector<16xi32>
        %add3A_225 = arith.addi %add3A_216, %xor3A_148 : vector<16xi32>
        %add3A_226 = arith.addi %xor3A_224, %get3A_116 : vector<16xi32>
        %add3A_227 = arith.constant 2 : i32
        %add3A_228 = vector.broadcast %add3A_227 : i32 to vector<16xi32>
        %add3A_229 = arith.addi %add3A_226, %add3A_228 : vector<16xi32>
        %add3A_230 = arith.addi %add3A_225, %add3A_229 : vector<16xi32>
        %shift_left3A_231 = arith.constant 13 : i32
        %shift_left3A_232 = vector.broadcast %shift_left3A_231 : i32 to vector<16xi32>
        %shift_left3A_233 = arith.shli %add3A_229, %shift_left3A_232 : vector<16xi32>
        %shift_right_logical3A_234 = arith.constant 19 : i32
        %shift_right_logical3A_235 = vector.broadcast %shift_right_logical3A_234 : i32 to vector<16xi32>
        %shift_right_logical3A_236 = arith.shrui %add3A_229, %shift_right_logical3A_235 : vector<16xi32>
        %or3A_237 = arith.ori %shift_left3A_233, %shift_right_logical3A_236 : vector<16xi32>
        %xor3A_238 = arith.xori %or3A_237, %add3A_230 : vector<16xi32>
        %add3A_239 = arith.addi %add3A_230, %xor3A_238 : vector<16xi32>
        %shift_left3A_240 = arith.constant 15 : i32
        %shift_left3A_241 = vector.broadcast %shift_left3A_240 : i32 to vector<16xi32>
        %shift_left3A_242 = arith.shli %xor3A_238, %shift_left3A_241 : vector<16xi32>
        %shift_right_logical3A_243 = arith.constant 17 : i32
        %shift_right_logical3A_244 = vector.broadcast %shift_right_logical3A_243 : i32 to vector<16xi32>
        %shift_right_logical3A_245 = arith.shrui %xor3A_238, %shift_right_logical3A_244 : vector<16xi32>
        %or3A_246 = arith.ori %shift_left3A_242, %shift_right_logical3A_245 : vector<16xi32>
        %xor3A_247 = arith.xori %or3A_246, %add3A_239 : vector<16xi32>
        %add3A_248 = arith.addi %add3A_239, %xor3A_247 : vector<16xi32>
        %shift_left3A_249 = arith.constant 26 : i32
        %shift_left3A_250 = vector.broadcast %shift_left3A_249 : i32 to vector<16xi32>
        %shift_left3A_251 = arith.shli %xor3A_247, %shift_left3A_250 : vector<16xi32>
        %shift_right_logical3A_252 = arith.constant 6 : i32
        %shift_right_logical3A_253 = vector.broadcast %shift_right_logical3A_252 : i32 to vector<16xi32>
        %shift_right_logical3A_254 = arith.shrui %xor3A_247, %shift_right_logical3A_253 : vector<16xi32>
        %or3A_255 = arith.ori %shift_left3A_251, %shift_right_logical3A_254 : vector<16xi32>
        %xor3A_256 = arith.xori %or3A_255, %add3A_248 : vector<16xi32>
        %add3A_257 = arith.addi %add3A_248, %xor3A_256 : vector<16xi32>
        %shift_left3A_258 = arith.constant 6 : i32
        %shift_left3A_259 = vector.broadcast %shift_left3A_258 : i32 to vector<16xi32>
        %shift_left3A_260 = arith.shli %xor3A_256, %shift_left3A_259 : vector<16xi32>
        %shift_right_logical3A_261 = arith.constant 26 : i32
        %shift_right_logical3A_262 = vector.broadcast %shift_right_logical3A_261 : i32 to vector<16xi32>
        %shift_right_logical3A_263 = arith.shrui %xor3A_256, %shift_right_logical3A_262 : vector<16xi32>
        %or3A_264 = arith.ori %shift_left3A_260, %shift_right_logical3A_263 : vector<16xi32>
        %xor3A_265 = arith.xori %or3A_264, %add3A_257 : vector<16xi32>
        %add3A_266 = arith.addi %add3A_257, %get3A_116 : vector<16xi32>
        %add3A_267 = arith.addi %xor3A_265, %get3A_122 : vector<16xi32>
        %add3A_268 = arith.constant 3 : i32
        %add3A_269 = vector.broadcast %add3A_268 : i32 to vector<16xi32>
        %add3A_270 = arith.addi %add3A_267, %add3A_269 : vector<16xi32>
        %add3A_271 = arith.addi %add3A_266, %add3A_270 : vector<16xi32>
        %shift_left3A_272 = arith.constant 17 : i32
        %shift_left3A_273 = vector.broadcast %shift_left3A_272 : i32 to vector<16xi32>
        %shift_left3A_274 = arith.shli %add3A_270, %shift_left3A_273 : vector<16xi32>
        %shift_right_logical3A_275 = arith.constant 15 : i32
        %shift_right_logical3A_276 = vector.broadcast %shift_right_logical3A_275 : i32 to vector<16xi32>
        %shift_right_logical3A_277 = arith.shrui %add3A_270, %shift_right_logical3A_276 : vector<16xi32>
        %or3A_278 = arith.ori %shift_left3A_274, %shift_right_logical3A_277 : vector<16xi32>
        %xor3A_279 = arith.xori %or3A_278, %add3A_271 : vector<16xi32>
        %add3A_280 = arith.addi %add3A_271, %xor3A_279 : vector<16xi32>
        %shift_left3A_281 = arith.constant 29 : i32
        %shift_left3A_282 = vector.broadcast %shift_left3A_281 : i32 to vector<16xi32>
        %shift_left3A_283 = arith.shli %xor3A_279, %shift_left3A_282 : vector<16xi32>
        %shift_right_logical3A_284 = arith.constant 3 : i32
        %shift_right_logical3A_285 = vector.broadcast %shift_right_logical3A_284 : i32 to vector<16xi32>
        %shift_right_logical3A_286 = arith.shrui %xor3A_279, %shift_right_logical3A_285 : vector<16xi32>
        %or3A_287 = arith.ori %shift_left3A_283, %shift_right_logical3A_286 : vector<16xi32>
        %xor3A_288 = arith.xori %or3A_287, %add3A_280 : vector<16xi32>
        %add3A_289 = arith.addi %add3A_280, %xor3A_288 : vector<16xi32>
        %shift_left3A_290 = arith.constant 16 : i32
        %shift_left3A_291 = vector.broadcast %shift_left3A_290 : i32 to vector<16xi32>
        %shift_left3A_292 = arith.shli %xor3A_288, %shift_left3A_291 : vector<16xi32>
        %shift_right_logical3A_293 = arith.constant 16 : i32
        %shift_right_logical3A_294 = vector.broadcast %shift_right_logical3A_293 : i32 to vector<16xi32>
        %shift_right_logical3A_295 = arith.shrui %xor3A_288, %shift_right_logical3A_294 : vector<16xi32>
        %or3A_296 = arith.ori %shift_left3A_292, %shift_right_logical3A_295 : vector<16xi32>
        %xor3A_297 = arith.xori %or3A_296, %add3A_289 : vector<16xi32>
        %add3A_298 = arith.addi %add3A_289, %xor3A_297 : vector<16xi32>
        %shift_left3A_299 = arith.constant 24 : i32
        %shift_left3A_300 = vector.broadcast %shift_left3A_299 : i32 to vector<16xi32>
        %shift_left3A_301 = arith.shli %xor3A_297, %shift_left3A_300 : vector<16xi32>
        %shift_right_logical3A_302 = arith.constant 8 : i32
        %shift_right_logical3A_303 = vector.broadcast %shift_right_logical3A_302 : i32 to vector<16xi32>
        %shift_right_logical3A_304 = arith.shrui %xor3A_297, %shift_right_logical3A_303 : vector<16xi32>
        %or3A_305 = arith.ori %shift_left3A_301, %shift_right_logical3A_304 : vector<16xi32>
        %xor3A_306 = arith.xori %or3A_305, %add3A_298 : vector<16xi32>
        %add3A_307 = arith.addi %add3A_298, %get3A_122 : vector<16xi32>
        %add3A_308 = arith.addi %xor3A_306, %xor3A_148 : vector<16xi32>
        %add3A_309 = arith.constant 4 : i32
        %add3A_310 = vector.broadcast %add3A_309 : i32 to vector<16xi32>
        %add3A_311 = arith.addi %add3A_308, %add3A_310 : vector<16xi32>
        %add3A_312 = arith.addi %add3A_307, %add3A_311 : vector<16xi32>
        %shift_left3A_313 = arith.constant 13 : i32
        %shift_left3A_314 = vector.broadcast %shift_left3A_313 : i32 to vector<16xi32>
        %shift_left3A_315 = arith.shli %add3A_311, %shift_left3A_314 : vector<16xi32>
        %shift_right_logical3A_316 = arith.constant 19 : i32
        %shift_right_logical3A_317 = vector.broadcast %shift_right_logical3A_316 : i32 to vector<16xi32>
        %shift_right_logical3A_318 = arith.shrui %add3A_311, %shift_right_logical3A_317 : vector<16xi32>
        %or3A_319 = arith.ori %shift_left3A_315, %shift_right_logical3A_318 : vector<16xi32>
        %xor3A_320 = arith.xori %or3A_319, %add3A_312 : vector<16xi32>
        %add3A_321 = arith.addi %add3A_312, %xor3A_320 : vector<16xi32>
        %shift_left3A_322 = arith.constant 15 : i32
        %shift_left3A_323 = vector.broadcast %shift_left3A_322 : i32 to vector<16xi32>
        %shift_left3A_324 = arith.shli %xor3A_320, %shift_left3A_323 : vector<16xi32>
        %shift_right_logical3A_325 = arith.constant 17 : i32
        %shift_right_logical3A_326 = vector.broadcast %shift_right_logical3A_325 : i32 to vector<16xi32>
        %shift_right_logical3A_327 = arith.shrui %xor3A_320, %shift_right_logical3A_326 : vector<16xi32>
        %or3A_328 = arith.ori %shift_left3A_324, %shift_right_logical3A_327 : vector<16xi32>
        %xor3A_329 = arith.xori %or3A_328, %add3A_321 : vector<16xi32>
        %add3A_330 = arith.addi %add3A_321, %xor3A_329 : vector<16xi32>
        %shift_left3A_331 = arith.constant 26 : i32
        %shift_left3A_332 = vector.broadcast %shift_left3A_331 : i32 to vector<16xi32>
        %shift_left3A_333 = arith.shli %xor3A_329, %shift_left3A_332 : vector<16xi32>
        %shift_right_logical3A_334 = arith.constant 6 : i32
        %shift_right_logical3A_335 = vector.broadcast %shift_right_logical3A_334 : i32 to vector<16xi32>
        %shift_right_logical3A_336 = arith.shrui %xor3A_329, %shift_right_logical3A_335 : vector<16xi32>
        %or3A_337 = arith.ori %shift_left3A_333, %shift_right_logical3A_336 : vector<16xi32>
        %xor3A_338 = arith.xori %or3A_337, %add3A_330 : vector<16xi32>
        %add3A_339 = arith.addi %add3A_330, %xor3A_338 : vector<16xi32>
        %shift_left3A_340 = arith.constant 6 : i32
        %shift_left3A_341 = vector.broadcast %shift_left3A_340 : i32 to vector<16xi32>
        %shift_left3A_342 = arith.shli %xor3A_338, %shift_left3A_341 : vector<16xi32>
        %shift_right_logical3A_343 = arith.constant 26 : i32
        %shift_right_logical3A_344 = vector.broadcast %shift_right_logical3A_343 : i32 to vector<16xi32>
        %shift_right_logical3A_345 = arith.shrui %xor3A_338, %shift_right_logical3A_344 : vector<16xi32>
        %or3A_346 = arith.ori %shift_left3A_342, %shift_right_logical3A_345 : vector<16xi32>
        %xor3A_347 = arith.xori %or3A_346, %add3A_339 : vector<16xi32>
        %add3A_348 = arith.addi %add3A_339, %xor3A_148 : vector<16xi32>
        %add3A_349 = arith.addi %xor3A_347, %get3A_116 : vector<16xi32>
        %add3A_350 = arith.constant 5 : i32
        %add3A_351 = vector.broadcast %add3A_350 : i32 to vector<16xi32>
        %add3A_352 = arith.addi %add3A_349, %add3A_351 : vector<16xi32>
        %xor3A_353 = arith.xori %add3A_348, %add3A_352 : vector<16xi32>
        %mul3A_354 = arith.constant 16 : i32
        %mul3A_355 = arith.muli %scan3A_139, %mul3A_354 : i32
        %multiple_of3A = tpu.assume_multiple %mul3A_355, 16 : i32
        %swap3A = arith.index_cast %multiple_of3A : i32 to index
        %swap3A_356 = tpu.vector_load %arg6[%swap3A] {strides = array<i32>} : memref<8192xi32, #tpu.memory_space<vmem>>, vector<16xi32>,
        %swap3A_357 = vector.shape_cast %swap3A_356 : vector<16xi32> to vector<16xi32>
        %swap3A_358 = vector.shape_cast %xor3A_353 : vector<16xi32> to vector<16xi32>
        tpu.vector_store %arg6[%swap3A], %swap3A_358 {strides = array<i32>} : memref<8192xi32, #tpu.memory_space<vmem>>, vector<16xi32>,
        %scan3A_359 = arith.constant 1 : i32
        %scan3A_360 = arith.addi %scan3A_139, %scan3A_359 : i32
        %mul3A_361 = arith.constant 16 : i32
        %mul3A_362 = arith.muli %scan3A_360, %mul3A_361 : i32
        %add3A_363 = arith.addi %add3A_126, %mul3A_362 : i32
        %add3A_364 = vector.broadcast %add3A_363 : i32 to vector<16xi32>
        %add3A_365 = arith.addi %iota3A, %add3A_364 : vector<16xi32>
        %add3A_366 = arith.addi %add3A_365, %get3A_122 : vector<16xi32>
        %xor3A_367 = arith.xori %get3A_116, %get3A_122 : vector<16xi32>
        %xor3A_368 = arith.constant 466688986 : i32
        %xor3A_369 = vector.broadcast %xor3A_368 : i32 to vector<16xi32>
        %xor3A_370 = arith.xori %xor3A_367, %xor3A_369 : vector<16xi32>
        %broadcast_in_dim3A_371 = arith.constant 0 : i32
        %broadcast_in_dim3A_372 = vector.broadcast %broadcast_in_dim3A_371 : i32 to vector<16xi32>
        %add3A_373 = arith.addi %broadcast_in_dim3A_372, %get3A_116 : vector<16xi32>
        %add3A_374 = arith.addi %add3A_373, %add3A_366 : vector<16xi32>
        %shift_left3A_375 = arith.constant 13 : i32
        %shift_left3A_376 = vector.broadcast %shift_left3A_375 : i32 to vector<16xi32>
        %shift_left3A_377 = arith.shli %add3A_366, %shift_left3A_376 : vector<16xi32>
        %shift_right_logical3A_378 = arith.constant 19 : i32
        %shift_right_logical3A_379 = vector.broadcast %shift_right_logical3A_378 : i32 to vector<16xi32>
        %shift_right_logical3A_380 = arith.shrui %add3A_366, %shift_right_logical3A_379 : vector<16xi32>
        %or3A_381 = arith.ori %shift_left3A_377, %shift_right_logical3A_380 : vector<16xi32>
        %xor3A_382 = arith.xori %or3A_381, %add3A_374 : vector<16xi32>
        %add3A_383 = arith.addi %add3A_374, %xor3A_382 : vector<16xi32>
        %shift_left3A_384 = arith.constant 15 : i32
        %shift_left3A_385 = vector.broadcast %shift_left3A_384 : i32 to vector<16xi32>
        %shift_left3A_386 = arith.shli %xor3A_382, %shift_left3A_385 : vector<16xi32>
        %shift_right_logical3A_387 = arith.constant 17 : i32
        %shift_right_logical3A_388 = vector.broadcast %shift_right_logical3A_387 : i32 to vector<16xi32>
        %shift_right_logical3A_389 = arith.shrui %xor3A_382, %shift_right_logical3A_388 : vector<16xi32>
        %or3A_390 = arith.ori %shift_left3A_386, %shift_right_logical3A_389 : vector<16xi32>
        %xor3A_391 = arith.xori %or3A_390, %add3A_383 : vector<16xi32>
        %add3A_392 = arith.addi %add3A_383, %xor3A_391 : vector<16xi32>
        %shift_left3A_393 = arith.constant 26 : i32
        %shift_left3A_394 = vector.broadcast %shift_left3A_393 : i32 to vector<16xi32>
        %shift_left3A_395 = arith.shli %xor3A_391, %shift_left3A_394 : vector<16xi32>
        %shift_right_logical3A_396 = arith.constant 6 : i32
        %shift_right_logical3A_397 = vector.broadcast %shift_right_logical3A_396 : i32 to vector<16xi32>
        %shift_right_logical3A_398 = arith.shrui %xor3A_391, %shift_right_logical3A_397 : vector<16xi32>
        %or3A_399 = arith.ori %shift_left3A_395, %shift_right_logical3A_398 : vector<16xi32>
        %xor3A_400 = arith.xori %or3A_399, %add3A_392 : vector<16xi32>
        %add3A_401 = arith.addi %add3A_392, %xor3A_400 : vector<16xi32>
        %shift_left3A_402 = arith.constant 6 : i32
        %shift_left3A_403 = vector.broadcast %shift_left3A_402 : i32 to vector<16xi32>
        %shift_left3A_404 = arith.shli %xor3A_400, %shift_left3A_403 : vector<16xi32>
        %shift_right_logical3A_405 = arith.constant 26 : i32
        %shift_right_logical3A_406 = vector.broadcast %shift_right_logical3A_405 : i32 to vector<16xi32>
        %shift_right_logical3A_407 = arith.shrui %xor3A_400, %shift_right_logical3A_406 : vector<16xi32>
        %or3A_408 = arith.ori %shift_left3A_404, %shift_right_logical3A_407 : vector<16xi32>
        %xor3A_409 = arith.xori %or3A_408, %add3A_401 : vector<16xi32>
        %add3A_410 = arith.addi %add3A_401, %get3A_122 : vector<16xi32>
        %add3A_411 = arith.addi %xor3A_409, %xor3A_370 : vector<16xi32>
        %add3A_412 = arith.constant 1 : i32
        %add3A_413 = vector.broadcast %add3A_412 : i32 to vector<16xi32>
        %add3A_414 = arith.addi %add3A_411, %add3A_413 : vector<16xi32>
        %add3A_415 = arith.addi %add3A_410, %add3A_414 : vector<16xi32>
        %shift_left3A_416 = arith.constant 17 : i32
        %shift_left3A_417 = vector.broadcast %shift_left3A_416 : i32 to vector<16xi32>
        %shift_left3A_418 = arith.shli %add3A_414, %shift_left3A_417 : vector<16xi32>
        %shift_right_logical3A_419 = arith.constant 15 : i32
        %shift_right_logical3A_420 = vector.broadcast %shift_right_logical3A_419 : i32 to vector<16xi32>
        %shift_right_logical3A_421 = arith.shrui %add3A_414, %shift_right_logical3A_420 : vector<16xi32>
        %or3A_422 = arith.ori %shift_left3A_418, %shift_right_logical3A_421 : vector<16xi32>
        %xor3A_423 = arith.xori %or3A_422, %add3A_415 : vector<16xi32>
        %add3A_424 = arith.addi %add3A_415, %xor3A_423 : vector<16xi32>
        %shift_left3A_425 = arith.constant 29 : i32
        %shift_left3A_426 = vector.broadcast %shift_left3A_425 : i32 to vector<16xi32>
        %shift_left3A_427 = arith.shli %xor3A_423, %shift_left3A_426 : vector<16xi32>
        %shift_right_logical3A_428 = arith.constant 3 : i32
        %shift_right_logical3A_429 = vector.broadcast %shift_right_logical3A_428 : i32 to vector<16xi32>
        %shift_right_logical3A_430 = arith.shrui %xor3A_423, %shift_right_logical3A_429 : vector<16xi32>
        %or3A_431 = arith.ori %shift_left3A_427, %shift_right_logical3A_430 : vector<16xi32>
        %xor3A_432 = arith.xori %or3A_431, %add3A_424 : vector<16xi32>
        %add3A_433 = arith.addi %add3A_424, %xor3A_432 : vector<16xi32>
        %shift_left3A_434 = arith.constant 16 : i32
        %shift_left3A_435 = vector.broadcast %shift_left3A_434 : i32 to vector<16xi32>
        %shift_left3A_436 = arith.shli %xor3A_432, %shift_left3A_435 : vector<16xi32>
        %shift_right_logical3A_437 = arith.constant 16 : i32
        %shift_right_logical3A_438 = vector.broadcast %shift_right_logical3A_437 : i32 to vector<16xi32>
        %shift_right_logical3A_439 = arith.shrui %xor3A_432, %shift_right_logical3A_438 : vector<16xi32>
        %or3A_440 = arith.ori %shift_left3A_436, %shift_right_logical3A_439 : vector<16xi32>
        %xor3A_441 = arith.xori %or3A_440, %add3A_433 : vector<16xi32>
        %add3A_442 = arith.addi %add3A_433, %xor3A_441 : vector<16xi32>
        %shift_left3A_443 = arith.constant 24 : i32
        %shift_left3A_444 = vector.broadcast %shift_left3A_443 : i32 to vector<16xi32>
        %shift_left3A_445 = arith.shli %xor3A_441, %shift_left3A_444 : vector<16xi32>
        %shift_right_logical3A_446 = arith.constant 8 : i32
        %shift_right_logical3A_447 = vector.broadcast %shift_right_logical3A_446 : i32 to vector<16xi32>
        %shift_right_logical3A_448 = arith.shrui %xor3A_441, %shift_right_logical3A_447 : vector<16xi32>
        %or3A_449 = arith.ori %shift_left3A_445, %shift_right_logical3A_448 : vector<16xi32>
        %xor3A_450 = arith.xori %or3A_449, %add3A_442 : vector<16xi32>
        %add3A_451 = arith.addi %add3A_442, %xor3A_370 : vector<16xi32>
        %add3A_452 = arith.addi %xor3A_450, %get3A_116 : vector<16xi32>
        %add3A_453 = arith.constant 2 : i32
        %add3A_454 = vector.broadcast %add3A_453 : i32 to vector<16xi32>
        %add3A_455 = arith.addi %add3A_452, %add3A_454 : vector<16xi32>
        %add3A_456 = arith.addi %add3A_451, %add3A_455 : vector<16xi32>
        %shift_left3A_457 = arith.constant 13 : i32
        %shift_left3A_458 = vector.broadcast %shift_left3A_457 : i32 to vector<16xi32>
        %shift_left3A_459 = arith.shli %add3A_455, %shift_left3A_458 : vector<16xi32>
        %shift_right_logical3A_460 = arith.constant 19 : i32
        %shift_right_logical3A_461 = vector.broadcast %shift_right_logical3A_460 : i32 to vector<16xi32>
        %shift_right_logical3A_462 = arith.shrui %add3A_455, %shift_right_logical3A_461 : vector<16xi32>
        %or3A_463 = arith.ori %shift_left3A_459, %shift_right_logical3A_462 : vector<16xi32>
        %xor3A_464 = arith.xori %or3A_463, %add3A_456 : vector<16xi32>
        %add3A_465 = arith.addi %add3A_456, %xor3A_464 : vector<16xi32>
        %shift_left3A_466 = arith.constant 15 : i32
        %shift_left3A_467 = vector.broadcast %shift_left3A_466 : i32 to vector<16xi32>
        %shift_left3A_468 = arith.shli %xor3A_464, %shift_left3A_467 : vector<16xi32>
        %shift_right_logical3A_469 = arith.constant 17 : i32
        %shift_right_logical3A_470 = vector.broadcast %shift_right_logical3A_469 : i32 to vector<16xi32>
        %shift_right_logical3A_471 = arith.shrui %xor3A_464, %shift_right_logical3A_470 : vector<16xi32>
        %or3A_472 = arith.ori %shift_left3A_468, %shift_right_logical3A_471 : vector<16xi32>
        %xor3A_473 = arith.xori %or3A_472, %add3A_465 : vector<16xi32>
        %add3A_474 = arith.addi %add3A_465, %xor3A_473 : vector<16xi32>
        %shift_left3A_475 = arith.constant 26 : i32
        %shift_left3A_476 = vector.broadcast %shift_left3A_475 : i32 to vector<16xi32>
        %shift_left3A_477 = arith.shli %xor3A_473, %shift_left3A_476 : vector<16xi32>
        %shift_right_logical3A_478 = arith.constant 6 : i32
        %shift_right_logical3A_479 = vector.broadcast %shift_right_logical3A_478 : i32 to vector<16xi32>
        %shift_right_logical3A_480 = arith.shrui %xor3A_473, %shift_right_logical3A_479 : vector<16xi32>
        %or3A_481 = arith.ori %shift_left3A_477, %shift_right_logical3A_480 : vector<16xi32>
        %xor3A_482 = arith.xori %or3A_481, %add3A_474 : vector<16xi32>
        %add3A_483 = arith.addi %add3A_474, %xor3A_482 : vector<16xi32>
        %shift_left3A_484 = arith.constant 6 : i32
        %shift_left3A_485 = vector.broadcast %shift_left3A_484 : i32 to vector<16xi32>
        %shift_left3A_486 = arith.shli %xor3A_482, %shift_left3A_485 : vector<16xi32>
        %shift_right_logical3A_487 = arith.constant 26 : i32
        %shift_right_logical3A_488 = vector.broadcast %shift_right_logical3A_487 : i32 to vector<16xi32>
        %shift_right_logical3A_489 = arith.shrui %xor3A_482, %shift_right_logical3A_488 : vector<16xi32>
        %or3A_490 = arith.ori %shift_left3A_486, %shift_right_logical3A_489 : vector<16xi32>
        %xor3A_491 = arith.xori %or3A_490, %add3A_483 : vector<16xi32>
        %add3A_492 = arith.addi %add3A_483, %get3A_116 : vector<16xi32>
        %add3A_493 = arith.addi %xor3A_491, %get3A_122 : vector<16xi32>
        %add3A_494 = arith.constant 3 : i32
        %add3A_495 = vector.broadcast %add3A_494 : i32 to vector<16xi32>
        %add3A_496 = arith.addi %add3A_493, %add3A_495 : vector<16xi32>
        %add3A_497 = arith.addi %add3A_492, %add3A_496 : vector<16xi32>
        %shift_left3A_498 = arith.constant 17 : i32
        %shift_left3A_499 = vector.broadcast %shift_left3A_498 : i32 to vector<16xi32>
        %shift_left3A_500 = arith.shli %add3A_496, %shift_left3A_499 : vector<16xi32>
        %shift_right_logical3A_501 = arith.constant 15 : i32
        %shift_right_logical3A_502 = vector.broadcast %shift_right_logical3A_501 : i32 to vector<16xi32>
        %shift_right_logical3A_503 = arith.shrui %add3A_496, %shift_right_logical3A_502 : vector<16xi32>
        %or3A_504 = arith.ori %shift_left3A_500, %shift_right_logical3A_503 : vector<16xi32>
        %xor3A_505 = arith.xori %or3A_504, %add3A_497 : vector<16xi32>
        %add3A_506 = arith.addi %add3A_497, %xor3A_505 : vector<16xi32>
        %shift_left3A_507 = arith.constant 29 : i32
        %shift_left3A_508 = vector.broadcast %shift_left3A_507 : i32 to vector<16xi32>
        %shift_left3A_509 = arith.shli %xor3A_505, %shift_left3A_508 : vector<16xi32>
        %shift_right_logical3A_510 = arith.constant 3 : i32
        %shift_right_logical3A_511 = vector.broadcast %shift_right_logical3A_510 : i32 to vector<16xi32>
        %shift_right_logical3A_512 = arith.shrui %xor3A_505, %shift_right_logical3A_511 : vector<16xi32>
        %or3A_513 = arith.ori %shift_left3A_509, %shift_right_logical3A_512 : vector<16xi32>
        %xor3A_514 = arith.xori %or3A_513, %add3A_506 : vector<16xi32>
        %add3A_515 = arith.addi %add3A_506, %xor3A_514 : vector<16xi32>
        %shift_left3A_516 = arith.constant 16 : i32
        %shift_left3A_517 = vector.broadcast %shift_left3A_516 : i32 to vector<16xi32>
        %shift_left3A_518 = arith.shli %xor3A_514, %shift_left3A_517 : vector<16xi32>
        %shift_right_logical3A_519 = arith.constant 16 : i32
        %shift_right_logical3A_520 = vector.broadcast %shift_right_logical3A_519 : i32 to vector<16xi32>
        %shift_right_logical3A_521 = arith.shrui %xor3A_514, %shift_right_logical3A_520 : vector<16xi32>
        %or3A_522 = arith.ori %shift_left3A_518, %shift_right_logical3A_521 : vector<16xi32>
        %xor3A_523 = arith.xori %or3A_522, %add3A_515 : vector<16xi32>
        %add3A_524 = arith.addi %add3A_515, %xor3A_523 : vector<16xi32>
        %shift_left3A_525 = arith.constant 24 : i32
        %shift_left3A_526 = vector.broadcast %shift_left3A_525 : i32 to vector<16xi32>
        %shift_left3A_527 = arith.shli %xor3A_523, %shift_left3A_526 : vector<16xi32>
        %shift_right_logical3A_528 = arith.constant 8 : i32
        %shift_right_logical3A_529 = vector.broadcast %shift_right_logical3A_528 : i32 to vector<16xi32>
        %shift_right_logical3A_530 = arith.shrui %xor3A_523, %shift_right_logical3A_529 : vector<16xi32>
        %or3A_531 = arith.ori %shift_left3A_527, %shift_right_logical3A_530 : vector<16xi32>
        %xor3A_532 = arith.xori %or3A_531, %add3A_524 : vector<16xi32>
        %add3A_533 = arith.addi %add3A_524, %get3A_122 : vector<16xi32>
        %add3A_534 = arith.addi %xor3A_532, %xor3A_370 : vector<16xi32>
        %add3A_535 = arith.constant 4 : i32
        %add3A_536 = vector.broadcast %add3A_535 : i32 to vector<16xi32>
        %add3A_537 = arith.addi %add3A_534, %add3A_536 : vector<16xi32>
        %add3A_538 = arith.addi %add3A_533, %add3A_537 : vector<16xi32>
        %shift_left3A_539 = arith.constant 13 : i32
        %shift_left3A_540 = vector.broadcast %shift_left3A_539 : i32 to vector<16xi32>
        %shift_left3A_541 = arith.shli %add3A_537, %shift_left3A_540 : vector<16xi32>
        %shift_right_logical3A_542 = arith.constant 19 : i32
        %shift_right_logical3A_543 = vector.broadcast %shift_right_logical3A_542 : i32 to vector<16xi32>
        %shift_right_logical3A_544 = arith.shrui %add3A_537, %shift_right_logical3A_543 : vector<16xi32>
        %or3A_545 = arith.ori %shift_left3A_541, %shift_right_logical3A_544 : vector<16xi32>
        %xor3A_546 = arith.xori %or3A_545, %add3A_538 : vector<16xi32>
        %add3A_547 = arith.addi %add3A_538, %xor3A_546 : vector<16xi32>
        %shift_left3A_548 = arith.constant 15 : i32
        %shift_left3A_549 = vector.broadcast %shift_left3A_548 : i32 to vector<16xi32>
        %shift_left3A_550 = arith.shli %xor3A_546, %shift_left3A_549 : vector<16xi32>
        %shift_right_logical3A_551 = arith.constant 17 : i32
        %shift_right_logical3A_552 = vector.broadcast %shift_right_logical3A_551 : i32 to vector<16xi32>
        %shift_right_logical3A_553 = arith.shrui %xor3A_546, %shift_right_logical3A_552 : vector<16xi32>
        %or3A_554 = arith.ori %shift_left3A_550, %shift_right_logical3A_553 : vector<16xi32>
        %xor3A_555 = arith.xori %or3A_554, %add3A_547 : vector<16xi32>
        %add3A_556 = arith.addi %add3A_547, %xor3A_555 : vector<16xi32>
        %shift_left3A_557 = arith.constant 26 : i32
        %shift_left3A_558 = vector.broadcast %shift_left3A_557 : i32 to vector<16xi32>
        %shift_left3A_559 = arith.shli %xor3A_555, %shift_left3A_558 : vector<16xi32>
        %shift_right_logical3A_560 = arith.constant 6 : i32
        %shift_right_logical3A_561 = vector.broadcast %shift_right_logical3A_560 : i32 to vector<16xi32>
        %shift_right_logical3A_562 = arith.shrui %xor3A_555, %shift_right_logical3A_561 : vector<16xi32>
        %or3A_563 = arith.ori %shift_left3A_559, %shift_right_logical3A_562 : vector<16xi32>
        %xor3A_564 = arith.xori %or3A_563, %add3A_556 : vector<16xi32>
        %add3A_565 = arith.addi %add3A_556, %xor3A_564 : vector<16xi32>
        %shift_left3A_566 = arith.constant 6 : i32
        %shift_left3A_567 = vector.broadcast %shift_left3A_566 : i32 to vector<16xi32>
        %shift_left3A_568 = arith.shli %xor3A_564, %shift_left3A_567 : vector<16xi32>
        %shift_right_logical3A_569 = arith.constant 26 : i32
        %shift_right_logical3A_570 = vector.broadcast %shift_right_logical3A_569 : i32 to vector<16xi32>
        %shift_right_logical3A_571 = arith.shrui %xor3A_564, %shift_right_logical3A_570 : vector<16xi32>
        %or3A_572 = arith.ori %shift_left3A_568, %shift_right_logical3A_571 : vector<16xi32>
        %xor3A_573 = arith.xori %or3A_572, %add3A_565 : vector<16xi32>
        %add3A_574 = arith.addi %add3A_565, %xor3A_370 : vector<16xi32>
        %add3A_575 = arith.addi %xor3A_573, %get3A_116 : vector<16xi32>
        %add3A_576 = arith.constant 5 : i32
        %add3A_577 = vector.broadcast %add3A_576 : i32 to vector<16xi32>
        %add3A_578 = arith.addi %add3A_575, %add3A_577 : vector<16xi32>
        %xor3A_579 = arith.xori %add3A_574, %add3A_578 : vector<16xi32>
        %mul3A_580 = arith.constant 16 : i32
        %mul3A_581 = arith.muli %scan3A_360, %mul3A_580 : i32
        %multiple_of3A_582 = tpu.assume_multiple %mul3A_581, 16 : i32
        %swap3A_583 = arith.index_cast %multiple_of3A_582 : i32 to index
        %swap3A_584 = tpu.vector_load %arg6[%swap3A_583] {strides = array<i32>} : memref<8192xi32, #tpu.memory_space<vmem>>, vector<16xi32>,
        %swap3A_585 = vector.shape_cast %swap3A_584 : vector<16xi32> to vector<16xi32>
        %swap3A_586 = vector.shape_cast %xor3A_579 : vector<16xi32> to vector<16xi32>
        tpu.vector_store %arg6[%swap3A_583], %swap3A_586 {strides = array<i32>} : memref<8192xi32, #tpu.memory_space<vmem>>, vector<16xi32>,
        %scan3A_587 = arith.constant 2 : i32
        %scan3A_588 = arith.addi %scan3A_139, %scan3A_587 : i32
        %mul3A_589 = arith.constant 16 : i32
        %mul3A_590 = arith.muli %scan3A_588, %mul3A_589 : i32
        %add3A_591 = arith.addi %add3A_126, %mul3A_590 : i32
        %add3A_592 = vector.broadcast %add3A_591 : i32 to vector<16xi32>
        %add3A_593 = arith.addi %iota3A, %add3A_592 : vector<16xi32>
        %add3A_594 = arith.addi %add3A_593, %get3A_122 : vector<16xi32>
        %xor3A_595 = arith.xori %get3A_116, %get3A_122 : vector<16xi32>
        %xor3A_596 = arith.constant 466688986 : i32
        %xor3A_597 = vector.broadcast %xor3A_596 : i32 to vector<16xi32>
        %xor3A_598 = arith.xori %xor3A_595, %xor3A_597 : vector<16xi32>
        %broadcast_in_dim3A_599 = arith.constant 0 : i32
        %broadcast_in_dim3A_600 = vector.broadcast %broadcast_in_dim3A_599 : i32 to vector<16xi32>
        %add3A_601 = arith.addi %broadcast_in_dim3A_600, %get3A_116 : vector<16xi32>
        %add3A_602 = arith.addi %add3A_601, %add3A_594 : vector<16xi32>
        %shift_left3A_603 = arith.constant 13 : i32
        %shift_left3A_604 = vector.broadcast %shift_left3A_603 : i32 to vector<16xi32>
        %shift_left3A_605 = arith.shli %add3A_594, %shift_left3A_604 : vector<16xi32>
        %shift_right_logical3A_606 = arith.constant 19 : i32
        %shift_right_logical3A_607 = vector.broadcast %shift_right_logical3A_606 : i32 to vector<16xi32>
        %shift_right_logical3A_608 = arith.shrui %add3A_594, %shift_right_logical3A_607 : vector<16xi32>
        %or3A_609 = arith.ori %shift_left3A_605, %shift_right_logical3A_608 : vector<16xi32>
        %xor3A_610 = arith.xori %or3A_609, %add3A_602 : vector<16xi32>
        %add3A_611 = arith.addi %add3A_602, %xor3A_610 : vector<16xi32>
        %shift_left3A_612 = arith.constant 15 : i32
        %shift_left3A_613 = vector.broadcast %shift_left3A_612 : i32 to vector<16xi32>
        %shift_left3A_614 = arith.shli %xor3A_610, %shift_left3A_613 : vector<16xi32>
        %shift_right_logical3A_615 = arith.constant 17 : i32
        %shift_right_logical3A_616 = vector.broadcast %shift_right_logical3A_615 : i32 to vector<16xi32>
        %shift_right_logical3A_617 = arith.shrui %xor3A_610, %shift_right_logical3A_616 : vector<16xi32>
        %or3A_618 = arith.ori %shift_left3A_614, %shift_right_logical3A_617 : vector<16xi32>
        %xor3A_619 = arith.xori %or3A_618, %add3A_611 : vector<16xi32>
        %add3A_620 = arith.addi %add3A_611, %xor3A_619 : vector<16xi32>
        %shift_left3A_621 = arith.constant 26 : i32
        %shift_left3A_622 = vector.broadcast %shift_left3A_621 : i32 to vector<16xi32>
        %shift_left3A_623 = arith.shli %xor3A_619, %shift_left3A_622 : vector<16xi32>
        %shift_right_logical3A_624 = arith.constant 6 : i32
        %shift_right_logical3A_625 = vector.broadcast %shift_right_logical3A_624 : i32 to vector<16xi32>
        %shift_right_logical3A_626 = arith.shrui %xor3A_619, %shift_right_logical3A_625 : vector<16xi32>
        %or3A_627 = arith.ori %shift_left3A_623, %shift_right_logical3A_626 : vector<16xi32>
        %xor3A_628 = arith.xori %or3A_627, %add3A_620 : vector<16xi32>
        %add3A_629 = arith.addi %add3A_620, %xor3A_628 : vector<16xi32>
        %shift_left3A_630 = arith.constant 6 : i32
        %shift_left3A_631 = vector.broadcast %shift_left3A_630 : i32 to vector<16xi32>
        %shift_left3A_632 = arith.shli %xor3A_628, %shift_left3A_631 : vector<16xi32>
        %shift_right_logical3A_633 = arith.constant 26 : i32
        %shift_right_logical3A_634 = vector.broadcast %shift_right_logical3A_633 : i32 to vector<16xi32>
        %shift_right_logical3A_635 = arith.shrui %xor3A_628, %shift_right_logical3A_634 : vector<16xi32>
        %or3A_636 = arith.ori %shift_left3A_632, %shift_right_logical3A_635 : vector<16xi32>
        %xor3A_637 = arith.xori %or3A_636, %add3A_629 : vector<16xi32>
        %add3A_638 = arith.addi %add3A_629, %get3A_122 : vector<16xi32>
        %add3A_639 = arith.addi %xor3A_637, %xor3A_598 : vector<16xi32>
        %add3A_640 = arith.constant 1 : i32
        %add3A_641 = vector.broadcast %add3A_640 : i32 to vector<16xi32>
        %add3A_642 = arith.addi %add3A_639, %add3A_641 : vector<16xi32>
        %add3A_643 = arith.addi %add3A_638, %add3A_642 : vector<16xi32>
        %shift_left3A_644 = arith.constant 17 : i32
        %shift_left3A_645 = vector.broadcast %shift_left3A_644 : i32 to vector<16xi32>
        %shift_left3A_646 = arith.shli %add3A_642, %shift_left3A_645 : vector<16xi32>
        %shift_right_logical3A_647 = arith.constant 15 : i32
        %shift_right_logical3A_648 = vector.broadcast %shift_right_logical3A_647 : i32 to vector<16xi32>
        %shift_right_logical3A_649 = arith.shrui %add3A_642, %shift_right_logical3A_648 : vector<16xi32>
        %or3A_650 = arith.ori %shift_left3A_646, %shift_right_logical3A_649 : vector<16xi32>
        %xor3A_651 = arith.xori %or3A_650, %add3A_643 : vector<16xi32>
        %add3A_652 = arith.addi %add3A_643, %xor3A_651 : vector<16xi32>
        %shift_left3A_653 = arith.constant 29 : i32
        %shift_left3A_654 = vector.broadcast %shift_left3A_653 : i32 to vector<16xi32>
        %shift_left3A_655 = arith.shli %xor3A_651, %shift_left3A_654 : vector<16xi32>
        %shift_right_logical3A_656 = arith.constant 3 : i32
        %shift_right_logical3A_657 = vector.broadcast %shift_right_logical3A_656 : i32 to vector<16xi32>
        %shift_right_logical3A_658 = arith.shrui %xor3A_651, %shift_right_logical3A_657 : vector<16xi32>
        %or3A_659 = arith.ori %shift_left3A_655, %shift_right_logical3A_658 : vector<16xi32>
        %xor3A_660 = arith.xori %or3A_659, %add3A_652 : vector<16xi32>
        %add3A_661 = arith.addi %add3A_652, %xor3A_660 : vector<16xi32>
        %shift_left3A_662 = arith.constant 16 : i32
        %shift_left3A_663 = vector.broadcast %shift_left3A_662 : i32 to vector<16xi32>
        %shift_left3A_664 = arith.shli %xor3A_660, %shift_left3A_663 : vector<16xi32>
        %shift_right_logical3A_665 = arith.constant 16 : i32
        %shift_right_logical3A_666 = vector.broadcast %shift_right_logical3A_665 : i32 to vector<16xi32>
        %shift_right_logical3A_667 = arith.shrui %xor3A_660, %shift_right_logical3A_666 : vector<16xi32>
        %or3A_668 = arith.ori %shift_left3A_664, %shift_right_logical3A_667 : vector<16xi32>
        %xor3A_669 = arith.xori %or3A_668, %add3A_661 : vector<16xi32>
        %add3A_670 = arith.addi %add3A_661, %xor3A_669 : vector<16xi32>
        %shift_left3A_671 = arith.constant 24 : i32
        %shift_left3A_672 = vector.broadcast %shift_left3A_671 : i32 to vector<16xi32>
        %shift_left3A_673 = arith.shli %xor3A_669, %shift_left3A_672 : vector<16xi32>
        %shift_right_logical3A_674 = arith.constant 8 : i32
        %shift_right_logical3A_675 = vector.broadcast %shift_right_logical3A_674 : i32 to vector<16xi32>
        %shift_right_logical3A_676 = arith.shrui %xor3A_669, %shift_right_logical3A_675 : vector<16xi32>
        %or3A_677 = arith.ori %shift_left3A_673, %shift_right_logical3A_676 : vector<16xi32>
        %xor3A_678 = arith.xori %or3A_677, %add3A_670 : vector<16xi32>
        %add3A_679 = arith.addi %add3A_670, %xor3A_598 : vector<16xi32>
        %add3A_680 = arith.addi %xor3A_678, %get3A_116 : vector<16xi32>
        %add3A_681 = arith.constant 2 : i32
        %add3A_682 = vector.broadcast %add3A_681 : i32 to vector<16xi32>
        %add3A_683 = arith.addi %add3A_680, %add3A_682 : vector<16xi32>
        %add3A_684 = arith.addi %add3A_679, %add3A_683 : vector<16xi32>
        %shift_left3A_685 = arith.constant 13 : i32
        %shift_left3A_686 = vector.broadcast %shift_left3A_685 : i32 to vector<16xi32>
        %shift_left3A_687 = arith.shli %add3A_683, %shift_left3A_686 : vector<16xi32>
        %shift_right_logical3A_688 = arith.constant 19 : i32
        %shift_right_logical3A_689 = vector.broadcast %shift_right_logical3A_688 : i32 to vector<16xi32>
        %shift_right_logical3A_690 = arith.shrui %add3A_683, %shift_right_logical3A_689 : vector<16xi32>
        %or3A_691 = arith.ori %shift_left3A_687, %shift_right_logical3A_690 : vector<16xi32>
        %xor3A_692 = arith.xori %or3A_691, %add3A_684 : vector<16xi32>
        %add3A_693 = arith.addi %add3A_684, %xor3A_692 : vector<16xi32>
        %shift_left3A_694 = arith.constant 15 : i32
        %shift_left3A_695 = vector.broadcast %shift_left3A_694 : i32 to vector<16xi32>
        %shift_left3A_696 = arith.shli %xor3A_692, %shift_left3A_695 : vector<16xi32>
        %shift_right_logical3A_697 = arith.constant 17 : i32
        %shift_right_logical3A_698 = vector.broadcast %shift_right_logical3A_697 : i32 to vector<16xi32>
        %shift_right_logical3A_699 = arith.shrui %xor3A_692, %shift_right_logical3A_698 : vector<16xi32>
        %or3A_700 = arith.ori %shift_left3A_696, %shift_right_logical3A_699 : vector<16xi32>
        %xor3A_701 = arith.xori %or3A_700, %add3A_693 : vector<16xi32>
        %add3A_702 = arith.addi %add3A_693, %xor3A_701 : vector<16xi32>
        %shift_left3A_703 = arith.constant 26 : i32
        %shift_left3A_704 = vector.broadcast %shift_left3A_703 : i32 to vector<16xi32>
        %shift_left3A_705 = arith.shli %xor3A_701, %shift_left3A_704 : vector<16xi32>
        %shift_right_logical3A_706 = arith.constant 6 : i32
        %shift_right_logical3A_707 = vector.broadcast %shift_right_logical3A_706 : i32 to vector<16xi32>
        %shift_right_logical3A_708 = arith.shrui %xor3A_701, %shift_right_logical3A_707 : vector<16xi32>
        %or3A_709 = arith.ori %shift_left3A_705, %shift_right_logical3A_708 : vector<16xi32>
        %xor3A_710 = arith.xori %or3A_709, %add3A_702 : vector<16xi32>
        %add3A_711 = arith.addi %add3A_702, %xor3A_710 : vector<16xi32>
        %shift_left3A_712 = arith.constant 6 : i32
        %shift_left3A_713 = vector.broadcast %shift_left3A_712 : i32 to vector<16xi32>
        %shift_left3A_714 = arith.shli %xor3A_710, %shift_left3A_713 : vector<16xi32>
        %shift_right_logical3A_715 = arith.constant 26 : i32
        %shift_right_logical3A_716 = vector.broadcast %shift_right_logical3A_715 : i32 to vector<16xi32>
        %shift_right_logical3A_717 = arith.shrui %xor3A_710, %shift_right_logical3A_716 : vector<16xi32>
        %or3A_718 = arith.ori %shift_left3A_714, %shift_right_logical3A_717 : vector<16xi32>
        %xor3A_719 = arith.xori %or3A_718, %add3A_711 : vector<16xi32>
        %add3A_720 = arith.addi %add3A_711, %get3A_116 : vector<16xi32>
        %add3A_721 = arith.addi %xor3A_719, %get3A_122 : vector<16xi32>
        %add3A_722 = arith.constant 3 : i32
        %add3A_723 = vector.broadcast %add3A_722 : i32 to vector<16xi32>
        %add3A_724 = arith.addi %add3A_721, %add3A_723 : vector<16xi32>
        %add3A_725 = arith.addi %add3A_720, %add3A_724 : vector<16xi32>
        %shift_left3A_726 = arith.constant 17 : i32
        %shift_left3A_727 = vector.broadcast %shift_left3A_726 : i32 to vector<16xi32>
        %shift_left3A_728 = arith.shli %add3A_724, %shift_left3A_727 : vector<16xi32>
        %shift_right_logical3A_729 = arith.constant 15 : i32
        %shift_right_logical3A_730 = vector.broadcast %shift_right_logical3A_729 : i32 to vector<16xi32>
        %shift_right_logical3A_731 = arith.shrui %add3A_724, %shift_right_logical3A_730 : vector<16xi32>
        %or3A_732 = arith.ori %shift_left3A_728, %shift_right_logical3A_731 : vector<16xi32>
        %xor3A_733 = arith.xori %or3A_732, %add3A_725 : vector<16xi32>
        %add3A_734 = arith.addi %add3A_725, %xor3A_733 : vector<16xi32>
        %shift_left3A_735 = arith.constant 29 : i32
        %shift_left3A_736 = vector.broadcast %shift_left3A_735 : i32 to vector<16xi32>
        %shift_left3A_737 = arith.shli %xor3A_733, %shift_left3A_736 : vector<16xi32>
        %shift_right_logical3A_738 = arith.constant 3 : i32
        %shift_right_logical3A_739 = vector.broadcast %shift_right_logical3A_738 : i32 to vector<16xi32>
        %shift_right_logical3A_740 = arith.shrui %xor3A_733, %shift_right_logical3A_739 : vector<16xi32>
        %or3A_741 = arith.ori %shift_left3A_737, %shift_right_logical3A_740 : vector<16xi32>
        %xor3A_742 = arith.xori %or3A_741, %add3A_734 : vector<16xi32>
        %add3A_743 = arith.addi %add3A_734, %xor3A_742 : vector<16xi32>
        %shift_left3A_744 = arith.constant 16 : i32
        %shift_left3A_745 = vector.broadcast %shift_left3A_744 : i32 to vector<16xi32>
        %shift_left3A_746 = arith.shli %xor3A_742, %shift_left3A_745 : vector<16xi32>
        %shift_right_logical3A_747 = arith.constant 16 : i32
        %shift_right_logical3A_748 = vector.broadcast %shift_right_logical3A_747 : i32 to vector<16xi32>
        %shift_right_logical3A_749 = arith.shrui %xor3A_742, %shift_right_logical3A_748 : vector<16xi32>
        %or3A_750 = arith.ori %shift_left3A_746, %shift_right_logical3A_749 : vector<16xi32>
        %xor3A_751 = arith.xori %or3A_750, %add3A_743 : vector<16xi32>
        %add3A_752 = arith.addi %add3A_743, %xor3A_751 : vector<16xi32>
        %shift_left3A_753 = arith.constant 24 : i32
        %shift_left3A_754 = vector.broadcast %shift_left3A_753 : i32 to vector<16xi32>
        %shift_left3A_755 = arith.shli %xor3A_751, %shift_left3A_754 : vector<16xi32>
        %shift_right_logical3A_756 = arith.constant 8 : i32
        %shift_right_logical3A_757 = vector.broadcast %shift_right_logical3A_756 : i32 to vector<16xi32>
        %shift_right_logical3A_758 = arith.shrui %xor3A_751, %shift_right_logical3A_757 : vector<16xi32>
        %or3A_759 = arith.ori %shift_left3A_755, %shift_right_logical3A_758 : vector<16xi32>
        %xor3A_760 = arith.xori %or3A_759, %add3A_752 : vector<16xi32>
        %add3A_761 = arith.addi %add3A_752, %get3A_122 : vector<16xi32>
        %add3A_762 = arith.addi %xor3A_760, %xor3A_598 : vector<16xi32>
        %add3A_763 = arith.constant 4 : i32
        %add3A_764 = vector.broadcast %add3A_763 : i32 to vector<16xi32>
        %add3A_765 = arith.addi %add3A_762, %add3A_764 : vector<16xi32>
        %add3A_766 = arith.addi %add3A_761, %add3A_765 : vector<16xi32>
        %shift_left3A_767 = arith.constant 13 : i32
        %shift_left3A_768 = vector.broadcast %shift_left3A_767 : i32 to vector<16xi32>
        %shift_left3A_769 = arith.shli %add3A_765, %shift_left3A_768 : vector<16xi32>
        %shift_right_logical3A_770 = arith.constant 19 : i32
        %shift_right_logical3A_771 = vector.broadcast %shift_right_logical3A_770 : i32 to vector<16xi32>
        %shift_right_logical3A_772 = arith.shrui %add3A_765, %shift_right_logical3A_771 : vector<16xi32>
        %or3A_773 = arith.ori %shift_left3A_769, %shift_right_logical3A_772 : vector<16xi32>
        %xor3A_774 = arith.xori %or3A_773, %add3A_766 : vector<16xi32>
        %add3A_775 = arith.addi %add3A_766, %xor3A_774 : vector<16xi32>
        %shift_left3A_776 = arith.constant 15 : i32
        %shift_left3A_777 = vector.broadcast %shift_left3A_776 : i32 to vector<16xi32>
        %shift_left3A_778 = arith.shli %xor3A_774, %shift_left3A_777 : vector<16xi32>
        %shift_right_logical3A_779 = arith.constant 17 : i32
        %shift_right_logical3A_780 = vector.broadcast %shift_right_logical3A_779 : i32 to vector<16xi32>
        %shift_right_logical3A_781 = arith.shrui %xor3A_774, %shift_right_logical3A_780 : vector<16xi32>
        %or3A_782 = arith.ori %shift_left3A_778, %shift_right_logical3A_781 : vector<16xi32>
        %xor3A_783 = arith.xori %or3A_782, %add3A_775 : vector<16xi32>
        %add3A_784 = arith.addi %add3A_775, %xor3A_783 : vector<16xi32>
        %shift_left3A_785 = arith.constant 26 : i32
        %shift_left3A_786 = vector.broadcast %shift_left3A_785 : i32 to vector<16xi32>
        %shift_left3A_787 = arith.shli %xor3A_783, %shift_left3A_786 : vector<16xi32>
        %shift_right_logical3A_788 = arith.constant 6 : i32
        %shift_right_logical3A_789 = vector.broadcast %shift_right_logical3A_788 : i32 to vector<16xi32>
        %shift_right_logical3A_790 = arith.shrui %xor3A_783, %shift_right_logical3A_789 : vector<16xi32>
        %or3A_791 = arith.ori %shift_left3A_787, %shift_right_logical3A_790 : vector<16xi32>
        %xor3A_792 = arith.xori %or3A_791, %add3A_784 : vector<16xi32>
        %add3A_793 = arith.addi %add3A_784, %xor3A_792 : vector<16xi32>
        %shift_left3A_794 = arith.constant 6 : i32
        %shift_left3A_795 = vector.broadcast %shift_left3A_794 : i32 to vector<16xi32>
        %shift_left3A_796 = arith.shli %xor3A_792, %shift_left3A_795 : vector<16xi32>
        %shift_right_logical3A_797 = arith.constant 26 : i32
        %shift_right_logical3A_798 = vector.broadcast %shift_right_logical3A_797 : i32 to vector<16xi32>
        %shift_right_logical3A_799 = arith.shrui %xor3A_792, %shift_right_logical3A_798 : vector<16xi32>
        %or3A_800 = arith.ori %shift_left3A_796, %shift_right_logical3A_799 : vector<16xi32>
        %xor3A_801 = arith.xori %or3A_800, %add3A_793 : vector<16xi32>
        %add3A_802 = arith.addi %add3A_793, %xor3A_598 : vector<16xi32>
        %add3A_803 = arith.addi %xor3A_801, %get3A_116 : vector<16xi32>
        %add3A_804 = arith.constant 5 : i32
        %add3A_805 = vector.broadcast %add3A_804 : i32 to vector<16xi32>
        %add3A_806 = arith.addi %add3A_803, %add3A_805 : vector<16xi32>
        %xor3A_807 = arith.xori %add3A_802, %add3A_806 : vector<16xi32>
        %mul3A_808 = arith.constant 16 : i32
        %mul3A_809 = arith.muli %scan3A_588, %mul3A_808 : i32
        %multiple_of3A_810 = tpu.assume_multiple %mul3A_809, 16 : i32
        %swap3A_811 = arith.index_cast %multiple_of3A_810 : i32 to index
        %swap3A_812 = tpu.vector_load %arg6[%swap3A_811] {strides = array<i32>} : memref<8192xi32, #tpu.memory_space<vmem>>, vector<16xi32>,
        %swap3A_813 = vector.shape_cast %swap3A_812 : vector<16xi32> to vector<16xi32>
        %swap3A_814 = vector.shape_cast %xor3A_807 : vector<16xi32> to vector<16xi32>
        tpu.vector_store %arg6[%swap3A_811], %swap3A_814 {strides = array<i32>} : memref<8192xi32, #tpu.memory_space<vmem>>, vector<16xi32>,
        %scan3A_815 = arith.constant 3 : i32
        %scan3A_816 = arith.addi %scan3A_139, %scan3A_815 : i32
        %mul3A_817 = arith.constant 16 : i32
        %mul3A_818 = arith.muli %scan3A_816, %mul3A_817 : i32
        %add3A_819 = arith.addi %add3A_126, %mul3A_818 : i32
        %add3A_820 = vector.broadcast %add3A_819 : i32 to vector<16xi32>
        %add3A_821 = arith.addi %iota3A, %add3A_820 : vector<16xi32>
        %add3A_822 = arith.addi %add3A_821, %get3A_122 : vector<16xi32>
        %xor3A_823 = arith.xori %get3A_116, %get3A_122 : vector<16xi32>
        %xor3A_824 = arith.constant 466688986 : i32
        %xor3A_825 = vector.broadcast %xor3A_824 : i32 to vector<16xi32>
        %xor3A_826 = arith.xori %xor3A_823, %xor3A_825 : vector<16xi32>
        %broadcast_in_dim3A_827 = arith.constant 0 : i32
        %broadcast_in_dim3A_828 = vector.broadcast %broadcast_in_dim3A_827 : i32 to vector<16xi32>
        %add3A_829 = arith.addi %broadcast_in_dim3A_828, %get3A_116 : vector<16xi32>
        %add3A_830 = arith.addi %add3A_829, %add3A_822 : vector<16xi32>
        %shift_left3A_831 = arith.constant 13 : i32
        %shift_left3A_832 = vector.broadcast %shift_left3A_831 : i32 to vector<16xi32>
        %shift_left3A_833 = arith.shli %add3A_822, %shift_left3A_832 : vector<16xi32>
        %shift_right_logical3A_834 = arith.constant 19 : i32
        %shift_right_logical3A_835 = vector.broadcast %shift_right_logical3A_834 : i32 to vector<16xi32>
        %shift_right_logical3A_836 = arith.shrui %add3A_822, %shift_right_logical3A_835 : vector<16xi32>
        %or3A_837 = arith.ori %shift_left3A_833, %shift_right_logical3A_836 : vector<16xi32>
        %xor3A_838 = arith.xori %or3A_837, %add3A_830 : vector<16xi32>
        %add3A_839 = arith.addi %add3A_830, %xor3A_838 : vector<16xi32>
        %shift_left3A_840 = arith.constant 15 : i32
        %shift_left3A_841 = vector.broadcast %shift_left3A_840 : i32 to vector<16xi32>
        %shift_left3A_842 = arith.shli %xor3A_838, %shift_left3A_841 : vector<16xi32>
        %shift_right_logical3A_843 = arith.constant 17 : i32
        %shift_right_logical3A_844 = vector.broadcast %shift_right_logical3A_843 : i32 to vector<16xi32>
        %shift_right_logical3A_845 = arith.shrui %xor3A_838, %shift_right_logical3A_844 : vector<16xi32>
        %or3A_846 = arith.ori %shift_left3A_842, %shift_right_logical3A_845 : vector<16xi32>
        %xor3A_847 = arith.xori %or3A_846, %add3A_839 : vector<16xi32>
        %add3A_848 = arith.addi %add3A_839, %xor3A_847 : vector<16xi32>
        %shift_left3A_849 = arith.constant 26 : i32
        %shift_left3A_850 = vector.broadcast %shift_left3A_849 : i32 to vector<16xi32>
        %shift_left3A_851 = arith.shli %xor3A_847, %shift_left3A_850 : vector<16xi32>
        %shift_right_logical3A_852 = arith.constant 6 : i32
        %shift_right_logical3A_853 = vector.broadcast %shift_right_logical3A_852 : i32 to vector<16xi32>
        %shift_right_logical3A_854 = arith.shrui %xor3A_847, %shift_right_logical3A_853 : vector<16xi32>
        %or3A_855 = arith.ori %shift_left3A_851, %shift_right_logical3A_854 : vector<16xi32>
        %xor3A_856 = arith.xori %or3A_855, %add3A_848 : vector<16xi32>
        %add3A_857 = arith.addi %add3A_848, %xor3A_856 : vector<16xi32>
        %shift_left3A_858 = arith.constant 6 : i32
        %shift_left3A_859 = vector.broadcast %shift_left3A_858 : i32 to vector<16xi32>
        %shift_left3A_860 = arith.shli %xor3A_856, %shift_left3A_859 : vector<16xi32>
        %shift_right_logical3A_861 = arith.constant 26 : i32
        %shift_right_logical3A_862 = vector.broadcast %shift_right_logical3A_861 : i32 to vector<16xi32>
        %shift_right_logical3A_863 = arith.shrui %xor3A_856, %shift_right_logical3A_862 : vector<16xi32>
        %or3A_864 = arith.ori %shift_left3A_860, %shift_right_logical3A_863 : vector<16xi32>
        %xor3A_865 = arith.xori %or3A_864, %add3A_857 : vector<16xi32>
        %add3A_866 = arith.addi %add3A_857, %get3A_122 : vector<16xi32>
        %add3A_867 = arith.addi %xor3A_865, %xor3A_826 : vector<16xi32>
        %add3A_868 = arith.constant 1 : i32
        %add3A_869 = vector.broadcast %add3A_868 : i32 to vector<16xi32>
        %add3A_870 = arith.addi %add3A_867, %add3A_869 : vector<16xi32>
        %add3A_871 = arith.addi %add3A_866, %add3A_870 : vector<16xi32>
        %shift_left3A_872 = arith.constant 17 : i32
        %shift_left3A_873 = vector.broadcast %shift_left3A_872 : i32 to vector<16xi32>
        %shift_left3A_874 = arith.shli %add3A_870, %shift_left3A_873 : vector<16xi32>
        %shift_right_logical3A_875 = arith.constant 15 : i32
        %shift_right_logical3A_876 = vector.broadcast %shift_right_logical3A_875 : i32 to vector<16xi32>
        %shift_right_logical3A_877 = arith.shrui %add3A_870, %shift_right_logical3A_876 : vector<16xi32>
        %or3A_878 = arith.ori %shift_left3A_874, %shift_right_logical3A_877 : vector<16xi32>
        %xor3A_879 = arith.xori %or3A_878, %add3A_871 : vector<16xi32>
        %add3A_880 = arith.addi %add3A_871, %xor3A_879 : vector<16xi32>
        %shift_left3A_881 = arith.constant 29 : i32
        %shift_left3A_882 = vector.broadcast %shift_left3A_881 : i32 to vector<16xi32>
        %shift_left3A_883 = arith.shli %xor3A_879, %shift_left3A_882 : vector<16xi32>
        %shift_right_logical3A_884 = arith.constant 3 : i32
        %shift_right_logical3A_885 = vector.broadcast %shift_right_logical3A_884 : i32 to vector<16xi32>
        %shift_right_logical3A_886 = arith.shrui %xor3A_879, %shift_right_logical3A_885 : vector<16xi32>
        %or3A_887 = arith.ori %shift_left3A_883, %shift_right_logical3A_886 : vector<16xi32>
        %xor3A_888 = arith.xori %or3A_887, %add3A_880 : vector<16xi32>
        %add3A_889 = arith.addi %add3A_880, %xor3A_888 : vector<16xi32>
        %shift_left3A_890 = arith.constant 16 : i32
        %shift_left3A_891 = vector.broadcast %shift_left3A_890 : i32 to vector<16xi32>
        %shift_left3A_892 = arith.shli %xor3A_888, %shift_left3A_891 : vector<16xi32>
        %shift_right_logical3A_893 = arith.constant 16 : i32
        %shift_right_logical3A_894 = vector.broadcast %shift_right_logical3A_893 : i32 to vector<16xi32>
        %shift_right_logical3A_895 = arith.shrui %xor3A_888, %shift_right_logical3A_894 : vector<16xi32>
        %or3A_896 = arith.ori %shift_left3A_892, %shift_right_logical3A_895 : vector<16xi32>
        %xor3A_897 = arith.xori %or3A_896, %add3A_889 : vector<16xi32>
        %add3A_898 = arith.addi %add3A_889, %xor3A_897 : vector<16xi32>
        %shift_left3A_899 = arith.constant 24 : i32
        %shift_left3A_900 = vector.broadcast %shift_left3A_899 : i32 to vector<16xi32>
        %shift_left3A_901 = arith.shli %xor3A_897, %shift_left3A_900 : vector<16xi32>
        %shift_right_logical3A_902 = arith.constant 8 : i32
        %shift_right_logical3A_903 = vector.broadcast %shift_right_logical3A_902 : i32 to vector<16xi32>
        %shift_right_logical3A_904 = arith.shrui %xor3A_897, %shift_right_logical3A_903 : vector<16xi32>
        %or3A_905 = arith.ori %shift_left3A_901, %shift_right_logical3A_904 : vector<16xi32>
        %xor3A_906 = arith.xori %or3A_905, %add3A_898 : vector<16xi32>
        %add3A_907 = arith.addi %add3A_898, %xor3A_826 : vector<16xi32>
        %add3A_908 = arith.addi %xor3A_906, %get3A_116 : vector<16xi32>
        %add3A_909 = arith.constant 2 : i32
        %add3A_910 = vector.broadcast %add3A_909 : i32 to vector<16xi32>
        %add3A_911 = arith.addi %add3A_908, %add3A_910 : vector<16xi32>
        %add3A_912 = arith.addi %add3A_907, %add3A_911 : vector<16xi32>
        %shift_left3A_913 = arith.constant 13 : i32
        %shift_left3A_914 = vector.broadcast %shift_left3A_913 : i32 to vector<16xi32>
        %shift_left3A_915 = arith.shli %add3A_911, %shift_left3A_914 : vector<16xi32>
        %shift_right_logical3A_916 = arith.constant 19 : i32
        %shift_right_logical3A_917 = vector.broadcast %shift_right_logical3A_916 : i32 to vector<16xi32>
        %shift_right_logical3A_918 = arith.shrui %add3A_911, %shift_right_logical3A_917 : vector<16xi32>
        %or3A_919 = arith.ori %shift_left3A_915, %shift_right_logical3A_918 : vector<16xi32>
        %xor3A_920 = arith.xori %or3A_919, %add3A_912 : vector<16xi32>
        %add3A_921 = arith.addi %add3A_912, %xor3A_920 : vector<16xi32>
        %shift_left3A_922 = arith.constant 15 : i32
        %shift_left3A_923 = vector.broadcast %shift_left3A_922 : i32 to vector<16xi32>
        %shift_left3A_924 = arith.shli %xor3A_920, %shift_left3A_923 : vector<16xi32>
        %shift_right_logical3A_925 = arith.constant 17 : i32
        %shift_right_logical3A_926 = vector.broadcast %shift_right_logical3A_925 : i32 to vector<16xi32>
        %shift_right_logical3A_927 = arith.shrui %xor3A_920, %shift_right_logical3A_926 : vector<16xi32>
        %or3A_928 = arith.ori %shift_left3A_924, %shift_right_logical3A_927 : vector<16xi32>
        %xor3A_929 = arith.xori %or3A_928, %add3A_921 : vector<16xi32>
        %add3A_930 = arith.addi %add3A_921, %xor3A_929 : vector<16xi32>
        %shift_left3A_931 = arith.constant 26 : i32
        %shift_left3A_932 = vector.broadcast %shift_left3A_931 : i32 to vector<16xi32>
        %shift_left3A_933 = arith.shli %xor3A_929, %shift_left3A_932 : vector<16xi32>
        %shift_right_logical3A_934 = arith.constant 6 : i32
        %shift_right_logical3A_935 = vector.broadcast %shift_right_logical3A_934 : i32 to vector<16xi32>
        %shift_right_logical3A_936 = arith.shrui %xor3A_929, %shift_right_logical3A_935 : vector<16xi32>
        %or3A_937 = arith.ori %shift_left3A_933, %shift_right_logical3A_936 : vector<16xi32>
        %xor3A_938 = arith.xori %or3A_937, %add3A_930 : vector<16xi32>
        %add3A_939 = arith.addi %add3A_930, %xor3A_938 : vector<16xi32>
        %shift_left3A_940 = arith.constant 6 : i32
        %shift_left3A_941 = vector.broadcast %shift_left3A_940 : i32 to vector<16xi32>
        %shift_left3A_942 = arith.shli %xor3A_938, %shift_left3A_941 : vector<16xi32>
        %shift_right_logical3A_943 = arith.constant 26 : i32
        %shift_right_logical3A_944 = vector.broadcast %shift_right_logical3A_943 : i32 to vector<16xi32>
        %shift_right_logical3A_945 = arith.shrui %xor3A_938, %shift_right_logical3A_944 : vector<16xi32>
        %or3A_946 = arith.ori %shift_left3A_942, %shift_right_logical3A_945 : vector<16xi32>
        %xor3A_947 = arith.xori %or3A_946, %add3A_939 : vector<16xi32>
        %add3A_948 = arith.addi %add3A_939, %get3A_116 : vector<16xi32>
        %add3A_949 = arith.addi %xor3A_947, %get3A_122 : vector<16xi32>
        %add3A_950 = arith.constant 3 : i32
        %add3A_951 = vector.broadcast %add3A_950 : i32 to vector<16xi32>
        %add3A_952 = arith.addi %add3A_949, %add3A_951 : vector<16xi32>
        %add3A_953 = arith.addi %add3A_948, %add3A_952 : vector<16xi32>
        %shift_left3A_954 = arith.constant 17 : i32
        %shift_left3A_955 = vector.broadcast %shift_left3A_954 : i32 to vector<16xi32>
        %shift_left3A_956 = arith.shli %add3A_952, %shift_left3A_955 : vector<16xi32>
        %shift_right_logical3A_957 = arith.constant 15 : i32
        %shift_right_logical3A_958 = vector.broadcast %shift_right_logical3A_957 : i32 to vector<16xi32>
        %shift_right_logical3A_959 = arith.shrui %add3A_952, %shift_right_logical3A_958 : vector<16xi32>
        %or3A_960 = arith.ori %shift_left3A_956, %shift_right_logical3A_959 : vector<16xi32>
        %xor3A_961 = arith.xori %or3A_960, %add3A_953 : vector<16xi32>
        %add3A_962 = arith.addi %add3A_953, %xor3A_961 : vector<16xi32>
        %shift_left3A_963 = arith.constant 29 : i32
        %shift_left3A_964 = vector.broadcast %shift_left3A_963 : i32 to vector<16xi32>
        %shift_left3A_965 = arith.shli %xor3A_961, %shift_left3A_964 : vector<16xi32>
        %shift_right_logical3A_966 = arith.constant 3 : i32
        %shift_right_logical3A_967 = vector.broadcast %shift_right_logical3A_966 : i32 to vector<16xi32>
        %shift_right_logical3A_968 = arith.shrui %xor3A_961, %shift_right_logical3A_967 : vector<16xi32>
        %or3A_969 = arith.ori %shift_left3A_965, %shift_right_logical3A_968 : vector<16xi32>
        %xor3A_970 = arith.xori %or3A_969, %add3A_962 : vector<16xi32>
        %add3A_971 = arith.addi %add3A_962, %xor3A_970 : vector<16xi32>
        %shift_left3A_972 = arith.constant 16 : i32
        %shift_left3A_973 = vector.broadcast %shift_left3A_972 : i32 to vector<16xi32>
        %shift_left3A_974 = arith.shli %xor3A_970, %shift_left3A_973 : vector<16xi32>
        %shift_right_logical3A_975 = arith.constant 16 : i32
        %shift_right_logical3A_976 = vector.broadcast %shift_right_logical3A_975 : i32 to vector<16xi32>
        %shift_right_logical3A_977 = arith.shrui %xor3A_970, %shift_right_logical3A_976 : vector<16xi32>
        %or3A_978 = arith.ori %shift_left3A_974, %shift_right_logical3A_977 : vector<16xi32>
        %xor3A_979 = arith.xori %or3A_978, %add3A_971 : vector<16xi32>
        %add3A_980 = arith.addi %add3A_971, %xor3A_979 : vector<16xi32>
        %shift_left3A_981 = arith.constant 24 : i32
        %shift_left3A_982 = vector.broadcast %shift_left3A_981 : i32 to vector<16xi32>
        %shift_left3A_983 = arith.shli %xor3A_979, %shift_left3A_982 : vector<16xi32>
        %shift_right_logical3A_984 = arith.constant 8 : i32
        %shift_right_logical3A_985 = vector.broadcast %shift_right_logical3A_984 : i32 to vector<16xi32>
        %shift_right_logical3A_986 = arith.shrui %xor3A_979, %shift_right_logical3A_985 : vector<16xi32>
        %or3A_987 = arith.ori %shift_left3A_983, %shift_right_logical3A_986 : vector<16xi32>
        %xor3A_988 = arith.xori %or3A_987, %add3A_980 : vector<16xi32>
        %add3A_989 = arith.addi %add3A_980, %get3A_122 : vector<16xi32>
        %add3A_990 = arith.addi %xor3A_988, %xor3A_826 : vector<16xi32>
        %add3A_991 = arith.constant 4 : i32
        %add3A_992 = vector.broadcast %add3A_991 : i32 to vector<16xi32>
        %add3A_993 = arith.addi %add3A_990, %add3A_992 : vector<16xi32>
        %add3A_994 = arith.addi %add3A_989, %add3A_993 : vector<16xi32>
        %shift_left3A_995 = arith.constant 13 : i32
        %shift_left3A_996 = vector.broadcast %shift_left3A_995 : i32 to vector<16xi32>
        %shift_left3A_997 = arith.shli %add3A_993, %shift_left3A_996 : vector<16xi32>
        %shift_right_logical3A_998 = arith.constant 19 : i32
        %shift_right_logical3A_999 = vector.broadcast %shift_right_logical3A_998 : i32 to vector<16xi32>
        %shift_right_logical3A_1000 = arith.shrui %add3A_993, %shift_right_logical3A_999 : vector<16xi32>
        %or3A_1001 = arith.ori %shift_left3A_997, %shift_right_logical3A_1000 : vector<16xi32>
        %xor3A_1002 = arith.xori %or3A_1001, %add3A_994 : vector<16xi32>
        %add3A_1003 = arith.addi %add3A_994, %xor3A_1002 : vector<16xi32>
        %shift_left3A_1004 = arith.constant 15 : i32
        %shift_left3A_1005 = vector.broadcast %shift_left3A_1004 : i32 to vector<16xi32>
        %shift_left3A_1006 = arith.shli %xor3A_1002, %shift_left3A_1005 : vector<16xi32>
        %shift_right_logical3A_1007 = arith.constant 17 : i32
        %shift_right_logical3A_1008 = vector.broadcast %shift_right_logical3A_1007 : i32 to vector<16xi32>
        %shift_right_logical3A_1009 = arith.shrui %xor3A_1002, %shift_right_logical3A_1008 : vector<16xi32>
        %or3A_1010 = arith.ori %shift_left3A_1006, %shift_right_logical3A_1009 : vector<16xi32>
        %xor3A_1011 = arith.xori %or3A_1010, %add3A_1003 : vector<16xi32>
        %add3A_1012 = arith.addi %add3A_1003, %xor3A_1011 : vector<16xi32>
        %shift_left3A_1013 = arith.constant 26 : i32
        %shift_left3A_1014 = vector.broadcast %shift_left3A_1013 : i32 to vector<16xi32>
        %shift_left3A_1015 = arith.shli %xor3A_1011, %shift_left3A_1014 : vector<16xi32>
        %shift_right_logical3A_1016 = arith.constant 6 : i32
        %shift_right_logical3A_1017 = vector.broadcast %shift_right_logical3A_1016 : i32 to vector<16xi32>
        %shift_right_logical3A_1018 = arith.shrui %xor3A_1011, %shift_right_logical3A_1017 : vector<16xi32>
        %or3A_1019 = arith.ori %shift_left3A_1015, %shift_right_logical3A_1018 : vector<16xi32>
        %xor3A_1020 = arith.xori %or3A_1019, %add3A_1012 : vector<16xi32>
        %add3A_1021 = arith.addi %add3A_1012, %xor3A_1020 : vector<16xi32>
        %shift_left3A_1022 = arith.constant 6 : i32
        %shift_left3A_1023 = vector.broadcast %shift_left3A_1022 : i32 to vector<16xi32>
        %shift_left3A_1024 = arith.shli %xor3A_1020, %shift_left3A_1023 : vector<16xi32>
        %shift_right_logical3A_1025 = arith.constant 26 : i32
        %shift_right_logical3A_1026 = vector.broadcast %shift_right_logical3A_1025 : i32 to vector<16xi32>
        %shift_right_logical3A_1027 = arith.shrui %xor3A_1020, %shift_right_logical3A_1026 : vector<16xi32>
        %or3A_1028 = arith.ori %shift_left3A_1024, %shift_right_logical3A_1027 : vector<16xi32>
        %xor3A_1029 = arith.xori %or3A_1028, %add3A_1021 : vector<16xi32>
        %add3A_1030 = arith.addi %add3A_1021, %xor3A_826 : vector<16xi32>
        %add3A_1031 = arith.addi %xor3A_1029, %get3A_116 : vector<16xi32>
        %add3A_1032 = arith.constant 5 : i32
        %add3A_1033 = vector.broadcast %add3A_1032 : i32 to vector<16xi32>
        %add3A_1034 = arith.addi %add3A_1031, %add3A_1033 : vector<16xi32>
        %xor3A_1035 = arith.xori %add3A_1030, %add3A_1034 : vector<16xi32>
        %mul3A_1036 = arith.constant 16 : i32
        %mul3A_1037 = arith.muli %scan3A_816, %mul3A_1036 : i32
        %multiple_of3A_1038 = tpu.assume_multiple %mul3A_1037, 16 : i32
        %swap3A_1039 = arith.index_cast %multiple_of3A_1038 : i32 to index
        %swap3A_1040 = tpu.vector_load %arg6[%swap3A_1039] {strides = array<i32>} : memref<8192xi32, #tpu.memory_space<vmem>>, vector<16xi32>,
        %swap3A_1041 = vector.shape_cast %swap3A_1040 : vector<16xi32> to vector<16xi32>
        %swap3A_1042 = vector.shape_cast %xor3A_1035 : vector<16xi32> to vector<16xi32>
        tpu.vector_store %arg6[%swap3A_1039], %swap3A_1042 {strides = array<i32>} : memref<8192xi32, #tpu.memory_space<vmem>>, vector<16xi32>,
        %scan3A_1043 = arith.constant 4 : i32
        %scan3A_1044 = arith.addi %scan3A_139, %scan3A_1043 : i32
        %mul3A_1045 = arith.constant 16 : i32
        %mul3A_1046 = arith.muli %scan3A_1044, %mul3A_1045 : i32
        %add3A_1047 = arith.addi %add3A_126, %mul3A_1046 : i32
        %add3A_1048 = vector.broadcast %add3A_1047 : i32 to vector<16xi32>
        %add3A_1049 = arith.addi %iota3A, %add3A_1048 : vector<16xi32>
        %add3A_1050 = arith.addi %add3A_1049, %get3A_122 : vector<16xi32>
        %xor3A_1051 = arith.xori %get3A_116, %get3A_122 : vector<16xi32>
        %xor3A_1052 = arith.constant 466688986 : i32
        %xor3A_1053 = vector.broadcast %xor3A_1052 : i32 to vector<16xi32>
        %xor3A_1054 = arith.xori %xor3A_1051, %xor3A_1053 : vector<16xi32>
        %broadcast_in_dim3A_1055 = arith.constant 0 : i32
        %broadcast_in_dim3A_1056 = vector.broadcast %broadcast_in_dim3A_1055 : i32 to vector<16xi32>
        %add3A_1057 = arith.addi %broadcast_in_dim3A_1056, %get3A_116 : vector<16xi32>
        %add3A_1058 = arith.addi %add3A_1057, %add3A_1050 : vector<16xi32>
        %shift_left3A_1059 = arith.constant 13 : i32
        %shift_left3A_1060 = vector.broadcast %shift_left3A_1059 : i32 to vector<16xi32>
        %shift_left3A_1061 = arith.shli %add3A_1050, %shift_left3A_1060 : vector<16xi32>
        %shift_right_logical3A_1062 = arith.constant 19 : i32
        %shift_right_logical3A_1063 = vector.broadcast %shift_right_logical3A_1062 : i32 to vector<16xi32>
        %shift_right_logical3A_1064 = arith.shrui %add3A_1050, %shift_right_logical3A_1063 : vector<16xi32>
        %or3A_1065 = arith.ori %shift_left3A_1061, %shift_right_logical3A_1064 : vector<16xi32>
        %xor3A_1066 = arith.xori %or3A_1065, %add3A_1058 : vector<16xi32>
        %add3A_1067 = arith.addi %add3A_1058, %xor3A_1066 : vector<16xi32>
        %shift_left3A_1068 = arith.constant 15 : i32
        %shift_left3A_1069 = vector.broadcast %shift_left3A_1068 : i32 to vector<16xi32>
        %shift_left3A_1070 = arith.shli %xor3A_1066, %shift_left3A_1069 : vector<16xi32>
        %shift_right_logical3A_1071 = arith.constant 17 : i32
        %shift_right_logical3A_1072 = vector.broadcast %shift_right_logical3A_1071 : i32 to vector<16xi32>
        %shift_right_logical3A_1073 = arith.shrui %xor3A_1066, %shift_right_logical3A_1072 : vector<16xi32>
        %or3A_1074 = arith.ori %shift_left3A_1070, %shift_right_logical3A_1073 : vector<16xi32>
        %xor3A_1075 = arith.xori %or3A_1074, %add3A_1067 : vector<16xi32>
        %add3A_1076 = arith.addi %add3A_1067, %xor3A_1075 : vector<16xi32>
        %shift_left3A_1077 = arith.constant 26 : i32
        %shift_left3A_1078 = vector.broadcast %shift_left3A_1077 : i32 to vector<16xi32>
        %shift_left3A_1079 = arith.shli %xor3A_1075, %shift_left3A_1078 : vector<16xi32>
        %shift_right_logical3A_1080 = arith.constant 6 : i32
        %shift_right_logical3A_1081 = vector.broadcast %shift_right_logical3A_1080 : i32 to vector<16xi32>
        %shift_right_logical3A_1082 = arith.shrui %xor3A_1075, %shift_right_logical3A_1081 : vector<16xi32>
        %or3A_1083 = arith.ori %shift_left3A_1079, %shift_right_logical3A_1082 : vector<16xi32>
        %xor3A_1084 = arith.xori %or3A_1083, %add3A_1076 : vector<16xi32>
        %add3A_1085 = arith.addi %add3A_1076, %xor3A_1084 : vector<16xi32>
        %shift_left3A_1086 = arith.constant 6 : i32
        %shift_left3A_1087 = vector.broadcast %shift_left3A_1086 : i32 to vector<16xi32>
        %shift_left3A_1088 = arith.shli %xor3A_1084, %shift_left3A_1087 : vector<16xi32>
        %shift_right_logical3A_1089 = arith.constant 26 : i32
        %shift_right_logical3A_1090 = vector.broadcast %shift_right_logical3A_1089 : i32 to vector<16xi32>
        %shift_right_logical3A_1091 = arith.shrui %xor3A_1084, %shift_right_logical3A_1090 : vector<16xi32>
        %or3A_1092 = arith.ori %shift_left3A_1088, %shift_right_logical3A_1091 : vector<16xi32>
        %xor3A_1093 = arith.xori %or3A_1092, %add3A_1085 : vector<16xi32>
        %add3A_1094 = arith.addi %add3A_1085, %get3A_122 : vector<16xi32>
        %add3A_1095 = arith.addi %xor3A_1093, %xor3A_1054 : vector<16xi32>
        %add3A_1096 = arith.constant 1 : i32
        %add3A_1097 = vector.broadcast %add3A_1096 : i32 to vector<16xi32>
        %add3A_1098 = arith.addi %add3A_1095, %add3A_1097 : vector<16xi32>
        %add3A_1099 = arith.addi %add3A_1094, %add3A_1098 : vector<16xi32>
        %shift_left3A_1100 = arith.constant 17 : i32
        %shift_left3A_1101 = vector.broadcast %shift_left3A_1100 : i32 to vector<16xi32>
        %shift_left3A_1102 = arith.shli %add3A_1098, %shift_left3A_1101 : vector<16xi32>
        %shift_right_logical3A_1103 = arith.constant 15 : i32
        %shift_right_logical3A_1104 = vector.broadcast %shift_right_logical3A_1103 : i32 to vector<16xi32>
        %shift_right_logical3A_1105 = arith.shrui %add3A_1098, %shift_right_logical3A_1104 : vector<16xi32>
        %or3A_1106 = arith.ori %shift_left3A_1102, %shift_right_logical3A_1105 : vector<16xi32>
        %xor3A_1107 = arith.xori %or3A_1106, %add3A_1099 : vector<16xi32>
        %add3A_1108 = arith.addi %add3A_1099, %xor3A_1107 : vector<16xi32>
        %shift_left3A_1109 = arith.constant 29 : i32
        %shift_left3A_1110 = vector.broadcast %shift_left3A_1109 : i32 to vector<16xi32>
        %shift_left3A_1111 = arith.shli %xor3A_1107, %shift_left3A_1110 : vector<16xi32>
        %shift_right_logical3A_1112 = arith.constant 3 : i32
        %shift_right_logical3A_1113 = vector.broadcast %shift_right_logical3A_1112 : i32 to vector<16xi32>
        %shift_right_logical3A_1114 = arith.shrui %xor3A_1107, %shift_right_logical3A_1113 : vector<16xi32>
        %or3A_1115 = arith.ori %shift_left3A_1111, %shift_right_logical3A_1114 : vector<16xi32>
        %xor3A_1116 = arith.xori %or3A_1115, %add3A_1108 : vector<16xi32>
        %add3A_1117 = arith.addi %add3A_1108, %xor3A_1116 : vector<16xi32>
        %shift_left3A_1118 = arith.constant 16 : i32
        %shift_left3A_1119 = vector.broadcast %shift_left3A_1118 : i32 to vector<16xi32>
        %shift_left3A_1120 = arith.shli %xor3A_1116, %shift_left3A_1119 : vector<16xi32>
        %shift_right_logical3A_1121 = arith.constant 16 : i32
        %shift_right_logical3A_1122 = vector.broadcast %shift_right_logical3A_1121 : i32 to vector<16xi32>
        %shift_right_logical3A_1123 = arith.shrui %xor3A_1116, %shift_right_logical3A_1122 : vector<16xi32>
        %or3A_1124 = arith.ori %shift_left3A_1120, %shift_right_logical3A_1123 : vector<16xi32>
        %xor3A_1125 = arith.xori %or3A_1124, %add3A_1117 : vector<16xi32>
        %add3A_1126 = arith.addi %add3A_1117, %xor3A_1125 : vector<16xi32>
        %shift_left3A_1127 = arith.constant 24 : i32
        %shift_left3A_1128 = vector.broadcast %shift_left3A_1127 : i32 to vector<16xi32>
        %shift_left3A_1129 = arith.shli %xor3A_1125, %shift_left3A_1128 : vector<16xi32>
        %shift_right_logical3A_1130 = arith.constant 8 : i32
        %shift_right_logical3A_1131 = vector.broadcast %shift_right_logical3A_1130 : i32 to vector<16xi32>
        %shift_right_logical3A_1132 = arith.shrui %xor3A_1125, %shift_right_logical3A_1131 : vector<16xi32>
        %or3A_1133 = arith.ori %shift_left3A_1129, %shift_right_logical3A_1132 : vector<16xi32>
        %xor3A_1134 = arith.xori %or3A_1133, %add3A_1126 : vector<16xi32>
        %add3A_1135 = arith.addi %add3A_1126, %xor3A_1054 : vector<16xi32>
        %add3A_1136 = arith.addi %xor3A_1134, %get3A_116 : vector<16xi32>
        %add3A_1137 = arith.constant 2 : i32
        %add3A_1138 = vector.broadcast %add3A_1137 : i32 to vector<16xi32>
        %add3A_1139 = arith.addi %add3A_1136, %add3A_1138 : vector<16xi32>
        %add3A_1140 = arith.addi %add3A_1135, %add3A_1139 : vector<16xi32>
        %shift_left3A_1141 = arith.constant 13 : i32
        %shift_left3A_1142 = vector.broadcast %shift_left3A_1141 : i32 to vector<16xi32>
        %shift_left3A_1143 = arith.shli %add3A_1139, %shift_left3A_1142 : vector<16xi32>
        %shift_right_logical3A_1144 = arith.constant 19 : i32
        %shift_right_logical3A_1145 = vector.broadcast %shift_right_logical3A_1144 : i32 to vector<16xi32>
        %shift_right_logical3A_1146 = arith.shrui %add3A_1139, %shift_right_logical3A_1145 : vector<16xi32>
        %or3A_1147 = arith.ori %shift_left3A_1143, %shift_right_logical3A_1146 : vector<16xi32>
        %xor3A_1148 = arith.xori %or3A_1147, %add3A_1140 : vector<16xi32>
        %add3A_1149 = arith.addi %add3A_1140, %xor3A_1148 : vector<16xi32>
        %shift_left3A_1150 = arith.constant 15 : i32
        %shift_left3A_1151 = vector.broadcast %shift_left3A_1150 : i32 to vector<16xi32>
        %shift_left3A_1152 = arith.shli %xor3A_1148, %shift_left3A_1151 : vector<16xi32>
        %shift_right_logical3A_1153 = arith.constant 17 : i32
        %shift_right_logical3A_1154 = vector.broadcast %shift_right_logical3A_1153 : i32 to vector<16xi32>
        %shift_right_logical3A_1155 = arith.shrui %xor3A_1148, %shift_right_logical3A_1154 : vector<16xi32>
        %or3A_1156 = arith.ori %shift_left3A_1152, %shift_right_logical3A_1155 : vector<16xi32>
        %xor3A_1157 = arith.xori %or3A_1156, %add3A_1149 : vector<16xi32>
        %add3A_1158 = arith.addi %add3A_1149, %xor3A_1157 : vector<16xi32>
        %shift_left3A_1159 = arith.constant 26 : i32
        %shift_left3A_1160 = vector.broadcast %shift_left3A_1159 : i32 to vector<16xi32>
        %shift_left3A_1161 = arith.shli %xor3A_1157, %shift_left3A_1160 : vector<16xi32>
        %shift_right_logical3A_1162 = arith.constant 6 : i32
        %shift_right_logical3A_1163 = vector.broadcast %shift_right_logical3A_1162 : i32 to vector<16xi32>
        %shift_right_logical3A_1164 = arith.shrui %xor3A_1157, %shift_right_logical3A_1163 : vector<16xi32>
        %or3A_1165 = arith.ori %shift_left3A_1161, %shift_right_logical3A_1164 : vector<16xi32>
        %xor3A_1166 = arith.xori %or3A_1165, %add3A_1158 : vector<16xi32>
        %add3A_1167 = arith.addi %add3A_1158, %xor3A_1166 : vector<16xi32>
        %shift_left3A_1168 = arith.constant 6 : i32
        %shift_left3A_1169 = vector.broadcast %shift_left3A_1168 : i32 to vector<16xi32>
        %shift_left3A_1170 = arith.shli %xor3A_1166, %shift_left3A_1169 : vector<16xi32>
        %shift_right_logical3A_1171 = arith.constant 26 : i32
        %shift_right_logical3A_1172 = vector.broadcast %shift_right_logical3A_1171 : i32 to vector<16xi32>
        %shift_right_logical3A_1173 = arith.shrui %xor3A_1166, %shift_right_logical3A_1172 : vector<16xi32>
        %or3A_1174 = arith.ori %shift_left3A_1170, %shift_right_logical3A_1173 : vector<16xi32>
        %xor3A_1175 = arith.xori %or3A_1174, %add3A_1167 : vector<16xi32>
        %add3A_1176 = arith.addi %add3A_1167, %get3A_116 : vector<16xi32>
        %add3A_1177 = arith.addi %xor3A_1175, %get3A_122 : vector<16xi32>
        %add3A_1178 = arith.constant 3 : i32
        %add3A_1179 = vector.broadcast %add3A_1178 : i32 to vector<16xi32>
        %add3A_1180 = arith.addi %add3A_1177, %add3A_1179 : vector<16xi32>
        %add3A_1181 = arith.addi %add3A_1176, %add3A_1180 : vector<16xi32>
        %shift_left3A_1182 = arith.constant 17 : i32
        %shift_left3A_1183 = vector.broadcast %shift_left3A_1182 : i32 to vector<16xi32>
        %shift_left3A_1184 = arith.shli %add3A_1180, %shift_left3A_1183 : vector<16xi32>
        %shift_right_logical3A_1185 = arith.constant 15 : i32
        %shift_right_logical3A_1186 = vector.broadcast %shift_right_logical3A_1185 : i32 to vector<16xi32>
        %shift_right_logical3A_1187 = arith.shrui %add3A_1180, %shift_right_logical3A_1186 : vector<16xi32>
        %or3A_1188 = arith.ori %shift_left3A_1184, %shift_right_logical3A_1187 : vector<16xi32>
        %xor3A_1189 = arith.xori %or3A_1188, %add3A_1181 : vector<16xi32>
        %add3A_1190 = arith.addi %add3A_1181, %xor3A_1189 : vector<16xi32>
        %shift_left3A_1191 = arith.constant 29 : i32
        %shift_left3A_1192 = vector.broadcast %shift_left3A_1191 : i32 to vector<16xi32>
        %shift_left3A_1193 = arith.shli %xor3A_1189, %shift_left3A_1192 : vector<16xi32>
        %shift_right_logical3A_1194 = arith.constant 3 : i32
        %shift_right_logical3A_1195 = vector.broadcast %shift_right_logical3A_1194 : i32 to vector<16xi32>
        %shift_right_logical3A_1196 = arith.shrui %xor3A_1189, %shift_right_logical3A_1195 : vector<16xi32>
        %or3A_1197 = arith.ori %shift_left3A_1193, %shift_right_logical3A_1196 : vector<16xi32>
        %xor3A_1198 = arith.xori %or3A_1197, %add3A_1190 : vector<16xi32>
        %add3A_1199 = arith.addi %add3A_1190, %xor3A_1198 : vector<16xi32>
        %shift_left3A_1200 = arith.constant 16 : i32
        %shift_left3A_1201 = vector.broadcast %shift_left3A_1200 : i32 to vector<16xi32>
        %shift_left3A_1202 = arith.shli %xor3A_1198, %shift_left3A_1201 : vector<16xi32>
        %shift_right_logical3A_1203 = arith.constant 16 : i32
        %shift_right_logical3A_1204 = vector.broadcast %shift_right_logical3A_1203 : i32 to vector<16xi32>
        %shift_right_logical3A_1205 = arith.shrui %xor3A_1198, %shift_right_logical3A_1204 : vector<16xi32>
        %or3A_1206 = arith.ori %shift_left3A_1202, %shift_right_logical3A_1205 : vector<16xi32>
        %xor3A_1207 = arith.xori %or3A_1206, %add3A_1199 : vector<16xi32>
        %add3A_1208 = arith.addi %add3A_1199, %xor3A_1207 : vector<16xi32>
        %shift_left3A_1209 = arith.constant 24 : i32
        %shift_left3A_1210 = vector.broadcast %shift_left3A_1209 : i32 to vector<16xi32>
        %shift_left3A_1211 = arith.shli %xor3A_1207, %shift_left3A_1210 : vector<16xi32>
        %shift_right_logical3A_1212 = arith.constant 8 : i32
        %shift_right_logical3A_1213 = vector.broadcast %shift_right_logical3A_1212 : i32 to vector<16xi32>
        %shift_right_logical3A_1214 = arith.shrui %xor3A_1207, %shift_right_logical3A_1213 : vector<16xi32>
        %or3A_1215 = arith.ori %shift_left3A_1211, %shift_right_logical3A_1214 : vector<16xi32>
        %xor3A_1216 = arith.xori %or3A_1215, %add3A_1208 : vector<16xi32>
        %add3A_1217 = arith.addi %add3A_1208, %get3A_122 : vector<16xi32>
        %add3A_1218 = arith.addi %xor3A_1216, %xor3A_1054 : vector<16xi32>
        %add3A_1219 = arith.constant 4 : i32
        %add3A_1220 = vector.broadcast %add3A_1219 : i32 to vector<16xi32>
        %add3A_1221 = arith.addi %add3A_1218, %add3A_1220 : vector<16xi32>
        %add3A_1222 = arith.addi %add3A_1217, %add3A_1221 : vector<16xi32>
        %shift_left3A_1223 = arith.constant 13 : i32
        %shift_left3A_1224 = vector.broadcast %shift_left3A_1223 : i32 to vector<16xi32>
        %shift_left3A_1225 = arith.shli %add3A_1221, %shift_left3A_1224 : vector<16xi32>
        %shift_right_logical3A_1226 = arith.constant 19 : i32
        %shift_right_logical3A_1227 = vector.broadcast %shift_right_logical3A_1226 : i32 to vector<16xi32>
        %shift_right_logical3A_1228 = arith.shrui %add3A_1221, %shift_right_logical3A_1227 : vector<16xi32>
        %or3A_1229 = arith.ori %shift_left3A_1225, %shift_right_logical3A_1228 : vector<16xi32>
        %xor3A_1230 = arith.xori %or3A_1229, %add3A_1222 : vector<16xi32>
        %add3A_1231 = arith.addi %add3A_1222, %xor3A_1230 : vector<16xi32>
        %shift_left3A_1232 = arith.constant 15 : i32
        %shift_left3A_1233 = vector.broadcast %shift_left3A_1232 : i32 to vector<16xi32>
        %shift_left3A_1234 = arith.shli %xor3A_1230, %shift_left3A_1233 : vector<16xi32>
        %shift_right_logical3A_1235 = arith.constant 17 : i32
        %shift_right_logical3A_1236 = vector.broadcast %shift_right_logical3A_1235 : i32 to vector<16xi32>
        %shift_right_logical3A_1237 = arith.shrui %xor3A_1230, %shift_right_logical3A_1236 : vector<16xi32>
        %or3A_1238 = arith.ori %shift_left3A_1234, %shift_right_logical3A_1237 : vector<16xi32>
        %xor3A_1239 = arith.xori %or3A_1238, %add3A_1231 : vector<16xi32>
        %add3A_1240 = arith.addi %add3A_1231, %xor3A_1239 : vector<16xi32>
        %shift_left3A_1241 = arith.constant 26 : i32
        %shift_left3A_1242 = vector.broadcast %shift_left3A_1241 : i32 to vector<16xi32>
        %shift_left3A_1243 = arith.shli %xor3A_1239, %shift_left3A_1242 : vector<16xi32>
        %shift_right_logical3A_1244 = arith.constant 6 : i32
        %shift_right_logical3A_1245 = vector.broadcast %shift_right_logical3A_1244 : i32 to vector<16xi32>
        %shift_right_logical3A_1246 = arith.shrui %xor3A_1239, %shift_right_logical3A_1245 : vector<16xi32>
        %or3A_1247 = arith.ori %shift_left3A_1243, %shift_right_logical3A_1246 : vector<16xi32>
        %xor3A_1248 = arith.xori %or3A_1247, %add3A_1240 : vector<16xi32>
        %add3A_1249 = arith.addi %add3A_1240, %xor3A_1248 : vector<16xi32>
        %shift_left3A_1250 = arith.constant 6 : i32
        %shift_left3A_1251 = vector.broadcast %shift_left3A_1250 : i32 to vector<16xi32>
        %shift_left3A_1252 = arith.shli %xor3A_1248, %shift_left3A_1251 : vector<16xi32>
        %shift_right_logical3A_1253 = arith.constant 26 : i32
        %shift_right_logical3A_1254 = vector.broadcast %shift_right_logical3A_1253 : i32 to vector<16xi32>
        %shift_right_logical3A_1255 = arith.shrui %xor3A_1248, %shift_right_logical3A_1254 : vector<16xi32>
        %or3A_1256 = arith.ori %shift_left3A_1252, %shift_right_logical3A_1255 : vector<16xi32>
        %xor3A_1257 = arith.xori %or3A_1256, %add3A_1249 : vector<16xi32>
        %add3A_1258 = arith.addi %add3A_1249, %xor3A_1054 : vector<16xi32>
        %add3A_1259 = arith.addi %xor3A_1257, %get3A_116 : vector<16xi32>
        %add3A_1260 = arith.constant 5 : i32
        %add3A_1261 = vector.broadcast %add3A_1260 : i32 to vector<16xi32>
        %add3A_1262 = arith.addi %add3A_1259, %add3A_1261 : vector<16xi32>
        %xor3A_1263 = arith.xori %add3A_1258, %add3A_1262 : vector<16xi32>
        %mul3A_1264 = arith.constant 16 : i32
        %mul3A_1265 = arith.muli %scan3A_1044, %mul3A_1264 : i32
        %multiple_of3A_1266 = tpu.assume_multiple %mul3A_1265, 16 : i32
        %swap3A_1267 = arith.index_cast %multiple_of3A_1266 : i32 to index
        %swap3A_1268 = tpu.vector_load %arg6[%swap3A_1267] {strides = array<i32>} : memref<8192xi32, #tpu.memory_space<vmem>>, vector<16xi32>,
        %swap3A_1269 = vector.shape_cast %swap3A_1268 : vector<16xi32> to vector<16xi32>
        %swap3A_1270 = vector.shape_cast %xor3A_1263 : vector<16xi32> to vector<16xi32>
        tpu.vector_store %arg6[%swap3A_1267], %swap3A_1270 {strides = array<i32>} : memref<8192xi32, #tpu.memory_space<vmem>>, vector<16xi32>,
        %scan3A_1271 = arith.constant 5 : i32
        %scan3A_1272 = arith.addi %scan3A_139, %scan3A_1271 : i32
        %mul3A_1273 = arith.constant 16 : i32
        %mul3A_1274 = arith.muli %scan3A_1272, %mul3A_1273 : i32
        %add3A_1275 = arith.addi %add3A_126, %mul3A_1274 : i32
        %add3A_1276 = vector.broadcast %add3A_1275 : i32 to vector<16xi32>
        %add3A_1277 = arith.addi %iota3A, %add3A_1276 : vector<16xi32>
        %add3A_1278 = arith.addi %add3A_1277, %get3A_122 : vector<16xi32>
        %xor3A_1279 = arith.xori %get3A_116, %get3A_122 : vector<16xi32>
        %xor3A_1280 = arith.constant 466688986 : i32
        %xor3A_1281 = vector.broadcast %xor3A_1280 : i32 to vector<16xi32>
        %xor3A_1282 = arith.xori %xor3A_1279, %xor3A_1281 : vector<16xi32>
        %broadcast_in_dim3A_1283 = arith.constant 0 : i32
        %broadcast_in_dim3A_1284 = vector.broadcast %broadcast_in_dim3A_1283 : i32 to vector<16xi32>
        %add3A_1285 = arith.addi %broadcast_in_dim3A_1284, %get3A_116 : vector<16xi32>
        %add3A_1286 = arith.addi %add3A_1285, %add3A_1278 : vector<16xi32>
        %shift_left3A_1287 = arith.constant 13 : i32
        %shift_left3A_1288 = vector.broadcast %shift_left3A_1287 : i32 to vector<16xi32>
        %shift_left3A_1289 = arith.shli %add3A_1278, %shift_left3A_1288 : vector<16xi32>
        %shift_right_logical3A_1290 = arith.constant 19 : i32
        %shift_right_logical3A_1291 = vector.broadcast %shift_right_logical3A_1290 : i32 to vector<16xi32>
        %shift_right_logical3A_1292 = arith.shrui %add3A_1278, %shift_right_logical3A_1291 : vector<16xi32>
        %or3A_1293 = arith.ori %shift_left3A_1289, %shift_right_logical3A_1292 : vector<16xi32>
        %xor3A_1294 = arith.xori %or3A_1293, %add3A_1286 : vector<16xi32>
        %add3A_1295 = arith.addi %add3A_1286, %xor3A_1294 : vector<16xi32>
        %shift_left3A_1296 = arith.constant 15 : i32
        %shift_left3A_1297 = vector.broadcast %shift_left3A_1296 : i32 to vector<16xi32>
        %shift_left3A_1298 = arith.shli %xor3A_1294, %shift_left3A_1297 : vector<16xi32>
        %shift_right_logical3A_1299 = arith.constant 17 : i32
        %shift_right_logical3A_1300 = vector.broadcast %shift_right_logical3A_1299 : i32 to vector<16xi32>
        %shift_right_logical3A_1301 = arith.shrui %xor3A_1294, %shift_right_logical3A_1300 : vector<16xi32>
        %or3A_1302 = arith.ori %shift_left3A_1298, %shift_right_logical3A_1301 : vector<16xi32>
        %xor3A_1303 = arith.xori %or3A_1302, %add3A_1295 : vector<16xi32>
        %add3A_1304 = arith.addi %add3A_1295, %xor3A_1303 : vector<16xi32>
        %shift_left3A_1305 = arith.constant 26 : i32
        %shift_left3A_1306 = vector.broadcast %shift_left3A_1305 : i32 to vector<16xi32>
        %shift_left3A_1307 = arith.shli %xor3A_1303, %shift_left3A_1306 : vector<16xi32>
        %shift_right_logical3A_1308 = arith.constant 6 : i32
        %shift_right_logical3A_1309 = vector.broadcast %shift_right_logical3A_1308 : i32 to vector<16xi32>
        %shift_right_logical3A_1310 = arith.shrui %xor3A_1303, %shift_right_logical3A_1309 : vector<16xi32>
        %or3A_1311 = arith.ori %shift_left3A_1307, %shift_right_logical3A_1310 : vector<16xi32>
        %xor3A_1312 = arith.xori %or3A_1311, %add3A_1304 : vector<16xi32>
        %add3A_1313 = arith.addi %add3A_1304, %xor3A_1312 : vector<16xi32>
        %shift_left3A_1314 = arith.constant 6 : i32
        %shift_left3A_1315 = vector.broadcast %shift_left3A_1314 : i32 to vector<16xi32>
        %shift_left3A_1316 = arith.shli %xor3A_1312, %shift_left3A_1315 : vector<16xi32>
        %shift_right_logical3A_1317 = arith.constant 26 : i32
        %shift_right_logical3A_1318 = vector.broadcast %shift_right_logical3A_1317 : i32 to vector<16xi32>
        %shift_right_logical3A_1319 = arith.shrui %xor3A_1312, %shift_right_logical3A_1318 : vector<16xi32>
        %or3A_1320 = arith.ori %shift_left3A_1316, %shift_right_logical3A_1319 : vector<16xi32>
        %xor3A_1321 = arith.xori %or3A_1320, %add3A_1313 : vector<16xi32>
        %add3A_1322 = arith.addi %add3A_1313, %get3A_122 : vector<16xi32>
        %add3A_1323 = arith.addi %xor3A_1321, %xor3A_1282 : vector<16xi32>
        %add3A_1324 = arith.constant 1 : i32
        %add3A_1325 = vector.broadcast %add3A_1324 : i32 to vector<16xi32>
        %add3A_1326 = arith.addi %add3A_1323, %add3A_1325 : vector<16xi32>
        %add3A_1327 = arith.addi %add3A_1322, %add3A_1326 : vector<16xi32>
        %shift_left3A_1328 = arith.constant 17 : i32
        %shift_left3A_1329 = vector.broadcast %shift_left3A_1328 : i32 to vector<16xi32>
        %shift_left3A_1330 = arith.shli %add3A_1326, %shift_left3A_1329 : vector<16xi32>
        %shift_right_logical3A_1331 = arith.constant 15 : i32
        %shift_right_logical3A_1332 = vector.broadcast %shift_right_logical3A_1331 : i32 to vector<16xi32>
        %shift_right_logical3A_1333 = arith.shrui %add3A_1326, %shift_right_logical3A_1332 : vector<16xi32>
        %or3A_1334 = arith.ori %shift_left3A_1330, %shift_right_logical3A_1333 : vector<16xi32>
        %xor3A_1335 = arith.xori %or3A_1334, %add3A_1327 : vector<16xi32>
        %add3A_1336 = arith.addi %add3A_1327, %xor3A_1335 : vector<16xi32>
        %shift_left3A_1337 = arith.constant 29 : i32
        %shift_left3A_1338 = vector.broadcast %shift_left3A_1337 : i32 to vector<16xi32>
        %shift_left3A_1339 = arith.shli %xor3A_1335, %shift_left3A_1338 : vector<16xi32>
        %shift_right_logical3A_1340 = arith.constant 3 : i32
        %shift_right_logical3A_1341 = vector.broadcast %shift_right_logical3A_1340 : i32 to vector<16xi32>
        %shift_right_logical3A_1342 = arith.shrui %xor3A_1335, %shift_right_logical3A_1341 : vector<16xi32>
        %or3A_1343 = arith.ori %shift_left3A_1339, %shift_right_logical3A_1342 : vector<16xi32>
        %xor3A_1344 = arith.xori %or3A_1343, %add3A_1336 : vector<16xi32>
        %add3A_1345 = arith.addi %add3A_1336, %xor3A_1344 : vector<16xi32>
        %shift_left3A_1346 = arith.constant 16 : i32
        %shift_left3A_1347 = vector.broadcast %shift_left3A_1346 : i32 to vector<16xi32>
        %shift_left3A_1348 = arith.shli %xor3A_1344, %shift_left3A_1347 : vector<16xi32>
        %shift_right_logical3A_1349 = arith.constant 16 : i32
        %shift_right_logical3A_1350 = vector.broadcast %shift_right_logical3A_1349 : i32 to vector<16xi32>
        %shift_right_logical3A_1351 = arith.shrui %xor3A_1344, %shift_right_logical3A_1350 : vector<16xi32>
        %or3A_1352 = arith.ori %shift_left3A_1348, %shift_right_logical3A_1351 : vector<16xi32>
        %xor3A_1353 = arith.xori %or3A_1352, %add3A_1345 : vector<16xi32>
        %add3A_1354 = arith.addi %add3A_1345, %xor3A_1353 : vector<16xi32>
        %shift_left3A_1355 = arith.constant 24 : i32
        %shift_left3A_1356 = vector.broadcast %shift_left3A_1355 : i32 to vector<16xi32>
        %shift_left3A_1357 = arith.shli %xor3A_1353, %shift_left3A_1356 : vector<16xi32>
        %shift_right_logical3A_1358 = arith.constant 8 : i32
        %shift_right_logical3A_1359 = vector.broadcast %shift_right_logical3A_1358 : i32 to vector<16xi32>
        %shift_right_logical3A_1360 = arith.shrui %xor3A_1353, %shift_right_logical3A_1359 : vector<16xi32>
        %or3A_1361 = arith.ori %shift_left3A_1357, %shift_right_logical3A_1360 : vector<16xi32>
        %xor3A_1362 = arith.xori %or3A_1361, %add3A_1354 : vector<16xi32>
        %add3A_1363 = arith.addi %add3A_1354, %xor3A_1282 : vector<16xi32>
        %add3A_1364 = arith.addi %xor3A_1362, %get3A_116 : vector<16xi32>
        %add3A_1365 = arith.constant 2 : i32
        %add3A_1366 = vector.broadcast %add3A_1365 : i32 to vector<16xi32>
        %add3A_1367 = arith.addi %add3A_1364, %add3A_1366 : vector<16xi32>
        %add3A_1368 = arith.addi %add3A_1363, %add3A_1367 : vector<16xi32>
        %shift_left3A_1369 = arith.constant 13 : i32
        %shift_left3A_1370 = vector.broadcast %shift_left3A_1369 : i32 to vector<16xi32>
        %shift_left3A_1371 = arith.shli %add3A_1367, %shift_left3A_1370 : vector<16xi32>
        %shift_right_logical3A_1372 = arith.constant 19 : i32
        %shift_right_logical3A_1373 = vector.broadcast %shift_right_logical3A_1372 : i32 to vector<16xi32>
        %shift_right_logical3A_1374 = arith.shrui %add3A_1367, %shift_right_logical3A_1373 : vector<16xi32>
        %or3A_1375 = arith.ori %shift_left3A_1371, %shift_right_logical3A_1374 : vector<16xi32>
        %xor3A_1376 = arith.xori %or3A_1375, %add3A_1368 : vector<16xi32>
        %add3A_1377 = arith.addi %add3A_1368, %xor3A_1376 : vector<16xi32>
        %shift_left3A_1378 = arith.constant 15 : i32
        %shift_left3A_1379 = vector.broadcast %shift_left3A_1378 : i32 to vector<16xi32>
        %shift_left3A_1380 = arith.shli %xor3A_1376, %shift_left3A_1379 : vector<16xi32>
        %shift_right_logical3A_1381 = arith.constant 17 : i32
        %shift_right_logical3A_1382 = vector.broadcast %shift_right_logical3A_1381 : i32 to vector<16xi32>
        %shift_right_logical3A_1383 = arith.shrui %xor3A_1376, %shift_right_logical3A_1382 : vector<16xi32>
        %or3A_1384 = arith.ori %shift_left3A_1380, %shift_right_logical3A_1383 : vector<16xi32>
        %xor3A_1385 = arith.xori %or3A_1384, %add3A_1377 : vector<16xi32>
        %add3A_1386 = arith.addi %add3A_1377, %xor3A_1385 : vector<16xi32>
        %shift_left3A_1387 = arith.constant 26 : i32
        %shift_left3A_1388 = vector.broadcast %shift_left3A_1387 : i32 to vector<16xi32>
        %shift_left3A_1389 = arith.shli %xor3A_1385, %shift_left3A_1388 : vector<16xi32>
        %shift_right_logical3A_1390 = arith.constant 6 : i32
        %shift_right_logical3A_1391 = vector.broadcast %shift_right_logical3A_1390 : i32 to vector<16xi32>
        %shift_right_logical3A_1392 = arith.shrui %xor3A_1385, %shift_right_logical3A_1391 : vector<16xi32>
        %or3A_1393 = arith.ori %shift_left3A_1389, %shift_right_logical3A_1392 : vector<16xi32>
        %xor3A_1394 = arith.xori %or3A_1393, %add3A_1386 : vector<16xi32>
        %add3A_1395 = arith.addi %add3A_1386, %xor3A_1394 : vector<16xi32>
        %shift_left3A_1396 = arith.constant 6 : i32
        %shift_left3A_1397 = vector.broadcast %shift_left3A_1396 : i32 to vector<16xi32>
        %shift_left3A_1398 = arith.shli %xor3A_1394, %shift_left3A_1397 : vector<16xi32>
        %shift_right_logical3A_1399 = arith.constant 26 : i32
        %shift_right_logical3A_1400 = vector.broadcast %shift_right_logical3A_1399 : i32 to vector<16xi32>
        %shift_right_logical3A_1401 = arith.shrui %xor3A_1394, %shift_right_logical3A_1400 : vector<16xi32>
        %or3A_1402 = arith.ori %shift_left3A_1398, %shift_right_logical3A_1401 : vector<16xi32>
        %xor3A_1403 = arith.xori %or3A_1402, %add3A_1395 : vector<16xi32>
        %add3A_1404 = arith.addi %add3A_1395, %get3A_116 : vector<16xi32>
        %add3A_1405 = arith.addi %xor3A_1403, %get3A_122 : vector<16xi32>
        %add3A_1406 = arith.constant 3 : i32
        %add3A_1407 = vector.broadcast %add3A_1406 : i32 to vector<16xi32>
        %add3A_1408 = arith.addi %add3A_1405, %add3A_1407 : vector<16xi32>
        %add3A_1409 = arith.addi %add3A_1404, %add3A_1408 : vector<16xi32>
        %shift_left3A_1410 = arith.constant 17 : i32
        %shift_left3A_1411 = vector.broadcast %shift_left3A_1410 : i32 to vector<16xi32>
        %shift_left3A_1412 = arith.shli %add3A_1408, %shift_left3A_1411 : vector<16xi32>
        %shift_right_logical3A_1413 = arith.constant 15 : i32
        %shift_right_logical3A_1414 = vector.broadcast %shift_right_logical3A_1413 : i32 to vector<16xi32>
        %shift_right_logical3A_1415 = arith.shrui %add3A_1408, %shift_right_logical3A_1414 : vector<16xi32>
        %or3A_1416 = arith.ori %shift_left3A_1412, %shift_right_logical3A_1415 : vector<16xi32>
        %xor3A_1417 = arith.xori %or3A_1416, %add3A_1409 : vector<16xi32>
        %add3A_1418 = arith.addi %add3A_1409, %xor3A_1417 : vector<16xi32>
        %shift_left3A_1419 = arith.constant 29 : i32
        %shift_left3A_1420 = vector.broadcast %shift_left3A_1419 : i32 to vector<16xi32>
        %shift_left3A_1421 = arith.shli %xor3A_1417, %shift_left3A_1420 : vector<16xi32>
        %shift_right_logical3A_1422 = arith.constant 3 : i32
        %shift_right_logical3A_1423 = vector.broadcast %shift_right_logical3A_1422 : i32 to vector<16xi32>
        %shift_right_logical3A_1424 = arith.shrui %xor3A_1417, %shift_right_logical3A_1423 : vector<16xi32>
        %or3A_1425 = arith.ori %shift_left3A_1421, %shift_right_logical3A_1424 : vector<16xi32>
        %xor3A_1426 = arith.xori %or3A_1425, %add3A_1418 : vector<16xi32>
        %add3A_1427 = arith.addi %add3A_1418, %xor3A_1426 : vector<16xi32>
        %shift_left3A_1428 = arith.constant 16 : i32
        %shift_left3A_1429 = vector.broadcast %shift_left3A_1428 : i32 to vector<16xi32>
        %shift_left3A_1430 = arith.shli %xor3A_1426, %shift_left3A_1429 : vector<16xi32>
        %shift_right_logical3A_1431 = arith.constant 16 : i32
        %shift_right_logical3A_1432 = vector.broadcast %shift_right_logical3A_1431 : i32 to vector<16xi32>
        %shift_right_logical3A_1433 = arith.shrui %xor3A_1426, %shift_right_logical3A_1432 : vector<16xi32>
        %or3A_1434 = arith.ori %shift_left3A_1430, %shift_right_logical3A_1433 : vector<16xi32>
        %xor3A_1435 = arith.xori %or3A_1434, %add3A_1427 : vector<16xi32>
        %add3A_1436 = arith.addi %add3A_1427, %xor3A_1435 : vector<16xi32>
        %shift_left3A_1437 = arith.constant 24 : i32
        %shift_left3A_1438 = vector.broadcast %shift_left3A_1437 : i32 to vector<16xi32>
        %shift_left3A_1439 = arith.shli %xor3A_1435, %shift_left3A_1438 : vector<16xi32>
        %shift_right_logical3A_1440 = arith.constant 8 : i32
        %shift_right_logical3A_1441 = vector.broadcast %shift_right_logical3A_1440 : i32 to vector<16xi32>
        %shift_right_logical3A_1442 = arith.shrui %xor3A_1435, %shift_right_logical3A_1441 : vector<16xi32>
        %or3A_1443 = arith.ori %shift_left3A_1439, %shift_right_logical3A_1442 : vector<16xi32>
        %xor3A_1444 = arith.xori %or3A_1443, %add3A_1436 : vector<16xi32>
        %add3A_1445 = arith.addi %add3A_1436, %get3A_122 : vector<16xi32>
        %add3A_1446 = arith.addi %xor3A_1444, %xor3A_1282 : vector<16xi32>
        %add3A_1447 = arith.constant 4 : i32
        %add3A_1448 = vector.broadcast %add3A_1447 : i32 to vector<16xi32>
        %add3A_1449 = arith.addi %add3A_1446, %add3A_1448 : vector<16xi32>
        %add3A_1450 = arith.addi %add3A_1445, %add3A_1449 : vector<16xi32>
        %shift_left3A_1451 = arith.constant 13 : i32
        %shift_left3A_1452 = vector.broadcast %shift_left3A_1451 : i32 to vector<16xi32>
        %shift_left3A_1453 = arith.shli %add3A_1449, %shift_left3A_1452 : vector<16xi32>
        %shift_right_logical3A_1454 = arith.constant 19 : i32
        %shift_right_logical3A_1455 = vector.broadcast %shift_right_logical3A_1454 : i32 to vector<16xi32>
        %shift_right_logical3A_1456 = arith.shrui %add3A_1449, %shift_right_logical3A_1455 : vector<16xi32>
        %or3A_1457 = arith.ori %shift_left3A_1453, %shift_right_logical3A_1456 : vector<16xi32>
        %xor3A_1458 = arith.xori %or3A_1457, %add3A_1450 : vector<16xi32>
        %add3A_1459 = arith.addi %add3A_1450, %xor3A_1458 : vector<16xi32>
        %shift_left3A_1460 = arith.constant 15 : i32
        %shift_left3A_1461 = vector.broadcast %shift_left3A_1460 : i32 to vector<16xi32>
        %shift_left3A_1462 = arith.shli %xor3A_1458, %shift_left3A_1461 : vector<16xi32>
        %shift_right_logical3A_1463 = arith.constant 17 : i32
        %shift_right_logical3A_1464 = vector.broadcast %shift_right_logical3A_1463 : i32 to vector<16xi32>
        %shift_right_logical3A_1465 = arith.shrui %xor3A_1458, %shift_right_logical3A_1464 : vector<16xi32>
        %or3A_1466 = arith.ori %shift_left3A_1462, %shift_right_logical3A_1465 : vector<16xi32>
        %xor3A_1467 = arith.xori %or3A_1466, %add3A_1459 : vector<16xi32>
        %add3A_1468 = arith.addi %add3A_1459, %xor3A_1467 : vector<16xi32>
        %shift_left3A_1469 = arith.constant 26 : i32
        %shift_left3A_1470 = vector.broadcast %shift_left3A_1469 : i32 to vector<16xi32>
        %shift_left3A_1471 = arith.shli %xor3A_1467, %shift_left3A_1470 : vector<16xi32>
        %shift_right_logical3A_1472 = arith.constant 6 : i32
        %shift_right_logical3A_1473 = vector.broadcast %shift_right_logical3A_1472 : i32 to vector<16xi32>
        %shift_right_logical3A_1474 = arith.shrui %xor3A_1467, %shift_right_logical3A_1473 : vector<16xi32>
        %or3A_1475 = arith.ori %shift_left3A_1471, %shift_right_logical3A_1474 : vector<16xi32>
        %xor3A_1476 = arith.xori %or3A_1475, %add3A_1468 : vector<16xi32>
        %add3A_1477 = arith.addi %add3A_1468, %xor3A_1476 : vector<16xi32>
        %shift_left3A_1478 = arith.constant 6 : i32
        %shift_left3A_1479 = vector.broadcast %shift_left3A_1478 : i32 to vector<16xi32>
        %shift_left3A_1480 = arith.shli %xor3A_1476, %shift_left3A_1479 : vector<16xi32>
        %shift_right_logical3A_1481 = arith.constant 26 : i32
        %shift_right_logical3A_1482 = vector.broadcast %shift_right_logical3A_1481 : i32 to vector<16xi32>
        %shift_right_logical3A_1483 = arith.shrui %xor3A_1476, %shift_right_logical3A_1482 : vector<16xi32>
        %or3A_1484 = arith.ori %shift_left3A_1480, %shift_right_logical3A_1483 : vector<16xi32>
        %xor3A_1485 = arith.xori %or3A_1484, %add3A_1477 : vector<16xi32>
        %add3A_1486 = arith.addi %add3A_1477, %xor3A_1282 : vector<16xi32>
        %add3A_1487 = arith.addi %xor3A_1485, %get3A_116 : vector<16xi32>
        %add3A_1488 = arith.constant 5 : i32
        %add3A_1489 = vector.broadcast %add3A_1488 : i32 to vector<16xi32>
        %add3A_1490 = arith.addi %add3A_1487, %add3A_1489 : vector<16xi32>
        %xor3A_1491 = arith.xori %add3A_1486, %add3A_1490 : vector<16xi32>
        %mul3A_1492 = arith.constant 16 : i32
        %mul3A_1493 = arith.muli %scan3A_1272, %mul3A_1492 : i32
        %multiple_of3A_1494 = tpu.assume_multiple %mul3A_1493, 16 : i32
        %swap3A_1495 = arith.index_cast %multiple_of3A_1494 : i32 to index
        %swap3A_1496 = tpu.vector_load %arg6[%swap3A_1495] {strides = array<i32>} : memref<8192xi32, #tpu.memory_space<vmem>>, vector<16xi32>,
        %swap3A_1497 = vector.shape_cast %swap3A_1496 : vector<16xi32> to vector<16xi32>
        %swap3A_1498 = vector.shape_cast %xor3A_1491 : vector<16xi32> to vector<16xi32>
        tpu.vector_store %arg6[%swap3A_1495], %swap3A_1498 {strides = array<i32>} : memref<8192xi32, #tpu.memory_space<vmem>>, vector<16xi32>,
        %scan3A_1499 = arith.constant 6 : i32
        %scan3A_1500 = arith.addi %scan3A_139, %scan3A_1499 : i32
        %mul3A_1501 = arith.constant 16 : i32
        %mul3A_1502 = arith.muli %scan3A_1500, %mul3A_1501 : i32
        %add3A_1503 = arith.addi %add3A_126, %mul3A_1502 : i32
        %add3A_1504 = vector.broadcast %add3A_1503 : i32 to vector<16xi32>
        %add3A_1505 = arith.addi %iota3A, %add3A_1504 : vector<16xi32>
        %add3A_1506 = arith.addi %add3A_1505, %get3A_122 : vector<16xi32>
        %xor3A_1507 = arith.xori %get3A_116, %get3A_122 : vector<16xi32>
        %xor3A_1508 = arith.constant 466688986 : i32
        %xor3A_1509 = vector.broadcast %xor3A_1508 : i32 to vector<16xi32>
        %xor3A_1510 = arith.xori %xor3A_1507, %xor3A_1509 : vector<16xi32>
        %broadcast_in_dim3A_1511 = arith.constant 0 : i32
        %broadcast_in_dim3A_1512 = vector.broadcast %broadcast_in_dim3A_1511 : i32 to vector<16xi32>
        %add3A_1513 = arith.addi %broadcast_in_dim3A_1512, %get3A_116 : vector<16xi32>
        %add3A_1514 = arith.addi %add3A_1513, %add3A_1506 : vector<16xi32>
        %shift_left3A_1515 = arith.constant 13 : i32
        %shift_left3A_1516 = vector.broadcast %shift_left3A_1515 : i32 to vector<16xi32>
        %shift_left3A_1517 = arith.shli %add3A_1506, %shift_left3A_1516 : vector<16xi32>
        %shift_right_logical3A_1518 = arith.constant 19 : i32
        %shift_right_logical3A_1519 = vector.broadcast %shift_right_logical3A_1518 : i32 to vector<16xi32>
        %shift_right_logical3A_1520 = arith.shrui %add3A_1506, %shift_right_logical3A_1519 : vector<16xi32>
        %or3A_1521 = arith.ori %shift_left3A_1517, %shift_right_logical3A_1520 : vector<16xi32>
        %xor3A_1522 = arith.xori %or3A_1521, %add3A_1514 : vector<16xi32>
        %add3A_1523 = arith.addi %add3A_1514, %xor3A_1522 : vector<16xi32>
        %shift_left3A_1524 = arith.constant 15 : i32
        %shift_left3A_1525 = vector.broadcast %shift_left3A_1524 : i32 to vector<16xi32>
        %shift_left3A_1526 = arith.shli %xor3A_1522, %shift_left3A_1525 : vector<16xi32>
        %shift_right_logical3A_1527 = arith.constant 17 : i32
        %shift_right_logical3A_1528 = vector.broadcast %shift_right_logical3A_1527 : i32 to vector<16xi32>
        %shift_right_logical3A_1529 = arith.shrui %xor3A_1522, %shift_right_logical3A_1528 : vector<16xi32>
        %or3A_1530 = arith.ori %shift_left3A_1526, %shift_right_logical3A_1529 : vector<16xi32>
        %xor3A_1531 = arith.xori %or3A_1530, %add3A_1523 : vector<16xi32>
        %add3A_1532 = arith.addi %add3A_1523, %xor3A_1531 : vector<16xi32>
        %shift_left3A_1533 = arith.constant 26 : i32
        %shift_left3A_1534 = vector.broadcast %shift_left3A_1533 : i32 to vector<16xi32>
        %shift_left3A_1535 = arith.shli %xor3A_1531, %shift_left3A_1534 : vector<16xi32>
        %shift_right_logical3A_1536 = arith.constant 6 : i32
        %shift_right_logical3A_1537 = vector.broadcast %shift_right_logical3A_1536 : i32 to vector<16xi32>
        %shift_right_logical3A_1538 = arith.shrui %xor3A_1531, %shift_right_logical3A_1537 : vector<16xi32>
        %or3A_1539 = arith.ori %shift_left3A_1535, %shift_right_logical3A_1538 : vector<16xi32>
        %xor3A_1540 = arith.xori %or3A_1539, %add3A_1532 : vector<16xi32>
        %add3A_1541 = arith.addi %add3A_1532, %xor3A_1540 : vector<16xi32>
        %shift_left3A_1542 = arith.constant 6 : i32
        %shift_left3A_1543 = vector.broadcast %shift_left3A_1542 : i32 to vector<16xi32>
        %shift_left3A_1544 = arith.shli %xor3A_1540, %shift_left3A_1543 : vector<16xi32>
        %shift_right_logical3A_1545 = arith.constant 26 : i32
        %shift_right_logical3A_1546 = vector.broadcast %shift_right_logical3A_1545 : i32 to vector<16xi32>
        %shift_right_logical3A_1547 = arith.shrui %xor3A_1540, %shift_right_logical3A_1546 : vector<16xi32>
        %or3A_1548 = arith.ori %shift_left3A_1544, %shift_right_logical3A_1547 : vector<16xi32>
        %xor3A_1549 = arith.xori %or3A_1548, %add3A_1541 : vector<16xi32>
        %add3A_1550 = arith.addi %add3A_1541, %get3A_122 : vector<16xi32>
        %add3A_1551 = arith.addi %xor3A_1549, %xor3A_1510 : vector<16xi32>
        %add3A_1552 = arith.constant 1 : i32
        %add3A_1553 = vector.broadcast %add3A_1552 : i32 to vector<16xi32>
        %add3A_1554 = arith.addi %add3A_1551, %add3A_1553 : vector<16xi32>
        %add3A_1555 = arith.addi %add3A_1550, %add3A_1554 : vector<16xi32>
        %shift_left3A_1556 = arith.constant 17 : i32
        %shift_left3A_1557 = vector.broadcast %shift_left3A_1556 : i32 to vector<16xi32>
        %shift_left3A_1558 = arith.shli %add3A_1554, %shift_left3A_1557 : vector<16xi32>
        %shift_right_logical3A_1559 = arith.constant 15 : i32
        %shift_right_logical3A_1560 = vector.broadcast %shift_right_logical3A_1559 : i32 to vector<16xi32>
        %shift_right_logical3A_1561 = arith.shrui %add3A_1554, %shift_right_logical3A_1560 : vector<16xi32>
        %or3A_1562 = arith.ori %shift_left3A_1558, %shift_right_logical3A_1561 : vector<16xi32>
        %xor3A_1563 = arith.xori %or3A_1562, %add3A_1555 : vector<16xi32>
        %add3A_1564 = arith.addi %add3A_1555, %xor3A_1563 : vector<16xi32>
        %shift_left3A_1565 = arith.constant 29 : i32
        %shift_left3A_1566 = vector.broadcast %shift_left3A_1565 : i32 to vector<16xi32>
        %shift_left3A_1567 = arith.shli %xor3A_1563, %shift_left3A_1566 : vector<16xi32>
        %shift_right_logical3A_1568 = arith.constant 3 : i32
        %shift_right_logical3A_1569 = vector.broadcast %shift_right_logical3A_1568 : i32 to vector<16xi32>
        %shift_right_logical3A_1570 = arith.shrui %xor3A_1563, %shift_right_logical3A_1569 : vector<16xi32>
        %or3A_1571 = arith.ori %shift_left3A_1567, %shift_right_logical3A_1570 : vector<16xi32>
        %xor3A_1572 = arith.xori %or3A_1571, %add3A_1564 : vector<16xi32>
        %add3A_1573 = arith.addi %add3A_1564, %xor3A_1572 : vector<16xi32>
        %shift_left3A_1574 = arith.constant 16 : i32
        %shift_left3A_1575 = vector.broadcast %shift_left3A_1574 : i32 to vector<16xi32>
        %shift_left3A_1576 = arith.shli %xor3A_1572, %shift_left3A_1575 : vector<16xi32>
        %shift_right_logical3A_1577 = arith.constant 16 : i32
        %shift_right_logical3A_1578 = vector.broadcast %shift_right_logical3A_1577 : i32 to vector<16xi32>
        %shift_right_logical3A_1579 = arith.shrui %xor3A_1572, %shift_right_logical3A_1578 : vector<16xi32>
        %or3A_1580 = arith.ori %shift_left3A_1576, %shift_right_logical3A_1579 : vector<16xi32>
        %xor3A_1581 = arith.xori %or3A_1580, %add3A_1573 : vector<16xi32>
        %add3A_1582 = arith.addi %add3A_1573, %xor3A_1581 : vector<16xi32>
        %shift_left3A_1583 = arith.constant 24 : i32
        %shift_left3A_1584 = vector.broadcast %shift_left3A_1583 : i32 to vector<16xi32>
        %shift_left3A_1585 = arith.shli %xor3A_1581, %shift_left3A_1584 : vector<16xi32>
        %shift_right_logical3A_1586 = arith.constant 8 : i32
        %shift_right_logical3A_1587 = vector.broadcast %shift_right_logical3A_1586 : i32 to vector<16xi32>
        %shift_right_logical3A_1588 = arith.shrui %xor3A_1581, %shift_right_logical3A_1587 : vector<16xi32>
        %or3A_1589 = arith.ori %shift_left3A_1585, %shift_right_logical3A_1588 : vector<16xi32>
        %xor3A_1590 = arith.xori %or3A_1589, %add3A_1582 : vector<16xi32>
        %add3A_1591 = arith.addi %add3A_1582, %xor3A_1510 : vector<16xi32>
        %add3A_1592 = arith.addi %xor3A_1590, %get3A_116 : vector<16xi32>
        %add3A_1593 = arith.constant 2 : i32
        %add3A_1594 = vector.broadcast %add3A_1593 : i32 to vector<16xi32>
        %add3A_1595 = arith.addi %add3A_1592, %add3A_1594 : vector<16xi32>
        %add3A_1596 = arith.addi %add3A_1591, %add3A_1595 : vector<16xi32>
        %shift_left3A_1597 = arith.constant 13 : i32
        %shift_left3A_1598 = vector.broadcast %shift_left3A_1597 : i32 to vector<16xi32>
        %shift_left3A_1599 = arith.shli %add3A_1595, %shift_left3A_1598 : vector<16xi32>
        %shift_right_logical3A_1600 = arith.constant 19 : i32
        %shift_right_logical3A_1601 = vector.broadcast %shift_right_logical3A_1600 : i32 to vector<16xi32>
        %shift_right_logical3A_1602 = arith.shrui %add3A_1595, %shift_right_logical3A_1601 : vector<16xi32>
        %or3A_1603 = arith.ori %shift_left3A_1599, %shift_right_logical3A_1602 : vector<16xi32>
        %xor3A_1604 = arith.xori %or3A_1603, %add3A_1596 : vector<16xi32>
        %add3A_1605 = arith.addi %add3A_1596, %xor3A_1604 : vector<16xi32>
        %shift_left3A_1606 = arith.constant 15 : i32
        %shift_left3A_1607 = vector.broadcast %shift_left3A_1606 : i32 to vector<16xi32>
        %shift_left3A_1608 = arith.shli %xor3A_1604, %shift_left3A_1607 : vector<16xi32>
        %shift_right_logical3A_1609 = arith.constant 17 : i32
        %shift_right_logical3A_1610 = vector.broadcast %shift_right_logical3A_1609 : i32 to vector<16xi32>
        %shift_right_logical3A_1611 = arith.shrui %xor3A_1604, %shift_right_logical3A_1610 : vector<16xi32>
        %or3A_1612 = arith.ori %shift_left3A_1608, %shift_right_logical3A_1611 : vector<16xi32>
        %xor3A_1613 = arith.xori %or3A_1612, %add3A_1605 : vector<16xi32>
        %add3A_1614 = arith.addi %add3A_1605, %xor3A_1613 : vector<16xi32>
        %shift_left3A_1615 = arith.constant 26 : i32
        %shift_left3A_1616 = vector.broadcast %shift_left3A_1615 : i32 to vector<16xi32>
        %shift_left3A_1617 = arith.shli %xor3A_1613, %shift_left3A_1616 : vector<16xi32>
        %shift_right_logical3A_1618 = arith.constant 6 : i32
        %shift_right_logical3A_1619 = vector.broadcast %shift_right_logical3A_1618 : i32 to vector<16xi32>
        %shift_right_logical3A_1620 = arith.shrui %xor3A_1613, %shift_right_logical3A_1619 : vector<16xi32>
        %or3A_1621 = arith.ori %shift_left3A_1617, %shift_right_logical3A_1620 : vector<16xi32>
        %xor3A_1622 = arith.xori %or3A_1621, %add3A_1614 : vector<16xi32>
        %add3A_1623 = arith.addi %add3A_1614, %xor3A_1622 : vector<16xi32>
        %shift_left3A_1624 = arith.constant 6 : i32
        %shift_left3A_1625 = vector.broadcast %shift_left3A_1624 : i32 to vector<16xi32>
        %shift_left3A_1626 = arith.shli %xor3A_1622, %shift_left3A_1625 : vector<16xi32>
        %shift_right_logical3A_1627 = arith.constant 26 : i32
        %shift_right_logical3A_1628 = vector.broadcast %shift_right_logical3A_1627 : i32 to vector<16xi32>
        %shift_right_logical3A_1629 = arith.shrui %xor3A_1622, %shift_right_logical3A_1628 : vector<16xi32>
        %or3A_1630 = arith.ori %shift_left3A_1626, %shift_right_logical3A_1629 : vector<16xi32>
        %xor3A_1631 = arith.xori %or3A_1630, %add3A_1623 : vector<16xi32>
        %add3A_1632 = arith.addi %add3A_1623, %get3A_116 : vector<16xi32>
        %add3A_1633 = arith.addi %xor3A_1631, %get3A_122 : vector<16xi32>
        %add3A_1634 = arith.constant 3 : i32
        %add3A_1635 = vector.broadcast %add3A_1634 : i32 to vector<16xi32>
        %add3A_1636 = arith.addi %add3A_1633, %add3A_1635 : vector<16xi32>
        %add3A_1637 = arith.addi %add3A_1632, %add3A_1636 : vector<16xi32>
        %shift_left3A_1638 = arith.constant 17 : i32
        %shift_left3A_1639 = vector.broadcast %shift_left3A_1638 : i32 to vector<16xi32>
        %shift_left3A_1640 = arith.shli %add3A_1636, %shift_left3A_1639 : vector<16xi32>
        %shift_right_logical3A_1641 = arith.constant 15 : i32
        %shift_right_logical3A_1642 = vector.broadcast %shift_right_logical3A_1641 : i32 to vector<16xi32>
        %shift_right_logical3A_1643 = arith.shrui %add3A_1636, %shift_right_logical3A_1642 : vector<16xi32>
        %or3A_1644 = arith.ori %shift_left3A_1640, %shift_right_logical3A_1643 : vector<16xi32>
        %xor3A_1645 = arith.xori %or3A_1644, %add3A_1637 : vector<16xi32>
        %add3A_1646 = arith.addi %add3A_1637, %xor3A_1645 : vector<16xi32>
        %shift_left3A_1647 = arith.constant 29 : i32
        %shift_left3A_1648 = vector.broadcast %shift_left3A_1647 : i32 to vector<16xi32>
        %shift_left3A_1649 = arith.shli %xor3A_1645, %shift_left3A_1648 : vector<16xi32>
        %shift_right_logical3A_1650 = arith.constant 3 : i32
        %shift_right_logical3A_1651 = vector.broadcast %shift_right_logical3A_1650 : i32 to vector<16xi32>
        %shift_right_logical3A_1652 = arith.shrui %xor3A_1645, %shift_right_logical3A_1651 : vector<16xi32>
        %or3A_1653 = arith.ori %shift_left3A_1649, %shift_right_logical3A_1652 : vector<16xi32>
        %xor3A_1654 = arith.xori %or3A_1653, %add3A_1646 : vector<16xi32>
        %add3A_1655 = arith.addi %add3A_1646, %xor3A_1654 : vector<16xi32>
        %shift_left3A_1656 = arith.constant 16 : i32
        %shift_left3A_1657 = vector.broadcast %shift_left3A_1656 : i32 to vector<16xi32>
        %shift_left3A_1658 = arith.shli %xor3A_1654, %shift_left3A_1657 : vector<16xi32>
        %shift_right_logical3A_1659 = arith.constant 16 : i32
        %shift_right_logical3A_1660 = vector.broadcast %shift_right_logical3A_1659 : i32 to vector<16xi32>
        %shift_right_logical3A_1661 = arith.shrui %xor3A_1654, %shift_right_logical3A_1660 : vector<16xi32>
        %or3A_1662 = arith.ori %shift_left3A_1658, %shift_right_logical3A_1661 : vector<16xi32>
        %xor3A_1663 = arith.xori %or3A_1662, %add3A_1655 : vector<16xi32>
        %add3A_1664 = arith.addi %add3A_1655, %xor3A_1663 : vector<16xi32>
        %shift_left3A_1665 = arith.constant 24 : i32
        %shift_left3A_1666 = vector.broadcast %shift_left3A_1665 : i32 to vector<16xi32>
        %shift_left3A_1667 = arith.shli %xor3A_1663, %shift_left3A_1666 : vector<16xi32>
        %shift_right_logical3A_1668 = arith.constant 8 : i32
        %shift_right_logical3A_1669 = vector.broadcast %shift_right_logical3A_1668 : i32 to vector<16xi32>
        %shift_right_logical3A_1670 = arith.shrui %xor3A_1663, %shift_right_logical3A_1669 : vector<16xi32>
        %or3A_1671 = arith.ori %shift_left3A_1667, %shift_right_logical3A_1670 : vector<16xi32>
        %xor3A_1672 = arith.xori %or3A_1671, %add3A_1664 : vector<16xi32>
        %add3A_1673 = arith.addi %add3A_1664, %get3A_122 : vector<16xi32>
        %add3A_1674 = arith.addi %xor3A_1672, %xor3A_1510 : vector<16xi32>
        %add3A_1675 = arith.constant 4 : i32
        %add3A_1676 = vector.broadcast %add3A_1675 : i32 to vector<16xi32>
        %add3A_1677 = arith.addi %add3A_1674, %add3A_1676 : vector<16xi32>
        %add3A_1678 = arith.addi %add3A_1673, %add3A_1677 : vector<16xi32>
        %shift_left3A_1679 = arith.constant 13 : i32
        %shift_left3A_1680 = vector.broadcast %shift_left3A_1679 : i32 to vector<16xi32>
        %shift_left3A_1681 = arith.shli %add3A_1677, %shift_left3A_1680 : vector<16xi32>
        %shift_right_logical3A_1682 = arith.constant 19 : i32
        %shift_right_logical3A_1683 = vector.broadcast %shift_right_logical3A_1682 : i32 to vector<16xi32>
        %shift_right_logical3A_1684 = arith.shrui %add3A_1677, %shift_right_logical3A_1683 : vector<16xi32>
        %or3A_1685 = arith.ori %shift_left3A_1681, %shift_right_logical3A_1684 : vector<16xi32>
        %xor3A_1686 = arith.xori %or3A_1685, %add3A_1678 : vector<16xi32>
        %add3A_1687 = arith.addi %add3A_1678, %xor3A_1686 : vector<16xi32>
        %shift_left3A_1688 = arith.constant 15 : i32
        %shift_left3A_1689 = vector.broadcast %shift_left3A_1688 : i32 to vector<16xi32>
        %shift_left3A_1690 = arith.shli %xor3A_1686, %shift_left3A_1689 : vector<16xi32>
        %shift_right_logical3A_1691 = arith.constant 17 : i32
        %shift_right_logical3A_1692 = vector.broadcast %shift_right_logical3A_1691 : i32 to vector<16xi32>
        %shift_right_logical3A_1693 = arith.shrui %xor3A_1686, %shift_right_logical3A_1692 : vector<16xi32>
        %or3A_1694 = arith.ori %shift_left3A_1690, %shift_right_logical3A_1693 : vector<16xi32>
        %xor3A_1695 = arith.xori %or3A_1694, %add3A_1687 : vector<16xi32>
        %add3A_1696 = arith.addi %add3A_1687, %xor3A_1695 : vector<16xi32>
        %shift_left3A_1697 = arith.constant 26 : i32
        %shift_left3A_1698 = vector.broadcast %shift_left3A_1697 : i32 to vector<16xi32>
        %shift_left3A_1699 = arith.shli %xor3A_1695, %shift_left3A_1698 : vector<16xi32>
        %shift_right_logical3A_1700 = arith.constant 6 : i32
        %shift_right_logical3A_1701 = vector.broadcast %shift_right_logical3A_1700 : i32 to vector<16xi32>
        %shift_right_logical3A_1702 = arith.shrui %xor3A_1695, %shift_right_logical3A_1701 : vector<16xi32>
        %or3A_1703 = arith.ori %shift_left3A_1699, %shift_right_logical3A_1702 : vector<16xi32>
        %xor3A_1704 = arith.xori %or3A_1703, %add3A_1696 : vector<16xi32>
        %add3A_1705 = arith.addi %add3A_1696, %xor3A_1704 : vector<16xi32>
        %shift_left3A_1706 = arith.constant 6 : i32
        %shift_left3A_1707 = vector.broadcast %shift_left3A_1706 : i32 to vector<16xi32>
        %shift_left3A_1708 = arith.shli %xor3A_1704, %shift_left3A_1707 : vector<16xi32>
        %shift_right_logical3A_1709 = arith.constant 26 : i32
        %shift_right_logical3A_1710 = vector.broadcast %shift_right_logical3A_1709 : i32 to vector<16xi32>
        %shift_right_logical3A_1711 = arith.shrui %xor3A_1704, %shift_right_logical3A_1710 : vector<16xi32>
        %or3A_1712 = arith.ori %shift_left3A_1708, %shift_right_logical3A_1711 : vector<16xi32>
        %xor3A_1713 = arith.xori %or3A_1712, %add3A_1705 : vector<16xi32>
        %add3A_1714 = arith.addi %add3A_1705, %xor3A_1510 : vector<16xi32>
        %add3A_1715 = arith.addi %xor3A_1713, %get3A_116 : vector<16xi32>
        %add3A_1716 = arith.constant 5 : i32
        %add3A_1717 = vector.broadcast %add3A_1716 : i32 to vector<16xi32>
        %add3A_1718 = arith.addi %add3A_1715, %add3A_1717 : vector<16xi32>
        %xor3A_1719 = arith.xori %add3A_1714, %add3A_1718 : vector<16xi32>
        %mul3A_1720 = arith.constant 16 : i32
        %mul3A_1721 = arith.muli %scan3A_1500, %mul3A_1720 : i32
        %multiple_of3A_1722 = tpu.assume_multiple %mul3A_1721, 16 : i32
        %swap3A_1723 = arith.index_cast %multiple_of3A_1722 : i32 to index
        %swap3A_1724 = tpu.vector_load %arg6[%swap3A_1723] {strides = array<i32>} : memref<8192xi32, #tpu.memory_space<vmem>>, vector<16xi32>,
        %swap3A_1725 = vector.shape_cast %swap3A_1724 : vector<16xi32> to vector<16xi32>
        %swap3A_1726 = vector.shape_cast %xor3A_1719 : vector<16xi32> to vector<16xi32>
        tpu.vector_store %arg6[%swap3A_1723], %swap3A_1726 {strides = array<i32>} : memref<8192xi32, #tpu.memory_space<vmem>>, vector<16xi32>,
        %scan3A_1727 = arith.constant 7 : i32
        %scan3A_1728 = arith.addi %scan3A_139, %scan3A_1727 : i32
        %mul3A_1729 = arith.constant 16 : i32
        %mul3A_1730 = arith.muli %scan3A_1728, %mul3A_1729 : i32
        %add3A_1731 = arith.addi %add3A_126, %mul3A_1730 : i32
        %add3A_1732 = vector.broadcast %add3A_1731 : i32 to vector<16xi32>
        %add3A_1733 = arith.addi %iota3A, %add3A_1732 : vector<16xi32>
        %add3A_1734 = arith.addi %add3A_1733, %get3A_122 : vector<16xi32>
        %xor3A_1735 = arith.xori %get3A_116, %get3A_122 : vector<16xi32>
        %xor3A_1736 = arith.constant 466688986 : i32
        %xor3A_1737 = vector.broadcast %xor3A_1736 : i32 to vector<16xi32>
        %xor3A_1738 = arith.xori %xor3A_1735, %xor3A_1737 : vector<16xi32>
        %broadcast_in_dim3A_1739 = arith.constant 0 : i32
        %broadcast_in_dim3A_1740 = vector.broadcast %broadcast_in_dim3A_1739 : i32 to vector<16xi32>
        %add3A_1741 = arith.addi %broadcast_in_dim3A_1740, %get3A_116 : vector<16xi32>
        %add3A_1742 = arith.addi %add3A_1741, %add3A_1734 : vector<16xi32>
        %shift_left3A_1743 = arith.constant 13 : i32
        %shift_left3A_1744 = vector.broadcast %shift_left3A_1743 : i32 to vector<16xi32>
        %shift_left3A_1745 = arith.shli %add3A_1734, %shift_left3A_1744 : vector<16xi32>
        %shift_right_logical3A_1746 = arith.constant 19 : i32
        %shift_right_logical3A_1747 = vector.broadcast %shift_right_logical3A_1746 : i32 to vector<16xi32>
        %shift_right_logical3A_1748 = arith.shrui %add3A_1734, %shift_right_logical3A_1747 : vector<16xi32>
        %or3A_1749 = arith.ori %shift_left3A_1745, %shift_right_logical3A_1748 : vector<16xi32>
        %xor3A_1750 = arith.xori %or3A_1749, %add3A_1742 : vector<16xi32>
        %add3A_1751 = arith.addi %add3A_1742, %xor3A_1750 : vector<16xi32>
        %shift_left3A_1752 = arith.constant 15 : i32
        %shift_left3A_1753 = vector.broadcast %shift_left3A_1752 : i32 to vector<16xi32>
        %shift_left3A_1754 = arith.shli %xor3A_1750, %shift_left3A_1753 : vector<16xi32>
        %shift_right_logical3A_1755 = arith.constant 17 : i32
        %shift_right_logical3A_1756 = vector.broadcast %shift_right_logical3A_1755 : i32 to vector<16xi32>
        %shift_right_logical3A_1757 = arith.shrui %xor3A_1750, %shift_right_logical3A_1756 : vector<16xi32>
        %or3A_1758 = arith.ori %shift_left3A_1754, %shift_right_logical3A_1757 : vector<16xi32>
        %xor3A_1759 = arith.xori %or3A_1758, %add3A_1751 : vector<16xi32>
        %add3A_1760 = arith.addi %add3A_1751, %xor3A_1759 : vector<16xi32>
        %shift_left3A_1761 = arith.constant 26 : i32
        %shift_left3A_1762 = vector.broadcast %shift_left3A_1761 : i32 to vector<16xi32>
        %shift_left3A_1763 = arith.shli %xor3A_1759, %shift_left3A_1762 : vector<16xi32>
        %shift_right_logical3A_1764 = arith.constant 6 : i32
        %shift_right_logical3A_1765 = vector.broadcast %shift_right_logical3A_1764 : i32 to vector<16xi32>
        %shift_right_logical3A_1766 = arith.shrui %xor3A_1759, %shift_right_logical3A_1765 : vector<16xi32>
        %or3A_1767 = arith.ori %shift_left3A_1763, %shift_right_logical3A_1766 : vector<16xi32>
        %xor3A_1768 = arith.xori %or3A_1767, %add3A_1760 : vector<16xi32>
        %add3A_1769 = arith.addi %add3A_1760, %xor3A_1768 : vector<16xi32>
        %shift_left3A_1770 = arith.constant 6 : i32
        %shift_left3A_1771 = vector.broadcast %shift_left3A_1770 : i32 to vector<16xi32>
        %shift_left3A_1772 = arith.shli %xor3A_1768, %shift_left3A_1771 : vector<16xi32>
        %shift_right_logical3A_1773 = arith.constant 26 : i32
        %shift_right_logical3A_1774 = vector.broadcast %shift_right_logical3A_1773 : i32 to vector<16xi32>
        %shift_right_logical3A_1775 = arith.shrui %xor3A_1768, %shift_right_logical3A_1774 : vector<16xi32>
        %or3A_1776 = arith.ori %shift_left3A_1772, %shift_right_logical3A_1775 : vector<16xi32>
        %xor3A_1777 = arith.xori %or3A_1776, %add3A_1769 : vector<16xi32>
        %add3A_1778 = arith.addi %add3A_1769, %get3A_122 : vector<16xi32>
        %add3A_1779 = arith.addi %xor3A_1777, %xor3A_1738 : vector<16xi32>
        %add3A_1780 = arith.constant 1 : i32
        %add3A_1781 = vector.broadcast %add3A_1780 : i32 to vector<16xi32>
        %add3A_1782 = arith.addi %add3A_1779, %add3A_1781 : vector<16xi32>
        %add3A_1783 = arith.addi %add3A_1778, %add3A_1782 : vector<16xi32>
        %shift_left3A_1784 = arith.constant 17 : i32
        %shift_left3A_1785 = vector.broadcast %shift_left3A_1784 : i32 to vector<16xi32>
        %shift_left3A_1786 = arith.shli %add3A_1782, %shift_left3A_1785 : vector<16xi32>
        %shift_right_logical3A_1787 = arith.constant 15 : i32
        %shift_right_logical3A_1788 = vector.broadcast %shift_right_logical3A_1787 : i32 to vector<16xi32>
        %shift_right_logical3A_1789 = arith.shrui %add3A_1782, %shift_right_logical3A_1788 : vector<16xi32>
        %or3A_1790 = arith.ori %shift_left3A_1786, %shift_right_logical3A_1789 : vector<16xi32>
        %xor3A_1791 = arith.xori %or3A_1790, %add3A_1783 : vector<16xi32>
        %add3A_1792 = arith.addi %add3A_1783, %xor3A_1791 : vector<16xi32>
        %shift_left3A_1793 = arith.constant 29 : i32
        %shift_left3A_1794 = vector.broadcast %shift_left3A_1793 : i32 to vector<16xi32>
        %shift_left3A_1795 = arith.shli %xor3A_1791, %shift_left3A_1794 : vector<16xi32>
        %shift_right_logical3A_1796 = arith.constant 3 : i32
        %shift_right_logical3A_1797 = vector.broadcast %shift_right_logical3A_1796 : i32 to vector<16xi32>
        %shift_right_logical3A_1798 = arith.shrui %xor3A_1791, %shift_right_logical3A_1797 : vector<16xi32>
        %or3A_1799 = arith.ori %shift_left3A_1795, %shift_right_logical3A_1798 : vector<16xi32>
        %xor3A_1800 = arith.xori %or3A_1799, %add3A_1792 : vector<16xi32>
        %add3A_1801 = arith.addi %add3A_1792, %xor3A_1800 : vector<16xi32>
        %shift_left3A_1802 = arith.constant 16 : i32
        %shift_left3A_1803 = vector.broadcast %shift_left3A_1802 : i32 to vector<16xi32>
        %shift_left3A_1804 = arith.shli %xor3A_1800, %shift_left3A_1803 : vector<16xi32>
        %shift_right_logical3A_1805 = arith.constant 16 : i32
        %shift_right_logical3A_1806 = vector.broadcast %shift_right_logical3A_1805 : i32 to vector<16xi32>
        %shift_right_logical3A_1807 = arith.shrui %xor3A_1800, %shift_right_logical3A_1806 : vector<16xi32>
        %or3A_1808 = arith.ori %shift_left3A_1804, %shift_right_logical3A_1807 : vector<16xi32>
        %xor3A_1809 = arith.xori %or3A_1808, %add3A_1801 : vector<16xi32>
        %add3A_1810 = arith.addi %add3A_1801, %xor3A_1809 : vector<16xi32>
        %shift_left3A_1811 = arith.constant 24 : i32
        %shift_left3A_1812 = vector.broadcast %shift_left3A_1811 : i32 to vector<16xi32>
        %shift_left3A_1813 = arith.shli %xor3A_1809, %shift_left3A_1812 : vector<16xi32>
        %shift_right_logical3A_1814 = arith.constant 8 : i32
        %shift_right_logical3A_1815 = vector.broadcast %shift_right_logical3A_1814 : i32 to vector<16xi32>
        %shift_right_logical3A_1816 = arith.shrui %xor3A_1809, %shift_right_logical3A_1815 : vector<16xi32>
        %or3A_1817 = arith.ori %shift_left3A_1813, %shift_right_logical3A_1816 : vector<16xi32>
        %xor3A_1818 = arith.xori %or3A_1817, %add3A_1810 : vector<16xi32>
        %add3A_1819 = arith.addi %add3A_1810, %xor3A_1738 : vector<16xi32>
        %add3A_1820 = arith.addi %xor3A_1818, %get3A_116 : vector<16xi32>
        %add3A_1821 = arith.constant 2 : i32
        %add3A_1822 = vector.broadcast %add3A_1821 : i32 to vector<16xi32>
        %add3A_1823 = arith.addi %add3A_1820, %add3A_1822 : vector<16xi32>
        %add3A_1824 = arith.addi %add3A_1819, %add3A_1823 : vector<16xi32>
        %shift_left3A_1825 = arith.constant 13 : i32
        %shift_left3A_1826 = vector.broadcast %shift_left3A_1825 : i32 to vector<16xi32>
        %shift_left3A_1827 = arith.shli %add3A_1823, %shift_left3A_1826 : vector<16xi32>
        %shift_right_logical3A_1828 = arith.constant 19 : i32
        %shift_right_logical3A_1829 = vector.broadcast %shift_right_logical3A_1828 : i32 to vector<16xi32>
        %shift_right_logical3A_1830 = arith.shrui %add3A_1823, %shift_right_logical3A_1829 : vector<16xi32>
        %or3A_1831 = arith.ori %shift_left3A_1827, %shift_right_logical3A_1830 : vector<16xi32>
        %xor3A_1832 = arith.xori %or3A_1831, %add3A_1824 : vector<16xi32>
        %add3A_1833 = arith.addi %add3A_1824, %xor3A_1832 : vector<16xi32>
        %shift_left3A_1834 = arith.constant 15 : i32
        %shift_left3A_1835 = vector.broadcast %shift_left3A_1834 : i32 to vector<16xi32>
        %shift_left3A_1836 = arith.shli %xor3A_1832, %shift_left3A_1835 : vector<16xi32>
        %shift_right_logical3A_1837 = arith.constant 17 : i32
        %shift_right_logical3A_1838 = vector.broadcast %shift_right_logical3A_1837 : i32 to vector<16xi32>
        %shift_right_logical3A_1839 = arith.shrui %xor3A_1832, %shift_right_logical3A_1838 : vector<16xi32>
        %or3A_1840 = arith.ori %shift_left3A_1836, %shift_right_logical3A_1839 : vector<16xi32>
        %xor3A_1841 = arith.xori %or3A_1840, %add3A_1833 : vector<16xi32>
        %add3A_1842 = arith.addi %add3A_1833, %xor3A_1841 : vector<16xi32>
        %shift_left3A_1843 = arith.constant 26 : i32
        %shift_left3A_1844 = vector.broadcast %shift_left3A_1843 : i32 to vector<16xi32>
        %shift_left3A_1845 = arith.shli %xor3A_1841, %shift_left3A_1844 : vector<16xi32>
        %shift_right_logical3A_1846 = arith.constant 6 : i32
        %shift_right_logical3A_1847 = vector.broadcast %shift_right_logical3A_1846 : i32 to vector<16xi32>
        %shift_right_logical3A_1848 = arith.shrui %xor3A_1841, %shift_right_logical3A_1847 : vector<16xi32>
        %or3A_1849 = arith.ori %shift_left3A_1845, %shift_right_logical3A_1848 : vector<16xi32>
        %xor3A_1850 = arith.xori %or3A_1849, %add3A_1842 : vector<16xi32>
        %add3A_1851 = arith.addi %add3A_1842, %xor3A_1850 : vector<16xi32>
        %shift_left3A_1852 = arith.constant 6 : i32
        %shift_left3A_1853 = vector.broadcast %shift_left3A_1852 : i32 to vector<16xi32>
        %shift_left3A_1854 = arith.shli %xor3A_1850, %shift_left3A_1853 : vector<16xi32>
        %shift_right_logical3A_1855 = arith.constant 26 : i32
        %shift_right_logical3A_1856 = vector.broadcast %shift_right_logical3A_1855 : i32 to vector<16xi32>
        %shift_right_logical3A_1857 = arith.shrui %xor3A_1850, %shift_right_logical3A_1856 : vector<16xi32>
        %or3A_1858 = arith.ori %shift_left3A_1854, %shift_right_logical3A_1857 : vector<16xi32>
        %xor3A_1859 = arith.xori %or3A_1858, %add3A_1851 : vector<16xi32>
        %add3A_1860 = arith.addi %add3A_1851, %get3A_116 : vector<16xi32>
        %add3A_1861 = arith.addi %xor3A_1859, %get3A_122 : vector<16xi32>
        %add3A_1862 = arith.constant 3 : i32
        %add3A_1863 = vector.broadcast %add3A_1862 : i32 to vector<16xi32>
        %add3A_1864 = arith.addi %add3A_1861, %add3A_1863 : vector<16xi32>
        %add3A_1865 = arith.addi %add3A_1860, %add3A_1864 : vector<16xi32>
        %shift_left3A_1866 = arith.constant 17 : i32
        %shift_left3A_1867 = vector.broadcast %shift_left3A_1866 : i32 to vector<16xi32>
        %shift_left3A_1868 = arith.shli %add3A_1864, %shift_left3A_1867 : vector<16xi32>
        %shift_right_logical3A_1869 = arith.constant 15 : i32
        %shift_right_logical3A_1870 = vector.broadcast %shift_right_logical3A_1869 : i32 to vector<16xi32>
        %shift_right_logical3A_1871 = arith.shrui %add3A_1864, %shift_right_logical3A_1870 : vector<16xi32>
        %or3A_1872 = arith.ori %shift_left3A_1868, %shift_right_logical3A_1871 : vector<16xi32>
        %xor3A_1873 = arith.xori %or3A_1872, %add3A_1865 : vector<16xi32>
        %add3A_1874 = arith.addi %add3A_1865, %xor3A_1873 : vector<16xi32>
        %shift_left3A_1875 = arith.constant 29 : i32
        %shift_left3A_1876 = vector.broadcast %shift_left3A_1875 : i32 to vector<16xi32>
        %shift_left3A_1877 = arith.shli %xor3A_1873, %shift_left3A_1876 : vector<16xi32>
        %shift_right_logical3A_1878 = arith.constant 3 : i32
        %shift_right_logical3A_1879 = vector.broadcast %shift_right_logical3A_1878 : i32 to vector<16xi32>
        %shift_right_logical3A_1880 = arith.shrui %xor3A_1873, %shift_right_logical3A_1879 : vector<16xi32>
        %or3A_1881 = arith.ori %shift_left3A_1877, %shift_right_logical3A_1880 : vector<16xi32>
        %xor3A_1882 = arith.xori %or3A_1881, %add3A_1874 : vector<16xi32>
        %add3A_1883 = arith.addi %add3A_1874, %xor3A_1882 : vector<16xi32>
        %shift_left3A_1884 = arith.constant 16 : i32
        %shift_left3A_1885 = vector.broadcast %shift_left3A_1884 : i32 to vector<16xi32>
        %shift_left3A_1886 = arith.shli %xor3A_1882, %shift_left3A_1885 : vector<16xi32>
        %shift_right_logical3A_1887 = arith.constant 16 : i32
        %shift_right_logical3A_1888 = vector.broadcast %shift_right_logical3A_1887 : i32 to vector<16xi32>
        %shift_right_logical3A_1889 = arith.shrui %xor3A_1882, %shift_right_logical3A_1888 : vector<16xi32>
        %or3A_1890 = arith.ori %shift_left3A_1886, %shift_right_logical3A_1889 : vector<16xi32>
        %xor3A_1891 = arith.xori %or3A_1890, %add3A_1883 : vector<16xi32>
        %add3A_1892 = arith.addi %add3A_1883, %xor3A_1891 : vector<16xi32>
        %shift_left3A_1893 = arith.constant 24 : i32
        %shift_left3A_1894 = vector.broadcast %shift_left3A_1893 : i32 to vector<16xi32>
        %shift_left3A_1895 = arith.shli %xor3A_1891, %shift_left3A_1894 : vector<16xi32>
        %shift_right_logical3A_1896 = arith.constant 8 : i32
        %shift_right_logical3A_1897 = vector.broadcast %shift_right_logical3A_1896 : i32 to vector<16xi32>
        %shift_right_logical3A_1898 = arith.shrui %xor3A_1891, %shift_right_logical3A_1897 : vector<16xi32>
        %or3A_1899 = arith.ori %shift_left3A_1895, %shift_right_logical3A_1898 : vector<16xi32>
        %xor3A_1900 = arith.xori %or3A_1899, %add3A_1892 : vector<16xi32>
        %add3A_1901 = arith.addi %add3A_1892, %get3A_122 : vector<16xi32>
        %add3A_1902 = arith.addi %xor3A_1900, %xor3A_1738 : vector<16xi32>
        %add3A_1903 = arith.constant 4 : i32
        %add3A_1904 = vector.broadcast %add3A_1903 : i32 to vector<16xi32>
        %add3A_1905 = arith.addi %add3A_1902, %add3A_1904 : vector<16xi32>
        %add3A_1906 = arith.addi %add3A_1901, %add3A_1905 : vector<16xi32>
        %shift_left3A_1907 = arith.constant 13 : i32
        %shift_left3A_1908 = vector.broadcast %shift_left3A_1907 : i32 to vector<16xi32>
        %shift_left3A_1909 = arith.shli %add3A_1905, %shift_left3A_1908 : vector<16xi32>
        %shift_right_logical3A_1910 = arith.constant 19 : i32
        %shift_right_logical3A_1911 = vector.broadcast %shift_right_logical3A_1910 : i32 to vector<16xi32>
        %shift_right_logical3A_1912 = arith.shrui %add3A_1905, %shift_right_logical3A_1911 : vector<16xi32>
        %or3A_1913 = arith.ori %shift_left3A_1909, %shift_right_logical3A_1912 : vector<16xi32>
        %xor3A_1914 = arith.xori %or3A_1913, %add3A_1906 : vector<16xi32>
        %add3A_1915 = arith.addi %add3A_1906, %xor3A_1914 : vector<16xi32>
        %shift_left3A_1916 = arith.constant 15 : i32
        %shift_left3A_1917 = vector.broadcast %shift_left3A_1916 : i32 to vector<16xi32>
        %shift_left3A_1918 = arith.shli %xor3A_1914, %shift_left3A_1917 : vector<16xi32>
        %shift_right_logical3A_1919 = arith.constant 17 : i32
        %shift_right_logical3A_1920 = vector.broadcast %shift_right_logical3A_1919 : i32 to vector<16xi32>
        %shift_right_logical3A_1921 = arith.shrui %xor3A_1914, %shift_right_logical3A_1920 : vector<16xi32>
        %or3A_1922 = arith.ori %shift_left3A_1918, %shift_right_logical3A_1921 : vector<16xi32>
        %xor3A_1923 = arith.xori %or3A_1922, %add3A_1915 : vector<16xi32>
        %add3A_1924 = arith.addi %add3A_1915, %xor3A_1923 : vector<16xi32>
        %shift_left3A_1925 = arith.constant 26 : i32
        %shift_left3A_1926 = vector.broadcast %shift_left3A_1925 : i32 to vector<16xi32>
        %shift_left3A_1927 = arith.shli %xor3A_1923, %shift_left3A_1926 : vector<16xi32>
        %shift_right_logical3A_1928 = arith.constant 6 : i32
        %shift_right_logical3A_1929 = vector.broadcast %shift_right_logical3A_1928 : i32 to vector<16xi32>
        %shift_right_logical3A_1930 = arith.shrui %xor3A_1923, %shift_right_logical3A_1929 : vector<16xi32>
        %or3A_1931 = arith.ori %shift_left3A_1927, %shift_right_logical3A_1930 : vector<16xi32>
        %xor3A_1932 = arith.xori %or3A_1931, %add3A_1924 : vector<16xi32>
        %add3A_1933 = arith.addi %add3A_1924, %xor3A_1932 : vector<16xi32>
        %shift_left3A_1934 = arith.constant 6 : i32
        %shift_left3A_1935 = vector.broadcast %shift_left3A_1934 : i32 to vector<16xi32>
        %shift_left3A_1936 = arith.shli %xor3A_1932, %shift_left3A_1935 : vector<16xi32>
        %shift_right_logical3A_1937 = arith.constant 26 : i32
        %shift_right_logical3A_1938 = vector.broadcast %shift_right_logical3A_1937 : i32 to vector<16xi32>
        %shift_right_logical3A_1939 = arith.shrui %xor3A_1932, %shift_right_logical3A_1938 : vector<16xi32>
        %or3A_1940 = arith.ori %shift_left3A_1936, %shift_right_logical3A_1939 : vector<16xi32>
        %xor3A_1941 = arith.xori %or3A_1940, %add3A_1933 : vector<16xi32>
        %add3A_1942 = arith.addi %add3A_1933, %xor3A_1738 : vector<16xi32>
        %add3A_1943 = arith.addi %xor3A_1941, %get3A_116 : vector<16xi32>
        %add3A_1944 = arith.constant 5 : i32
        %add3A_1945 = vector.broadcast %add3A_1944 : i32 to vector<16xi32>
        %add3A_1946 = arith.addi %add3A_1943, %add3A_1945 : vector<16xi32>
        %xor3A_1947 = arith.xori %add3A_1942, %add3A_1946 : vector<16xi32>
        %mul3A_1948 = arith.constant 16 : i32
        %mul3A_1949 = arith.muli %scan3A_1728, %mul3A_1948 : i32
        %multiple_of3A_1950 = tpu.assume_multiple %mul3A_1949, 16 : i32
        %swap3A_1951 = arith.index_cast %multiple_of3A_1950 : i32 to index
        %swap3A_1952 = tpu.vector_load %arg6[%swap3A_1951] {strides = array<i32>} : memref<8192xi32, #tpu.memory_space<vmem>>, vector<16xi32>,
        %swap3A_1953 = vector.shape_cast %swap3A_1952 : vector<16xi32> to vector<16xi32>
        %swap3A_1954 = vector.shape_cast %xor3A_1947 : vector<16xi32> to vector<16xi32>
        tpu.vector_store %arg6[%swap3A_1951], %swap3A_1954 {strides = array<i32>} : memref<8192xi32, #tpu.memory_space<vmem>>, vector<16xi32>,
      }
      %scan3A_132 = arith.constant 512 : i32
      %dma_start3A_133 = arith.constant 0 : i32
      %dma_start3A_134 = tpu.memref_slice %arg3[%add3A_83, %dma_start3A_133] : memref<512x8192xi32, #tpu.memory_space<hbm>> -> memref<1x8192xi32, #tpu.memory_space<hbm>>
      %dma_start3A_135 = tpu.memref_squeeze %dma_start3A_134 : memref<1x8192xi32, #tpu.memory_space<hbm>> -> memref<8192xi32, #tpu.memory_space<hbm>>
      %dma_start3A_136 = arith.constant 0 : i32
      %dma_start3A_137 = tpu.memref_slice %arg3[%add3A_83, %dma_start3A_136] : memref<512x8192xi32, #tpu.memory_space<hbm>> -> memref<1x8192xi32, #tpu.memory_space<hbm>>
      %dma_start3A_138 = tpu.memref_squeeze %dma_start3A_137 : memref<1x8192xi32, #tpu.memory_space<hbm>> -> memref<8192xi32, #tpu.memory_space<hbm>>
      tpu.enqueue_dma source(%arg6 : memref<8192xi32, #tpu.memory_space<vmem>>) target(%dma_start3A_138 : memref<8192xi32, #tpu.memory_space<hbm>>) target_semaphore(%arg8 : memref<!tpu.dma_semaphore, #tpu.memory_space<semaphore_mem>>)
    }
    %scan3A_5 = arith.constant 8 : i32
    %dma_wait3A = arith.constant 0 : i32
    %dma_wait3A_6 = arith.constant 0 : i32
    %dma_wait3A_7 = tpu.memref_slice %arg3[%dma_wait3A, %dma_wait3A_6] : memref<512x8192xi32, #tpu.memory_space<hbm>> -> memref<1x8192xi32, #tpu.memory_space<hbm>>
    %dma_wait3A_8 = tpu.memref_squeeze %dma_wait3A_7 : memref<1x8192xi32, #tpu.memory_space<hbm>> -> memref<8192xi32, #tpu.memory_space<hbm>>
    %dma_wait3A_9 = arith.constant 0 : i32
    %dma_wait3A_10 = tpu.memref_slice %arg3[%dma_wait3A, %dma_wait3A_9] : memref<512x8192xi32, #tpu.memory_space<hbm>> -> memref<1x8192xi32, #tpu.memory_space<hbm>>
    %dma_wait3A_11 = tpu.memref_squeeze %dma_wait3A_10 : memref<1x8192xi32, #tpu.memory_space<hbm>> -> memref<8192xi32, #tpu.memory_space<hbm>>
    tpu.wait_dma2 semaphore(%arg7 : memref<!tpu.dma_semaphore, #tpu.memory_space<semaphore_mem>>) src(%arg5 : memref<8192xi32, #tpu.memory_space<vmem>>) dst(%dma_wait3A_11 : memref<8192xi32, #tpu.memory_space<hbm>>)
    %dma_wait3A_12 = arith.constant 0 : i32
    %dma_wait3A_13 = arith.constant 0 : i32
    %dma_wait3A_14 = tpu.memref_slice %arg3[%dma_wait3A_12, %dma_wait3A_13] : memref<512x8192xi32, #tpu.memory_space<hbm>> -> memref<1x8192xi32, #tpu.memory_space<hbm>>
    %dma_wait3A_15 = tpu.memref_squeeze %dma_wait3A_14 : memref<1x8192xi32, #tpu.memory_space<hbm>> -> memref<8192xi32, #tpu.memory_space<hbm>>
    %dma_wait3A_16 = arith.constant 0 : i32
    %dma_wait3A_17 = tpu.memref_slice %arg3[%dma_wait3A_12, %dma_wait3A_16] : memref<512x8192xi32, #tpu.memory_space<hbm>> -> memref<1x8192xi32, #tpu.memory_space<hbm>>
    %dma_wait3A_18 = tpu.memref_squeeze %dma_wait3A_17 : memref<1x8192xi32, #tpu.memory_space<hbm>> -> memref<8192xi32, #tpu.memory_space<hbm>>
    tpu.wait_dma2 semaphore(%arg8 : memref<!tpu.dma_semaphore, #tpu.memory_space<semaphore_mem>>) src(%arg6 : memref<8192xi32, #tpu.memory_space<vmem>>) dst(%dma_wait3A_18 : memref<8192xi32, #tpu.memory_space<hbm>>)
    return
  }
}

module attributes {stable_mosaic.version = 14 : i64} {
  func.func @_tc1_kernel(%arg0: i32, %arg1: i32, %arg2: memref<4x2xi32, #tpu.memory_space<smem>>, %arg3: memref<128x2048xf32, #tpu.memory_space<vmem>>, %arg4: memref<128x4xf32, #tpu.memory_space<vmem>>, %arg5: memref<128x4xi32, #tpu.memory_space<vmem>>, %arg6: memref<128x1xf32, #tpu.memory_space<vmem>>, %arg7: memref<128x1xi32, #tpu.memory_space<vmem>>, %arg8: memref<128x2048xi32, #tpu.memory_space<vmem>>) attributes {dimension_semantics = [#tpu.dimension_semantics<arbitrary>, #tpu.dimension_semantics<arbitrary>], iteration_bounds = array<i64: 4, 12>, scalar_prefetch = 0 : i64, scratch_operands = 3 : i64, tpu.core_type = #tpu.core_type<tc>, window_params = [{transform_indices = @transform_0, window_bounds = array<i64: 4, 2>}, {transform_indices = @transform_1, window_bounds = array<i64: 128, 2048>}, {pipeline_mode = #tpu.pipeline_mode<synchronous>, transform_indices = @transform_2, window_bounds = array<i64: 128, 4>}, {pipeline_mode = #tpu.pipeline_mode<synchronous>, transform_indices = @transform_3, window_bounds = array<i64: 128, 4>}]} {
    %get3A = arith.index_cast %arg0 : i32 to index
    %get3A_0 = arith.constant 0 : index
    %get3A_1 = memref.load %arg2[%get3A, %get3A_0] : memref<4x2xi32, #tpu.memory_space<smem>>
    %get3A_2 = arith.index_cast %arg0 : i32 to index
    %get3A_3 = arith.constant 1 : index
    %get3A_4 = memref.load %arg2[%get3A_2, %get3A_3] : memref<4x2xi32, #tpu.memory_space<smem>>
    %eq3A = arith.constant 0 : i32
    %eq3A_5 = arith.cmpi eq, %arg0, %eq3A : i32
    %eq3A_6 = arith.constant 0 : i32
    %eq3A_7 = arith.cmpi eq, %arg1, %eq3A_6 : i32
    %and3A = arith.andi %eq3A_5, %eq3A_7 : i1
    %convert_element_type3A = arith.extui %and3A : i1 to i32
    %cond3A = arith.constant 0 : i32
    %cond3A_8 = arith.cmpi ne, %convert_element_type3A, %cond3A : i32
    scf.if %cond3A_8 {
      %iota3A_275 = tpu.iota {dimensions = array<i32: 0>} : vector<128x2048xi32>
      %iota3A_276 = tpu.iota {dimensions = array<i32: 1>} : vector<128x2048xi32>
      %mul3A_277 = arith.constant 32768 : i32
      %mul3A_278 = vector.broadcast %mul3A_277 : i32 to vector<128x2048xi32>
      %mul3A_279 = arith.muli %iota3A_275, %mul3A_278 : vector<128x2048xi32>
      %add3A_280 = arith.addi %mul3A_279, %iota3A_276 : vector<128x2048xi32>
      %swap3A = arith.constant 0 : index
      %swap3A_281 = arith.constant 0 : index
      %swap3A_282 = vector.load %arg8[%swap3A, %swap3A_281] : memref<128x2048xi32, #tpu.memory_space<vmem>>, vector<128x2048xi32>
      tpu.vector_store %arg8[%swap3A, %swap3A_281], %add3A_280 {strides = array<i32>} : memref<128x2048xi32, #tpu.memory_space<vmem>>, vector<128x2048xi32>,
    } else {
    }
    %get3A_9 = arith.constant 0 : index
    %get3A_10 = arith.constant 0 : index
    %get3A_11 = vector.load %arg8[%get3A_9, %get3A_10] : memref<128x2048xi32, #tpu.memory_space<vmem>>, vector<128x2048xi32>
    %mul3A = arith.constant 2048 : i32
    %mul3A_12 = arith.muli %arg1, %mul3A : i32
    %add3A = arith.addi %get3A_4, %mul3A_12 : i32
    %add3A_13 = vector.broadcast %add3A : i32 to vector<128x2048xi32>
    %add3A_14 = arith.addi %get3A_11, %add3A_13 : vector<128x2048xi32>
    %xor3A = arith.xori %get3A_1, %get3A_4 : i32
    %xor3A_15 = arith.constant 466688986 : i32
    %xor3A_16 = arith.xori %xor3A, %xor3A_15 : i32
    %broadcast_in_dim3A = arith.constant 0 : i32
    %broadcast_in_dim3A_17 = vector.broadcast %broadcast_in_dim3A : i32 to vector<128x2048xi32>
    %add3A_18 = vector.broadcast %get3A_1 : i32 to vector<128x2048xi32>
    %add3A_19 = arith.addi %broadcast_in_dim3A_17, %add3A_18 : vector<128x2048xi32>
    %add3A_20 = arith.addi %add3A_19, %add3A_14 : vector<128x2048xi32>
    %shift_left3A = arith.constant 13 : i32
    %shift_left3A_21 = vector.broadcast %shift_left3A : i32 to vector<128x2048xi32>
    %shift_left3A_22 = arith.shli %add3A_14, %shift_left3A_21 : vector<128x2048xi32>
    %shift_right_logical3A = arith.constant 19 : i32
    %shift_right_logical3A_23 = vector.broadcast %shift_right_logical3A : i32 to vector<128x2048xi32>
    %shift_right_logical3A_24 = arith.shrui %add3A_14, %shift_right_logical3A_23 : vector<128x2048xi32>
    %or3A = arith.ori %shift_left3A_22, %shift_right_logical3A_24 : vector<128x2048xi32>
    %xor3A_25 = arith.xori %or3A, %add3A_20 : vector<128x2048xi32>
    %add3A_26 = arith.addi %add3A_20, %xor3A_25 : vector<128x2048xi32>
    %shift_left3A_27 = arith.constant 15 : i32
    %shift_left3A_28 = vector.broadcast %shift_left3A_27 : i32 to vector<128x2048xi32>
    %shift_left3A_29 = arith.shli %xor3A_25, %shift_left3A_28 : vector<128x2048xi32>
    %shift_right_logical3A_30 = arith.constant 17 : i32
    %shift_right_logical3A_31 = vector.broadcast %shift_right_logical3A_30 : i32 to vector<128x2048xi32>
    %shift_right_logical3A_32 = arith.shrui %xor3A_25, %shift_right_logical3A_31 : vector<128x2048xi32>
    %or3A_33 = arith.ori %shift_left3A_29, %shift_right_logical3A_32 : vector<128x2048xi32>
    %xor3A_34 = arith.xori %or3A_33, %add3A_26 : vector<128x2048xi32>
    %add3A_35 = arith.addi %add3A_26, %xor3A_34 : vector<128x2048xi32>
    %shift_left3A_36 = arith.constant 26 : i32
    %shift_left3A_37 = vector.broadcast %shift_left3A_36 : i32 to vector<128x2048xi32>
    %shift_left3A_38 = arith.shli %xor3A_34, %shift_left3A_37 : vector<128x2048xi32>
    %shift_right_logical3A_39 = arith.constant 6 : i32
    %shift_right_logical3A_40 = vector.broadcast %shift_right_logical3A_39 : i32 to vector<128x2048xi32>
    %shift_right_logical3A_41 = arith.shrui %xor3A_34, %shift_right_logical3A_40 : vector<128x2048xi32>
    %or3A_42 = arith.ori %shift_left3A_38, %shift_right_logical3A_41 : vector<128x2048xi32>
    %xor3A_43 = arith.xori %or3A_42, %add3A_35 : vector<128x2048xi32>
    %add3A_44 = arith.addi %add3A_35, %xor3A_43 : vector<128x2048xi32>
    %shift_left3A_45 = arith.constant 6 : i32
    %shift_left3A_46 = vector.broadcast %shift_left3A_45 : i32 to vector<128x2048xi32>
    %shift_left3A_47 = arith.shli %xor3A_43, %shift_left3A_46 : vector<128x2048xi32>
    %shift_right_logical3A_48 = arith.constant 26 : i32
    %shift_right_logical3A_49 = vector.broadcast %shift_right_logical3A_48 : i32 to vector<128x2048xi32>
    %shift_right_logical3A_50 = arith.shrui %xor3A_43, %shift_right_logical3A_49 : vector<128x2048xi32>
    %or3A_51 = arith.ori %shift_left3A_47, %shift_right_logical3A_50 : vector<128x2048xi32>
    %xor3A_52 = arith.xori %or3A_51, %add3A_44 : vector<128x2048xi32>
    %add3A_53 = vector.broadcast %get3A_4 : i32 to vector<128x2048xi32>
    %add3A_54 = arith.addi %add3A_44, %add3A_53 : vector<128x2048xi32>
    %add3A_55 = vector.broadcast %xor3A_16 : i32 to vector<128x2048xi32>
    %add3A_56 = arith.addi %xor3A_52, %add3A_55 : vector<128x2048xi32>
    %add3A_57 = arith.constant 1 : i32
    %add3A_58 = vector.broadcast %add3A_57 : i32 to vector<128x2048xi32>
    %add3A_59 = arith.addi %add3A_56, %add3A_58 : vector<128x2048xi32>
    %add3A_60 = arith.addi %add3A_54, %add3A_59 : vector<128x2048xi32>
    %shift_left3A_61 = arith.constant 17 : i32
    %shift_left3A_62 = vector.broadcast %shift_left3A_61 : i32 to vector<128x2048xi32>
    %shift_left3A_63 = arith.shli %add3A_59, %shift_left3A_62 : vector<128x2048xi32>
    %shift_right_logical3A_64 = arith.constant 15 : i32
    %shift_right_logical3A_65 = vector.broadcast %shift_right_logical3A_64 : i32 to vector<128x2048xi32>
    %shift_right_logical3A_66 = arith.shrui %add3A_59, %shift_right_logical3A_65 : vector<128x2048xi32>
    %or3A_67 = arith.ori %shift_left3A_63, %shift_right_logical3A_66 : vector<128x2048xi32>
    %xor3A_68 = arith.xori %or3A_67, %add3A_60 : vector<128x2048xi32>
    %add3A_69 = arith.addi %add3A_60, %xor3A_68 : vector<128x2048xi32>
    %shift_left3A_70 = arith.constant 29 : i32
    %shift_left3A_71 = vector.broadcast %shift_left3A_70 : i32 to vector<128x2048xi32>
    %shift_left3A_72 = arith.shli %xor3A_68, %shift_left3A_71 : vector<128x2048xi32>
    %shift_right_logical3A_73 = arith.constant 3 : i32
    %shift_right_logical3A_74 = vector.broadcast %shift_right_logical3A_73 : i32 to vector<128x2048xi32>
    %shift_right_logical3A_75 = arith.shrui %xor3A_68, %shift_right_logical3A_74 : vector<128x2048xi32>
    %or3A_76 = arith.ori %shift_left3A_72, %shift_right_logical3A_75 : vector<128x2048xi32>
    %xor3A_77 = arith.xori %or3A_76, %add3A_69 : vector<128x2048xi32>
    %add3A_78 = arith.addi %add3A_69, %xor3A_77 : vector<128x2048xi32>
    %shift_left3A_79 = arith.constant 16 : i32
    %shift_left3A_80 = vector.broadcast %shift_left3A_79 : i32 to vector<128x2048xi32>
    %shift_left3A_81 = arith.shli %xor3A_77, %shift_left3A_80 : vector<128x2048xi32>
    %shift_right_logical3A_82 = arith.constant 16 : i32
    %shift_right_logical3A_83 = vector.broadcast %shift_right_logical3A_82 : i32 to vector<128x2048xi32>
    %shift_right_logical3A_84 = arith.shrui %xor3A_77, %shift_right_logical3A_83 : vector<128x2048xi32>
    %or3A_85 = arith.ori %shift_left3A_81, %shift_right_logical3A_84 : vector<128x2048xi32>
    %xor3A_86 = arith.xori %or3A_85, %add3A_78 : vector<128x2048xi32>
    %add3A_87 = arith.addi %add3A_78, %xor3A_86 : vector<128x2048xi32>
    %shift_left3A_88 = arith.constant 24 : i32
    %shift_left3A_89 = vector.broadcast %shift_left3A_88 : i32 to vector<128x2048xi32>
    %shift_left3A_90 = arith.shli %xor3A_86, %shift_left3A_89 : vector<128x2048xi32>
    %shift_right_logical3A_91 = arith.constant 8 : i32
    %shift_right_logical3A_92 = vector.broadcast %shift_right_logical3A_91 : i32 to vector<128x2048xi32>
    %shift_right_logical3A_93 = arith.shrui %xor3A_86, %shift_right_logical3A_92 : vector<128x2048xi32>
    %or3A_94 = arith.ori %shift_left3A_90, %shift_right_logical3A_93 : vector<128x2048xi32>
    %xor3A_95 = arith.xori %or3A_94, %add3A_87 : vector<128x2048xi32>
    %add3A_96 = vector.broadcast %xor3A_16 : i32 to vector<128x2048xi32>
    %add3A_97 = arith.addi %add3A_87, %add3A_96 : vector<128x2048xi32>
    %add3A_98 = vector.broadcast %get3A_1 : i32 to vector<128x2048xi32>
    %add3A_99 = arith.addi %xor3A_95, %add3A_98 : vector<128x2048xi32>
    %add3A_100 = arith.constant 2 : i32
    %add3A_101 = vector.broadcast %add3A_100 : i32 to vector<128x2048xi32>
    %add3A_102 = arith.addi %add3A_99, %add3A_101 : vector<128x2048xi32>
    %add3A_103 = arith.addi %add3A_97, %add3A_102 : vector<128x2048xi32>
    %shift_left3A_104 = arith.constant 13 : i32
    %shift_left3A_105 = vector.broadcast %shift_left3A_104 : i32 to vector<128x2048xi32>
    %shift_left3A_106 = arith.shli %add3A_102, %shift_left3A_105 : vector<128x2048xi32>
    %shift_right_logical3A_107 = arith.constant 19 : i32
    %shift_right_logical3A_108 = vector.broadcast %shift_right_logical3A_107 : i32 to vector<128x2048xi32>
    %shift_right_logical3A_109 = arith.shrui %add3A_102, %shift_right_logical3A_108 : vector<128x2048xi32>
    %or3A_110 = arith.ori %shift_left3A_106, %shift_right_logical3A_109 : vector<128x2048xi32>
    %xor3A_111 = arith.xori %or3A_110, %add3A_103 : vector<128x2048xi32>
    %add3A_112 = arith.addi %add3A_103, %xor3A_111 : vector<128x2048xi32>
    %shift_left3A_113 = arith.constant 15 : i32
    %shift_left3A_114 = vector.broadcast %shift_left3A_113 : i32 to vector<128x2048xi32>
    %shift_left3A_115 = arith.shli %xor3A_111, %shift_left3A_114 : vector<128x2048xi32>
    %shift_right_logical3A_116 = arith.constant 17 : i32
    %shift_right_logical3A_117 = vector.broadcast %shift_right_logical3A_116 : i32 to vector<128x2048xi32>
    %shift_right_logical3A_118 = arith.shrui %xor3A_111, %shift_right_logical3A_117 : vector<128x2048xi32>
    %or3A_119 = arith.ori %shift_left3A_115, %shift_right_logical3A_118 : vector<128x2048xi32>
    %xor3A_120 = arith.xori %or3A_119, %add3A_112 : vector<128x2048xi32>
    %add3A_121 = arith.addi %add3A_112, %xor3A_120 : vector<128x2048xi32>
    %shift_left3A_122 = arith.constant 26 : i32
    %shift_left3A_123 = vector.broadcast %shift_left3A_122 : i32 to vector<128x2048xi32>
    %shift_left3A_124 = arith.shli %xor3A_120, %shift_left3A_123 : vector<128x2048xi32>
    %shift_right_logical3A_125 = arith.constant 6 : i32
    %shift_right_logical3A_126 = vector.broadcast %shift_right_logical3A_125 : i32 to vector<128x2048xi32>
    %shift_right_logical3A_127 = arith.shrui %xor3A_120, %shift_right_logical3A_126 : vector<128x2048xi32>
    %or3A_128 = arith.ori %shift_left3A_124, %shift_right_logical3A_127 : vector<128x2048xi32>
    %xor3A_129 = arith.xori %or3A_128, %add3A_121 : vector<128x2048xi32>
    %add3A_130 = arith.addi %add3A_121, %xor3A_129 : vector<128x2048xi32>
    %shift_left3A_131 = arith.constant 6 : i32
    %shift_left3A_132 = vector.broadcast %shift_left3A_131 : i32 to vector<128x2048xi32>
    %shift_left3A_133 = arith.shli %xor3A_129, %shift_left3A_132 : vector<128x2048xi32>
    %shift_right_logical3A_134 = arith.constant 26 : i32
    %shift_right_logical3A_135 = vector.broadcast %shift_right_logical3A_134 : i32 to vector<128x2048xi32>
    %shift_right_logical3A_136 = arith.shrui %xor3A_129, %shift_right_logical3A_135 : vector<128x2048xi32>
    %or3A_137 = arith.ori %shift_left3A_133, %shift_right_logical3A_136 : vector<128x2048xi32>
    %xor3A_138 = arith.xori %or3A_137, %add3A_130 : vector<128x2048xi32>
    %add3A_139 = vector.broadcast %get3A_1 : i32 to vector<128x2048xi32>
    %add3A_140 = arith.addi %add3A_130, %add3A_139 : vector<128x2048xi32>
    %add3A_141 = vector.broadcast %get3A_4 : i32 to vector<128x2048xi32>
    %add3A_142 = arith.addi %xor3A_138, %add3A_141 : vector<128x2048xi32>
    %add3A_143 = arith.constant 3 : i32
    %add3A_144 = vector.broadcast %add3A_143 : i32 to vector<128x2048xi32>
    %add3A_145 = arith.addi %add3A_142, %add3A_144 : vector<128x2048xi32>
    %add3A_146 = arith.addi %add3A_140, %add3A_145 : vector<128x2048xi32>
    %shift_left3A_147 = arith.constant 17 : i32
    %shift_left3A_148 = vector.broadcast %shift_left3A_147 : i32 to vector<128x2048xi32>
    %shift_left3A_149 = arith.shli %add3A_145, %shift_left3A_148 : vector<128x2048xi32>
    %shift_right_logical3A_150 = arith.constant 15 : i32
    %shift_right_logical3A_151 = vector.broadcast %shift_right_logical3A_150 : i32 to vector<128x2048xi32>
    %shift_right_logical3A_152 = arith.shrui %add3A_145, %shift_right_logical3A_151 : vector<128x2048xi32>
    %or3A_153 = arith.ori %shift_left3A_149, %shift_right_logical3A_152 : vector<128x2048xi32>
    %xor3A_154 = arith.xori %or3A_153, %add3A_146 : vector<128x2048xi32>
    %add3A_155 = arith.addi %add3A_146, %xor3A_154 : vector<128x2048xi32>
    %shift_left3A_156 = arith.constant 29 : i32
    %shift_left3A_157 = vector.broadcast %shift_left3A_156 : i32 to vector<128x2048xi32>
    %shift_left3A_158 = arith.shli %xor3A_154, %shift_left3A_157 : vector<128x2048xi32>
    %shift_right_logical3A_159 = arith.constant 3 : i32
    %shift_right_logical3A_160 = vector.broadcast %shift_right_logical3A_159 : i32 to vector<128x2048xi32>
    %shift_right_logical3A_161 = arith.shrui %xor3A_154, %shift_right_logical3A_160 : vector<128x2048xi32>
    %or3A_162 = arith.ori %shift_left3A_158, %shift_right_logical3A_161 : vector<128x2048xi32>
    %xor3A_163 = arith.xori %or3A_162, %add3A_155 : vector<128x2048xi32>
    %add3A_164 = arith.addi %add3A_155, %xor3A_163 : vector<128x2048xi32>
    %shift_left3A_165 = arith.constant 16 : i32
    %shift_left3A_166 = vector.broadcast %shift_left3A_165 : i32 to vector<128x2048xi32>
    %shift_left3A_167 = arith.shli %xor3A_163, %shift_left3A_166 : vector<128x2048xi32>
    %shift_right_logical3A_168 = arith.constant 16 : i32
    %shift_right_logical3A_169 = vector.broadcast %shift_right_logical3A_168 : i32 to vector<128x2048xi32>
    %shift_right_logical3A_170 = arith.shrui %xor3A_163, %shift_right_logical3A_169 : vector<128x2048xi32>
    %or3A_171 = arith.ori %shift_left3A_167, %shift_right_logical3A_170 : vector<128x2048xi32>
    %xor3A_172 = arith.xori %or3A_171, %add3A_164 : vector<128x2048xi32>
    %add3A_173 = arith.addi %add3A_164, %xor3A_172 : vector<128x2048xi32>
    %shift_left3A_174 = arith.constant 24 : i32
    %shift_left3A_175 = vector.broadcast %shift_left3A_174 : i32 to vector<128x2048xi32>
    %shift_left3A_176 = arith.shli %xor3A_172, %shift_left3A_175 : vector<128x2048xi32>
    %shift_right_logical3A_177 = arith.constant 8 : i32
    %shift_right_logical3A_178 = vector.broadcast %shift_right_logical3A_177 : i32 to vector<128x2048xi32>
    %shift_right_logical3A_179 = arith.shrui %xor3A_172, %shift_right_logical3A_178 : vector<128x2048xi32>
    %or3A_180 = arith.ori %shift_left3A_176, %shift_right_logical3A_179 : vector<128x2048xi32>
    %xor3A_181 = arith.xori %or3A_180, %add3A_173 : vector<128x2048xi32>
    %add3A_182 = vector.broadcast %get3A_4 : i32 to vector<128x2048xi32>
    %add3A_183 = arith.addi %add3A_173, %add3A_182 : vector<128x2048xi32>
    %add3A_184 = vector.broadcast %xor3A_16 : i32 to vector<128x2048xi32>
    %add3A_185 = arith.addi %xor3A_181, %add3A_184 : vector<128x2048xi32>
    %add3A_186 = arith.constant 4 : i32
    %add3A_187 = vector.broadcast %add3A_186 : i32 to vector<128x2048xi32>
    %add3A_188 = arith.addi %add3A_185, %add3A_187 : vector<128x2048xi32>
    %add3A_189 = arith.addi %add3A_183, %add3A_188 : vector<128x2048xi32>
    %shift_left3A_190 = arith.constant 13 : i32
    %shift_left3A_191 = vector.broadcast %shift_left3A_190 : i32 to vector<128x2048xi32>
    %shift_left3A_192 = arith.shli %add3A_188, %shift_left3A_191 : vector<128x2048xi32>
    %shift_right_logical3A_193 = arith.constant 19 : i32
    %shift_right_logical3A_194 = vector.broadcast %shift_right_logical3A_193 : i32 to vector<128x2048xi32>
    %shift_right_logical3A_195 = arith.shrui %add3A_188, %shift_right_logical3A_194 : vector<128x2048xi32>
    %or3A_196 = arith.ori %shift_left3A_192, %shift_right_logical3A_195 : vector<128x2048xi32>
    %xor3A_197 = arith.xori %or3A_196, %add3A_189 : vector<128x2048xi32>
    %add3A_198 = arith.addi %add3A_189, %xor3A_197 : vector<128x2048xi32>
    %shift_left3A_199 = arith.constant 15 : i32
    %shift_left3A_200 = vector.broadcast %shift_left3A_199 : i32 to vector<128x2048xi32>
    %shift_left3A_201 = arith.shli %xor3A_197, %shift_left3A_200 : vector<128x2048xi32>
    %shift_right_logical3A_202 = arith.constant 17 : i32
    %shift_right_logical3A_203 = vector.broadcast %shift_right_logical3A_202 : i32 to vector<128x2048xi32>
    %shift_right_logical3A_204 = arith.shrui %xor3A_197, %shift_right_logical3A_203 : vector<128x2048xi32>
    %or3A_205 = arith.ori %shift_left3A_201, %shift_right_logical3A_204 : vector<128x2048xi32>
    %xor3A_206 = arith.xori %or3A_205, %add3A_198 : vector<128x2048xi32>
    %add3A_207 = arith.addi %add3A_198, %xor3A_206 : vector<128x2048xi32>
    %shift_left3A_208 = arith.constant 26 : i32
    %shift_left3A_209 = vector.broadcast %shift_left3A_208 : i32 to vector<128x2048xi32>
    %shift_left3A_210 = arith.shli %xor3A_206, %shift_left3A_209 : vector<128x2048xi32>
    %shift_right_logical3A_211 = arith.constant 6 : i32
    %shift_right_logical3A_212 = vector.broadcast %shift_right_logical3A_211 : i32 to vector<128x2048xi32>
    %shift_right_logical3A_213 = arith.shrui %xor3A_206, %shift_right_logical3A_212 : vector<128x2048xi32>
    %or3A_214 = arith.ori %shift_left3A_210, %shift_right_logical3A_213 : vector<128x2048xi32>
    %xor3A_215 = arith.xori %or3A_214, %add3A_207 : vector<128x2048xi32>
    %add3A_216 = arith.addi %add3A_207, %xor3A_215 : vector<128x2048xi32>
    %shift_left3A_217 = arith.constant 6 : i32
    %shift_left3A_218 = vector.broadcast %shift_left3A_217 : i32 to vector<128x2048xi32>
    %shift_left3A_219 = arith.shli %xor3A_215, %shift_left3A_218 : vector<128x2048xi32>
    %shift_right_logical3A_220 = arith.constant 26 : i32
    %shift_right_logical3A_221 = vector.broadcast %shift_right_logical3A_220 : i32 to vector<128x2048xi32>
    %shift_right_logical3A_222 = arith.shrui %xor3A_215, %shift_right_logical3A_221 : vector<128x2048xi32>
    %or3A_223 = arith.ori %shift_left3A_219, %shift_right_logical3A_222 : vector<128x2048xi32>
    %xor3A_224 = arith.xori %or3A_223, %add3A_216 : vector<128x2048xi32>
    %add3A_225 = vector.broadcast %xor3A_16 : i32 to vector<128x2048xi32>
    %add3A_226 = arith.addi %add3A_216, %add3A_225 : vector<128x2048xi32>
    %add3A_227 = vector.broadcast %get3A_1 : i32 to vector<128x2048xi32>
    %add3A_228 = arith.addi %xor3A_224, %add3A_227 : vector<128x2048xi32>
    %add3A_229 = arith.constant 5 : i32
    %add3A_230 = vector.broadcast %add3A_229 : i32 to vector<128x2048xi32>
    %add3A_231 = arith.addi %add3A_228, %add3A_230 : vector<128x2048xi32>
    %xor3A_232 = arith.xori %add3A_226, %add3A_231 : vector<128x2048xi32>
    %get3A_233 = arith.constant 0 : index
    %get3A_234 = arith.constant 0 : index
    %get3A_235 = vector.load %arg3[%get3A_233, %get3A_234] : memref<128x2048xf32, #tpu.memory_space<vmem>>, vector<128x2048xf32>
    %shift_right_logical3A_236 = arith.constant 9 : i32
    %shift_right_logical3A_237 = vector.broadcast %shift_right_logical3A_236 : i32 to vector<128x2048xi32>
    %shift_right_logical3A_238 = arith.shrui %xor3A_232, %shift_right_logical3A_237 : vector<128x2048xi32>
    %or3A_239 = arith.constant 1065353216 : i32
    %or3A_240 = vector.broadcast %or3A_239 : i32 to vector<128x2048xi32>
    %or3A_241 = arith.ori %shift_right_logical3A_238, %or3A_240 : vector<128x2048xi32>
    %bitcast3A = tpu.bitcast %or3A_241 : vector<128x2048xi32> -> vector<128x2048xf32>
    %sub3A = arith.constant 1.000000e+00 : f32
    %sub3A_242 = vector.broadcast %sub3A : f32 to vector<128x2048xf32>
    %sub3A_243 = arith.subf %bitcast3A, %sub3A_242 : vector<128x2048xf32>
    %max3A = arith.constant 1.17549435E-38 : f32
    %max3A_244 = vector.broadcast %max3A : f32 to vector<128x2048xf32>
    %max3A_245 = arith.maximumf %sub3A_243, %max3A_244 : vector<128x2048xf32>
    %log3A = math.log %max3A_245 : vector<128x2048xf32>
    %neg3A = arith.constant 0.000000e+00 : f32
    %neg3A_246 = vector.broadcast %neg3A : f32 to vector<128x2048xf32>
    %neg3A_247 = arith.subf %neg3A_246, %log3A : vector<128x2048xf32>
    %log3A_248 = math.log %neg3A_247 : vector<128x2048xf32>
    %sub3A_249 = arith.subf %get3A_235, %log3A_248 : vector<128x2048xf32>
    %reduce_max3A = arith.constant dense<0xFF800000> : vector<128xf32>
    %reduce_max3A_250 = vector.multi_reduction <maximumf>, %sub3A_249, %reduce_max3A [1] : vector<128x2048xf32> to vector<128xf32>
    %broadcast_in_dim3A_251 = vector.shape_cast %reduce_max3A_250 : vector<128xf32> to vector<128x1xf32>
    %iota3A = tpu.iota {dimensions = array<i32: 1>} : vector<128x2048xi32>
    %eq3A_252 = vector.broadcast %broadcast_in_dim3A_251 : vector<128x1xf32> to vector<128x2048xf32>
    %eq3A_253 = arith.cmpf oeq, %sub3A_249, %eq3A_252 : vector<128x2048xf32>
    %jit3A = arith.constant 2147483647 : i32
    %broadcast_in_dim3A_254 = vector.broadcast %jit3A : i32 to vector<128x2048xi32>
    %select_n3A = arith.select %eq3A_253, %iota3A, %broadcast_in_dim3A_254 : vector<128x2048xi1>, vector<128x2048xi32>
    %reduce_min3A = arith.constant dense<2147483647> : vector<128xi32>
    %reduce_min3A_255 = vector.multi_reduction <minsi>, %select_n3A, %reduce_min3A [1] : vector<128x2048xi32> to vector<128xi32>
    %broadcast_in_dim3A_256 = vector.shape_cast %reduce_min3A_255 : vector<128xi32> to vector<128x1xi32>
    %mul3A_257 = arith.constant 2048 : i32
    %mul3A_258 = arith.muli %arg1, %mul3A_257 : i32
    %add3A_259 = vector.broadcast %mul3A_258 : i32 to vector<128x1xi32>
    %add3A_260 = arith.addi %broadcast_in_dim3A_256, %add3A_259 : vector<128x1xi32>
    %eq3A_261 = arith.constant 0 : i32
    %eq3A_262 = arith.cmpi eq, %arg1, %eq3A_261 : i32
    %convert_element_type3A_263 = arith.extui %eq3A_262 : i1 to i32
    %cond3A_264 = arith.constant 0 : i32
    %cond3A_265 = arith.cmpi ne, %convert_element_type3A_263, %cond3A_264 : i32
    scf.if %cond3A_265 {
      %swap3A = arith.constant 0 : index
      %swap3A_275 = arith.constant 0 : index
      %swap3A_276 = vector.load %arg6[%swap3A, %swap3A_275] : memref<128x1xf32, #tpu.memory_space<vmem>>, vector<128x1xf32>
      tpu.vector_store %arg6[%swap3A, %swap3A_275], %broadcast_in_dim3A_251 {strides = array<i32>} : memref<128x1xf32, #tpu.memory_space<vmem>>, vector<128x1xf32>,
      %swap3A_277 = arith.constant 0 : index
      %swap3A_278 = arith.constant 0 : index
      %swap3A_279 = vector.load %arg7[%swap3A_277, %swap3A_278] : memref<128x1xi32, #tpu.memory_space<vmem>>, vector<128x1xi32>
      tpu.vector_store %arg7[%swap3A_277, %swap3A_278], %add3A_260 {strides = array<i32>} : memref<128x1xi32, #tpu.memory_space<vmem>>, vector<128x1xi32>,
    } else {
    }
    %ne3A = arith.constant 0 : i32
    %ne3A_266 = arith.cmpi ne, %arg1, %ne3A : i32
    %convert_element_type3A_267 = arith.extui %ne3A_266 : i1 to i32
    %cond3A_268 = arith.constant 0 : i32
    %cond3A_269 = arith.cmpi ne, %convert_element_type3A_267, %cond3A_268 : i32
    scf.if %cond3A_269 {
      %get3A_275 = arith.constant 0 : index
      %get3A_276 = arith.constant 0 : index
      %get3A_277 = vector.load %arg6[%get3A_275, %get3A_276] : memref<128x1xf32, #tpu.memory_space<vmem>>, vector<128x1xf32>
      %gt3A = arith.cmpf ogt, %broadcast_in_dim3A_251, %get3A_277 : vector<128x1xf32>
      %get3A_278 = arith.constant 0 : index
      %get3A_279 = arith.constant 0 : index
      %get3A_280 = vector.load %arg6[%get3A_278, %get3A_279] : memref<128x1xf32, #tpu.memory_space<vmem>>, vector<128x1xf32>
      %select_n3A_281 = arith.select %gt3A, %broadcast_in_dim3A_251, %get3A_280 : vector<128x1xi1>, vector<128x1xf32>
      %swap3A = arith.constant 0 : index
      %swap3A_282 = arith.constant 0 : index
      %swap3A_283 = vector.load %arg6[%swap3A, %swap3A_282] : memref<128x1xf32, #tpu.memory_space<vmem>>, vector<128x1xf32>
      tpu.vector_store %arg6[%swap3A, %swap3A_282], %select_n3A_281 {strides = array<i32>} : memref<128x1xf32, #tpu.memory_space<vmem>>, vector<128x1xf32>,
      %get3A_284 = arith.constant 0 : index
      %get3A_285 = arith.constant 0 : index
      %get3A_286 = vector.load %arg7[%get3A_284, %get3A_285] : memref<128x1xi32, #tpu.memory_space<vmem>>, vector<128x1xi32>
      %select_n3A_287 = arith.select %gt3A, %add3A_260, %get3A_286 : vector<128x1xi1>, vector<128x1xi32>
      %swap3A_288 = arith.constant 0 : index
      %swap3A_289 = arith.constant 0 : index
      %swap3A_290 = vector.load %arg7[%swap3A_288, %swap3A_289] : memref<128x1xi32, #tpu.memory_space<vmem>>, vector<128x1xi32>
      tpu.vector_store %arg7[%swap3A_288, %swap3A_289], %select_n3A_287 {strides = array<i32>} : memref<128x1xi32, #tpu.memory_space<vmem>>, vector<128x1xi32>,
    } else {
    }
    %eq3A_270 = arith.constant 11 : i32
    %eq3A_271 = arith.cmpi eq, %arg1, %eq3A_270 : i32
    %convert_element_type3A_272 = arith.extui %eq3A_271 : i1 to i32
    %cond3A_273 = arith.constant 0 : i32
    %cond3A_274 = arith.cmpi ne, %convert_element_type3A_272, %cond3A_273 : i32
    scf.if %cond3A_274 {
      %iota3A_275 = tpu.iota {dimensions = array<i32: 1>} : vector<128x4xi32>
      %eq3A_276 = vector.broadcast %arg0 : i32 to vector<128x4xi32>
      %eq3A_277 = arith.cmpi eq, %iota3A_275, %eq3A_276 : vector<128x4xi32>
      %get3A_278 = arith.constant 0 : index
      %get3A_279 = arith.constant 0 : index
      %get3A_280 = vector.load %arg6[%get3A_278, %get3A_279] : memref<128x1xf32, #tpu.memory_space<vmem>>, vector<128x1xf32>
      %get3A_281 = arith.constant 0 : index
      %get3A_282 = arith.constant 0 : index
      %get3A_283 = vector.load %arg4[%get3A_281, %get3A_282] : memref<128x4xf32, #tpu.memory_space<vmem>>, vector<128x4xf32>
      %broadcast_in_dim3A_284 = vector.shape_cast %get3A_280 : vector<128x1xf32> to vector<128x1xf32>
      %broadcast_in_dim3A_285 = vector.broadcast %broadcast_in_dim3A_284 : vector<128x1xf32> to vector<128x4xf32>
      %select_n3A_286 = arith.select %eq3A_277, %broadcast_in_dim3A_285, %get3A_283 : vector<128x4xi1>, vector<128x4xf32>
      %swap3A = arith.constant 0 : index
      %swap3A_287 = arith.constant 0 : index
      %swap3A_288 = vector.load %arg4[%swap3A, %swap3A_287] : memref<128x4xf32, #tpu.memory_space<vmem>>, vector<128x4xf32>
      tpu.vector_store %arg4[%swap3A, %swap3A_287], %select_n3A_286 {strides = array<i32>} : memref<128x4xf32, #tpu.memory_space<vmem>>, vector<128x4xf32>,
      %eq3A_289 = vector.broadcast %arg0 : i32 to vector<128x4xi32>
      %eq3A_290 = arith.cmpi eq, %iota3A_275, %eq3A_289 : vector<128x4xi32>
      %get3A_291 = arith.constant 0 : index
      %get3A_292 = arith.constant 0 : index
      %get3A_293 = vector.load %arg7[%get3A_291, %get3A_292] : memref<128x1xi32, #tpu.memory_space<vmem>>, vector<128x1xi32>
      %get3A_294 = arith.constant 0 : index
      %get3A_295 = arith.constant 0 : index
      %get3A_296 = vector.load %arg5[%get3A_294, %get3A_295] : memref<128x4xi32, #tpu.memory_space<vmem>>, vector<128x4xi32>
      %broadcast_in_dim3A_297 = vector.shape_cast %get3A_293 : vector<128x1xi32> to vector<128x1xi32>
      %broadcast_in_dim3A_298 = vector.broadcast %broadcast_in_dim3A_297 : vector<128x1xi32> to vector<128x4xi32>
      %select_n3A_299 = arith.select %eq3A_290, %broadcast_in_dim3A_298, %get3A_296 : vector<128x4xi1>, vector<128x4xi32>
      %swap3A_300 = arith.constant 0 : index
      %swap3A_301 = arith.constant 0 : index
      %swap3A_302 = vector.load %arg5[%swap3A_300, %swap3A_301] : memref<128x4xi32, #tpu.memory_space<vmem>>, vector<128x4xi32>
      tpu.vector_store %arg5[%swap3A_300, %swap3A_301], %select_n3A_299 {strides = array<i32>} : memref<128x4xi32, #tpu.memory_space<vmem>>, vector<128x4xi32>,
    } else {
    }
    return
  }
  func.func @transform_0(%arg0: i32, %arg1: i32) -> (i32, i32) {
    %c0_i32 = arith.constant 0 : i32
    %c0_i32_0 = arith.constant 0 : i32
    %c0_i32_1 = arith.constant 0 : i32
    return %c0_i32, %c0_i32_0 : i32, i32
  }
  func.func @transform_1(%arg0: i32, %arg1: i32) -> (i32, i32) {
    %mul3A = arith.constant 16 : i32
    %mul3A_0 = arith.muli %arg0, %mul3A : i32
    %add3A = arith.addi %mul3A_0, %arg1 : i32
    %c0_i32 = arith.constant 0 : i32
    %c0_i32_1 = arith.constant 0 : i32
    return %c0_i32, %add3A : i32, i32
  }
  func.func @transform_2(%arg0: i32, %arg1: i32) -> (i32, i32) {
    %c0_i32 = arith.constant 0 : i32
    %c0_i32_0 = arith.constant 0 : i32
    %c0_i32_1 = arith.constant 0 : i32
    return %c0_i32, %c0_i32_0 : i32, i32
  }
  func.func @transform_3(%arg0: i32, %arg1: i32) -> (i32, i32) {
    %c0_i32 = arith.constant 0 : i32
    %c0_i32_0 = arith.constant 0 : i32
    %c0_i32_1 = arith.constant 0 : i32
    return %c0_i32, %c0_i32_0 : i32, i32
  }
}

module attributes {stable_mosaic.version = 14 : i64} {
  func.func @_tc2_kernel(%arg0: i32, %arg1: i32, %arg2: memref<128x4xf32, #tpu.memory_space<vmem>>, %arg3: memref<128x4xi32, #tpu.memory_space<vmem>>, %arg4: memref<128x8192xi32, #tpu.memory_space<vmem>>, %arg5: memref<128x8192xf32, #tpu.memory_space<vmem>>, %arg6: memref<4x128xi32, #tpu.memory_space<vmem>>, %arg7: memref<128x4xf32, #tpu.memory_space<vmem>>, %arg8: memref<128x4xi32, #tpu.memory_space<vmem>>) attributes {dimension_semantics = [#tpu.dimension_semantics<arbitrary>, #tpu.dimension_semantics<arbitrary>], iteration_bounds = array<i64: 4, 1>, scalar_prefetch = 0 : i64, scratch_operands = 2 : i64, tpu.core_type = #tpu.core_type<tc>, window_params = [{pipeline_mode = #tpu.pipeline_mode<synchronous>, transform_indices = @transform_0, window_bounds = array<i64: 128, 4>}, {pipeline_mode = #tpu.pipeline_mode<synchronous>, transform_indices = @transform_1, window_bounds = array<i64: 128, 4>}, {transform_indices = @transform_2, window_bounds = array<i64: 128, 8192>}, {transform_indices = @transform_3, window_bounds = array<i64: 128, 8192>}, {pipeline_mode = #tpu.pipeline_mode<synchronous>, transform_indices = @transform_4, window_bounds = array<i64: 4, 128>}]} {
    %eq3A = arith.constant 0 : i32
    %eq3A_0 = arith.cmpi eq, %arg0, %eq3A : i32
    %eq3A_1 = arith.constant 0 : i32
    %eq3A_2 = arith.cmpi eq, %arg1, %eq3A_1 : i32
    %and3A = arith.andi %eq3A_0, %eq3A_2 : i1
    %convert_element_type3A = arith.extui %and3A : i1 to i32
    %cond3A = arith.constant 0 : i32
    %cond3A_3 = arith.cmpi ne, %convert_element_type3A, %cond3A : i32
    scf.if %cond3A_3 {
      %get3A_64 = arith.constant 0 : index
      %get3A_65 = arith.constant 0 : index
      %get3A_66 = vector.load %arg2[%get3A_64, %get3A_65] : memref<128x4xf32, #tpu.memory_space<vmem>>, vector<128x4xf32>
      %swap3A_67 = arith.constant 0 : index
      %swap3A_68 = arith.constant 0 : index
      %swap3A_69 = vector.load %arg7[%swap3A_67, %swap3A_68] : memref<128x4xf32, #tpu.memory_space<vmem>>, vector<128x4xf32>
      tpu.vector_store %arg7[%swap3A_67, %swap3A_68], %get3A_66 {strides = array<i32>} : memref<128x4xf32, #tpu.memory_space<vmem>>, vector<128x4xf32>,
      %get3A_70 = arith.constant 0 : index
      %get3A_71 = arith.constant 0 : index
      %get3A_72 = vector.load %arg3[%get3A_70, %get3A_71] : memref<128x4xi32, #tpu.memory_space<vmem>>, vector<128x4xi32>
      %swap3A_73 = arith.constant 0 : index
      %swap3A_74 = arith.constant 0 : index
      %swap3A_75 = vector.load %arg8[%swap3A_73, %swap3A_74] : memref<128x4xi32, #tpu.memory_space<vmem>>, vector<128x4xi32>
      tpu.vector_store %arg8[%swap3A_73, %swap3A_74], %get3A_72 {strides = array<i32>} : memref<128x4xi32, #tpu.memory_space<vmem>>, vector<128x4xi32>,
    } else {
    }
    %get3A = arith.constant 0 : index
    %get3A_4 = arith.constant 0 : index
    %get3A_5 = vector.load %arg5[%get3A, %get3A_4] : memref<128x8192xf32, #tpu.memory_space<vmem>>, vector<128x8192xf32>
    %get3A_6 = arith.constant 0 : index
    %get3A_7 = arith.constant 0 : index
    %get3A_8 = vector.load %arg4[%get3A_6, %get3A_7] : memref<128x8192xi32, #tpu.memory_space<vmem>>, vector<128x8192xi32>
    %shift_right_logical3A = arith.constant 9 : i32
    %shift_right_logical3A_9 = vector.broadcast %shift_right_logical3A : i32 to vector<128x8192xi32>
    %shift_right_logical3A_10 = arith.shrui %get3A_8, %shift_right_logical3A_9 : vector<128x8192xi32>
    %or3A = arith.constant 1065353216 : i32
    %or3A_11 = vector.broadcast %or3A : i32 to vector<128x8192xi32>
    %or3A_12 = arith.ori %shift_right_logical3A_10, %or3A_11 : vector<128x8192xi32>
    %bitcast3A = tpu.bitcast %or3A_12 : vector<128x8192xi32> -> vector<128x8192xf32>
    %sub3A = arith.constant 1.000000e+00 : f32
    %sub3A_13 = vector.broadcast %sub3A : f32 to vector<128x8192xf32>
    %sub3A_14 = arith.subf %bitcast3A, %sub3A_13 : vector<128x8192xf32>
    %max3A = arith.constant 1.17549435E-38 : f32
    %max3A_15 = vector.broadcast %max3A : f32 to vector<128x8192xf32>
    %max3A_16 = arith.maximumf %sub3A_14, %max3A_15 : vector<128x8192xf32>
    %log3A = math.log %max3A_16 : vector<128x8192xf32>
    %neg3A = arith.constant 0.000000e+00 : f32
    %neg3A_17 = vector.broadcast %neg3A : f32 to vector<128x8192xf32>
    %neg3A_18 = arith.subf %neg3A_17, %log3A : vector<128x8192xf32>
    %log3A_19 = math.log %neg3A_18 : vector<128x8192xf32>
    %sub3A_20 = arith.subf %get3A_5, %log3A_19 : vector<128x8192xf32>
    %reduce_max3A = arith.constant dense<0xFF800000> : vector<128xf32>
    %reduce_max3A_21 = vector.multi_reduction <maximumf>, %sub3A_20, %reduce_max3A [1] : vector<128x8192xf32> to vector<128xf32>
    %broadcast_in_dim3A = vector.shape_cast %reduce_max3A_21 : vector<128xf32> to vector<128x1xf32>
    %iota3A = tpu.iota {dimensions = array<i32: 1>} : vector<128x8192xi32>
    %eq3A_22 = vector.broadcast %broadcast_in_dim3A : vector<128x1xf32> to vector<128x8192xf32>
    %eq3A_23 = arith.cmpf oeq, %sub3A_20, %eq3A_22 : vector<128x8192xf32>
    %jit3A = arith.constant 2147483647 : i32
    %broadcast_in_dim3A_24 = vector.broadcast %jit3A : i32 to vector<128x8192xi32>
    %select_n3A = arith.select %eq3A_23, %iota3A, %broadcast_in_dim3A_24 : vector<128x8192xi1>, vector<128x8192xi32>
    %reduce_min3A = arith.constant dense<2147483647> : vector<128xi32>
    %reduce_min3A_25 = vector.multi_reduction <minsi>, %select_n3A, %reduce_min3A [1] : vector<128x8192xi32> to vector<128xi32>
    %broadcast_in_dim3A_26 = vector.shape_cast %reduce_min3A_25 : vector<128xi32> to vector<128x1xi32>
    %mul3A = arith.constant 8192 : i32
    %mul3A_27 = arith.muli %arg1, %mul3A : i32
    %add3A = arith.constant 24576 : i32
    %add3A_28 = arith.addi %add3A, %mul3A_27 : i32
    %add3A_29 = vector.broadcast %add3A_28 : i32 to vector<128x1xi32>
    %add3A_30 = arith.addi %broadcast_in_dim3A_26, %add3A_29 : vector<128x1xi32>
    %iota3A_31 = tpu.iota {dimensions = array<i32: 1>} : vector<128x4xi32>
    %eq3A_32 = vector.broadcast %arg0 : i32 to vector<128x4xi32>
    %eq3A_33 = arith.cmpi eq, %iota3A_31, %eq3A_32 : vector<128x4xi32>
    %get3A_34 = arith.constant 0 : index
    %get3A_35 = arith.constant 0 : index
    %get3A_36 = vector.load %arg7[%get3A_34, %get3A_35] : memref<128x4xf32, #tpu.memory_space<vmem>>, vector<128x4xf32>
    %gt3A = vector.broadcast %broadcast_in_dim3A : vector<128x1xf32> to vector<128x4xf32>
    %gt3A_37 = arith.cmpf ogt, %gt3A, %get3A_36 : vector<128x4xf32>
    %and3A_38 = arith.andi %eq3A_33, %gt3A_37 : vector<128x4xi1>
    %broadcast_in_dim3A_39 = vector.shape_cast %broadcast_in_dim3A : vector<128x1xf32> to vector<128x1xf32>
    %broadcast_in_dim3A_40 = vector.broadcast %broadcast_in_dim3A_39 : vector<128x1xf32> to vector<128x4xf32>
    %get3A_41 = arith.constant 0 : index
    %get3A_42 = arith.constant 0 : index
    %get3A_43 = vector.load %arg7[%get3A_41, %get3A_42] : memref<128x4xf32, #tpu.memory_space<vmem>>, vector<128x4xf32>
    %select_n3A_44 = arith.select %and3A_38, %broadcast_in_dim3A_40, %get3A_43 : vector<128x4xi1>, vector<128x4xf32>
    %swap3A = arith.constant 0 : index
    %swap3A_45 = arith.constant 0 : index
    %swap3A_46 = vector.load %arg7[%swap3A, %swap3A_45] : memref<128x4xf32, #tpu.memory_space<vmem>>, vector<128x4xf32>
    tpu.vector_store %arg7[%swap3A, %swap3A_45], %select_n3A_44 {strides = array<i32>} : memref<128x4xf32, #tpu.memory_space<vmem>>, vector<128x4xf32>,
    %broadcast_in_dim3A_47 = vector.shape_cast %add3A_30 : vector<128x1xi32> to vector<128x1xi32>
    %broadcast_in_dim3A_48 = vector.broadcast %broadcast_in_dim3A_47 : vector<128x1xi32> to vector<128x4xi32>
    %get3A_49 = arith.constant 0 : index
    %get3A_50 = arith.constant 0 : index
    %get3A_51 = vector.load %arg8[%get3A_49, %get3A_50] : memref<128x4xi32, #tpu.memory_space<vmem>>, vector<128x4xi32>
    %select_n3A_52 = arith.select %and3A_38, %broadcast_in_dim3A_48, %get3A_51 : vector<128x4xi1>, vector<128x4xi32>
    %swap3A_53 = arith.constant 0 : index
    %swap3A_54 = arith.constant 0 : index
    %swap3A_55 = vector.load %arg8[%swap3A_53, %swap3A_54] : memref<128x4xi32, #tpu.memory_space<vmem>>, vector<128x4xi32>
    tpu.vector_store %arg8[%swap3A_53, %swap3A_54], %select_n3A_52 {strides = array<i32>} : memref<128x4xi32, #tpu.memory_space<vmem>>, vector<128x4xi32>,
    %eq3A_56 = arith.constant 3 : i32
    %eq3A_57 = arith.cmpi eq, %arg0, %eq3A_56 : i32
    %eq3A_58 = arith.constant 0 : i32
    %eq3A_59 = arith.cmpi eq, %arg1, %eq3A_58 : i32
    %and3A_60 = arith.andi %eq3A_57, %eq3A_59 : i1
    %convert_element_type3A_61 = arith.extui %and3A_60 : i1 to i32
    %cond3A_62 = arith.constant 0 : i32
    %cond3A_63 = arith.cmpi ne, %convert_element_type3A_61, %cond3A_62 : i32
    scf.if %cond3A_63 {
      %get3A_64 = arith.constant 0 : index
      %get3A_65 = arith.constant 0 : index
      %get3A_66 = vector.load %arg8[%get3A_64, %get3A_65] : memref<128x4xi32, #tpu.memory_space<vmem>>, vector<128x4xi32>
      %transpose3A = tpu.transpose %get3A_66, [1, 0] : vector<128x4xi32> -> vector<4x128xi32>
      %swap3A_67 = arith.constant 0 : index
      %swap3A_68 = arith.constant 0 : index
      %swap3A_69 = vector.load %arg6[%swap3A_67, %swap3A_68] : memref<4x128xi32, #tpu.memory_space<vmem>>, vector<4x128xi32>
      tpu.vector_store %arg6[%swap3A_67, %swap3A_68], %transpose3A {strides = array<i32>} : memref<4x128xi32, #tpu.memory_space<vmem>>, vector<4x128xi32>,
    } else {
    }
    return
  }
  func.func @transform_0(%arg0: i32, %arg1: i32) -> (i32, i32) {
    %c0_i32 = arith.constant 0 : i32
    %c0_i32_0 = arith.constant 0 : i32
    %c0_i32_1 = arith.constant 0 : i32
    return %c0_i32, %c0_i32_0 : i32, i32
  }
  func.func @transform_1(%arg0: i32, %arg1: i32) -> (i32, i32) {
    %c0_i32 = arith.constant 0 : i32
    %c0_i32_0 = arith.constant 0 : i32
    %c0_i32_1 = arith.constant 0 : i32
    return %c0_i32, %c0_i32_0 : i32, i32
  }
  func.func @transform_2(%arg0: i32, %arg1: i32) -> (i32, i32) {
    %c0_i32 = arith.constant 0 : i32
    return %arg0, %arg1 : i32, i32
  }
  func.func @transform_3(%arg0: i32, %arg1: i32) -> (i32, i32) {
    %mul3A = arith.constant 4 : i32
    %mul3A_0 = arith.muli %arg0, %mul3A : i32
    %add3A = arith.constant 3 : i32
    %add3A_1 = arith.addi %mul3A_0, %add3A : i32
    %add3A_2 = arith.addi %add3A_1, %arg1 : i32
    %c0_i32 = arith.constant 0 : i32
    %c0_i32_3 = arith.constant 0 : i32
    return %c0_i32, %add3A_2 : i32, i32
  }
  func.func @transform_4(%arg0: i32, %arg1: i32) -> (i32, i32) {
    %c0_i32 = arith.constant 0 : i32
    %c0_i32_0 = arith.constant 0 : i32
    %c0_i32_1 = arith.constant 0 : i32
    return %c0_i32, %c0_i32_0 : i32, i32
  }
}

</mosaic_0001>

<sc_bundles>
// kernel: kernel.9.cloned.1.call-start
scs
__scs_entry_jumppad:
0x0: {  	(pc) =	sbr.rel $0x88, $3  }
0x1: {  	(tag) =	ssettag $0x0;
	lr =	simm.s32 $0x1  }
0x2: {  	[smem:$0x3FA0] =	sst lr;
	_ =	strace $0xD0000000  }
0x3: {  	_ = 	snop  }
0x4: {  	_ = 	snop  }
0x5: {  	_ = 	snop  }
0x6: {  	_ = 	snop  }
0x7: {  	_ = 	snop  }
__scs_overlays_trampoline_lowered:
0x8: {  	[smem:$0x3FAF] =	sst s0  }
0x9: {  	[smem:$0x3FB0] =	sst s1  }
0xa: {  	[smem:$0x3FB1] =	sst s2  }
0xb: {  	[smem:$0x3FB2] =	sst s3  }
0xc: {  	[smem:$0x3FB3] =	sst s4  }
0xd: {  	[smem:$0x3FB4] =	sst s5  }
0xe: {  	[smem:$0x3FB5] =	sst s6  }
0xf: {  	[smem:$0x3FB6] =	sst s7  }
0x10: {  	[smem:$0x3FB7] =	sst s8  }
0x11: {  	[smem:$0x3FB8] =	sst s9;
	s0 =	simm.s32 @!p0 $0x0  }
0x12: {  	s1 =	sld [smem:$0x3F9E];
	s0 =	simm.s32 @p0 $0x1  }
0x13: {  	[smem:$0x3FB9] =	sst s0;
	s0 =	simm.s32 @!p1 $0x0  }
0x14: {  	s2 =	sld [smem:$0x3F9D];
	s0 =	simm.s32 @p1 $0x1  }
0x15: {  	[smem:$0x3FBA] =	sst s0;
	s0 =	simm.s32 @!p2 $0x0  }
0x16: {  	s3 =	sld [smem:$0x3FDB];
	s0 =	simm.s32 @p2 $0x1  }
0x17: {  	s4 =	simm.s32 $0x1BF5;
	[smem:$0x3FBC] =	sst s0  }
0x18: {  	s0 =	sld [smem:$0x3F9F];
	_ =	swait.ge [sflag:s4], $0x0  }
0x19: {  	s7 =	sld [smem:$0x3FA0]  }
0x1a: {  	s8 =	sadd.s32 $0xFFFFE003, lr  }
0x1b: {  	s9 =	sadd.s32 $0xFFFFFEF7, lr;
	s5 =	simm.s32 $0xFFFFFFFF;
	p2 =	slt.u32 s8, $0xFFFFF086  }
0x1c: {  	p1 =	slt.u32 s9, $0xF7A;
	s5 =	simm.s32 @!p2 $0x0  }
0x1d: {  	s5 =	simm.s32 @p1 $0x1;
	p0 =	seq.s32 s7, s2  }
0x1e: {  	s7 =	smul.u32 @!p0 $0xF7A, s2;
	p2 =	seq.s32 @!p0 s5, $0x0  }
0x1f: {  	s9 =	smul.u32 $0xF7A, s1;
	s8 =	simm.s32 @!p0 $0x1BF5;
	p2 =	por !p2, p0  }
0x20: {  	[sflag:s8] =	ssyncset.s32 @!p0 $0xFFFFF086;
	s6 =	sadd.s32 @!p0 s3, s7;
	s7 =	simm.s32 @!p0 $0x108  }
0x21: {  	s3 =	sadd.s32 s3, s9;
	s6 =	sadd.s32 @!p0 $0x88, s6;
	s7 =	simm.s32 @p2 $0x1082  }
0x22: {  	[simem:s7], [sflag:s8] =	dma.local @!p0 [hbm:s6], $0xF7A  }
0x23: {  	s9 =	sor.u32 $0xD0000000, s2;
	s6 =	simm.s32 $0x108;
	_ =	swait.ge @!p0 [sflag:s8], $0x0  }
0x24: {  	s3 =	sadd.s32 $0x88, s3;
	s6 =	simm.s32 @!p1 $0x1082;
	[sflag:s4] =	ssyncset.s32 $0xFFFFF086  }
0x25: {  	[simem:s6], [sflag:s4] =	dma.local [hbm:s3], $0xF7A  }
0x26: {  	[smem:$0x3FA0] =	sst s1;
	(tag) =	ssettag s2;
	_ =	strace s9  }
0x27: {  	s1 =	sld [smem:$0x3FB0]  }
0x28: {  	s2 =	sld [smem:$0x3FB1]  }
0x29: {  	s4 =	sld [smem:$0x3FB3]  }
0x2a: {  	p0 =	seq.s32 s5, $0x0;
	s5 =	sld [smem:$0x3FB4]  }
0x2b: {  	s6 =	sld [smem:$0x3FB5]  }
0x2c: {  	s7 =	sld [smem:$0x3FB6]  }
0x2d: {  	s3 =	simm.s32 $0x108;
	s8 =	sld [smem:$0x3FB7]  }
0x2e: {  	s3 =	simm.s32 @!p0 $0x1082;
	s9 =	sld [smem:$0x3FB8]  }
0x2f: {  	lr =	sadd.s32 s0, s3;
	s0 =	sld [smem:$0x3FAF]  }
0x30: {  	s3 =	sld [smem:$0x3FB2]  }
0x31: {  	[smem:$0x3FBB] =	sst s10  }
0x32: {  	s10 =	sld [smem:$0x3FB9];
	_ =	sdelay $0x3  }
0x33: {  	p0 =	seq.s32 s10, $0x1;
	s10 =	sld [smem:$0x3FBB];
	_ =	sdelay $0x3  }
0x34: {  	[smem:$0x3FBB] =	sst s10  }
0x35: {  	s10 =	sld [smem:$0x3FBA];
	_ =	sdelay $0x3  }
0x36: {  	p1 =	seq.s32 s10, $0x1;
	s10 =	sld [smem:$0x3FBB];
	_ =	sdelay $0x3  }
0x37: {  	[smem:$0x3FBB] =	sst s10  }
0x38: {  	s10 =	sld [smem:$0x3FBC]  }
0x39: {  	_ = 	snop;
	(pc) =	sbr.ind lr, $3  }
0x3a: {  	_ = 	snop  }
0x3b: {  	_ = 	snop  }
0x3c: {  	p2 =	seq.s32 s10, $0x1;
	s10 =	sld [smem:$0x3FBB]  }
0x3d: {  	_ =	shalt  }
0x3e: {  	_ =	shalt  }
0x3f: {  	_ =	shalt  }
0x40: {  	_ =	shalt  }
0x41: {  	_ =	shalt  }
0x42: {  	_ =	shalt  }
0x43: {  	_ =	shalt  }
0x44: {  	_ =	shalt  }
0x45: {  	_ =	shalt  }
0x46: {  	_ =	shalt  }
0x47: {  	_ =	shalt  }
0x48: {  	_ =	shalt  }
0x49: {  	_ =	shalt  }
0x4a: {  	_ =	shalt  }
0x4b: {  	_ =	shalt  }
0x4c: {  	_ =	shalt  }
0x4d: {  	_ =	shalt  }
0x4e: {  	_ =	shalt  }
0x4f: {  	_ =	shalt  }
0x50: {  	_ =	shalt  }
0x51: {  	_ =	shalt  }
0x52: {  	_ =	shalt  }
0x53: {  	_ =	shalt  }
0x54: {  	_ =	shalt  }
0x55: {  	_ =	shalt  }
0x56: {  	_ =	shalt  }
0x57: {  	_ =	shalt  }
0x58: {  	_ =	shalt  }
0x59: {  	_ =	shalt  }
0x5a: {  	_ =	shalt  }
0x5b: {  	_ =	shalt  }
0x5c: {  	_ =	shalt  }
0x5d: {  	_ =	shalt  }
0x5e: {  	_ =	shalt  }
0x5f: {  	_ =	shalt  }
0x60: {  	_ =	shalt  }
0x61: {  	_ =	shalt  }
0x62: {  	_ =	shalt  }
0x63: {  	_ =	shalt  }
0x64: {  	_ =	shalt  }
0x65: {  	_ =	shalt  }
0x66: {  	_ =	shalt  }
0x67: {  	_ =	shalt  }
0x68: {  	_ =	shalt  }
0x69: {  	_ =	shalt  }
0x6a: {  	_ =	shalt  }
0x6b: {  	_ =	shalt  }
0x6c: {  	_ =	shalt  }
0x6d: {  	_ =	shalt  }
0x6e: {  	_ =	shalt  }
0x6f: {  	_ =	shalt  }
0x70: {  	_ =	shalt  }
0x71: {  	_ =	shalt  }
0x72: {  	_ =	shalt  }
0x73: {  	_ =	shalt  }
0x74: {  	_ =	shalt  }
0x75: {  	_ =	shalt  }
0x76: {  	_ =	shalt  }
0x77: {  	_ =	shalt  }
0x78: {  	_ =	shalt  }
0x79: {  	_ =	shalt  }
0x7a: {  	_ =	shalt  }
0x7b: {  	_ =	shalt  }
0x7c: {  	_ =	shalt  }
0x7d: {  	_ =	shalt  }
0x7e: {  	_ =	shalt  }
0x7f: {  	_ =	shalt  }
0x80: {  	_ =	shalt  }
0x81: {  	_ =	shalt  }
0x82: {  	_ =	shalt  }
0x83: {  	_ =	shalt  }
0x84: {  	_ =	shalt  }
0x85: {  	_ =	shalt  }
0x86: {  	_ =	shalt  }
0x87: {  	_ =	shalt  }
.Lfunc_end0:
.L_simem_size_0:
called_computation_lowered:
.L_overlay_start_0:
0x88: {  	s2 =	sld [smem:$0x3FD9]  }
0x89: {  	s3 =	sld [smem:$0x3FFE];
	_ =	sdelay $0x1  }
0x8a: {  	s1 =	srdreg.scid  }
0x8b: {  	s0 =	sand.u32 $0x1, s1  }
0x8c: {  	s16 =	sshll.u32 s0, $0xA;
	s2 =	sadd.s32 s3, s2  }
0x8d: {  	s2 =	sadd.s32 s2, s16  }
0x8e: {  	[smem:$0x3FC7] =	sst s2  }
0x8f: {  	_ = 	snop  }
0x90: {  	(tm) =	ssettm $0x1  }
0x91: {  	s17 =	sld [smem:$0x3FFB];
	_ =	sdelay $0x3  }
0x92: {  	_ =	strace s17  }
0x93: {  	s2 =	sld [smem:$0x3FFC];
	_ =	sdelay $0x3  }
0x94: {  	_ =	strace s2  }
0x95: {  	s2 =	sld [smem:$0x3FFD];
	_ =	sdelay $0x3  }
0x96: {  	_ =	strace s2  }
0x97: {  	_ =	strace $0x8FFFFFFF  }
0x98: {  	s18 =	sld [smem:$0x3FDB];
	_ =	sdelay $0x1  }
0x99: {  	s19 =	simm.s32 $_scs_section_size  }
0x9a: {  	s4 =	simm.s32 $_size__tile_overlayer_lowered;
	s5 =	simm.s32 $_tile_overlayer_lowered  }
0x9b: {  	s22 =	simm.s32 $0x1BFF;
	s21 =	sshll.u32 s5, $0x1;
	s2 =	sadd.s32 s19, s18  }
0x9c: {  	s6 =	simm.s32 $0x0;
	s20 =	sshll.u32 s4, $0x1;
	s4 =	sadd.s32 s21, s2  }
0x9d: {  	[timem:s6], [sflag:s22] =	dma.local [hbm:s4], s20  }
0x9e: {  	_ =	swait.ge [sflag:s22], s20  }
0x9f: {  	s3 =	ssub.s32 $0x0, s20;
	[sflag:s22] =	ssyncset.done $0x0  }
0xa0: {  	[sflag:s22] =	ssyncadd.s32 s3;
	_ =	sdelay $0x1  }
0xa1: {  	s23 =	simm.s32 $0x1B8B  }
0xa2: {  	_ =	swait.ge [sflag:s23], $0x1  }
0xa3: {  	[sflag:s23] =	ssyncset.done $0x0  }
0xa4: {  	s25 =	simm.s32 $0x1B8E;
	s24 =	sld [smem:$0x3FFE];
	[sflag:s23] =	ssyncadd.s32 $0xFFFFFFFF  }
0xa5: {  	s26 =	simm.s32 $execute0_lowered;
	[smem:$0x3FD2] =	sst s25  }
0xa6: {  	s4 =	sshll.u32 s26, $0x1;
	_ =	strace $0x80000046;
	[dreg:$0x1] =	wrdreg $0xFFFFFFFF  }
0xa7: {  	s28 =	simm.s32 $_size_execute0_lowered;
	s2 =	sadd.s32 s2, s4;
	[dreg:$0x0] =	wrdreg $0x0  }
0xa8: {  	s4 =	sshll.u32 s28, $0x1;
	[dreg:$0x2] =	wrdreg s2  }
0xa9: {  	[dreg:$0x3] =	wrdreg s4  }
0xaa: {  	[dreg:$0x4] =	wrdreg $0xC0  }
0xab: {  	_ =	task [dreg:s6], $0x5FFFF  }
0xac: {  	[dreg:$0x1] =	wrdreg $0xFFFFFFFF  }
0xad: {  	[dreg:$0x0] =	wrdreg $0x60  }
0xae: {  	[dreg:$0x2] =	wrdreg s24  }
0xaf: {  	[dreg:$0x3] =	wrdreg $0x9  }
0xb0: {  	_ =	task.clear_ibuf [dreg:s6], $0x4FFFF;
	_ =	strace $0x90000046  }
0xb1: {  	s29 =	simm.s32 $0x9;
	_ =	strace $0x80000048  }
0xb2: {  	_ =	swait.ge [sflag:s29], $0x1  }
0xb3: {  	[sflag:s29] =	ssyncadd.s32 $0xFFFFFFFF  }
0xb4: {  	_ =	strace $0x90000048  }
0xb5: {  	_ =	sfence  }
0xb6: {  	s30 =	sld [smem:$0x0];
	_ =	sdelay $0x2  }
0xb7: {  	s31 =	sshll.u32 s1, $0xD;
	s1 =	sshrl.u32 s1, $0x2  }
0xb8: {  	s3 =	sand.u32 $0x4000, s31;
	s1 =	sadd.s32 s1, s30  }
0xb9: {  	s0 =	sor.u32 s3, s0;
	s1 =	sshll.u32 s1, $0x11  }
0xba: {  	s0 =	sor.u32 s1, s0  }
0xbb: {  	s0 =	sadd.s32 $0x8F2B, s0  }
0xbc: {  	[sflag:s0] =	ssyncadd.remote.s32 $0x1  }
0xbd: {  	_ =	sfence.sel $0xFFFF  }
0xbe: {  	[dreg:$0x0] =	wrdreg $0xFFFFFFFF;
	(pc) =	sbr.abs _section_cstart, $3  }
0xbf: {  	[dreg:$0x1] =	wrdreg $0xFFFFFFFF  }
0xc0: {  	_ =	task.clear_ibuf [dreg:s6], $0x2FFFF;
	_ =	strace $0x9FFFFFFF  }
0xc1: {  	(tm) =	ssettm $0x7FFFFFFF  }
tec
execute0_lowered:
.L_overlay_start_1:
0x0: {  	(tag) =	ssettag $0x1  }
0x1: {  	s2 =	rddreg [dreg:$0x0]  }
0x2: {  	s0 =	rddreg [dreg:$0x1];
	s1 =	simm.s32 $0x0  }
0x3: {  	s3 =	srdreg.scid;
	s12 =	simm.s32 $0x400;
	s13 =	simm.s32 $0x2400  }
0x4: {  	s14 =	simm.s32 $0x1;
	s15 =	simm.s32 $0x2;
	s16 =	simm.s32 $0x0  }
0x5: {  	[smem:$0x7FF] =	sst s1;
	s5 =	sand.u32 $0x1, s3;
	s3 =	sadd.s32 $0xA00, s2  }
0x6: {  	s4 =	sadd.s32 $0xC00, s2;
	s2 =	stileid.u32;
	_ =	strace $0x80000047  }
0x7: {  	s6 =	ssub.s32 $0x2, s5;
	s29 =	sshll.u32 s2, $0x5;
	s8 =	sshll.u32 s5, $0x4  }
0x8: {  	s9 =	sshrl.u32 s2, $0x2;
	s10 =	sshll.u32 s2, $0x14;
	s11 =	sshll.u32 s5, $0x13  }
0x9: {  	s7 =	sshrl.u32 s6, $0x1;
	s5 =	sor.u32 s8, s29;
	s30 =	sshll.u32 s9, $0x16  }
0xa: {  	s10 =	sor.u32 s11, s10;
	s11 =	simm.s32 $0x80;
	s7 =	ssub.s32 s6, s7  }
0xb: {  	s6 =	sshll.u32 s9, $0x8;
	s31 =	ssub.s32 s10, s30;
	s10 =	simm.s32 $0x3  }
0xc: {  	v0 =	vlaneseq.u32;
	s7 =	smax.u32 s7, $0x1;
	s8 =	sor.u32 $0x6070, s31;
	s9 =	sor.u32 $0xE070, s31  }
.LBB2_1:
0xd: {  	[tilespmem:s1], [sflag:$0x3] =	stream.linear.gather [hbm4b:s3+s1], $0x400, $0x38;
	[tilespmem:$0x4400] =	vst v63  }
0xe: {  	_ =	swait.ge [sflag:s10], $0x400  }
0xf: {  	s17 =	smov.u32 s9;
	[sflag:s10] =	ssyncset.done $0x0  }
0x10: {  	s18 =	smov.u32 s8;
	s19 =	simm.s32 $0x0;
	[sflag:s10] =	ssyncadd.s32 $0xFFFFFC00  }
.LBB2_2:
0x11: {  	p0 =	seq.s32 s19, $0x0  }
0x12: {  	s20 =	simm.s32 @!p0 $0x1  }
0x13: {  	_ =	swait.ge @!p0 [sflag:s20], $0x2000  }
0x14: {  	[sflag:s20] =	ssyncset.done @!p0 $0x0  }
0x15: {  	[sflag:s20] =	ssyncadd.s32 @!p0 $0xFFFFE000  }
0x16: {  	v1 =	vld [tilespmem:s6+$0x0]  }
0x17: {  	v2 =	vld [tilespmem:s6+$0x80];
	_ =	sdelay $0x4  }
0x18: {  	v3 =	vxor.u32 v2, v1;
	v5 =	vadd.s32 $0x2, v1  }
0x19: {  	s26 =	sadd.s32 $0xFFFFFFA0, s18;
	s21 =	sadd.s32 $0xFFFFFFF0, s18;
	s28 =	sadd.s32 $0xFFFFFFB0, s18;
	v6 =	vadd.s32 $0x3, v2;
	v8 =	vadd.s32 $0x5, v1;
	v9 =	vadd.s32 s18, v2  }
0x1a: {  	s22 =	sadd.s32 $0xFFFFFFC0, s18;
	s29 =	sadd.s32 $0xFFFFFF90, s18;
	s30 =	sadd.s32 $0xFFFFFFD0, s18;
	v10 =	vadd.s32 s26, v2;
	v11 =	vadd.s32 s21, v2;
	v12 =	vadd.s32 s28, v2  }
0x1b: {  	s31 =	sadd.s32 $0xFFFFFFE0, s18;
	v13 =	vadd.s32 s22, v2;
	v14 =	vadd.s32 s29, v2;
	v17 =	vadd.s32 s30, v2  }
0x1c: {  	v57 =	vadd.s32 s31, v2;
	v3 =	vxor.u32 $0x1BD11BDA, v3;
	v9 =	vadd.s32 v0, v9  }
0x1d: {  	v11 =	vadd.s32 v0, v11;
	v14 =	vadd.s32 v0, v14;
	v10 =	vadd.s32 v0, v10  }
0x1e: {  	v12 =	vadd.s32 v0, v12;
	v13 =	vadd.s32 v0, v13;
	v17 =	vadd.s32 v0, v17  }
0x1f: {  	v4 =	vadd.s32 $0x1, v3;
	v7 =	vadd.s32 $0x4, v3;
	v15 =	vshrl.u32 v11, $0x13  }
0x20: {  	v16 =	vshll.u32 v11, $0xD;
	v11 =	vadd.s32 v1, v11;
	v20 =	vshrl.u32 v14, $0x13  }
0x21: {  	v60 =	vshll.u32 v14, $0xD;
	v61 =	vshrl.u32 v10, $0x13;
	v21 =	vshll.u32 v10, $0xD  }
0x22: {  	v24 =	vshrl.u32 v12, $0x13;
	v62 =	vshll.u32 v12, $0xD;
	v63 =	vshrl.u32 v13, $0x13  }
0x23: {  	v25 =	vshll.u32 v13, $0xD;
	v26 =	vshrl.u32 v17, $0x13;
	v29 =	vshll.u32 v17, $0xD  }
0x24: {  	v32 =	vshrl.u32 v9, $0x13;
	v38 =	vshll.u32 v9, $0xD;
	v14 =	vadd.s32 v1, v14  }
0x25: {  	v10 =	vadd.s32 v1, v10;
	v12 =	vadd.s32 v1, v12;
	v13 =	vadd.s32 v1, v13  }
0x26: {  	v17 =	vadd.s32 v1, v17;
	v9 =	vadd.s32 v1, v9;
	v15 =	vor.u32 v15, v16  }
0x27: {  	v16 =	vadd.s32 v0, v57;
	v39 =	vor.u32 v24, v62;
	v42 =	vor.u32 v26, v29  }
0x28: {  	v48 =	vor.u32 v32, v38;
	v15 =	vxor.u32 v11, v15;
	v36 =	vshrl.u32 v16, $0x13  }
0x29: {  	v37 =	vshll.u32 v16, $0xD;
	v16 =	vadd.s32 v1, v16;
	v24 =	vxor.u32 v9, v48  }
0x2a: {  	v18 =	vshrl.u32 v15, $0x11;
	v19 =	vshll.u32 v15, $0xF;
	v11 =	vadd.s32 v11, v15  }
0x2b: {  	v43 =	vor.u32 v36, v37;
	v15 =	vor.u32 v18, v19;
	v18 =	vor.u32 v20, v60  }
0x2c: {  	v19 =	vor.u32 v61, v21;
	v20 =	vxor.u32 v12, v39;
	v21 =	vxor.u32 v17, v42  }
0x2d: {  	v42 =	vshll.u32 v24, $0xF;
	v15 =	vxor.u32 v11, v15;
	v18 =	vxor.u32 v14, v18  }
0x2e: {  	v19 =	vxor.u32 v10, v19;
	v58 =	vshrl.u32 v15, $0x6;
	v59 =	vshll.u32 v15, $0x1A  }
0x2f: {  	v60 =	vshll.u32 v20, $0xF;
	v11 =	vadd.s32 v11, v15;
	v15 =	vor.u32 v58, v59  }
0x30: {  	v35 =	vshrl.u32 v21, $0x11;
	v12 =	vadd.s32 v12, v20;
	v15 =	vxor.u32 v11, v15  }
0x31: {  	v17 =	vadd.s32 v17, v21;
	v22 =	vshrl.u32 v15, $0x1A;
	v23 =	vshll.u32 v15, $0x6  }
0x32: {  	v53 =	vshrl.u32 v18, $0x11;
	v11 =	vadd.s32 v11, v15;
	v15 =	vor.u32 v22, v23  }
0x33: {  	v54 =	vshll.u32 v18, $0xF;
	v55 =	vshrl.u32 v19, $0x11;
	v15 =	vxor.u32 v11, v15  }
0x34: {  	v14 =	vadd.s32 v14, v18;
	v10 =	vadd.s32 v10, v19;
	v15 =	vadd.s32 v15, v4  }
0x35: {  	v11 =	vadd.s32 v2, v11;
	v27 =	vshrl.u32 v15, $0xF;
	v28 =	vshll.u32 v15, $0x11  }
0x36: {  	v18 =	vadd.s32 v9, v24;
	v11 =	vadd.s32 v15, v11;
	v15 =	vor.u32 v27, v28  }
0x37: {  	v58 =	vshll.u32 v19, $0xF;
	v59 =	vshrl.u32 v20, $0x11;
	v15 =	vxor.u32 v11, v15  }
0x38: {  	v23 =	vor.u32 v63, v25;
	v30 =	vshrl.u32 v15, $0x3;
	v31 =	vshll.u32 v15, $0x1D  }
0x39: {  	v22 =	vxor.u32 v16, v43;
	v11 =	vadd.s32 v11, v15;
	v15 =	vor.u32 v30, v31  }
0x3a: {  	v63 =	vshll.u32 v21, $0xF;
	v25 =	vor.u32 v53, v54;
	v15 =	vxor.u32 v11, v15  }
0x3b: {  	v23 =	vxor.u32 v13, v23;
	v40 =	vshrl.u32 v15, $0x10;
	v41 =	vshll.u32 v15, $0x10  }
0x3c: {  	v36 =	vshll.u32 v22, $0xF;
	v11 =	vadd.s32 v11, v15;
	v15 =	vor.u32 v40, v41  }
0x3d: {  	v16 =	vadd.s32 v16, v22;
	v19 =	vxor.u32 v14, v25;
	v15 =	vxor.u32 v11, v15  }
0x3e: {  	v61 =	vshrl.u32 v23, $0x11;
	v44 =	vshrl.u32 v15, $0x8;
	v45 =	vshll.u32 v15, $0x18  }
0x3f: {  	v62 =	vshll.u32 v23, $0xF;
	v11 =	vadd.s32 v11, v15;
	v15 =	vor.u32 v44, v45  }
0x40: {  	v13 =	vadd.s32 v13, v23;
	v14 =	vadd.s32 v14, v19;
	v15 =	vxor.u32 v11, v15  }
0x41: {  	v27 =	vor.u32 v55, v58;
	v28 =	vor.u32 v59, v60;
	v15 =	vadd.s32 v15, v5  }
0x42: {  	v11 =	vadd.s32 v3, v11;
	v46 =	vshrl.u32 v15, $0x13;
	v47 =	vshll.u32 v15, $0xD  }
0x43: {  	v54 =	vxor.u32 v10, v27;
	v11 =	vadd.s32 v15, v11;
	v15 =	vor.u32 v46, v47  }
0x44: {  	v55 =	vxor.u32 v12, v28;
	v10 =	vadd.s32 v10, v54;
	v15 =	vxor.u32 v11, v15  }
0x45: {  	v12 =	vadd.s32 v12, v55;
	v49 =	vshrl.u32 v15, $0x11;
	v50 =	vshll.u32 v15, $0xF  }
0x46: {  	v41 =	vshrl.u32 v24, $0x11;
	v11 =	vadd.s32 v11, v15;
	v15 =	vor.u32 v49, v50  }
0x47: {  	v40 =	vshrl.u32 v22, $0x11;
	v9 =	vor.u32 v41, v42;
	v15 =	vxor.u32 v11, v15  }
0x48: {  	v41 =	vshrl.u32 v55, $0x6;
	v51 =	vshrl.u32 v15, $0x6;
	v52 =	vshll.u32 v15, $0x1A  }
0x49: {  	v42 =	vshll.u32 v55, $0x1A;
	v11 =	vadd.s32 v11, v15;
	v15 =	vor.u32 v51, v52  }
0x4a: {  	v45 =	vor.u32 v61, v62;
	v61 =	vshrl.u32 v19, $0x6;
	v15 =	vxor.u32 v11, v15  }
0x4b: {  	v62 =	vxor.u32 v18, v9;
	v56 =	vshrl.u32 v15, $0x1A;
	v57 =	vshll.u32 v15, $0x6  }
0x4c: {  	v18 =	vadd.s32 v18, v62;
	v11 =	vadd.s32 v11, v15;
	v15 =	vor.u32 v56, v57  }
0x4d: {  	v46 =	vor.u32 v35, v63;
	v47 =	vor.u32 v40, v36;
	v15 =	vxor.u32 v11, v15  }
0x4e: {  	v63 =	vshll.u32 v19, $0x1A;
	v40 =	vshrl.u32 v54, $0x6;
	v15 =	vadd.s32 v15, v6  }
0x4f: {  	v11 =	vadd.s32 v1, v11;
	v33 =	vshrl.u32 v15, $0xF;
	v34 =	vshll.u32 v15, $0x11  }
0x50: {  	v60 =	vxor.u32 v16, v47;
	v11 =	vadd.s32 v15, v11;
	v15 =	vor.u32 v33, v34  }
0x51: {  	v24 =	vor.u32 v61, v63;
	v47 =	vshll.u32 v60, $0x1A;
	v15 =	vxor.u32 v11, v15  }
0x52: {  	v16 =	vadd.s32 v16, v60;
	v37 =	vshrl.u32 v15, $0x3;
	v38 =	vshll.u32 v15, $0x1D  }
0x53: {  	v19 =	vxor.u32 v14, v24;
	v11 =	vadd.s32 v11, v15;
	v15 =	vor.u32 v37, v38  }
0x54: {  	v24 =	vshrl.u32 v19, $0x1A;
	v14 =	vadd.s32 v14, v19;
	v15 =	vxor.u32 v11, v15  }
0x55: {  	v56 =	vxor.u32 v13, v45;
	v43 =	vshrl.u32 v15, $0x10;
	v44 =	vshll.u32 v15, $0x10  }
0x56: {  	v57 =	vxor.u32 v17, v46;
	v11 =	vadd.s32 v11, v15;
	v15 =	vor.u32 v43, v44  }
0x57: {  	v46 =	vshrl.u32 v60, $0x6;
	v45 =	vshll.u32 v57, $0x1A;
	v15 =	vxor.u32 v11, v15  }
0x58: {  	v13 =	vadd.s32 v13, v56;
	v48 =	vshrl.u32 v15, $0x8;
	v49 =	vshll.u32 v15, $0x18  }
0x59: {  	v17 =	vadd.s32 v17, v57;
	v11 =	vadd.s32 v11, v15;
	v15 =	vor.u32 v48, v49  }
0x5a: {  	v43 =	vshrl.u32 v56, $0x6;
	v44 =	vshll.u32 v56, $0x1A;
	v15 =	vxor.u32 v11, v15  }
0x5b: {  	v48 =	vshrl.u32 v62, $0x6;
	v49 =	vshll.u32 v62, $0x1A;
	v15 =	vadd.s32 v15, v7  }
0x5c: {  	v11 =	vadd.s32 v2, v11;
	v50 =	vshrl.u32 v15, $0x13;
	v51 =	vshll.u32 v15, $0xD  }
0x5d: {  	v11 =	vadd.s32 v15, v11;
	v15 =	vor.u32 v50, v51;
	v51 =	vor.u32 v43, v44  }
0x5e: {  	v50 =	vor.u32 v41, v42;
	v15 =	vxor.u32 v11, v15;
	v55 =	vxor.u32 v13, v51  }
0x5f: {  	v52 =	vshrl.u32 v15, $0x11;
	v53 =	vshll.u32 v15, $0xF;
	v11 =	vadd.s32 v11, v15  }
0x60: {  	v62 =	vshrl.u32 v55, $0x1A;
	v63 =	vshll.u32 v55, $0x6;
	v13 =	vadd.s32 v13, v55  }
0x61: {  	v15 =	vor.u32 v52, v53;
	v52 =	vor.u32 v46, v47;
	v53 =	vor.u32 v48, v49  }
0x62: {  	v47 =	vor.u32 v62, v63;
	v15 =	vxor.u32 v11, v15;
	v56 =	vxor.u32 v16, v52  }
0x63: {  	v20 =	vxor.u32 v18, v53;
	v22 =	vxor.u32 v13, v47;
	v13 =	vadd.s32 v2, v13  }
0x64: {  	v58 =	vshrl.u32 v15, $0x6;
	v59 =	vshll.u32 v15, $0x1A;
	v11 =	vadd.s32 v11, v15  }
0x65: {  	v42 =	vshrl.u32 v56, $0x1A;
	v43 =	vshll.u32 v56, $0x6;
	v44 =	vshrl.u32 v20, $0x1A  }
0x66: {  	v18 =	vadd.s32 v18, v20;
	v22 =	vadd.s32 v22, v4;
	v15 =	vor.u32 v58, v59  }
0x67: {  	v49 =	vor.u32 v42, v43;
	v13 =	vadd.s32 v22, v13;
	v15 =	vxor.u32 v11, v15  }
0x68: {  	v9 =	vshrl.u32 v15, $0x1A;
	v39 =	vshll.u32 v15, $0x6;
	v11 =	vadd.s32 v11, v15  }
0x69: {  	v15 =	vshll.u32 v54, $0x1A;
	v54 =	vxor.u32 v12, v50;
	v9 =	vor.u32 v9, v39  }
0x6a: {  	v15 =	vor.u32 v40, v15;
	v60 =	vshrl.u32 v54, $0x1A;
	v61 =	vshll.u32 v54, $0x6  }
0x6b: {  	v12 =	vadd.s32 v12, v54;
	v9 =	vxor.u32 v11, v9;
	v11 =	vadd.s32 v3, v11  }
0x6c: {  	v15 =	vxor.u32 v10, v15;
	v46 =	vor.u32 v60, v61;
	v60 =	vshrl.u32 v22, $0xF  }
0x6d: {  	v61 =	vshll.u32 v22, $0x11;
	v9 =	vadd.s32 v9, v8;
	v58 =	vshrl.u32 v15, $0x1A  }
0x6e: {  	v59 =	vshll.u32 v15, $0x6;
	v10 =	vadd.s32 v10, v15;
	v15 =	vadd.s32 v16, v56  }
0x6f: {  	v53 =	vxor.u32 v12, v46;
	v12 =	vadd.s32 v2, v12;
	v46 =	vor.u32 v60, v61  }
0x70: {  	v9 =	vxor.u32 v11, v9;
	v11 =	vshrl.u32 v57, $0x6;
	v57 =	vshll.u32 v19, $0x6  }
0x71: {  	v26 =	vor.u32 v58, v59;
	v23 =	vxor.u32 v15, v49;
	v15 =	vadd.s32 v2, v15  }
0x72: {  	v11 =	vor.u32 v11, v45;
	v24 =	vor.u32 v24, v57;
	v45 =	vshll.u32 v20, $0x6  }
0x73: {  	v52 =	vxor.u32 v10, v26;
	v20 =	vadd.s32 v53, v4;
	v23 =	vadd.s32 v23, v4  }
0x74: {  	v10 =	vadd.s32 v2, v10;
	v11 =	vxor.u32 v17, v11;
	v50 =	vor.u32 v44, v45  }
0x75: {  	v51 =	vxor.u32 v14, v24;
	v21 =	vadd.s32 v52, v4;
	v58 =	vshrl.u32 v20, $0xF  }
0x76: {  	v59 =	vshll.u32 v20, $0x11;
	v14 =	vadd.s32 v2, v14;
	v12 =	vadd.s32 v20, v12  }
0x77: {  	v15 =	vadd.s32 v23, v15;
	v40 =	vshrl.u32 v11, $0x1A;
	v41 =	vshll.u32 v11, $0x6  }
0x78: {  	v11 =	vadd.s32 v17, v11;
	v17 =	vadd.s32 v51, v4;
	v16 =	vxor.u32 v18, v50  }
0x79: {  	v56 =	vshrl.u32 v21, $0xF;
	v57 =	vshll.u32 v21, $0x11;
	v18 =	vadd.s32 v2, v18  }
0x7a: {  	v45 =	vor.u32 v58, v59;
	v10 =	vadd.s32 v21, v10;
	v51 =	vxor.u32 v13, v46  }
0x7b: {  	v48 =	vor.u32 v40, v41;
	v16 =	vadd.s32 v16, v4;
	v54 =	vshrl.u32 v17, $0xF  }
0x7c: {  	v55 =	vshll.u32 v17, $0x11;
	v40 =	vshrl.u32 v23, $0xF;
	v41 =	vshll.u32 v23, $0x11  }
0x7d: {  	v44 =	vor.u32 v56, v57;
	v14 =	vadd.s32 v17, v14;
	v20 =	vxor.u32 v12, v45  }
0x7e: {  	v58 =	vshrl.u32 v51, $0x3;
	v59 =	vshll.u32 v51, $0x1D;
	v13 =	vadd.s32 v13, v51  }
0x7f: {  	v19 =	vxor.u32 v11, v48;
	v42 =	vshrl.u32 v16, $0xF;
	v43 =	vshll.u32 v16, $0x11  }
0x80: {  	v11 =	vadd.s32 v2, v11;
	v24 =	vor.u32 v54, v55;
	v48 =	vor.u32 v40, v41  }
0x81: {  	v16 =	vadd.s32 v16, v18;
	v50 =	vxor.u32 v10, v44;
	v56 =	vshrl.u32 v20, $0x3  }
0x82: {  	v57 =	vshll.u32 v20, $0x1D;
	v12 =	vadd.s32 v12, v20;
	v19 =	vadd.s32 v19, v4  }
0x83: {  	v17 =	vxor.u32 v14, v24;
	v49 =	vor.u32 v42, v43;
	v23 =	vxor.u32 v15, v48  }
0x84: {  	v54 =	vshrl.u32 v50, $0x3;
	v55 =	vshll.u32 v50, $0x1D;
	v42 =	vor.u32 v56, v57  }
0x85: {  	v43 =	vor.u32 v58, v59;
	v10 =	vadd.s32 v10, v50;
	v62 =	vshrl.u32 v19, $0xF  }
0x86: {  	v63 =	vshll.u32 v19, $0x11;
	v11 =	vadd.s32 v19, v11;
	v18 =	vxor.u32 v16, v49  }
0x87: {  	v24 =	vshrl.u32 v17, $0x3;
	v53 =	vshll.u32 v17, $0x1D;
	v26 =	vor.u32 v54, v55  }
0x88: {  	v14 =	vadd.s32 v14, v17;
	v15 =	vadd.s32 v15, v23;
	v49 =	vxor.u32 v12, v42  }
0x89: {  	v50 =	vxor.u32 v13, v43;
	v47 =	vor.u32 v62, v63;
	v62 =	vshrl.u32 v23, $0x3  }
0x8a: {  	v63 =	vshll.u32 v23, $0x1D;
	v24 =	vor.u32 v24, v53;
	v40 =	vshrl.u32 v18, $0x3  }
0x8b: {  	v41 =	vshll.u32 v18, $0x1D;
	v48 =	vxor.u32 v10, v26;
	v16 =	vadd.s32 v16, v18  }
0x8c: {  	v55 =	vshrl.u32 v49, $0x10;
	v56 =	vshll.u32 v49, $0x10;
	v57 =	vshrl.u32 v50, $0x10  }
0x8d: {  	v58 =	vshll.u32 v50, $0x10;
	v12 =	vadd.s32 v12, v49;
	v13 =	vadd.s32 v13, v50  }
0x8e: {  	v52 =	vxor.u32 v11, v47;
	v45 =	vor.u32 v62, v63;
	v46 =	vor.u32 v40, v41  }
0x8f: {  	v47 =	vxor.u32 v14, v24;
	v26 =	vshrl.u32 v48, $0x10;
	v54 =	vshll.u32 v48, $0x10  }
0x90: {  	v42 =	vor.u32 v55, v56;
	v43 =	vor.u32 v57, v58;
	v10 =	vadd.s32 v10, v48  }
0x91: {  	v60 =	vshrl.u32 v52, $0x3;
	v61 =	vshll.u32 v52, $0x1D;
	v11 =	vadd.s32 v11, v52  }
0x92: {  	v51 =	vshrl.u32 v47, $0x10;
	v52 =	vxor.u32 v15, v45;
	v19 =	vxor.u32 v16, v46  }
0x93: {  	v53 =	vshll.u32 v47, $0x10;
	v40 =	vor.u32 v26, v54;
	v14 =	vadd.s32 v14, v47  }
0x94: {  	v49 =	vxor.u32 v12, v42;
	v22 =	vxor.u32 v13, v43;
	v44 =	vor.u32 v60, v61  }
0x95: {  	v61 =	vshrl.u32 v52, $0x10;
	v62 =	vshll.u32 v52, $0x10;
	v63 =	vshrl.u32 v19, $0x10  }
0x96: {  	v23 =	vor.u32 v51, v53;
	v41 =	vshll.u32 v19, $0x10;
	v15 =	vadd.s32 v15, v52  }
0x97: {  	v16 =	vadd.s32 v16, v19;
	v48 =	vxor.u32 v10, v40;
	v55 =	vshrl.u32 v49, $0x8  }
0x98: {  	v56 =	vshll.u32 v49, $0x18;
	v57 =	vshrl.u32 v22, $0x8;
	v58 =	vshll.u32 v22, $0x18  }
0x99: {  	v12 =	vadd.s32 v12, v49;
	v13 =	vadd.s32 v13, v22;
	v17 =	vxor.u32 v11, v44  }
0x9a: {  	v45 =	vor.u32 v61, v62;
	v46 =	vor.u32 v63, v41;
	v47 =	vxor.u32 v14, v23  }
0x9b: {  	v53 =	vshrl.u32 v48, $0x8;
	v54 =	vshll.u32 v48, $0x18;
	v42 =	vor.u32 v55, v56  }
0x9c: {  	v43 =	vor.u32 v57, v58;
	v10 =	vadd.s32 v10, v48;
	v59 =	vshrl.u32 v17, $0x10  }
0x9d: {  	v60 =	vshll.u32 v17, $0x10;
	v11 =	vadd.s32 v11, v17;
	v20 =	vxor.u32 v15, v45  }
0x9e: {  	v51 =	vshrl.u32 v47, $0x8;
	v52 =	vshll.u32 v47, $0x18;
	v17 =	vxor.u32 v16, v46  }
0x9f: {  	v41 =	vor.u32 v53, v54;
	v14 =	vadd.s32 v14, v47;
	v47 =	vxor.u32 v12, v42  }
0xa0: {  	v48 =	vxor.u32 v13, v43;
	v12 =	vadd.s32 v3, v12;
	v13 =	vadd.s32 v3, v13  }
0xa1: {  	v44 =	vor.u32 v59, v60;
	v61 =	vshrl.u32 v20, $0x8;
	v62 =	vshll.u32 v20, $0x18  }
0xa2: {  	v63 =	vshrl.u32 v17, $0x8;
	v40 =	vshll.u32 v17, $0x18;
	v24 =	vor.u32 v51, v52  }
0xa3: {  	v15 =	vadd.s32 v15, v20;
	v16 =	vadd.s32 v16, v17;
	v19 =	vxor.u32 v10, v41  }
0xa4: {  	v20 =	vadd.s32 v47, v5;
	v21 =	vadd.s32 v48, v5;
	v10 =	vadd.s32 v3, v10  }
0xa5: {  	v50 =	vxor.u32 v11, v44;
	v45 =	vor.u32 v61, v62;
	v18 =	vxor.u32 v14, v24  }
0xa6: {  	v46 =	vor.u32 v63, v40;
	v19 =	vadd.s32 v19, v5;
	v55 =	vshrl.u32 v20, $0x13  }
0xa7: {  	v56 =	vshll.u32 v20, $0xD;
	v57 =	vshrl.u32 v21, $0x13;
	v58 =	vshll.u32 v21, $0xD  }
0xa8: {  	v14 =	vadd.s32 v3, v14;
	v12 =	vadd.s32 v20, v12;
	v13 =	vadd.s32 v21, v13  }
0xa9: {  	v59 =	vshrl.u32 v50, $0x8;
	v60 =	vshll.u32 v50, $0x18;
	v11 =	vadd.s32 v11, v50  }
0xaa: {  	v50 =	vxor.u32 v15, v45;
	v17 =	vxor.u32 v16, v46;
	v18 =	vadd.s32 v18, v5  }
0xab: {  	v53 =	vshrl.u32 v19, $0x13;
	v54 =	vshll.u32 v19, $0xD;
	v15 =	vadd.s32 v3, v15  }
0xac: {  	v16 =	vadd.s32 v3, v16;
	v42 =	vor.u32 v55, v56;
	v43 =	vor.u32 v57, v58  }
0xad: {  	v10 =	vadd.s32 v19, v10;
	v44 =	vor.u32 v59, v60;
	v23 =	vadd.s32 v50, v5  }
0xae: {  	v51 =	vshrl.u32 v18, $0x13;
	v52 =	vshll.u32 v18, $0xD;
	v17 =	vadd.s32 v17, v5  }
0xaf: {  	v41 =	vor.u32 v53, v54;
	v14 =	vadd.s32 v18, v14;
	v50 =	vxor.u32 v13, v43  }
0xb0: {  	v49 =	vxor.u32 v11, v44;
	v61 =	vshrl.u32 v23, $0x13;
	v62 =	vshll.u32 v23, $0xD  }
0xb1: {  	v63 =	vshrl.u32 v17, $0x13;
	v40 =	vshll.u32 v17, $0xD;
	v11 =	vadd.s32 v3, v11  }
0xb2: {  	v24 =	vor.u32 v51, v52;
	v15 =	vadd.s32 v23, v15;
	v16 =	vadd.s32 v17, v16  }
0xb3: {  	v48 =	vxor.u32 v10, v41;
	v57 =	vshrl.u32 v50, $0x11;
	v58 =	vshll.u32 v50, $0xF  }
0xb4: {  	v13 =	vadd.s32 v13, v50;
	v22 =	vadd.s32 v49, v5;
	v45 =	vor.u32 v61, v62  }
0xb5: {  	v46 =	vor.u32 v63, v40;
	v47 =	vxor.u32 v14, v24;
	v49 =	vxor.u32 v12, v42  }
0xb6: {  	v53 =	vshrl.u32 v48, $0x11;
	v54 =	vshll.u32 v48, $0xF;
	v43 =	vor.u32 v57, v58  }
0xb7: {  	v10 =	vadd.s32 v10, v48;
	v59 =	vshrl.u32 v22, $0x13;
	v60 =	vshll.u32 v22, $0xD  }
0xb8: {  	v11 =	vadd.s32 v22, v11;
	v18 =	vxor.u32 v15, v45;
	v24 =	vshrl.u32 v47, $0x11  }
0xb9: {  	v52 =	vshll.u32 v47, $0xF;
	v17 =	vxor.u32 v16, v46;
	v55 =	vshrl.u32 v49, $0x11  }
0xba: {  	v56 =	vshll.u32 v49, $0xF;
	v41 =	vor.u32 v53, v54;
	v14 =	vadd.s32 v14, v47  }
0xbb: {  	v12 =	vadd.s32 v12, v49;
	v50 =	vxor.u32 v13, v43;
	v44 =	vor.u32 v59, v60  }
0xbc: {  	v61 =	vshrl.u32 v18, $0x11;
	v62 =	vshll.u32 v18, $0xF;
	v63 =	vshrl.u32 v17, $0x11  }
0xbd: {  	v40 =	vshll.u32 v17, $0xF;
	v24 =	vor.u32 v24, v52;
	v42 =	vor.u32 v55, v56  }
0xbe: {  	v15 =	vadd.s32 v15, v18;
	v16 =	vadd.s32 v16, v17;
	v48 =	vxor.u32 v10, v41  }
0xbf: {  	v58 =	vshrl.u32 v50, $0x6;
	v13 =	vadd.s32 v13, v50;
	v51 =	vxor.u32 v11, v44  }
0xc0: {  	v45 =	vor.u32 v61, v62;
	v46 =	vxor.u32 v14, v24;
	v47 =	vor.u32 v63, v40  }
0xc1: {  	v49 =	vxor.u32 v12, v42;
	v54 =	vshrl.u32 v48, $0x6;
	v55 =	vshll.u32 v48, $0x1A  }
0xc2: {  	v10 =	vadd.s32 v10, v48;
	v59 =	vshrl.u32 v51, $0x11;
	v60 =	vshll.u32 v51, $0xF  }
0xc3: {  	v11 =	vadd.s32 v11, v51;
	v52 =	vxor.u32 v15, v45;
	v17 =	vxor.u32 v16, v47  }
0xc4: {  	v24 =	vshrl.u32 v46, $0x6;
	v53 =	vshll.u32 v46, $0x1A;
	v56 =	vshrl.u32 v49, $0x6  }
0xc5: {  	v57 =	vshll.u32 v49, $0x1A;
	v26 =	vor.u32 v54, v55;
	v14 =	vadd.s32 v14, v46  }
0xc6: {  	v12 =	vadd.s32 v12, v49;
	v44 =	vor.u32 v59, v60;
	v59 =	vshll.u32 v50, $0x1A  }
0xc7: {  	v62 =	vshrl.u32 v52, $0x6;
	v63 =	vshll.u32 v52, $0x1A;
	v24 =	vor.u32 v24, v53  }
0xc8: {  	v40 =	vshrl.u32 v17, $0x6;
	v41 =	vshll.u32 v17, $0x1A;
	v42 =	vor.u32 v56, v57  }
0xc9: {  	v15 =	vadd.s32 v15, v52;
	v48 =	vxor.u32 v10, v26;
	v16 =	vadd.s32 v16, v17  }
0xca: {  	v51 =	vxor.u32 v11, v44;
	v43 =	vor.u32 v58, v59;
	v45 =	vor.u32 v62, v63  }
0xcb: {  	v46 =	vor.u32 v40, v41;
	v47 =	vxor.u32 v14, v24;
	v49 =	vxor.u32 v12, v42  }
0xcc: {  	v26 =	vshrl.u32 v48, $0x1A;
	v54 =	vshll.u32 v48, $0x6;
	v10 =	vadd.s32 v10, v48  }
0xcd: {  	v60 =	vshrl.u32 v51, $0x6;
	v61 =	vshll.u32 v51, $0x1A;
	v11 =	vadd.s32 v11, v51  }
0xce: {  	v50 =	vxor.u32 v13, v43;
	v51 =	vshrl.u32 v47, $0x1A;
	v52 =	vxor.u32 v15, v45  }
0xcf: {  	v19 =	vxor.u32 v16, v46;
	v53 =	vshll.u32 v47, $0x6;
	v55 =	vshrl.u32 v49, $0x1A  }
0xd0: {  	v56 =	vshll.u32 v49, $0x6;
	v40 =	vor.u32 v26, v54;
	v14 =	vadd.s32 v14, v47  }
0xd1: {  	v12 =	vadd.s32 v12, v49;
	v44 =	vor.u32 v60, v61;
	v57 =	vshrl.u32 v50, $0x1A  }
0xd2: {  	v58 =	vshll.u32 v50, $0x6;
	v61 =	vshrl.u32 v52, $0x1A;
	v62 =	vshll.u32 v52, $0x6  }
0xd3: {  	v63 =	vshrl.u32 v19, $0x1A;
	v23 =	vor.u32 v51, v53;
	v41 =	vshll.u32 v19, $0x6  }
0xd4: {  	v42 =	vor.u32 v55, v56;
	v13 =	vadd.s32 v13, v50;
	v15 =	vadd.s32 v15, v52  }
0xd5: {  	v16 =	vadd.s32 v16, v19;
	v48 =	vxor.u32 v10, v40;
	v10 =	vadd.s32 v1, v10  }
0xd6: {  	v18 =	vxor.u32 v11, v44;
	v43 =	vor.u32 v57, v58;
	v45 =	vor.u32 v61, v62  }
0xd7: {  	v46 =	vor.u32 v63, v41;
	v47 =	vxor.u32 v14, v23;
	v49 =	vxor.u32 v12, v42  }
0xd8: {  	v19 =	vadd.s32 v48, v6;
	v14 =	vadd.s32 v1, v14;
	v12 =	vadd.s32 v1, v12  }
0xd9: {  	v59 =	vshrl.u32 v18, $0x1A;
	v60 =	vshll.u32 v18, $0x6;
	v11 =	vadd.s32 v11, v18  }
0xda: {  	v22 =	vxor.u32 v13, v43;
	v20 =	vxor.u32 v15, v45;
	v18 =	vadd.s32 v47, v6  }
0xdb: {  	v17 =	vxor.u32 v16, v46;
	v21 =	vadd.s32 v49, v6;
	v53 =	vshrl.u32 v19, $0xF  }
0xdc: {  	v54 =	vshll.u32 v19, $0x11;
	v13 =	vadd.s32 v1, v13;
	v15 =	vadd.s32 v1, v15  }
0xdd: {  	v16 =	vadd.s32 v1, v16;
	v10 =	vadd.s32 v19, v10;
	v44 =	vor.u32 v59, v60  }
0xde: {  	v22 =	vadd.s32 v22, v6;
	v51 =	vshrl.u32 v18, $0xF;
	v20 =	vadd.s32 v20, v6  }
0xdf: {  	v17 =	vadd.s32 v17, v6;
	v52 =	vshll.u32 v18, $0x11;
	v55 =	vshrl.u32 v21, $0xF  }
0xe0: {  	v56 =	vshll.u32 v21, $0x11;
	v41 =	vor.u32 v53, v54;
	v14 =	vadd.s32 v18, v14  }
0xe1: {  	v12 =	vadd.s32 v21, v12;
	v50 =	vxor.u32 v11, v44;
	v57 =	vshrl.u32 v22, $0xF  }
0xe2: {  	v58 =	vshll.u32 v22, $0x11;
	v61 =	vshrl.u32 v20, $0xF;
	v62 =	vshll.u32 v20, $0x11  }
0xe3: {  	v63 =	vshrl.u32 v17, $0xF;
	v40 =	vshll.u32 v17, $0x11;
	v11 =	vadd.s32 v1, v11  }
0xe4: {  	v24 =	vor.u32 v51, v52;
	v42 =	vor.u32 v55, v56;
	v13 =	vadd.s32 v22, v13  }
0xe5: {  	v15 =	vadd.s32 v20, v15;
	v48 =	vxor.u32 v10, v41;
	v16 =	vadd.s32 v17, v16  }
0xe6: {  	v23 =	vadd.s32 v50, v6;
	v43 =	vor.u32 v57, v58;
	v45 =	vor.u32 v61, v62  }
0xe7: {  	v46 =	vor.u32 v63, v40;
	v47 =	vxor.u32 v14, v24;
	v49 =	vxor.u32 v12, v42  }
0xe8: {  	v53 =	vshrl.u32 v48, $0x3;
	v54 =	vshll.u32 v48, $0x1D;
	v10 =	vadd.s32 v10, v48  }
0xe9: {  	v59 =	vshrl.u32 v23, $0xF;
	v60 =	vshll.u32 v23, $0x11;
	v11 =	vadd.s32 v23, v11  }
0xea: {  	v22 =	vxor.u32 v13, v43;
	v50 =	vshrl.u32 v47, $0x3;
	v51 =	vxor.u32 v15, v45  }
0xeb: {  	v19 =	vxor.u32 v16, v46;
	v52 =	vshll.u32 v47, $0x1D;
	v55 =	vshrl.u32 v49, $0x3  }
0xec: {  	v56 =	vshll.u32 v49, $0x1D;
	v39 =	vor.u32 v53, v54;
	v14 =	vadd.s32 v14, v47  }
0xed: {  	v12 =	vadd.s32 v12, v49;
	v44 =	vor.u32 v59, v60;
	v57 =	vshrl.u32 v22, $0x3  }
0xee: {  	v58 =	vshll.u32 v22, $0x1D;
	v61 =	vshrl.u32 v51, $0x3;
	v62 =	vshll.u32 v51, $0x1D  }
0xef: {  	v63 =	vshrl.u32 v19, $0x3;
	v23 =	vor.u32 v50, v52;
	v40 =	vshll.u32 v19, $0x1D  }
0xf0: {  	v41 =	vor.u32 v55, v56;
	v13 =	vadd.s32 v13, v22;
	v15 =	vadd.s32 v15, v51  }
0xf1: {  	v16 =	vadd.s32 v16, v19;
	v47 =	vxor.u32 v10, v39;
	v18 =	vxor.u32 v11, v44  }
0xf2: {  	v42 =	vor.u32 v57, v58;
	v44 =	vor.u32 v61, v62;
	v45 =	vor.u32 v63, v40  }
0xf3: {  	v46 =	vxor.u32 v14, v23;
	v48 =	vxor.u32 v12, v41;
	v52 =	vshrl.u32 v47, $0x10  }
0xf4: {  	v53 =	vshll.u32 v47, $0x10;
	v10 =	vadd.s32 v10, v47;
	v59 =	vshrl.u32 v18, $0x3  }
0xf5: {  	v60 =	vshll.u32 v18, $0x1D;
	v11 =	vadd.s32 v11, v18;
	v22 =	vxor.u32 v13, v42  }
0xf6: {  	v20 =	vxor.u32 v15, v44;
	v50 =	vshrl.u32 v46, $0x10;
	v51 =	vshll.u32 v46, $0x10  }
0xf7: {  	v17 =	vxor.u32 v16, v45;
	v54 =	vshrl.u32 v48, $0x10;
	v55 =	vshll.u32 v48, $0x10  }
0xf8: {  	v39 =	vor.u32 v52, v53;
	v14 =	vadd.s32 v14, v46;
	v12 =	vadd.s32 v12, v48  }
0xf9: {  	v43 =	vor.u32 v59, v60;
	v56 =	vshrl.u32 v22, $0x10;
	v57 =	vshll.u32 v22, $0x10  }
0xfa: {  	v60 =	vshrl.u32 v20, $0x10;
	v61 =	vshll.u32 v20, $0x10;
	v62 =	vshrl.u32 v17, $0x10  }
0xfb: {  	v63 =	vshll.u32 v17, $0x10;
	v24 =	vor.u32 v50, v51;
	v40 =	vor.u32 v54, v55  }
0xfc: {  	v13 =	vadd.s32 v13, v22;
	v15 =	vadd.s32 v15, v20;
	v16 =	vadd.s32 v16, v17  }
0xfd: {  	v19 =	vxor.u32 v10, v39;
	v49 =	vxor.u32 v11, v43;
	v41 =	vor.u32 v56, v57  }
0xfe: {  	v43 =	vor.u32 v60, v61;
	v18 =	vxor.u32 v14, v24;
	v44 =	vor.u32 v62, v63  }
0xff: {  	v45 =	vxor.u32 v12, v40;
	v50 =	vshrl.u32 v19, $0x8;
	v51 =	vshll.u32 v19, $0x18  }
0x100: {  	v10 =	vadd.s32 v10, v19;
	v58 =	vshrl.u32 v49, $0x10;
	v59 =	vshll.u32 v49, $0x10  }
0x101: {  	v11 =	vadd.s32 v11, v49;
	v46 =	vxor.u32 v13, v41;
	v48 =	vxor.u32 v15, v43  }
0x102: {  	v17 =	vxor.u32 v16, v44;
	v24 =	vshrl.u32 v18, $0x8;
	v49 =	vshll.u32 v18, $0x18  }
0x103: {  	v52 =	vshrl.u32 v45, $0x8;
	v53 =	vshll.u32 v45, $0x18;
	v26 =	vor.u32 v50, v51  }
0x104: {  	v14 =	vadd.s32 v14, v18;
	v12 =	vadd.s32 v12, v45;
	v42 =	vor.u32 v58, v59  }
0x105: {  	v54 =	vshrl.u32 v46, $0x8;
	v55 =	vshll.u32 v46, $0x18;
	v58 =	vshrl.u32 v48, $0x8  }
0x106: {  	v59 =	vshll.u32 v48, $0x18;
	v24 =	vor.u32 v24, v49;
	v60 =	vshrl.u32 v17, $0x8  }
0x107: {  	v61 =	vshll.u32 v17, $0x18;
	v62 =	vor.u32 v52, v53;
	v13 =	vadd.s32 v13, v46  }
0x108: {  	v15 =	vadd.s32 v15, v48;
	v37 =	vxor.u32 v10, v26;
	v16 =	vadd.s32 v16, v17  }
0x109: {  	v10 =	vadd.s32 v2, v10;
	v47 =	vxor.u32 v11, v42;
	v63 =	vor.u32 v54, v55  }
0x10a: {  	v34 =	vor.u32 v58, v59;
	v35 =	vor.u32 v60, v61;
	v36 =	vxor.u32 v14, v24  }
0x10b: {  	v38 =	vxor.u32 v12, v62;
	v21 =	vadd.s32 v37, v7;
	v14 =	vadd.s32 v2, v14  }
0x10c: {  	v12 =	vadd.s32 v2, v12;
	v56 =	vshrl.u32 v47, $0x8;
	v57 =	vshll.u32 v47, $0x18  }
0x10d: {  	v11 =	vadd.s32 v11, v47;
	v39 =	vxor.u32 v13, v63;
	v20 =	vadd.s32 v36, v7  }
0x10e: {  	v23 =	vxor.u32 v15, v34;
	v19 =	vxor.u32 v16, v35;
	v17 =	vadd.s32 v38, v7  }
0x10f: {  	v42 =	vshrl.u32 v21, $0x13;
	v43 =	vshll.u32 v21, $0xD;
	v13 =	vadd.s32 v2, v13  }
0x110: {  	v15 =	vadd.s32 v2, v15;
	v16 =	vadd.s32 v2, v16;
	v10 =	vadd.s32 v21, v10  }
0x111: {  	v33 =	vor.u32 v56, v57;
	v22 =	vadd.s32 v39, v7;
	v23 =	vadd.s32 v23, v7  }
0x112: {  	v19 =	vadd.s32 v19, v7;
	v40 =	vshrl.u32 v20, $0x13;
	v41 =	vshll.u32 v20, $0xD  }
0x113: {  	v44 =	vshrl.u32 v17, $0x13;
	v45 =	vshll.u32 v17, $0xD;
	v54 =	vor.u32 v42, v43  }
0x114: {  	v14 =	vadd.s32 v20, v14;
	v12 =	vadd.s32 v17, v12;
	v18 =	vxor.u32 v11, v33  }
0x115: {  	v46 =	vshrl.u32 v22, $0x13;
	v47 =	vshll.u32 v22, $0xD;
	v50 =	vshrl.u32 v23, $0x13  }
0x116: {  	v51 =	vshll.u32 v23, $0xD;
	v52 =	vshrl.u32 v19, $0x13;
	v53 =	vshll.u32 v19, $0xD  }
0x117: {  	v11 =	vadd.s32 v2, v11;
	v24 =	vor.u32 v40, v41;
	v55 =	vor.u32 v44, v45  }
0x118: {  	v13 =	vadd.s32 v22, v13;
	v15 =	vadd.s32 v23, v15;
	v16 =	vadd.s32 v19, v16  }
0x119: {  	v61 =	vxor.u32 v10, v54;
	v18 =	vadd.s32 v18, v7;
	v56 =	vor.u32 v46, v47  }
0x11a: {  	v58 =	vor.u32 v50, v51;
	v59 =	vxor.u32 v14, v24;
	v60 =	vor.u32 v52, v53  }
0x11b: {  	v62 =	vxor.u32 v12, v55;
	v42 =	vshrl.u32 v61, $0x11;
	v43 =	vshll.u32 v61, $0xF  }
0x11c: {  	v10 =	vadd.s32 v10, v61;
	v48 =	vshrl.u32 v18, $0x13;
	v49 =	vshll.u32 v18, $0xD  }
0x11d: {  	v11 =	vadd.s32 v18, v11;
	v63 =	vxor.u32 v13, v56;
	v23 =	vxor.u32 v15, v58  }
0x11e: {  	v18 =	vxor.u32 v16, v60;
	v24 =	vshrl.u32 v59, $0x11;
	v41 =	vshll.u32 v59, $0xF  }
0x11f: {  	v44 =	vshrl.u32 v62, $0x11;
	v45 =	vshll.u32 v62, $0xF;
	v26 =	vor.u32 v42, v43  }
0x120: {  	v14 =	vadd.s32 v14, v59;
	v12 =	vadd.s32 v12, v62;
	v57 =	vor.u32 v48, v49  }
0x121: {  	v46 =	vshrl.u32 v63, $0x11;
	v47 =	vshll.u32 v63, $0xF;
	v50 =	vshrl.u32 v23, $0x11  }
0x122: {  	v51 =	vshll.u32 v23, $0xF;
	v24 =	vor.u32 v24, v41;
	v52 =	vshrl.u32 v18, $0x11  }
0x123: {  	v53 =	vshll.u32 v18, $0xF;
	v54 =	vor.u32 v44, v45;
	v13 =	vadd.s32 v13, v63  }
0x124: {  	v15 =	vadd.s32 v15, v23;
	v60 =	vxor.u32 v10, v26;
	v16 =	vadd.s32 v16, v18  }
0x125: {  	v40 =	vxor.u32 v11, v57;
	v55 =	vor.u32 v46, v47;
	v57 =	vor.u32 v50, v51  }
0x126: {  	v58 =	vor.u32 v52, v53;
	v59 =	vxor.u32 v14, v24;
	v61 =	vxor.u32 v12, v54  }
0x127: {  	v26 =	vshrl.u32 v60, $0x6;
	v42 =	vshll.u32 v60, $0x1A;
	v10 =	vadd.s32 v10, v60  }
0x128: {  	v48 =	vshrl.u32 v40, $0x11;
	v49 =	vshll.u32 v40, $0xF;
	v11 =	vadd.s32 v11, v40  }
0x129: {  	v62 =	vxor.u32 v13, v55;
	v63 =	vshrl.u32 v59, $0x6;
	v40 =	vxor.u32 v15, v57  }
0x12a: {  	v19 =	vxor.u32 v16, v58;
	v41 =	vshll.u32 v59, $0x1A;
	v43 =	vshrl.u32 v61, $0x6  }
0x12b: {  	v44 =	vshll.u32 v61, $0x1A;
	v52 =	vor.u32 v26, v42;
	v14 =	vadd.s32 v14, v59  }
0x12c: {  	v12 =	vadd.s32 v12, v61;
	v56 =	vor.u32 v48, v49;
	v45 =	vshrl.u32 v62, $0x6  }
0x12d: {  	v46 =	vshll.u32 v62, $0x1A;
	v49 =	vshrl.u32 v40, $0x6;
	v50 =	vshll.u32 v40, $0x1A  }
0x12e: {  	v51 =	vshrl.u32 v19, $0x6;
	v23 =	vor.u32 v63, v41;
	v53 =	vshll.u32 v19, $0x1A  }
0x12f: {  	v54 =	vor.u32 v43, v44;
	v13 =	vadd.s32 v13, v62;
	v15 =	vadd.s32 v15, v40  }
0x130: {  	v16 =	vadd.s32 v16, v19;
	v60 =	vxor.u32 v10, v52;
	v17 =	vxor.u32 v11, v56  }
0x131: {  	v55 =	vor.u32 v45, v46;
	v57 =	vor.u32 v49, v50;
	v58 =	vor.u32 v51, v53  }
0x132: {  	v59 =	vxor.u32 v14, v23;
	v61 =	vxor.u32 v12, v54;
	v41 =	vshrl.u32 v60, $0x1A  }
0x133: {  	v42 =	vshll.u32 v60, $0x6;
	v10 =	vadd.s32 v10, v60;
	v47 =	vshrl.u32 v17, $0x6  }
0x134: {  	v48 =	vshll.u32 v17, $0x1A;
	v11 =	vadd.s32 v11, v17;
	v22 =	vxor.u32 v13, v55  }
0x135: {  	v20 =	vxor.u32 v15, v57;
	v63 =	vshrl.u32 v59, $0x1A;
	v40 =	vshll.u32 v59, $0x6  }
0x136: {  	v17 =	vxor.u32 v16, v58;
	v43 =	vshrl.u32 v61, $0x1A;
	v44 =	vshll.u32 v61, $0x6  }
0x137: {  	v53 =	vor.u32 v41, v42;
	v14 =	vadd.s32 v14, v59;
	v12 =	vadd.s32 v12, v61  }
0x138: {  	v56 =	vor.u32 v47, v48;
	v45 =	vshrl.u32 v22, $0x1A;
	v46 =	vshll.u32 v22, $0x6  }
0x139: {  	v49 =	vshrl.u32 v20, $0x1A;
	v50 =	vshll.u32 v20, $0x6;
	v51 =	vshrl.u32 v17, $0x1A  }
0x13a: {  	v52 =	vshll.u32 v17, $0x6;
	v24 =	vor.u32 v63, v40;
	v54 =	vor.u32 v43, v44  }
0x13b: {  	v13 =	vadd.s32 v13, v22;
	v15 =	vadd.s32 v15, v20;
	v16 =	vadd.s32 v16, v17  }
0x13c: {  	v19 =	vxor.u32 v10, v53;
	v10 =	vadd.s32 v3, v10;
	v62 =	vxor.u32 v11, v56  }
0x13d: {  	v55 =	vor.u32 v45, v46;
	v57 =	vor.u32 v49, v50;
	v18 =	vxor.u32 v14, v24  }
0x13e: {  	v58 =	vor.u32 v51, v52;
	v59 =	vxor.u32 v12, v54;
	v19 =	vadd.s32 v19, v8  }
0x13f: {  	v14 =	vadd.s32 v3, v14;
	v12 =	vadd.s32 v3, v12;
	v63 =	vadd.s32 v3, v13  }
0x140: {  	v47 =	vshrl.u32 v62, $0x1A;
	v48 =	vshll.u32 v62, $0x6;
	v11 =	vadd.s32 v11, v62  }
0x141: {  	v60 =	vxor.u32 v13, v55;
	v62 =	vxor.u32 v15, v57;
	v17 =	vxor.u32 v16, v58  }
0x142: {  	v18 =	vadd.s32 v18, v8;
	v20 =	vadd.s32 v59, v8;
	v56 =	vor.u32 v47, v48  }
0x143: {  	s21 =	simm.s32 $0x440;
	v21 =	vadd.s32 v60, v8;
	v23 =	vadd.s32 v62, v8;
	v17 =	vadd.s32 v17, v8  }
0x144: {  	[tilespmem:s21+$0x20] =	vst v9;
	v9 =	vxor.u32 v14, v18;
	v14 =	vadd.s32 v3, v15;
	v15 =	vadd.s32 v3, v16  }
0x145: {  	v13 =	vxor.u32 v12, v20;
	v61 =	vxor.u32 v11, v56;
	v11 =	vadd.s32 v3, v11  }
0x146: {  	s20 =	sshll.u32 s19, $0x1;
	[tilespmem:s21+$0xFFFFFFC0] =	vst v9;
	v9 =	vxor.u32 v10, v19;
	v12 =	vxor.u32 v63, v21;
	v22 =	vadd.s32 v61, v8  }
0x147: {  	s23 =	simm.s32 $0x0;
	s24 =	sadd.s32 $0x80, s18;
	s22 =	sor.u32 s5, s20;
	v10 =	vxor.u32 v14, v23;
	[tilespmem:s21+$0xFFFFFFD0] =	vst v9;
	v9 =	vxor.u32 v15, v17;
	v11 =	vxor.u32 v11, v22  }
.LBB2_3:
0x148: {  	s25 =	sadd.s32 $0xFFFFFFA0, s24;
	s26 =	sadd.s32 $0xFFFFFFF0, s24;
	v14 =	vadd.s32 s24, v2;
	s23 =	sadd.s32 $0x8, s23;
	[tilespmem:s21+$0xFFFFFFE0] =	vst v13  }
0x149: {  	s28 =	sadd.s32 $0xFFFFFFC0, s24;
	v13 =	vadd.s32 s25, v2;
	s25 =	sadd.s32 $0xFFFFFFB0, s24;
	v15 =	vadd.s32 s26, v2;
	v14 =	vadd.s32 v0, v14;
	p1 =	slt.u32 s23, $0x1F8;
	[tilespmem:s21+$0xFFFFFFF0] =	vst v12  }
0x14a: {  	s26 =	sadd.s32 $0xFFFFFF90, s24;
	v16 =	vadd.s32 s28, v2;
	s28 =	sadd.s32 $0xFFFFFFE0, s24;
	v12 =	vadd.s32 s25, v2;
	s25 =	sadd.s32 $0xFFFFFFD0, s24;
	v15 =	vadd.s32 v0, v15;
	[tilespmem:s21+$0x0] =	vst v11  }
0x14b: {  	v11 =	vadd.s32 s26, v2;
	v17 =	vshrl.u32 v15, $0x13;
	v18 =	vshll.u32 v15, $0xD;
	[tilespmem:s21+$0x10] =	vst v10  }
0x14c: {  	v10 =	vadd.s32 s25, v2;
	v15 =	vadd.s32 v1, v15;
	v17 =	vor.u32 v17, v18;
	[tilespmem:s21+$0x30] =	vst v9  }
0x14d: {  	v9 =	vadd.s32 v0, v11;
	v11 =	vadd.s32 s28, v2;
	v17 =	vxor.u32 v15, v17  }
0x14e: {  	v13 =	vadd.s32 v0, v13;
	v18 =	vshrl.u32 v17, $0x11;
	v19 =	vshll.u32 v17, $0xF  }
0x14f: {  	v12 =	vadd.s32 v0, v12;
	v15 =	vadd.s32 v15, v17;
	v17 =	vor.u32 v18, v19  }
0x150: {  	v16 =	vadd.s32 v0, v16;
	v10 =	vadd.s32 v0, v10;
	v17 =	vxor.u32 v15, v17  }
0x151: {  	v11 =	vadd.s32 v0, v11;
	v18 =	vshrl.u32 v17, $0x6;
	v19 =	vshll.u32 v17, $0x1A  }
0x152: {  	v20 =	vshrl.u32 v9, $0x13;
	v15 =	vadd.s32 v15, v17;
	v17 =	vor.u32 v18, v19  }
0x153: {  	v18 =	vshll.u32 v9, $0xD;
	v19 =	vshrl.u32 v13, $0x13;
	v17 =	vxor.u32 v15, v17  }
0x154: {  	v21 =	vshll.u32 v13, $0xD;
	v22 =	vshrl.u32 v17, $0x1A;
	v23 =	vshll.u32 v17, $0x6  }
0x155: {  	v24 =	vshrl.u32 v12, $0x13;
	v15 =	vadd.s32 v15, v17;
	v17 =	vor.u32 v22, v23  }
0x156: {  	v22 =	vshll.u32 v12, $0xD;
	v23 =	vshrl.u32 v16, $0x13;
	v17 =	vxor.u32 v15, v17  }
0x157: {  	v25 =	vshll.u32 v16, $0xD;
	v26 =	vshrl.u32 v10, $0x13;
	v17 =	vadd.s32 v17, v4  }
0x158: {  	v15 =	vadd.s32 v2, v15;
	v27 =	vshrl.u32 v17, $0xF;
	v28 =	vshll.u32 v17, $0x11  }
0x159: {  	v29 =	vshll.u32 v10, $0xD;
	v15 =	vadd.s32 v17, v15;
	v17 =	vor.u32 v27, v28  }
0x15a: {  	v27 =	vshrl.u32 v11, $0x13;
	v28 =	vshll.u32 v11, $0xD;
	v17 =	vxor.u32 v15, v17  }
0x15b: {  	v32 =	vshrl.u32 v14, $0x13;
	v30 =	vshrl.u32 v17, $0x3;
	v31 =	vshll.u32 v17, $0x1D  }
0x15c: {  	v15 =	vadd.s32 v15, v17;
	v17 =	vor.u32 v30, v31;
	v30 =	vshll.u32 v14, $0xD  }
0x15d: {  	v18 =	vor.u32 v20, v18;
	v19 =	vor.u32 v19, v21;
	v17 =	vxor.u32 v15, v17  }
0x15e: {  	v20 =	vor.u32 v24, v22;
	v21 =	vshrl.u32 v17, $0x10;
	v22 =	vshll.u32 v17, $0x10  }
0x15f: {  	v23 =	vor.u32 v23, v25;
	v15 =	vadd.s32 v15, v17;
	v17 =	vor.u32 v21, v22  }
0x160: {  	v21 =	vor.u32 v26, v29;
	v22 =	vor.u32 v27, v28;
	v17 =	vxor.u32 v15, v17  }
0x161: {  	v9 =	vadd.s32 v1, v9;
	v24 =	vshrl.u32 v17, $0x8;
	v25 =	vshll.u32 v17, $0x18  }
0x162: {  	v13 =	vadd.s32 v1, v13;
	v15 =	vadd.s32 v15, v17;
	v17 =	vor.u32 v24, v25  }
0x163: {  	v12 =	vadd.s32 v1, v12;
	v16 =	vadd.s32 v1, v16;
	v17 =	vxor.u32 v15, v17  }
0x164: {  	v10 =	vadd.s32 v1, v10;
	v11 =	vadd.s32 v1, v11;
	v17 =	vadd.s32 v17, v5  }
0x165: {  	v15 =	vadd.s32 v3, v15;
	v24 =	vshrl.u32 v17, $0x13;
	v25 =	vshll.u32 v17, $0xD  }
0x166: {  	v15 =	vadd.s32 v17, v15;
	v17 =	vor.u32 v24, v25;
	v24 =	vor.u32 v32, v30  }
0x167: {  	v18 =	vxor.u32 v9, v18;
	v14 =	vadd.s32 v1, v14;
	v17 =	vxor.u32 v15, v17  }
0x168: {  	v19 =	vxor.u32 v13, v19;
	v25 =	vshrl.u32 v17, $0x11;
	v26 =	vshll.u32 v17, $0xF  }
0x169: {  	v20 =	vxor.u32 v12, v20;
	v15 =	vadd.s32 v15, v17;
	v17 =	vor.u32 v25, v26  }
0x16a: {  	v23 =	vxor.u32 v16, v23;
	v21 =	vxor.u32 v10, v21;
	v17 =	vxor.u32 v15, v17  }
0x16b: {  	v22 =	vxor.u32 v11, v22;
	v25 =	vshrl.u32 v17, $0x6;
	v26 =	vshll.u32 v17, $0x1A  }
0x16c: {  	v24 =	vxor.u32 v14, v24;
	v15 =	vadd.s32 v15, v17;
	v17 =	vor.u32 v25, v26  }
0x16d: {  	v25 =	vshrl.u32 v18, $0x11;
	v26 =	vshll.u32 v18, $0xF;
	v17 =	vxor.u32 v15, v17  }
0x16e: {  	v27 =	vshrl.u32 v19, $0x11;
	v28 =	vshrl.u32 v17, $0x1A;
	v29 =	vshll.u32 v17, $0x6  }
0x16f: {  	v30 =	vshll.u32 v19, $0xF;
	v15 =	vadd.s32 v15, v17;
	v17 =	vor.u32 v28, v29  }
0x170: {  	v28 =	vshrl.u32 v20, $0x11;
	v29 =	vshll.u32 v20, $0xF;
	v17 =	vxor.u32 v15, v17  }
0x171: {  	v31 =	vshrl.u32 v23, $0x11;
	v32 =	vshll.u32 v23, $0xF;
	v17 =	vadd.s32 v17, v6  }
0x172: {  	v15 =	vadd.s32 v1, v15;
	v33 =	vshrl.u32 v17, $0xF;
	v34 =	vshll.u32 v17, $0x11  }
0x173: {  	v35 =	vshrl.u32 v21, $0x11;
	v15 =	vadd.s32 v17, v15;
	v17 =	vor.u32 v33, v34  }
0x174: {  	v33 =	vshll.u32 v21, $0xF;
	v34 =	vshrl.u32 v22, $0x11;
	v17 =	vxor.u32 v15, v17  }
0x175: {  	v36 =	vshll.u32 v22, $0xF;
	v37 =	vshrl.u32 v17, $0x3;
	v38 =	vshll.u32 v17, $0x1D  }
0x176: {  	v15 =	vadd.s32 v15, v17;
	v17 =	vor.u32 v37, v38;
	v37 =	vshrl.u32 v24, $0x11  }
0x177: {  	v25 =	vor.u32 v25, v26;
	v26 =	vshll.u32 v24, $0xF;
	v17 =	vxor.u32 v15, v17  }
0x178: {  	v27 =	vor.u32 v27, v30;
	v30 =	vshrl.u32 v17, $0x10;
	v38 =	vshll.u32 v17, $0x10  }
0x179: {  	v28 =	vor.u32 v28, v29;
	v15 =	vadd.s32 v15, v17;
	v17 =	vor.u32 v30, v38  }
0x17a: {  	v29 =	vor.u32 v31, v32;
	v30 =	vor.u32 v35, v33;
	v17 =	vxor.u32 v15, v17  }
0x17b: {  	v31 =	vor.u32 v34, v36;
	v32 =	vshrl.u32 v17, $0x8;
	v33 =	vshll.u32 v17, $0x18  }
0x17c: {  	v9 =	vadd.s32 v9, v18;
	v15 =	vadd.s32 v15, v17;
	v17 =	vor.u32 v32, v33  }
0x17d: {  	v13 =	vadd.s32 v13, v19;
	v12 =	vadd.s32 v12, v20;
	v17 =	vxor.u32 v15, v17  }
0x17e: {  	v16 =	vadd.s32 v16, v23;
	v10 =	vadd.s32 v10, v21;
	v17 =	vadd.s32 v17, v7  }
0x17f: {  	v15 =	vadd.s32 v2, v15;
	v18 =	vshrl.u32 v17, $0x13;
	v19 =	vshll.u32 v17, $0xD  }
0x180: {  	v11 =	vadd.s32 v11, v22;
	v15 =	vadd.s32 v17, v15;
	v17 =	vor.u32 v18, v19  }
0x181: {  	v14 =	vadd.s32 v14, v24;
	v18 =	vor.u32 v37, v26;
	v17 =	vxor.u32 v15, v17  }
0x182: {  	v19 =	vxor.u32 v9, v25;
	v20 =	vshrl.u32 v17, $0x11;
	v21 =	vshll.u32 v17, $0xF  }
0x183: {  	v22 =	vxor.u32 v13, v27;
	v15 =	vadd.s32 v15, v17;
	v17 =	vor.u32 v20, v21  }
0x184: {  	v20 =	vxor.u32 v12, v28;
	v21 =	vxor.u32 v16, v29;
	v17 =	vxor.u32 v15, v17  }
0x185: {  	v23 =	vxor.u32 v10, v30;
	v24 =	vshrl.u32 v17, $0x6;
	v25 =	vshll.u32 v17, $0x1A  }
0x186: {  	v26 =	vxor.u32 v11, v31;
	v15 =	vadd.s32 v15, v17;
	v17 =	vor.u32 v24, v25  }
0x187: {  	v18 =	vxor.u32 v14, v18;
	v24 =	vshrl.u32 v19, $0x6;
	v17 =	vxor.u32 v15, v17  }
0x188: {  	v25 =	vshll.u32 v19, $0x1A;
	v27 =	vshrl.u32 v17, $0x1A;
	v28 =	vshll.u32 v17, $0x6  }
0x189: {  	v29 =	vshrl.u32 v22, $0x6;
	v15 =	vadd.s32 v15, v17;
	v17 =	vor.u32 v27, v28  }
0x18a: {  	v27 =	vshll.u32 v22, $0x1A;
	v28 =	vshrl.u32 v20, $0x6;
	v17 =	vxor.u32 v15, v17  }
0x18b: {  	v30 =	vshll.u32 v20, $0x1A;
	v15 =	vadd.s32 v3, v15;
	v17 =	vadd.s32 v17, v8  }
0x18c: {  	s21 =	sadd.s32 $0x80, s21;
	v31 =	vshrl.u32 v21, $0x6;
	v32 =	vshll.u32 v21, $0x1A;
	v15 =	vxor.u32 v15, v17  }
0x18d: {  	v33 =	vshll.u32 v23, $0x1A;
	v34 =	vshrl.u32 v26, $0x6;
	v17 =	vshrl.u32 v23, $0x6;
	[tilespmem:s21+$0x20] =	vst v15  }
0x18e: {  	v35 =	vshrl.u32 v18, $0x6;
	v36 =	vshll.u32 v18, $0x1A;
	v15 =	vshll.u32 v26, $0x1A  }
0x18f: {  	v24 =	vor.u32 v24, v25;
	v25 =	vor.u32 v29, v27;
	v27 =	vor.u32 v28, v30  }
0x190: {  	v28 =	vor.u32 v31, v32;
	v17 =	vor.u32 v17, v33;
	v15 =	vor.u32 v34, v15  }
0x191: {  	v13 =	vadd.s32 v13, v22;
	v9 =	vadd.s32 v9, v19;
	v12 =	vadd.s32 v12, v20  }
0x192: {  	v10 =	vadd.s32 v10, v23;
	v11 =	vadd.s32 v11, v26;
	v16 =	vadd.s32 v16, v21  }
0x193: {  	v14 =	vadd.s32 v14, v18;
	v18 =	vor.u32 v35, v36;
	v19 =	vxor.u32 v9, v24  }
0x194: {  	v20 =	vxor.u32 v13, v25;
	v21 =	vxor.u32 v12, v27;
	v22 =	vxor.u32 v16, v28  }
0x195: {  	v18 =	vxor.u32 v14, v18;
	v17 =	vxor.u32 v10, v17;
	v15 =	vxor.u32 v11, v15  }
0x196: {  	v24 =	vshll.u32 v19, $0x6;
	v23 =	vshrl.u32 v19, $0x1A;
	v25 =	vshrl.u32 v20, $0x1A  }
0x197: {  	v27 =	vshrl.u32 v21, $0x1A;
	v28 =	vshll.u32 v21, $0x6;
	v26 =	vshll.u32 v20, $0x6  }
0x198: {  	v29 =	vshrl.u32 v22, $0x1A;
	v30 =	vshll.u32 v22, $0x6;
	v31 =	vshrl.u32 v17, $0x1A  }
0x199: {  	v32 =	vshll.u32 v17, $0x6;
	v33 =	vshrl.u32 v15, $0x1A;
	v34 =	vshll.u32 v15, $0x6  }
0x19a: {  	v35 =	vshll.u32 v18, $0x6;
	v23 =	vor.u32 v23, v24;
	v24 =	vshrl.u32 v18, $0x1A  }
0x19b: {  	v25 =	vor.u32 v25, v26;
	v26 =	vor.u32 v27, v28;
	v27 =	vor.u32 v29, v30  }
0x19c: {  	v9 =	vadd.s32 v9, v19;
	v19 =	vor.u32 v31, v32;
	v28 =	vor.u32 v33, v34  }
0x19d: {  	v13 =	vadd.s32 v13, v20;
	v12 =	vadd.s32 v12, v21;
	v16 =	vadd.s32 v16, v22  }
0x19e: {  	v10 =	vadd.s32 v10, v17;
	v11 =	vadd.s32 v11, v15;
	v15 =	vor.u32 v24, v35  }
0x19f: {  	v14 =	vadd.s32 v14, v18;
	v17 =	vxor.u32 v9, v23;
	v20 =	vxor.u32 v13, v25  }
0x1a0: {  	v18 =	vxor.u32 v12, v26;
	v21 =	vxor.u32 v16, v27;
	v19 =	vxor.u32 v10, v19  }
0x1a1: {  	v17 =	vadd.s32 v17, v4;
	v15 =	vxor.u32 v14, v15;
	v22 =	vxor.u32 v11, v28  }
0x1a2: {  	v20 =	vadd.s32 v20, v4;
	v18 =	vadd.s32 v18, v4;
	v21 =	vadd.s32 v21, v4  }
0x1a3: {  	v19 =	vadd.s32 v19, v4;
	v15 =	vadd.s32 v15, v4;
	v22 =	vadd.s32 v22, v4  }
0x1a4: {  	v23 =	vshrl.u32 v17, $0xF;
	v24 =	vshll.u32 v17, $0x11;
	v25 =	vshrl.u32 v20, $0xF  }
0x1a5: {  	v26 =	vshll.u32 v20, $0x11;
	v27 =	vshrl.u32 v18, $0xF;
	v28 =	vshll.u32 v18, $0x11  }
0x1a6: {  	v29 =	vshrl.u32 v21, $0xF;
	v30 =	vshll.u32 v21, $0x11;
	v31 =	vshrl.u32 v19, $0xF  }
0x1a7: {  	v32 =	vshll.u32 v19, $0x11;
	v33 =	vshrl.u32 v22, $0xF;
	v34 =	vshll.u32 v22, $0x11  }
0x1a8: {  	v9 =	vadd.s32 v2, v9;
	v35 =	vshrl.u32 v15, $0xF;
	v36 =	vshll.u32 v15, $0x11  }
0x1a9: {  	v13 =	vadd.s32 v2, v13;
	v12 =	vadd.s32 v2, v12;
	v16 =	vadd.s32 v2, v16  }
0x1aa: {  	v10 =	vadd.s32 v2, v10;
	v14 =	vadd.s32 v2, v14;
	v11 =	vadd.s32 v2, v11  }
0x1ab: {  	v23 =	vor.u32 v23, v24;
	v24 =	vor.u32 v25, v26;
	v25 =	vor.u32 v27, v28  }
0x1ac: {  	v26 =	vor.u32 v29, v30;
	v27 =	vor.u32 v31, v32;
	v28 =	vor.u32 v33, v34  }
0x1ad: {  	v9 =	vadd.s32 v17, v9;
	v13 =	vadd.s32 v20, v13;
	v12 =	vadd.s32 v18, v12  }
0x1ae: {  	v16 =	vadd.s32 v21, v16;
	v10 =	vadd.s32 v19, v10;
	v11 =	vadd.s32 v22, v11  }
0x1af: {  	v17 =	vxor.u32 v9, v23;
	v14 =	vadd.s32 v15, v14;
	v15 =	vor.u32 v35, v36  }
0x1b0: {  	v18 =	vxor.u32 v13, v24;
	v20 =	vxor.u32 v16, v26;
	v19 =	vxor.u32 v12, v25  }
0x1b1: {  	v21 =	vxor.u32 v10, v27;
	v15 =	vxor.u32 v14, v15;
	v22 =	vxor.u32 v11, v28  }
0x1b2: {  	v23 =	vshrl.u32 v17, $0x3;
	v24 =	vshll.u32 v17, $0x1D;
	v25 =	vshrl.u32 v18, $0x3  }
0x1b3: {  	v26 =	vshll.u32 v18, $0x1D;
	v27 =	vshrl.u32 v19, $0x3;
	v28 =	vshll.u32 v19, $0x1D  }
0x1b4: {  	v29 =	vshrl.u32 v20, $0x3;
	v30 =	vshll.u32 v20, $0x1D;
	v31 =	vshrl.u32 v21, $0x3  }
0x1b5: {  	v32 =	vshll.u32 v21, $0x1D;
	v33 =	vshrl.u32 v22, $0x3;
	v34 =	vshll.u32 v22, $0x1D  }
0x1b6: {  	v23 =	vor.u32 v23, v24;
	v24 =	vshrl.u32 v15, $0x3;
	v35 =	vshll.u32 v15, $0x1D  }
0x1b7: {  	v25 =	vor.u32 v25, v26;
	v26 =	vor.u32 v27, v28;
	v27 =	vor.u32 v29, v30  }
0x1b8: {  	v9 =	vadd.s32 v9, v17;
	v17 =	vor.u32 v31, v32;
	v28 =	vor.u32 v33, v34  }
0x1b9: {  	v13 =	vadd.s32 v13, v18;
	v16 =	vadd.s32 v16, v20;
	v12 =	vadd.s32 v12, v19  }
0x1ba: {  	v10 =	vadd.s32 v10, v21;
	v11 =	vadd.s32 v11, v22;
	v18 =	vor.u32 v24, v35  }
0x1bb: {  	v19 =	vxor.u32 v9, v23;
	v20 =	vxor.u32 v13, v25;
	v14 =	vadd.s32 v14, v15  }
0x1bc: {  	v15 =	vxor.u32 v12, v26;
	v21 =	vxor.u32 v16, v27;
	v17 =	vxor.u32 v10, v17  }
0x1bd: {  	v22 =	vshrl.u32 v19, $0x10;
	v18 =	vxor.u32 v14, v18;
	v23 =	vxor.u32 v11, v28  }
0x1be: {  	v24 =	vshll.u32 v19, $0x10;
	v25 =	vshrl.u32 v20, $0x10;
	v26 =	vshll.u32 v20, $0x10  }
0x1bf: {  	v27 =	vshrl.u32 v15, $0x10;
	v28 =	vshll.u32 v15, $0x10;
	v29 =	vshrl.u32 v21, $0x10  }
0x1c0: {  	v30 =	vshll.u32 v21, $0x10;
	v31 =	vshrl.u32 v17, $0x10;
	v32 =	vshll.u32 v17, $0x10  }
0x1c1: {  	v35 =	vshrl.u32 v18, $0x10;
	v33 =	vshrl.u32 v23, $0x10;
	v34 =	vshll.u32 v23, $0x10  }
0x1c2: {  	v22 =	vor.u32 v22, v24;
	v24 =	vor.u32 v25, v26;
	v25 =	vshll.u32 v18, $0x10  }
0x1c3: {  	v26 =	vor.u32 v27, v28;
	v27 =	vor.u32 v29, v30;
	v28 =	vor.u32 v31, v32  }
0x1c4: {  	v9 =	vadd.s32 v9, v19;
	v13 =	vadd.s32 v13, v20;
	v19 =	vor.u32 v33, v34  }
0x1c5: {  	v12 =	vadd.s32 v12, v15;
	v15 =	vadd.s32 v16, v21;
	v10 =	vadd.s32 v10, v17  }
0x1c6: {  	v14 =	vadd.s32 v14, v18;
	v11 =	vadd.s32 v11, v23;
	v16 =	vor.u32 v35, v25  }
0x1c7: {  	v17 =	vxor.u32 v9, v22;
	v18 =	vxor.u32 v13, v24;
	v20 =	vxor.u32 v12, v26  }
0x1c8: {  	v21 =	vxor.u32 v15, v27;
	v22 =	vxor.u32 v10, v28;
	v19 =	vxor.u32 v11, v19  }
0x1c9: {  	v23 =	vshrl.u32 v17, $0x8;
	v24 =	vshll.u32 v17, $0x18;
	v16 =	vxor.u32 v14, v16  }
0x1ca: {  	v25 =	vshrl.u32 v18, $0x8;
	v26 =	vshll.u32 v18, $0x18;
	v27 =	vshrl.u32 v20, $0x8  }
0x1cb: {  	v28 =	vshll.u32 v20, $0x18;
	v29 =	vshrl.u32 v21, $0x8;
	v30 =	vshll.u32 v21, $0x18  }
0x1cc: {  	v31 =	vshrl.u32 v22, $0x8;
	v32 =	vshll.u32 v22, $0x18;
	v33 =	vshrl.u32 v19, $0x8  }
0x1cd: {  	v35 =	vshrl.u32 v16, $0x8;
	v36 =	vshll.u32 v16, $0x18;
	v34 =	vshll.u32 v19, $0x18  }
0x1ce: {  	v23 =	vor.u32 v23, v24;
	v24 =	vor.u32 v25, v26;
	v25 =	vor.u32 v27, v28  }
0x1cf: {  	v26 =	vor.u32 v29, v30;
	v27 =	vor.u32 v31, v32;
	v28 =	vor.u32 v33, v34  }
0x1d0: {  	v9 =	vadd.s32 v9, v17;
	v13 =	vadd.s32 v13, v18;
	v12 =	vadd.s32 v12, v20  }
0x1d1: {  	v15 =	vadd.s32 v15, v21;
	v10 =	vadd.s32 v10, v22;
	v11 =	vadd.s32 v11, v19  }
0x1d2: {  	v17 =	vxor.u32 v9, v23;
	v14 =	vadd.s32 v14, v16;
	v16 =	vor.u32 v35, v36  }
0x1d3: {  	v18 =	vxor.u32 v13, v24;
	v19 =	vxor.u32 v12, v25;
	v20 =	vxor.u32 v15, v26  }
0x1d4: {  	v21 =	vxor.u32 v10, v27;
	v16 =	vxor.u32 v14, v16;
	v22 =	vxor.u32 v11, v28  }
0x1d5: {  	v17 =	vadd.s32 v17, v5;
	v18 =	vadd.s32 v18, v5;
	v19 =	vadd.s32 v19, v5  }
0x1d6: {  	v20 =	vadd.s32 v20, v5;
	v21 =	vadd.s32 v21, v5;
	v22 =	vadd.s32 v22, v5  }
0x1d7: {  	v23 =	vshrl.u32 v17, $0x13;
	v24 =	vshll.u32 v17, $0xD;
	v16 =	vadd.s32 v16, v5  }
0x1d8: {  	v25 =	vshrl.u32 v18, $0x13;
	v26 =	vshll.u32 v18, $0xD;
	v27 =	vshrl.u32 v19, $0x13  }
0x1d9: {  	v28 =	vshll.u32 v19, $0xD;
	v29 =	vshrl.u32 v20, $0x13;
	v30 =	vshll.u32 v20, $0xD  }
0x1da: {  	v31 =	vshrl.u32 v21, $0x13;
	v32 =	vshll.u32 v21, $0xD;
	v33 =	vshrl.u32 v22, $0x13  }
0x1db: {  	v35 =	vshrl.u32 v16, $0x13;
	v36 =	vshll.u32 v16, $0xD;
	v34 =	vshll.u32 v22, $0xD  }
0x1dc: {  	v9 =	vadd.s32 v3, v9;
	v13 =	vadd.s32 v3, v13;
	v12 =	vadd.s32 v3, v12  }
0x1dd: {  	v15 =	vadd.s32 v3, v15;
	v10 =	vadd.s32 v3, v10;
	v11 =	vadd.s32 v3, v11  }
0x1de: {  	v14 =	vadd.s32 v3, v14;
	v23 =	vor.u32 v23, v24;
	v24 =	vor.u32 v25, v26  }
0x1df: {  	v25 =	vor.u32 v27, v28;
	v26 =	vor.u32 v29, v30;
	v27 =	vor.u32 v31, v32  }
0x1e0: {  	v9 =	vadd.s32 v17, v9;
	v13 =	vadd.s32 v18, v13;
	v17 =	vor.u32 v33, v34  }
0x1e1: {  	v12 =	vadd.s32 v19, v12;
	v15 =	vadd.s32 v20, v15;
	v10 =	vadd.s32 v21, v10  }
0x1e2: {  	v14 =	vadd.s32 v16, v14;
	v11 =	vadd.s32 v22, v11;
	v16 =	vor.u32 v35, v36  }
0x1e3: {  	v18 =	vxor.u32 v9, v23;
	v19 =	vxor.u32 v13, v24;
	v20 =	vxor.u32 v12, v25  }
0x1e4: {  	v21 =	vxor.u32 v15, v26;
	v22 =	vxor.u32 v10, v27;
	v17 =	vxor.u32 v11, v17  }
0x1e5: {  	v23 =	vshrl.u32 v18, $0x11;
	v24 =	vshll.u32 v18, $0xF;
	v16 =	vxor.u32 v14, v16  }
0x1e6: {  	v25 =	vshrl.u32 v19, $0x11;
	v26 =	vshll.u32 v19, $0xF;
	v27 =	vshrl.u32 v20, $0x11  }
0x1e7: {  	v28 =	vshll.u32 v20, $0xF;
	v29 =	vshrl.u32 v21, $0x11;
	v30 =	vshll.u32 v21, $0xF  }
0x1e8: {  	v31 =	vshrl.u32 v22, $0x11;
	v32 =	vshll.u32 v22, $0xF;
	v33 =	vshrl.u32 v17, $0x11  }
0x1e9: {  	v35 =	vshrl.u32 v16, $0x11;
	v36 =	vshll.u32 v16, $0xF;
	v34 =	vshll.u32 v17, $0xF  }
0x1ea: {  	v23 =	vor.u32 v23, v24;
	v24 =	vor.u32 v25, v26;
	v25 =	vor.u32 v27, v28  }
0x1eb: {  	v26 =	vor.u32 v29, v30;
	v27 =	vor.u32 v31, v32;
	v28 =	vor.u32 v33, v34  }
0x1ec: {  	v9 =	vadd.s32 v9, v18;
	v13 =	vadd.s32 v13, v19;
	v12 =	vadd.s32 v12, v20  }
0x1ed: {  	v15 =	vadd.s32 v15, v21;
	v10 =	vadd.s32 v10, v22;
	v11 =	vadd.s32 v11, v17  }
0x1ee: {  	v14 =	vadd.s32 v14, v16;
	v17 =	vxor.u32 v9, v23;
	v16 =	vor.u32 v35, v36  }
0x1ef: {  	v18 =	vxor.u32 v13, v24;
	v19 =	vxor.u32 v12, v25;
	v20 =	vxor.u32 v15, v26  }
0x1f0: {  	v21 =	vxor.u32 v10, v27;
	v16 =	vxor.u32 v14, v16;
	v22 =	vxor.u32 v11, v28  }
0x1f1: {  	v23 =	vshrl.u32 v17, $0x6;
	v24 =	vshll.u32 v17, $0x1A;
	v25 =	vshrl.u32 v18, $0x6  }
0x1f2: {  	v26 =	vshll.u32 v18, $0x1A;
	v27 =	vshrl.u32 v19, $0x6;
	v28 =	vshll.u32 v19, $0x1A  }
0x1f3: {  	v29 =	vshrl.u32 v20, $0x6;
	v30 =	vshll.u32 v20, $0x1A;
	v31 =	vshrl.u32 v21, $0x6  }
0x1f4: {  	v32 =	vshll.u32 v21, $0x1A;
	v33 =	vshrl.u32 v22, $0x6;
	v34 =	vshll.u32 v22, $0x1A  }
0x1f5: {  	v23 =	vor.u32 v23, v24;
	v24 =	vshrl.u32 v16, $0x6;
	v35 =	vshll.u32 v16, $0x1A  }
0x1f6: {  	v25 =	vor.u32 v25, v26;
	v26 =	vor.u32 v27, v28;
	v27 =	vor.u32 v29, v30  }
0x1f7: {  	v9 =	vadd.s32 v9, v17;
	v17 =	vor.u32 v31, v32;
	v28 =	vor.u32 v33, v34  }
0x1f8: {  	v13 =	vadd.s32 v13, v18;
	v12 =	vadd.s32 v12, v19;
	v15 =	vadd.s32 v15, v20  }
0x1f9: {  	v10 =	vadd.s32 v10, v21;
	v11 =	vadd.s32 v11, v22;
	v18 =	vor.u32 v24, v35  }
0x1fa: {  	v14 =	vadd.s32 v14, v16;
	v19 =	vxor.u32 v9, v23;
	v20 =	vxor.u32 v13, v25  }
0x1fb: {  	v16 =	vxor.u32 v12, v26;
	v21 =	vxor.u32 v15, v27;
	v17 =	vxor.u32 v10, v17  }
0x1fc: {  	v22 =	vshrl.u32 v19, $0x1A;
	v18 =	vxor.u32 v14, v18;
	v23 =	vxor.u32 v11, v28  }
0x1fd: {  	v24 =	vshll.u32 v19, $0x6;
	v25 =	vshrl.u32 v20, $0x1A;
	v26 =	vshll.u32 v20, $0x6  }
0x1fe: {  	v27 =	vshrl.u32 v16, $0x1A;
	v28 =	vshll.u32 v16, $0x6;
	v29 =	vshrl.u32 v21, $0x1A  }
0x1ff: {  	v30 =	vshll.u32 v21, $0x6;
	v31 =	vshrl.u32 v17, $0x1A;
	v32 =	vshll.u32 v17, $0x6  }
0x200: {  	v35 =	vshrl.u32 v18, $0x1A;
	v33 =	vshrl.u32 v23, $0x1A;
	v34 =	vshll.u32 v23, $0x6  }
0x201: {  	v22 =	vor.u32 v22, v24;
	v24 =	vor.u32 v25, v26;
	v25 =	vshll.u32 v18, $0x6  }
0x202: {  	v26 =	vor.u32 v27, v28;
	v27 =	vor.u32 v29, v30;
	v28 =	vor.u32 v31, v32  }
0x203: {  	v9 =	vadd.s32 v9, v19;
	v13 =	vadd.s32 v13, v20;
	v19 =	vor.u32 v33, v34  }
0x204: {  	v12 =	vadd.s32 v12, v16;
	v15 =	vadd.s32 v15, v21;
	v10 =	vadd.s32 v10, v17  }
0x205: {  	v14 =	vadd.s32 v14, v18;
	v11 =	vadd.s32 v11, v23;
	v16 =	vor.u32 v35, v25  }
0x206: {  	v17 =	vxor.u32 v9, v22;
	v18 =	vxor.u32 v13, v24;
	v20 =	vxor.u32 v12, v26  }
0x207: {  	v21 =	vxor.u32 v15, v27;
	v22 =	vxor.u32 v10, v28;
	v19 =	vxor.u32 v11, v19  }
0x208: {  	v17 =	vadd.s32 v17, v6;
	v18 =	vadd.s32 v18, v6;
	v16 =	vxor.u32 v14, v16  }
0x209: {  	v20 =	vadd.s32 v20, v6;
	v21 =	vadd.s32 v21, v6;
	v22 =	vadd.s32 v22, v6  }
0x20a: {  	v23 =	vshrl.u32 v17, $0xF;
	v16 =	vadd.s32 v16, v6;
	v19 =	vadd.s32 v19, v6  }
0x20b: {  	v24 =	vshll.u32 v17, $0x11;
	v25 =	vshrl.u32 v18, $0xF;
	v26 =	vshll.u32 v18, $0x11  }
0x20c: {  	v27 =	vshrl.u32 v20, $0xF;
	v28 =	vshll.u32 v20, $0x11;
	v29 =	vshrl.u32 v21, $0xF  }
0x20d: {  	v30 =	vshll.u32 v21, $0x11;
	v31 =	vshrl.u32 v22, $0xF;
	v32 =	vshll.u32 v22, $0x11  }
0x20e: {  	v35 =	vshrl.u32 v16, $0xF;
	v33 =	vshrl.u32 v19, $0xF;
	v34 =	vshll.u32 v19, $0x11  }
0x20f: {  	v9 =	vadd.s32 v1, v9;
	v13 =	vadd.s32 v1, v13;
	v36 =	vshll.u32 v16, $0x11  }
0x210: {  	v12 =	vadd.s32 v1, v12;
	v15 =	vadd.s32 v1, v15;
	v10 =	vadd.s32 v1, v10  }
0x211: {  	v14 =	vadd.s32 v1, v14;
	v11 =	vadd.s32 v1, v11;
	v23 =	vor.u32 v23, v24  }
0x212: {  	v24 =	vor.u32 v25, v26;
	v25 =	vor.u32 v27, v28;
	v26 =	vor.u32 v29, v30  }
0x213: {  	v9 =	vadd.s32 v17, v9;
	v17 =	vor.u32 v31, v32;
	v27 =	vor.u32 v33, v34  }
0x214: {  	v13 =	vadd.s32 v18, v13;
	v12 =	vadd.s32 v20, v12;
	v15 =	vadd.s32 v21, v15  }
0x215: {  	v10 =	vadd.s32 v22, v10;
	v11 =	vadd.s32 v19, v11;
	v18 =	vor.u32 v35, v36  }
0x216: {  	v14 =	vadd.s32 v16, v14;
	v19 =	vxor.u32 v9, v23;
	v20 =	vxor.u32 v13, v24  }
0x217: {  	v16 =	vxor.u32 v12, v25;
	v21 =	vxor.u32 v15, v26;
	v17 =	vxor.u32 v10, v17  }
0x218: {  	v22 =	vshrl.u32 v19, $0x3;
	v18 =	vxor.u32 v14, v18;
	v23 =	vxor.u32 v11, v27  }
0x219: {  	v24 =	vshll.u32 v19, $0x1D;
	v25 =	vshrl.u32 v20, $0x3;
	v26 =	vshll.u32 v20, $0x1D  }
0x21a: {  	v27 =	vshrl.u32 v16, $0x3;
	v28 =	vshll.u32 v16, $0x1D;
	v29 =	vshrl.u32 v21, $0x3  }
0x21b: {  	v30 =	vshll.u32 v21, $0x1D;
	v31 =	vshrl.u32 v17, $0x3;
	v32 =	vshll.u32 v17, $0x1D  }
0x21c: {  	v35 =	vshrl.u32 v18, $0x3;
	v33 =	vshrl.u32 v23, $0x3;
	v34 =	vshll.u32 v23, $0x1D  }
0x21d: {  	v22 =	vor.u32 v22, v24;
	v24 =	vor.u32 v25, v26;
	v25 =	vshll.u32 v18, $0x1D  }
0x21e: {  	v26 =	vor.u32 v27, v28;
	v27 =	vor.u32 v29, v30;
	v28 =	vor.u32 v31, v32  }
0x21f: {  	v9 =	vadd.s32 v9, v19;
	v13 =	vadd.s32 v13, v20;
	v19 =	vor.u32 v33, v34  }
0x220: {  	v12 =	vadd.s32 v12, v16;
	v15 =	vadd.s32 v15, v21;
	v10 =	vadd.s32 v10, v17  }
0x221: {  	v14 =	vadd.s32 v14, v18;
	v11 =	vadd.s32 v11, v23;
	v16 =	vor.u32 v35, v25  }
0x222: {  	v17 =	vxor.u32 v9, v22;
	v18 =	vxor.u32 v13, v24;
	v20 =	vxor.u32 v12, v26  }
0x223: {  	v21 =	vxor.u32 v15, v27;
	v22 =	vxor.u32 v10, v28;
	v19 =	vxor.u32 v11, v19  }
0x224: {  	v23 =	vshrl.u32 v17, $0x10;
	v24 =	vshll.u32 v17, $0x10;
	v16 =	vxor.u32 v14, v16  }
0x225: {  	v25 =	vshrl.u32 v18, $0x10;
	v26 =	vshll.u32 v18, $0x10;
	v27 =	vshrl.u32 v20, $0x10  }
0x226: {  	v28 =	vshll.u32 v20, $0x10;
	v29 =	vshrl.u32 v21, $0x10;
	v30 =	vshll.u32 v21, $0x10  }
0x227: {  	v31 =	vshrl.u32 v22, $0x10;
	v32 =	vshll.u32 v22, $0x10;
	v33 =	vshrl.u32 v19, $0x10  }
0x228: {  	v35 =	vshrl.u32 v16, $0x10;
	v36 =	vshll.u32 v16, $0x10;
	v34 =	vshll.u32 v19, $0x10  }
0x229: {  	v23 =	vor.u32 v23, v24;
	v24 =	vor.u32 v25, v26;
	v25 =	vor.u32 v27, v28  }
0x22a: {  	v26 =	vor.u32 v29, v30;
	v27 =	vor.u32 v31, v32;
	v28 =	vor.u32 v33, v34  }
0x22b: {  	v9 =	vadd.s32 v9, v17;
	v13 =	vadd.s32 v13, v18;
	v12 =	vadd.s32 v12, v20  }
0x22c: {  	v15 =	vadd.s32 v15, v21;
	v10 =	vadd.s32 v10, v22;
	v11 =	vadd.s32 v11, v19  }
0x22d: {  	v14 =	vadd.s32 v14, v16;
	v17 =	vxor.u32 v9, v23;
	v16 =	vor.u32 v35, v36  }
0x22e: {  	v18 =	vxor.u32 v13, v24;
	v19 =	vxor.u32 v12, v25;
	v20 =	vxor.u32 v15, v26  }
0x22f: {  	v21 =	vxor.u32 v10, v27;
	v16 =	vxor.u32 v14, v16;
	v22 =	vxor.u32 v11, v28  }
0x230: {  	v23 =	vshrl.u32 v17, $0x8;
	v24 =	vshll.u32 v17, $0x18;
	v25 =	vshrl.u32 v18, $0x8  }
0x231: {  	v26 =	vshll.u32 v18, $0x18;
	v27 =	vshrl.u32 v19, $0x8;
	v28 =	vshll.u32 v19, $0x18  }
0x232: {  	v29 =	vshrl.u32 v20, $0x8;
	v30 =	vshll.u32 v20, $0x18;
	v31 =	vshrl.u32 v21, $0x8  }
0x233: {  	v32 =	vshll.u32 v21, $0x18;
	v33 =	vshrl.u32 v22, $0x8;
	v34 =	vshll.u32 v22, $0x18  }
0x234: {  	v23 =	vor.u32 v23, v24;
	v24 =	vshrl.u32 v16, $0x8;
	v35 =	vshll.u32 v16, $0x18  }
0x235: {  	v25 =	vor.u32 v25, v26;
	v26 =	vor.u32 v27, v28;
	v27 =	vor.u32 v29, v30  }
0x236: {  	v9 =	vadd.s32 v9, v17;
	v17 =	vor.u32 v31, v32;
	v28 =	vor.u32 v33, v34  }
0x237: {  	v13 =	vadd.s32 v13, v18;
	v12 =	vadd.s32 v12, v19;
	v15 =	vadd.s32 v15, v20  }
0x238: {  	v10 =	vadd.s32 v10, v21;
	v11 =	vadd.s32 v11, v22;
	v18 =	vor.u32 v24, v35  }
0x239: {  	v14 =	vadd.s32 v14, v16;
	v19 =	vxor.u32 v9, v23;
	v20 =	vxor.u32 v13, v25  }
0x23a: {  	v16 =	vxor.u32 v12, v26;
	v21 =	vxor.u32 v15, v27;
	v17 =	vxor.u32 v10, v17  }
0x23b: {  	v19 =	vadd.s32 v19, v7;
	v18 =	vxor.u32 v14, v18;
	v22 =	vxor.u32 v11, v28  }
0x23c: {  	v20 =	vadd.s32 v20, v7;
	v16 =	vadd.s32 v16, v7;
	v21 =	vadd.s32 v21, v7  }
0x23d: {  	v17 =	vadd.s32 v17, v7;
	v18 =	vadd.s32 v18, v7;
	v22 =	vadd.s32 v22, v7  }
0x23e: {  	v23 =	vshrl.u32 v19, $0x13;
	v24 =	vshll.u32 v19, $0xD;
	v25 =	vshrl.u32 v20, $0x13  }
0x23f: {  	v26 =	vshll.u32 v20, $0xD;
	v27 =	vshrl.u32 v16, $0x13;
	v28 =	vshll.u32 v16, $0xD  }
0x240: {  	v29 =	vshrl.u32 v21, $0x13;
	v30 =	vshll.u32 v21, $0xD;
	v31 =	vshrl.u32 v17, $0x13  }
0x241: {  	v32 =	vshll.u32 v17, $0xD;
	v33 =	vshrl.u32 v22, $0x13;
	v34 =	vshll.u32 v22, $0xD  }
0x242: {  	v9 =	vadd.s32 v2, v9;
	v35 =	vshrl.u32 v18, $0x13;
	v36 =	vshll.u32 v18, $0xD  }
0x243: {  	v13 =	vadd.s32 v2, v13;
	v12 =	vadd.s32 v2, v12;
	v15 =	vadd.s32 v2, v15  }
0x244: {  	v10 =	vadd.s32 v2, v10;
	v14 =	vadd.s32 v2, v14;
	v11 =	vadd.s32 v2, v11  }
0x245: {  	v23 =	vor.u32 v23, v24;
	v24 =	vor.u32 v25, v26;
	v25 =	vor.u32 v27, v28  }
0x246: {  	v26 =	vor.u32 v29, v30;
	v27 =	vor.u32 v31, v32;
	v28 =	vor.u32 v33, v34  }
0x247: {  	v9 =	vadd.s32 v19, v9;
	v13 =	vadd.s32 v20, v13;
	v12 =	vadd.s32 v16, v12  }
0x248: {  	v15 =	vadd.s32 v21, v15;
	v10 =	vadd.s32 v17, v10;
	v11 =	vadd.s32 v22, v11  }
0x249: {  	v14 =	vadd.s32 v18, v14;
	v16 =	vxor.u32 v9, v23;
	v17 =	vor.u32 v35, v36  }
0x24a: {  	v18 =	vxor.u32 v13, v24;
	v19 =	vxor.u32 v12, v25;
	v20 =	vxor.u32 v15, v26  }
0x24b: {  	v21 =	vxor.u32 v10, v27;
	v17 =	vxor.u32 v14, v17;
	v22 =	vxor.u32 v11, v28  }
0x24c: {  	v23 =	vshrl.u32 v16, $0x11;
	v24 =	vshll.u32 v16, $0xF;
	v25 =	vshrl.u32 v18, $0x11  }
0x24d: {  	v26 =	vshll.u32 v18, $0xF;
	v27 =	vshrl.u32 v19, $0x11;
	v28 =	vshll.u32 v19, $0xF  }
0x24e: {  	v29 =	vshrl.u32 v20, $0x11;
	v30 =	vshll.u32 v20, $0xF;
	v31 =	vshrl.u32 v21, $0x11  }
0x24f: {  	v32 =	vshll.u32 v21, $0xF;
	v33 =	vshrl.u32 v22, $0x11;
	v34 =	vshll.u32 v22, $0xF  }
0x250: {  	v23 =	vor.u32 v23, v24;
	v24 =	vshrl.u32 v17, $0x11;
	v35 =	vshll.u32 v17, $0xF  }
0x251: {  	v25 =	vor.u32 v25, v26;
	v26 =	vor.u32 v27, v28;
	v27 =	vor.u32 v29, v30  }
0x252: {  	v9 =	vadd.s32 v9, v16;
	v16 =	vor.u32 v31, v32;
	v28 =	vor.u32 v33, v34  }
0x253: {  	v13 =	vadd.s32 v13, v18;
	v12 =	vadd.s32 v12, v19;
	v15 =	vadd.s32 v15, v20  }
0x254: {  	v10 =	vadd.s32 v10, v21;
	v11 =	vadd.s32 v11, v22;
	v18 =	vor.u32 v24, v35  }
0x255: {  	v14 =	vadd.s32 v14, v17;
	v19 =	vxor.u32 v9, v23;
	v20 =	vxor.u32 v13, v25  }
0x256: {  	v17 =	vxor.u32 v12, v26;
	v21 =	vxor.u32 v15, v27;
	v16 =	vxor.u32 v10, v16  }
0x257: {  	v22 =	vshrl.u32 v19, $0x6;
	v18 =	vxor.u32 v14, v18;
	v23 =	vxor.u32 v11, v28  }
0x258: {  	v24 =	vshll.u32 v19, $0x1A;
	v25 =	vshrl.u32 v20, $0x6;
	v26 =	vshll.u32 v20, $0x1A  }
0x259: {  	v27 =	vshrl.u32 v17, $0x6;
	v28 =	vshll.u32 v17, $0x1A;
	v29 =	vshrl.u32 v21, $0x6  }
0x25a: {  	v30 =	vshll.u32 v21, $0x1A;
	v31 =	vshrl.u32 v16, $0x6;
	v32 =	vshll.u32 v16, $0x1A  }
0x25b: {  	v35 =	vshrl.u32 v18, $0x6;
	v33 =	vshrl.u32 v23, $0x6;
	v34 =	vshll.u32 v23, $0x1A  }
0x25c: {  	v22 =	vor.u32 v22, v24;
	v24 =	vor.u32 v25, v26;
	v25 =	vshll.u32 v18, $0x1A  }
0x25d: {  	v26 =	vor.u32 v27, v28;
	v27 =	vor.u32 v29, v30;
	v28 =	vor.u32 v31, v32  }
0x25e: {  	v9 =	vadd.s32 v9, v19;
	v13 =	vadd.s32 v13, v20;
	v19 =	vor.u32 v33, v34  }
0x25f: {  	v12 =	vadd.s32 v12, v17;
	v15 =	vadd.s32 v15, v21;
	v10 =	vadd.s32 v10, v16  }
0x260: {  	v14 =	vadd.s32 v14, v18;
	v11 =	vadd.s32 v11, v23;
	v16 =	vor.u32 v35, v25  }
0x261: {  	v17 =	vxor.u32 v9, v22;
	v18 =	vxor.u32 v13, v24;
	v20 =	vxor.u32 v12, v26  }
0x262: {  	v21 =	vxor.u32 v15, v27;
	v22 =	vxor.u32 v10, v28;
	v19 =	vxor.u32 v11, v19  }
0x263: {  	v23 =	vshrl.u32 v17, $0x1A;
	v24 =	vshll.u32 v17, $0x6;
	v16 =	vxor.u32 v14, v16  }
0x264: {  	v25 =	vshrl.u32 v18, $0x1A;
	v26 =	vshll.u32 v18, $0x6;
	v27 =	vshrl.u32 v20, $0x1A  }
0x265: {  	v28 =	vshll.u32 v20, $0x6;
	v29 =	vshrl.u32 v21, $0x1A;
	v30 =	vshll.u32 v21, $0x6  }
0x266: {  	v31 =	vshrl.u32 v22, $0x1A;
	v32 =	vshll.u32 v22, $0x6;
	v33 =	vshrl.u32 v19, $0x1A  }
0x267: {  	v35 =	vshrl.u32 v16, $0x1A;
	v36 =	vshll.u32 v16, $0x6;
	v34 =	vshll.u32 v19, $0x6  }
0x268: {  	v23 =	vor.u32 v23, v24;
	v24 =	vor.u32 v25, v26;
	v25 =	vor.u32 v27, v28  }
0x269: {  	v26 =	vor.u32 v29, v30;
	v27 =	vor.u32 v31, v32;
	v28 =	vor.u32 v33, v34  }
0x26a: {  	v9 =	vadd.s32 v9, v17;
	v13 =	vadd.s32 v13, v18;
	v12 =	vadd.s32 v12, v20  }
0x26b: {  	v15 =	vadd.s32 v15, v21;
	v10 =	vadd.s32 v10, v22;
	v11 =	vadd.s32 v11, v19  }
0x26c: {  	v14 =	vadd.s32 v14, v16;
	v17 =	vxor.u32 v9, v23;
	v16 =	vor.u32 v35, v36  }
0x26d: {  	v18 =	vxor.u32 v13, v24;
	v19 =	vxor.u32 v12, v25;
	v20 =	vxor.u32 v15, v26  }
0x26e: {  	v21 =	vxor.u32 v10, v27;
	v16 =	vxor.u32 v14, v16;
	v22 =	vxor.u32 v11, v28  }
0x26f: {  	v17 =	vadd.s32 v17, v8;
	v18 =	vadd.s32 v18, v8;
	v19 =	vadd.s32 v19, v8  }
0x270: {  	v20 =	vadd.s32 v20, v8;
	v21 =	vadd.s32 v21, v8;
	v22 =	vadd.s32 v22, v8  }
.Ltmp0:
0x271: {  	v9 =	vadd.s32 v3, v9;
	v13 =	vadd.s32 v3, v13;
	v16 =	vadd.s32 v16, v8;
	(pc) =	sbr.rel @p1 .LBB2_3-.Ltmp0, $4  }
0x272: {  	v12 =	vadd.s32 v3, v12;
	v15 =	vadd.s32 v3, v15;
	v10 =	vadd.s32 v3, v10  }
0x273: {  	v14 =	vadd.s32 v3, v14;
	v9 =	vxor.u32 v9, v17;
	v17 =	vadd.s32 v3, v11  }
0x274: {  	[tilespmem:s21+$0xFFFFFFC0] =	vst v9;
	v9 =	vxor.u32 v13, v18;
	v13 =	vxor.u32 v12, v19;
	v12 =	vxor.u32 v15, v20  }
0x275: {  	s24 =	sadd.s32 $0x80, s24;
	v11 =	vxor.u32 v10, v21;
	v10 =	vxor.u32 v17, v22;
	[tilespmem:s21+$0xFFFFFFD0] =	vst v9;
	v9 =	vxor.u32 v14, v16  }
0x276: {  	[tilespmem:s21+$0xFFFFFFE0] =	vst v13  }
0x277: {  	[tilespmem:s21+$0xFFFFFFF0] =	vst v12;
	s23 =	sshll.u32 s19, $0x5  }
0x278: {  	[tilespmem:s21+$0x0] =	vst v11;
	s22 =	sshll.u32 s22, $0xA;
	s23 =	sand.u32 $0x60, s23  }
0x279: {  	[tilespmem:s21+$0x10] =	vst v10;
	s22 =	sand.u32 $0x7E000, s22;
	s23 =	sadd.s32 s4, s23  }
0x27a: {  	[tilespmem:s21+$0x30] =	vst v9;
	s21 =	simm.s32 @!p0 $0x2;
	s23 =	sadd.s32 s22, s23  }
0x27b: {  	[hbm4b:s23+s11] =	stream.strided.scatter [tilespmem:s12], [sflag:$0x1], $0x2000, s12, s11, $0x38;
	[tilespmem:$0x4400] =	vst v63  }
0x27c: {  	_ =	swait.ge @!p0 [sflag:s21], $0x2000  }
0x27d: {  	[sflag:s21] =	ssyncset.done @!p0 $0x0  }
0x27e: {  	[sflag:s21] =	ssyncadd.s32 @!p0 $0xFFFFE000  }
0x27f: {  	v1 =	vld [tilespmem:s6+$0x0]  }
0x280: {  	v2 =	vld [tilespmem:s6+$0x80];
	_ =	sdelay $0x4  }
0x281: {  	v3 =	vxor.u32 v2, v1;
	v5 =	vadd.s32 $0x2, v1  }
0x282: {  	s24 =	sadd.s32 $0xFFFFFFA0, s17;
	s25 =	sadd.s32 $0xFFFFFFF0, s17;
	s26 =	sadd.s32 $0xFFFFFFB0, s17;
	v6 =	vadd.s32 $0x3, v2;
	v8 =	vadd.s32 $0x5, v1;
	v9 =	vadd.s32 s17, v2  }
0x283: {  	s28 =	sadd.s32 $0xFFFFFFC0, s17;
	s29 =	sadd.s32 $0xFFFFFF90, s17;
	s30 =	sadd.s32 $0xFFFFFFD0, s17;
	v10 =	vadd.s32 s24, v2;
	v11 =	vadd.s32 s25, v2;
	v12 =	vadd.s32 s26, v2  }
0x284: {  	s31 =	sadd.s32 $0xFFFFFFE0, s17;
	v13 =	vadd.s32 s28, v2;
	v14 =	vadd.s32 s29, v2;
	v17 =	vadd.s32 s30, v2  }
0x285: {  	v57 =	vadd.s32 s31, v2;
	v3 =	vxor.u32 $0x1BD11BDA, v3;
	v9 =	vadd.s32 v0, v9  }
0x286: {  	v11 =	vadd.s32 v0, v11;
	v14 =	vadd.s32 v0, v14;
	v10 =	vadd.s32 v0, v10  }
0x287: {  	v12 =	vadd.s32 v0, v12;
	v13 =	vadd.s32 v0, v13;
	v17 =	vadd.s32 v0, v17  }
0x288: {  	v4 =	vadd.s32 $0x1, v3;
	v7 =	vadd.s32 $0x4, v3;
	v15 =	vshrl.u32 v11, $0x13  }
0x289: {  	v16 =	vshll.u32 v11, $0xD;
	v11 =	vadd.s32 v1, v11;
	v20 =	vshrl.u32 v14, $0x13  }
0x28a: {  	v60 =	vshll.u32 v14, $0xD;
	v61 =	vshrl.u32 v10, $0x13;
	v21 =	vshll.u32 v10, $0xD  }
0x28b: {  	v24 =	vshrl.u32 v12, $0x13;
	v62 =	vshll.u32 v12, $0xD;
	v63 =	vshrl.u32 v13, $0x13  }
0x28c: {  	v25 =	vshll.u32 v13, $0xD;
	v26 =	vshrl.u32 v17, $0x13;
	v29 =	vshll.u32 v17, $0xD  }
0x28d: {  	v32 =	vshrl.u32 v9, $0x13;
	v38 =	vshll.u32 v9, $0xD;
	v14 =	vadd.s32 v1, v14  }
0x28e: {  	v10 =	vadd.s32 v1, v10;
	v12 =	vadd.s32 v1, v12;
	v13 =	vadd.s32 v1, v13  }
0x28f: {  	v17 =	vadd.s32 v1, v17;
	v9 =	vadd.s32 v1, v9;
	v15 =	vor.u32 v15, v16  }
0x290: {  	v16 =	vadd.s32 v0, v57;
	v39 =	vor.u32 v24, v62;
	v42 =	vor.u32 v26, v29  }
0x291: {  	v48 =	vor.u32 v32, v38;
	v15 =	vxor.u32 v11, v15;
	v36 =	vshrl.u32 v16, $0x13  }
0x292: {  	v37 =	vshll.u32 v16, $0xD;
	v16 =	vadd.s32 v1, v16;
	v24 =	vxor.u32 v9, v48  }
0x293: {  	v18 =	vshrl.u32 v15, $0x11;
	v19 =	vshll.u32 v15, $0xF;
	v11 =	vadd.s32 v11, v15  }
0x294: {  	v43 =	vor.u32 v36, v37;
	v15 =	vor.u32 v18, v19;
	v18 =	vor.u32 v20, v60  }
0x295: {  	v19 =	vor.u32 v61, v21;
	v20 =	vxor.u32 v12, v39;
	v21 =	vxor.u32 v17, v42  }
0x296: {  	v42 =	vshll.u32 v24, $0xF;
	v15 =	vxor.u32 v11, v15;
	v18 =	vxor.u32 v14, v18  }
0x297: {  	v19 =	vxor.u32 v10, v19;
	v58 =	vshrl.u32 v15, $0x6;
	v59 =	vshll.u32 v15, $0x1A  }
0x298: {  	v60 =	vshll.u32 v20, $0xF;
	v11 =	vadd.s32 v11, v15;
	v15 =	vor.u32 v58, v59  }
0x299: {  	v35 =	vshrl.u32 v21, $0x11;
	v12 =	vadd.s32 v12, v20;
	v15 =	vxor.u32 v11, v15  }
0x29a: {  	v17 =	vadd.s32 v17, v21;
	v22 =	vshrl.u32 v15, $0x1A;
	v23 =	vshll.u32 v15, $0x6  }
0x29b: {  	v53 =	vshrl.u32 v18, $0x11;
	v11 =	vadd.s32 v11, v15;
	v15 =	vor.u32 v22, v23  }
0x29c: {  	v54 =	vshll.u32 v18, $0xF;
	v55 =	vshrl.u32 v19, $0x11;
	v15 =	vxor.u32 v11, v15  }
0x29d: {  	v14 =	vadd.s32 v14, v18;
	v10 =	vadd.s32 v10, v19;
	v15 =	vadd.s32 v15, v4  }
0x29e: {  	v11 =	vadd.s32 v2, v11;
	v27 =	vshrl.u32 v15, $0xF;
	v28 =	vshll.u32 v15, $0x11  }
0x29f: {  	v18 =	vadd.s32 v9, v24;
	v11 =	vadd.s32 v15, v11;
	v15 =	vor.u32 v27, v28  }
0x2a0: {  	v58 =	vshll.u32 v19, $0xF;
	v59 =	vshrl.u32 v20, $0x11;
	v15 =	vxor.u32 v11, v15  }
0x2a1: {  	v23 =	vor.u32 v63, v25;
	v30 =	vshrl.u32 v15, $0x3;
	v31 =	vshll.u32 v15, $0x1D  }
0x2a2: {  	v22 =	vxor.u32 v16, v43;
	v11 =	vadd.s32 v11, v15;
	v15 =	vor.u32 v30, v31  }
0x2a3: {  	v63 =	vshll.u32 v21, $0xF;
	v25 =	vor.u32 v53, v54;
	v15 =	vxor.u32 v11, v15  }
0x2a4: {  	v23 =	vxor.u32 v13, v23;
	v40 =	vshrl.u32 v15, $0x10;
	v41 =	vshll.u32 v15, $0x10  }
0x2a5: {  	v36 =	vshll.u32 v22, $0xF;
	v11 =	vadd.s32 v11, v15;
	v15 =	vor.u32 v40, v41  }
0x2a6: {  	v16 =	vadd.s32 v16, v22;
	v19 =	vxor.u32 v14, v25;
	v15 =	vxor.u32 v11, v15  }
0x2a7: {  	v61 =	vshrl.u32 v23, $0x11;
	v44 =	vshrl.u32 v15, $0x8;
	v45 =	vshll.u32 v15, $0x18  }
0x2a8: {  	v62 =	vshll.u32 v23, $0xF;
	v11 =	vadd.s32 v11, v15;
	v15 =	vor.u32 v44, v45  }
0x2a9: {  	v13 =	vadd.s32 v13, v23;
	v14 =	vadd.s32 v14, v19;
	v15 =	vxor.u32 v11, v15  }
0x2aa: {  	v27 =	vor.u32 v55, v58;
	v28 =	vor.u32 v59, v60;
	v15 =	vadd.s32 v15, v5  }
0x2ab: {  	v11 =	vadd.s32 v3, v11;
	v46 =	vshrl.u32 v15, $0x13;
	v47 =	vshll.u32 v15, $0xD  }
0x2ac: {  	v54 =	vxor.u32 v10, v27;
	v11 =	vadd.s32 v15, v11;
	v15 =	vor.u32 v46, v47  }
0x2ad: {  	v55 =	vxor.u32 v12, v28;
	v10 =	vadd.s32 v10, v54;
	v15 =	vxor.u32 v11, v15  }
0x2ae: {  	v12 =	vadd.s32 v12, v55;
	v49 =	vshrl.u32 v15, $0x11;
	v50 =	vshll.u32 v15, $0xF  }
0x2af: {  	v41 =	vshrl.u32 v24, $0x11;
	v11 =	vadd.s32 v11, v15;
	v15 =	vor.u32 v49, v50  }
0x2b0: {  	v40 =	vshrl.u32 v22, $0x11;
	v9 =	vor.u32 v41, v42;
	v15 =	vxor.u32 v11, v15  }
0x2b1: {  	v41 =	vshrl.u32 v55, $0x6;
	v51 =	vshrl.u32 v15, $0x6;
	v52 =	vshll.u32 v15, $0x1A  }
0x2b2: {  	v42 =	vshll.u32 v55, $0x1A;
	v11 =	vadd.s32 v11, v15;
	v15 =	vor.u32 v51, v52  }
0x2b3: {  	v45 =	vor.u32 v61, v62;
	v61 =	vshrl.u32 v19, $0x6;
	v15 =	vxor.u32 v11, v15  }
0x2b4: {  	v62 =	vxor.u32 v18, v9;
	v56 =	vshrl.u32 v15, $0x1A;
	v57 =	vshll.u32 v15, $0x6  }
0x2b5: {  	v18 =	vadd.s32 v18, v62;
	v11 =	vadd.s32 v11, v15;
	v15 =	vor.u32 v56, v57  }
0x2b6: {  	v46 =	vor.u32 v35, v63;
	v47 =	vor.u32 v40, v36;
	v15 =	vxor.u32 v11, v15  }
0x2b7: {  	v63 =	vshll.u32 v19, $0x1A;
	v40 =	vshrl.u32 v54, $0x6;
	v15 =	vadd.s32 v15, v6  }
0x2b8: {  	v11 =	vadd.s32 v1, v11;
	v33 =	vshrl.u32 v15, $0xF;
	v34 =	vshll.u32 v15, $0x11  }
0x2b9: {  	v60 =	vxor.u32 v16, v47;
	v11 =	vadd.s32 v15, v11;
	v15 =	vor.u32 v33, v34  }
0x2ba: {  	v24 =	vor.u32 v61, v63;
	v47 =	vshll.u32 v60, $0x1A;
	v15 =	vxor.u32 v11, v15  }
0x2bb: {  	v16 =	vadd.s32 v16, v60;
	v37 =	vshrl.u32 v15, $0x3;
	v38 =	vshll.u32 v15, $0x1D  }
0x2bc: {  	v19 =	vxor.u32 v14, v24;
	v11 =	vadd.s32 v11, v15;
	v15 =	vor.u32 v37, v38  }
0x2bd: {  	v24 =	vshrl.u32 v19, $0x1A;
	v14 =	vadd.s32 v14, v19;
	v15 =	vxor.u32 v11, v15  }
0x2be: {  	v56 =	vxor.u32 v13, v45;
	v43 =	vshrl.u32 v15, $0x10;
	v44 =	vshll.u32 v15, $0x10  }
0x2bf: {  	v57 =	vxor.u32 v17, v46;
	v11 =	vadd.s32 v11, v15;
	v15 =	vor.u32 v43, v44  }
0x2c0: {  	v46 =	vshrl.u32 v60, $0x6;
	v45 =	vshll.u32 v57, $0x1A;
	v15 =	vxor.u32 v11, v15  }
0x2c1: {  	v13 =	vadd.s32 v13, v56;
	v48 =	vshrl.u32 v15, $0x8;
	v49 =	vshll.u32 v15, $0x18  }
0x2c2: {  	v17 =	vadd.s32 v17, v57;
	v11 =	vadd.s32 v11, v15;
	v15 =	vor.u32 v48, v49  }
0x2c3: {  	v43 =	vshrl.u32 v56, $0x6;
	v44 =	vshll.u32 v56, $0x1A;
	v15 =	vxor.u32 v11, v15  }
0x2c4: {  	v48 =	vshrl.u32 v62, $0x6;
	v49 =	vshll.u32 v62, $0x1A;
	v15 =	vadd.s32 v15, v7  }
0x2c5: {  	v11 =	vadd.s32 v2, v11;
	v50 =	vshrl.u32 v15, $0x13;
	v51 =	vshll.u32 v15, $0xD  }
0x2c6: {  	v11 =	vadd.s32 v15, v11;
	v15 =	vor.u32 v50, v51;
	v51 =	vor.u32 v43, v44  }
0x2c7: {  	v50 =	vor.u32 v41, v42;
	v15 =	vxor.u32 v11, v15;
	v55 =	vxor.u32 v13, v51  }
0x2c8: {  	v52 =	vshrl.u32 v15, $0x11;
	v53 =	vshll.u32 v15, $0xF;
	v11 =	vadd.s32 v11, v15  }
0x2c9: {  	v62 =	vshrl.u32 v55, $0x1A;
	v63 =	vshll.u32 v55, $0x6;
	v13 =	vadd.s32 v13, v55  }
0x2ca: {  	v15 =	vor.u32 v52, v53;
	v52 =	vor.u32 v46, v47;
	v53 =	vor.u32 v48, v49  }
0x2cb: {  	v47 =	vor.u32 v62, v63;
	v15 =	vxor.u32 v11, v15;
	v56 =	vxor.u32 v16, v52  }
0x2cc: {  	v20 =	vxor.u32 v18, v53;
	v22 =	vxor.u32 v13, v47;
	v13 =	vadd.s32 v2, v13  }
0x2cd: {  	v58 =	vshrl.u32 v15, $0x6;
	v59 =	vshll.u32 v15, $0x1A;
	v11 =	vadd.s32 v11, v15  }
0x2ce: {  	v42 =	vshrl.u32 v56, $0x1A;
	v43 =	vshll.u32 v56, $0x6;
	v44 =	vshrl.u32 v20, $0x1A  }
0x2cf: {  	v18 =	vadd.s32 v18, v20;
	v22 =	vadd.s32 v22, v4;
	v15 =	vor.u32 v58, v59  }
0x2d0: {  	v49 =	vor.u32 v42, v43;
	v13 =	vadd.s32 v22, v13;
	v15 =	vxor.u32 v11, v15  }
0x2d1: {  	v9 =	vshrl.u32 v15, $0x1A;
	v39 =	vshll.u32 v15, $0x6;
	v11 =	vadd.s32 v11, v15  }
0x2d2: {  	v15 =	vshll.u32 v54, $0x1A;
	v54 =	vxor.u32 v12, v50;
	v9 =	vor.u32 v9, v39  }
0x2d3: {  	v15 =	vor.u32 v40, v15;
	v60 =	vshrl.u32 v54, $0x1A;
	v61 =	vshll.u32 v54, $0x6  }
0x2d4: {  	v12 =	vadd.s32 v12, v54;
	v9 =	vxor.u32 v11, v9;
	v11 =	vadd.s32 v3, v11  }
0x2d5: {  	v15 =	vxor.u32 v10, v15;
	v46 =	vor.u32 v60, v61;
	v60 =	vshrl.u32 v22, $0xF  }
0x2d6: {  	v61 =	vshll.u32 v22, $0x11;
	v9 =	vadd.s32 v9, v8;
	v58 =	vshrl.u32 v15, $0x1A  }
0x2d7: {  	v59 =	vshll.u32 v15, $0x6;
	v10 =	vadd.s32 v10, v15;
	v15 =	vadd.s32 v16, v56  }
0x2d8: {  	v53 =	vxor.u32 v12, v46;
	v12 =	vadd.s32 v2, v12;
	v46 =	vor.u32 v60, v61  }
0x2d9: {  	v9 =	vxor.u32 v11, v9;
	v11 =	vshrl.u32 v57, $0x6;
	v57 =	vshll.u32 v19, $0x6  }
0x2da: {  	v26 =	vor.u32 v58, v59;
	v23 =	vxor.u32 v15, v49;
	v15 =	vadd.s32 v2, v15  }
0x2db: {  	v11 =	vor.u32 v11, v45;
	v24 =	vor.u32 v24, v57;
	v45 =	vshll.u32 v20, $0x6  }
0x2dc: {  	v52 =	vxor.u32 v10, v26;
	v20 =	vadd.s32 v53, v4;
	v23 =	vadd.s32 v23, v4  }
0x2dd: {  	v10 =	vadd.s32 v2, v10;
	v11 =	vxor.u32 v17, v11;
	v50 =	vor.u32 v44, v45  }
0x2de: {  	v51 =	vxor.u32 v14, v24;
	v21 =	vadd.s32 v52, v4;
	v58 =	vshrl.u32 v20, $0xF  }
0x2df: {  	v59 =	vshll.u32 v20, $0x11;
	v14 =	vadd.s32 v2, v14;
	v12 =	vadd.s32 v20, v12  }
0x2e0: {  	v15 =	vadd.s32 v23, v15;
	v40 =	vshrl.u32 v11, $0x1A;
	v41 =	vshll.u32 v11, $0x6  }
0x2e1: {  	v11 =	vadd.s32 v17, v11;
	v17 =	vadd.s32 v51, v4;
	v16 =	vxor.u32 v18, v50  }
0x2e2: {  	v56 =	vshrl.u32 v21, $0xF;
	v57 =	vshll.u32 v21, $0x11;
	v18 =	vadd.s32 v2, v18  }
0x2e3: {  	v45 =	vor.u32 v58, v59;
	v10 =	vadd.s32 v21, v10;
	v51 =	vxor.u32 v13, v46  }
0x2e4: {  	v48 =	vor.u32 v40, v41;
	v16 =	vadd.s32 v16, v4;
	v54 =	vshrl.u32 v17, $0xF  }
0x2e5: {  	v55 =	vshll.u32 v17, $0x11;
	v40 =	vshrl.u32 v23, $0xF;
	v41 =	vshll.u32 v23, $0x11  }
0x2e6: {  	v44 =	vor.u32 v56, v57;
	v14 =	vadd.s32 v17, v14;
	v20 =	vxor.u32 v12, v45  }
0x2e7: {  	v58 =	vshrl.u32 v51, $0x3;
	v59 =	vshll.u32 v51, $0x1D;
	v13 =	vadd.s32 v13, v51  }
0x2e8: {  	v19 =	vxor.u32 v11, v48;
	v42 =	vshrl.u32 v16, $0xF;
	v43 =	vshll.u32 v16, $0x11  }
0x2e9: {  	v11 =	vadd.s32 v2, v11;
	v24 =	vor.u32 v54, v55;
	v48 =	vor.u32 v40, v41  }
0x2ea: {  	v16 =	vadd.s32 v16, v18;
	v50 =	vxor.u32 v10, v44;
	v56 =	vshrl.u32 v20, $0x3  }
0x2eb: {  	v57 =	vshll.u32 v20, $0x1D;
	v12 =	vadd.s32 v12, v20;
	v19 =	vadd.s32 v19, v4  }
0x2ec: {  	v17 =	vxor.u32 v14, v24;
	v49 =	vor.u32 v42, v43;
	v23 =	vxor.u32 v15, v48  }
0x2ed: {  	v54 =	vshrl.u32 v50, $0x3;
	v55 =	vshll.u32 v50, $0x1D;
	v42 =	vor.u32 v56, v57  }
0x2ee: {  	v43 =	vor.u32 v58, v59;
	v10 =	vadd.s32 v10, v50;
	v62 =	vshrl.u32 v19, $0xF  }
0x2ef: {  	v63 =	vshll.u32 v19, $0x11;
	v11 =	vadd.s32 v19, v11;
	v18 =	vxor.u32 v16, v49  }
0x2f0: {  	v24 =	vshrl.u32 v17, $0x3;
	v53 =	vshll.u32 v17, $0x1D;
	v26 =	vor.u32 v54, v55  }
0x2f1: {  	v14 =	vadd.s32 v14, v17;
	v15 =	vadd.s32 v15, v23;
	v49 =	vxor.u32 v12, v42  }
0x2f2: {  	v50 =	vxor.u32 v13, v43;
	v47 =	vor.u32 v62, v63;
	v62 =	vshrl.u32 v23, $0x3  }
0x2f3: {  	v63 =	vshll.u32 v23, $0x1D;
	v24 =	vor.u32 v24, v53;
	v40 =	vshrl.u32 v18, $0x3  }
0x2f4: {  	v41 =	vshll.u32 v18, $0x1D;
	v48 =	vxor.u32 v10, v26;
	v16 =	vadd.s32 v16, v18  }
0x2f5: {  	v55 =	vshrl.u32 v49, $0x10;
	v56 =	vshll.u32 v49, $0x10;
	v57 =	vshrl.u32 v50, $0x10  }
0x2f6: {  	v58 =	vshll.u32 v50, $0x10;
	v12 =	vadd.s32 v12, v49;
	v13 =	vadd.s32 v13, v50  }
0x2f7: {  	v52 =	vxor.u32 v11, v47;
	v45 =	vor.u32 v62, v63;
	v46 =	vor.u32 v40, v41  }
0x2f8: {  	v47 =	vxor.u32 v14, v24;
	v26 =	vshrl.u32 v48, $0x10;
	v54 =	vshll.u32 v48, $0x10  }
0x2f9: {  	v42 =	vor.u32 v55, v56;
	v43 =	vor.u32 v57, v58;
	v10 =	vadd.s32 v10, v48  }
0x2fa: {  	v60 =	vshrl.u32 v52, $0x3;
	v61 =	vshll.u32 v52, $0x1D;
	v11 =	vadd.s32 v11, v52  }
0x2fb: {  	v51 =	vshrl.u32 v47, $0x10;
	v52 =	vxor.u32 v15, v45;
	v19 =	vxor.u32 v16, v46  }
0x2fc: {  	v53 =	vshll.u32 v47, $0x10;
	v40 =	vor.u32 v26, v54;
	v14 =	vadd.s32 v14, v47  }
0x2fd: {  	v49 =	vxor.u32 v12, v42;
	v22 =	vxor.u32 v13, v43;
	v44 =	vor.u32 v60, v61  }
0x2fe: {  	v61 =	vshrl.u32 v52, $0x10;
	v62 =	vshll.u32 v52, $0x10;
	v63 =	vshrl.u32 v19, $0x10  }
0x2ff: {  	v23 =	vor.u32 v51, v53;
	v41 =	vshll.u32 v19, $0x10;
	v15 =	vadd.s32 v15, v52  }
0x300: {  	v16 =	vadd.s32 v16, v19;
	v48 =	vxor.u32 v10, v40;
	v55 =	vshrl.u32 v49, $0x8  }
0x301: {  	v56 =	vshll.u32 v49, $0x18;
	v57 =	vshrl.u32 v22, $0x8;
	v58 =	vshll.u32 v22, $0x18  }
0x302: {  	v12 =	vadd.s32 v12, v49;
	v13 =	vadd.s32 v13, v22;
	v17 =	vxor.u32 v11, v44  }
0x303: {  	v45 =	vor.u32 v61, v62;
	v46 =	vor.u32 v63, v41;
	v47 =	vxor.u32 v14, v23  }
0x304: {  	v53 =	vshrl.u32 v48, $0x8;
	v54 =	vshll.u32 v48, $0x18;
	v42 =	vor.u32 v55, v56  }
0x305: {  	v43 =	vor.u32 v57, v58;
	v10 =	vadd.s32 v10, v48;
	v59 =	vshrl.u32 v17, $0x10  }
0x306: {  	v60 =	vshll.u32 v17, $0x10;
	v11 =	vadd.s32 v11, v17;
	v20 =	vxor.u32 v15, v45  }
0x307: {  	v51 =	vshrl.u32 v47, $0x8;
	v52 =	vshll.u32 v47, $0x18;
	v17 =	vxor.u32 v16, v46  }
0x308: {  	v41 =	vor.u32 v53, v54;
	v14 =	vadd.s32 v14, v47;
	v47 =	vxor.u32 v12, v42  }
0x309: {  	v48 =	vxor.u32 v13, v43;
	v12 =	vadd.s32 v3, v12;
	v13 =	vadd.s32 v3, v13  }
0x30a: {  	v44 =	vor.u32 v59, v60;
	v61 =	vshrl.u32 v20, $0x8;
	v62 =	vshll.u32 v20, $0x18  }
0x30b: {  	v63 =	vshrl.u32 v17, $0x8;
	v40 =	vshll.u32 v17, $0x18;
	v24 =	vor.u32 v51, v52  }
0x30c: {  	v15 =	vadd.s32 v15, v20;
	v16 =	vadd.s32 v16, v17;
	v19 =	vxor.u32 v10, v41  }
0x30d: {  	v20 =	vadd.s32 v47, v5;
	v21 =	vadd.s32 v48, v5;
	v10 =	vadd.s32 v3, v10  }
0x30e: {  	v50 =	vxor.u32 v11, v44;
	v45 =	vor.u32 v61, v62;
	v18 =	vxor.u32 v14, v24  }
0x30f: {  	v46 =	vor.u32 v63, v40;
	v19 =	vadd.s32 v19, v5;
	v55 =	vshrl.u32 v20, $0x13  }
0x310: {  	v56 =	vshll.u32 v20, $0xD;
	v57 =	vshrl.u32 v21, $0x13;
	v58 =	vshll.u32 v21, $0xD  }
0x311: {  	v14 =	vadd.s32 v3, v14;
	v12 =	vadd.s32 v20, v12;
	v13 =	vadd.s32 v21, v13  }
0x312: {  	v59 =	vshrl.u32 v50, $0x8;
	v60 =	vshll.u32 v50, $0x18;
	v11 =	vadd.s32 v11, v50  }
0x313: {  	v50 =	vxor.u32 v15, v45;
	v17 =	vxor.u32 v16, v46;
	v18 =	vadd.s32 v18, v5  }
0x314: {  	v53 =	vshrl.u32 v19, $0x13;
	v54 =	vshll.u32 v19, $0xD;
	v15 =	vadd.s32 v3, v15  }
0x315: {  	v16 =	vadd.s32 v3, v16;
	v42 =	vor.u32 v55, v56;
	v43 =	vor.u32 v57, v58  }
0x316: {  	v10 =	vadd.s32 v19, v10;
	v44 =	vor.u32 v59, v60;
	v23 =	vadd.s32 v50, v5  }
0x317: {  	v51 =	vshrl.u32 v18, $0x13;
	v52 =	vshll.u32 v18, $0xD;
	v17 =	vadd.s32 v17, v5  }
0x318: {  	v41 =	vor.u32 v53, v54;
	v14 =	vadd.s32 v18, v14;
	v50 =	vxor.u32 v13, v43  }
0x319: {  	v49 =	vxor.u32 v11, v44;
	v61 =	vshrl.u32 v23, $0x13;
	v62 =	vshll.u32 v23, $0xD  }
0x31a: {  	v63 =	vshrl.u32 v17, $0x13;
	v40 =	vshll.u32 v17, $0xD;
	v11 =	vadd.s32 v3, v11  }
0x31b: {  	v24 =	vor.u32 v51, v52;
	v15 =	vadd.s32 v23, v15;
	v16 =	vadd.s32 v17, v16  }
0x31c: {  	v48 =	vxor.u32 v10, v41;
	v57 =	vshrl.u32 v50, $0x11;
	v58 =	vshll.u32 v50, $0xF  }
0x31d: {  	v13 =	vadd.s32 v13, v50;
	v22 =	vadd.s32 v49, v5;
	v45 =	vor.u32 v61, v62  }
0x31e: {  	v46 =	vor.u32 v63, v40;
	v47 =	vxor.u32 v14, v24;
	v49 =	vxor.u32 v12, v42  }
0x31f: {  	v53 =	vshrl.u32 v48, $0x11;
	v54 =	vshll.u32 v48, $0xF;
	v43 =	vor.u32 v57, v58  }
0x320: {  	v10 =	vadd.s32 v10, v48;
	v59 =	vshrl.u32 v22, $0x13;
	v60 =	vshll.u32 v22, $0xD  }
0x321: {  	v11 =	vadd.s32 v22, v11;
	v18 =	vxor.u32 v15, v45;
	v24 =	vshrl.u32 v47, $0x11  }
0x322: {  	v52 =	vshll.u32 v47, $0xF;
	v17 =	vxor.u32 v16, v46;
	v55 =	vshrl.u32 v49, $0x11  }
0x323: {  	v56 =	vshll.u32 v49, $0xF;
	v41 =	vor.u32 v53, v54;
	v14 =	vadd.s32 v14, v47  }
0x324: {  	v12 =	vadd.s32 v12, v49;
	v50 =	vxor.u32 v13, v43;
	v44 =	vor.u32 v59, v60  }
0x325: {  	v61 =	vshrl.u32 v18, $0x11;
	v62 =	vshll.u32 v18, $0xF;
	v63 =	vshrl.u32 v17, $0x11  }
0x326: {  	v40 =	vshll.u32 v17, $0xF;
	v24 =	vor.u32 v24, v52;
	v42 =	vor.u32 v55, v56  }
0x327: {  	v15 =	vadd.s32 v15, v18;
	v16 =	vadd.s32 v16, v17;
	v48 =	vxor.u32 v10, v41  }
0x328: {  	v58 =	vshrl.u32 v50, $0x6;
	v13 =	vadd.s32 v13, v50;
	v51 =	vxor.u32 v11, v44  }
0x329: {  	v45 =	vor.u32 v61, v62;
	v46 =	vxor.u32 v14, v24;
	v47 =	vor.u32 v63, v40  }
0x32a: {  	v49 =	vxor.u32 v12, v42;
	v54 =	vshrl.u32 v48, $0x6;
	v55 =	vshll.u32 v48, $0x1A  }
0x32b: {  	v10 =	vadd.s32 v10, v48;
	v59 =	vshrl.u32 v51, $0x11;
	v60 =	vshll.u32 v51, $0xF  }
0x32c: {  	v11 =	vadd.s32 v11, v51;
	v52 =	vxor.u32 v15, v45;
	v17 =	vxor.u32 v16, v47  }
0x32d: {  	v24 =	vshrl.u32 v46, $0x6;
	v53 =	vshll.u32 v46, $0x1A;
	v56 =	vshrl.u32 v49, $0x6  }
0x32e: {  	v57 =	vshll.u32 v49, $0x1A;
	v26 =	vor.u32 v54, v55;
	v14 =	vadd.s32 v14, v46  }
0x32f: {  	v12 =	vadd.s32 v12, v49;
	v44 =	vor.u32 v59, v60;
	v59 =	vshll.u32 v50, $0x1A  }
0x330: {  	v62 =	vshrl.u32 v52, $0x6;
	v63 =	vshll.u32 v52, $0x1A;
	v24 =	vor.u32 v24, v53  }
0x331: {  	v40 =	vshrl.u32 v17, $0x6;
	v41 =	vshll.u32 v17, $0x1A;
	v42 =	vor.u32 v56, v57  }
0x332: {  	v15 =	vadd.s32 v15, v52;
	v48 =	vxor.u32 v10, v26;
	v16 =	vadd.s32 v16, v17  }
0x333: {  	v51 =	vxor.u32 v11, v44;
	v43 =	vor.u32 v58, v59;
	v45 =	vor.u32 v62, v63  }
0x334: {  	v46 =	vor.u32 v40, v41;
	v47 =	vxor.u32 v14, v24;
	v49 =	vxor.u32 v12, v42  }
0x335: {  	v26 =	vshrl.u32 v48, $0x1A;
	v54 =	vshll.u32 v48, $0x6;
	v10 =	vadd.s32 v10, v48  }
0x336: {  	v60 =	vshrl.u32 v51, $0x6;
	v61 =	vshll.u32 v51, $0x1A;
	v11 =	vadd.s32 v11, v51  }
0x337: {  	v50 =	vxor.u32 v13, v43;
	v51 =	vshrl.u32 v47, $0x1A;
	v52 =	vxor.u32 v15, v45  }
0x338: {  	v19 =	vxor.u32 v16, v46;
	v53 =	vshll.u32 v47, $0x6;
	v55 =	vshrl.u32 v49, $0x1A  }
0x339: {  	v56 =	vshll.u32 v49, $0x6;
	v40 =	vor.u32 v26, v54;
	v14 =	vadd.s32 v14, v47  }
0x33a: {  	v12 =	vadd.s32 v12, v49;
	v44 =	vor.u32 v60, v61;
	v57 =	vshrl.u32 v50, $0x1A  }
0x33b: {  	v58 =	vshll.u32 v50, $0x6;
	v61 =	vshrl.u32 v52, $0x1A;
	v62 =	vshll.u32 v52, $0x6  }
0x33c: {  	v63 =	vshrl.u32 v19, $0x1A;
	v23 =	vor.u32 v51, v53;
	v41 =	vshll.u32 v19, $0x6  }
0x33d: {  	v42 =	vor.u32 v55, v56;
	v13 =	vadd.s32 v13, v50;
	v15 =	vadd.s32 v15, v52  }
0x33e: {  	v16 =	vadd.s32 v16, v19;
	v48 =	vxor.u32 v10, v40;
	v10 =	vadd.s32 v1, v10  }
0x33f: {  	v18 =	vxor.u32 v11, v44;
	v43 =	vor.u32 v57, v58;
	v45 =	vor.u32 v61, v62  }
0x340: {  	v46 =	vor.u32 v63, v41;
	v47 =	vxor.u32 v14, v23;
	v49 =	vxor.u32 v12, v42  }
0x341: {  	v19 =	vadd.s32 v48, v6;
	v14 =	vadd.s32 v1, v14;
	v12 =	vadd.s32 v1, v12  }
0x342: {  	v59 =	vshrl.u32 v18, $0x1A;
	v60 =	vshll.u32 v18, $0x6;
	v11 =	vadd.s32 v11, v18  }
0x343: {  	v22 =	vxor.u32 v13, v43;
	v20 =	vxor.u32 v15, v45;
	v18 =	vadd.s32 v47, v6  }
0x344: {  	v17 =	vxor.u32 v16, v46;
	v21 =	vadd.s32 v49, v6;
	v53 =	vshrl.u32 v19, $0xF  }
0x345: {  	v54 =	vshll.u32 v19, $0x11;
	v13 =	vadd.s32 v1, v13;
	v15 =	vadd.s32 v1, v15  }
0x346: {  	v16 =	vadd.s32 v1, v16;
	v10 =	vadd.s32 v19, v10;
	v44 =	vor.u32 v59, v60  }
0x347: {  	v22 =	vadd.s32 v22, v6;
	v51 =	vshrl.u32 v18, $0xF;
	v20 =	vadd.s32 v20, v6  }
0x348: {  	v17 =	vadd.s32 v17, v6;
	v52 =	vshll.u32 v18, $0x11;
	v55 =	vshrl.u32 v21, $0xF  }
0x349: {  	v56 =	vshll.u32 v21, $0x11;
	v41 =	vor.u32 v53, v54;
	v14 =	vadd.s32 v18, v14  }
0x34a: {  	v12 =	vadd.s32 v21, v12;
	v50 =	vxor.u32 v11, v44;
	v57 =	vshrl.u32 v22, $0xF  }
0x34b: {  	v58 =	vshll.u32 v22, $0x11;
	v61 =	vshrl.u32 v20, $0xF;
	v62 =	vshll.u32 v20, $0x11  }
0x34c: {  	v63 =	vshrl.u32 v17, $0xF;
	v40 =	vshll.u32 v17, $0x11;
	v11 =	vadd.s32 v1, v11  }
0x34d: {  	v24 =	vor.u32 v51, v52;
	v42 =	vor.u32 v55, v56;
	v13 =	vadd.s32 v22, v13  }
0x34e: {  	v15 =	vadd.s32 v20, v15;
	v48 =	vxor.u32 v10, v41;
	v16 =	vadd.s32 v17, v16  }
0x34f: {  	v23 =	vadd.s32 v50, v6;
	v43 =	vor.u32 v57, v58;
	v45 =	vor.u32 v61, v62  }
0x350: {  	v46 =	vor.u32 v63, v40;
	v47 =	vxor.u32 v14, v24;
	v49 =	vxor.u32 v12, v42  }
0x351: {  	v53 =	vshrl.u32 v48, $0x3;
	v54 =	vshll.u32 v48, $0x1D;
	v10 =	vadd.s32 v10, v48  }
0x352: {  	v59 =	vshrl.u32 v23, $0xF;
	v60 =	vshll.u32 v23, $0x11;
	v11 =	vadd.s32 v23, v11  }
0x353: {  	v22 =	vxor.u32 v13, v43;
	v50 =	vshrl.u32 v47, $0x3;
	v51 =	vxor.u32 v15, v45  }
0x354: {  	v19 =	vxor.u32 v16, v46;
	v52 =	vshll.u32 v47, $0x1D;
	v55 =	vshrl.u32 v49, $0x3  }
0x355: {  	v56 =	vshll.u32 v49, $0x1D;
	v39 =	vor.u32 v53, v54;
	v14 =	vadd.s32 v14, v47  }
0x356: {  	v12 =	vadd.s32 v12, v49;
	v44 =	vor.u32 v59, v60;
	v57 =	vshrl.u32 v22, $0x3  }
0x357: {  	v58 =	vshll.u32 v22, $0x1D;
	v61 =	vshrl.u32 v51, $0x3;
	v62 =	vshll.u32 v51, $0x1D  }
0x358: {  	v63 =	vshrl.u32 v19, $0x3;
	v23 =	vor.u32 v50, v52;
	v40 =	vshll.u32 v19, $0x1D  }
0x359: {  	v41 =	vor.u32 v55, v56;
	v13 =	vadd.s32 v13, v22;
	v15 =	vadd.s32 v15, v51  }
0x35a: {  	v16 =	vadd.s32 v16, v19;
	v47 =	vxor.u32 v10, v39;
	v18 =	vxor.u32 v11, v44  }
0x35b: {  	v42 =	vor.u32 v57, v58;
	v44 =	vor.u32 v61, v62;
	v45 =	vor.u32 v63, v40  }
0x35c: {  	v46 =	vxor.u32 v14, v23;
	v48 =	vxor.u32 v12, v41;
	v52 =	vshrl.u32 v47, $0x10  }
0x35d: {  	v53 =	vshll.u32 v47, $0x10;
	v10 =	vadd.s32 v10, v47;
	v59 =	vshrl.u32 v18, $0x3  }
0x35e: {  	v60 =	vshll.u32 v18, $0x1D;
	v11 =	vadd.s32 v11, v18;
	v22 =	vxor.u32 v13, v42  }
0x35f: {  	v20 =	vxor.u32 v15, v44;
	v50 =	vshrl.u32 v46, $0x10;
	v51 =	vshll.u32 v46, $0x10  }
0x360: {  	v17 =	vxor.u32 v16, v45;
	v54 =	vshrl.u32 v48, $0x10;
	v55 =	vshll.u32 v48, $0x10  }
0x361: {  	v39 =	vor.u32 v52, v53;
	v14 =	vadd.s32 v14, v46;
	v12 =	vadd.s32 v12, v48  }
0x362: {  	v43 =	vor.u32 v59, v60;
	v56 =	vshrl.u32 v22, $0x10;
	v57 =	vshll.u32 v22, $0x10  }
0x363: {  	v60 =	vshrl.u32 v20, $0x10;
	v61 =	vshll.u32 v20, $0x10;
	v62 =	vshrl.u32 v17, $0x10  }
0x364: {  	v63 =	vshll.u32 v17, $0x10;
	v24 =	vor.u32 v50, v51;
	v40 =	vor.u32 v54, v55  }
0x365: {  	v13 =	vadd.s32 v13, v22;
	v15 =	vadd.s32 v15, v20;
	v16 =	vadd.s32 v16, v17  }
0x366: {  	v19 =	vxor.u32 v10, v39;
	v49 =	vxor.u32 v11, v43;
	v41 =	vor.u32 v56, v57  }
0x367: {  	v43 =	vor.u32 v60, v61;
	v18 =	vxor.u32 v14, v24;
	v44 =	vor.u32 v62, v63  }
0x368: {  	v45 =	vxor.u32 v12, v40;
	v50 =	vshrl.u32 v19, $0x8;
	v51 =	vshll.u32 v19, $0x18  }
0x369: {  	v10 =	vadd.s32 v10, v19;
	v58 =	vshrl.u32 v49, $0x10;
	v59 =	vshll.u32 v49, $0x10  }
0x36a: {  	v11 =	vadd.s32 v11, v49;
	v46 =	vxor.u32 v13, v41;
	v48 =	vxor.u32 v15, v43  }
0x36b: {  	v17 =	vxor.u32 v16, v44;
	v24 =	vshrl.u32 v18, $0x8;
	v49 =	vshll.u32 v18, $0x18  }
0x36c: {  	v52 =	vshrl.u32 v45, $0x8;
	v53 =	vshll.u32 v45, $0x18;
	v26 =	vor.u32 v50, v51  }
0x36d: {  	v14 =	vadd.s32 v14, v18;
	v12 =	vadd.s32 v12, v45;
	v42 =	vor.u32 v58, v59  }
0x36e: {  	v54 =	vshrl.u32 v46, $0x8;
	v55 =	vshll.u32 v46, $0x18;
	v58 =	vshrl.u32 v48, $0x8  }
0x36f: {  	v59 =	vshll.u32 v48, $0x18;
	v24 =	vor.u32 v24, v49;
	v60 =	vshrl.u32 v17, $0x8  }
0x370: {  	v61 =	vshll.u32 v17, $0x18;
	v62 =	vor.u32 v52, v53;
	v13 =	vadd.s32 v13, v46  }
0x371: {  	v15 =	vadd.s32 v15, v48;
	v37 =	vxor.u32 v10, v26;
	v16 =	vadd.s32 v16, v17  }
0x372: {  	v10 =	vadd.s32 v2, v10;
	v47 =	vxor.u32 v11, v42;
	v63 =	vor.u32 v54, v55  }
0x373: {  	v34 =	vor.u32 v58, v59;
	v35 =	vor.u32 v60, v61;
	v36 =	vxor.u32 v14, v24  }
0x374: {  	v38 =	vxor.u32 v12, v62;
	v21 =	vadd.s32 v37, v7;
	v14 =	vadd.s32 v2, v14  }
0x375: {  	v12 =	vadd.s32 v2, v12;
	v56 =	vshrl.u32 v47, $0x8;
	v57 =	vshll.u32 v47, $0x18  }
0x376: {  	v11 =	vadd.s32 v11, v47;
	v39 =	vxor.u32 v13, v63;
	v20 =	vadd.s32 v36, v7  }
0x377: {  	v23 =	vxor.u32 v15, v34;
	v19 =	vxor.u32 v16, v35;
	v17 =	vadd.s32 v38, v7  }
0x378: {  	v42 =	vshrl.u32 v21, $0x13;
	v43 =	vshll.u32 v21, $0xD;
	v13 =	vadd.s32 v2, v13  }
0x379: {  	v15 =	vadd.s32 v2, v15;
	v16 =	vadd.s32 v2, v16;
	v10 =	vadd.s32 v21, v10  }
0x37a: {  	v33 =	vor.u32 v56, v57;
	v22 =	vadd.s32 v39, v7;
	v23 =	vadd.s32 v23, v7  }
0x37b: {  	v19 =	vadd.s32 v19, v7;
	v40 =	vshrl.u32 v20, $0x13;
	v41 =	vshll.u32 v20, $0xD  }
0x37c: {  	v44 =	vshrl.u32 v17, $0x13;
	v45 =	vshll.u32 v17, $0xD;
	v54 =	vor.u32 v42, v43  }
0x37d: {  	v14 =	vadd.s32 v20, v14;
	v12 =	vadd.s32 v17, v12;
	v18 =	vxor.u32 v11, v33  }
0x37e: {  	v46 =	vshrl.u32 v22, $0x13;
	v47 =	vshll.u32 v22, $0xD;
	v50 =	vshrl.u32 v23, $0x13  }
0x37f: {  	v51 =	vshll.u32 v23, $0xD;
	v52 =	vshrl.u32 v19, $0x13;
	v53 =	vshll.u32 v19, $0xD  }
0x380: {  	v11 =	vadd.s32 v2, v11;
	v24 =	vor.u32 v40, v41;
	v55 =	vor.u32 v44, v45  }
0x381: {  	v13 =	vadd.s32 v22, v13;
	v15 =	vadd.s32 v23, v15;
	v16 =	vadd.s32 v19, v16  }
0x382: {  	v61 =	vxor.u32 v10, v54;
	v18 =	vadd.s32 v18, v7;
	v56 =	vor.u32 v46, v47  }
0x383: {  	v58 =	vor.u32 v50, v51;
	v59 =	vxor.u32 v14, v24;
	v60 =	vor.u32 v52, v53  }
0x384: {  	v62 =	vxor.u32 v12, v55;
	v42 =	vshrl.u32 v61, $0x11;
	v43 =	vshll.u32 v61, $0xF  }
0x385: {  	v10 =	vadd.s32 v10, v61;
	v48 =	vshrl.u32 v18, $0x13;
	v49 =	vshll.u32 v18, $0xD  }
0x386: {  	v11 =	vadd.s32 v18, v11;
	v63 =	vxor.u32 v13, v56;
	v23 =	vxor.u32 v15, v58  }
0x387: {  	v18 =	vxor.u32 v16, v60;
	v24 =	vshrl.u32 v59, $0x11;
	v41 =	vshll.u32 v59, $0xF  }
0x388: {  	v44 =	vshrl.u32 v62, $0x11;
	v45 =	vshll.u32 v62, $0xF;
	v26 =	vor.u32 v42, v43  }
0x389: {  	v14 =	vadd.s32 v14, v59;
	v12 =	vadd.s32 v12, v62;
	v57 =	vor.u32 v48, v49  }
0x38a: {  	v46 =	vshrl.u32 v63, $0x11;
	v47 =	vshll.u32 v63, $0xF;
	v50 =	vshrl.u32 v23, $0x11  }
0x38b: {  	v51 =	vshll.u32 v23, $0xF;
	v24 =	vor.u32 v24, v41;
	v52 =	vshrl.u32 v18, $0x11  }
0x38c: {  	v53 =	vshll.u32 v18, $0xF;
	v54 =	vor.u32 v44, v45;
	v13 =	vadd.s32 v13, v63  }
0x38d: {  	v15 =	vadd.s32 v15, v23;
	v60 =	vxor.u32 v10, v26;
	v16 =	vadd.s32 v16, v18  }
0x38e: {  	v40 =	vxor.u32 v11, v57;
	v55 =	vor.u32 v46, v47;
	v57 =	vor.u32 v50, v51  }
0x38f: {  	v58 =	vor.u32 v52, v53;
	v59 =	vxor.u32 v14, v24;
	v61 =	vxor.u32 v12, v54  }
0x390: {  	v26 =	vshrl.u32 v60, $0x6;
	v42 =	vshll.u32 v60, $0x1A;
	v10 =	vadd.s32 v10, v60  }
0x391: {  	v48 =	vshrl.u32 v40, $0x11;
	v49 =	vshll.u32 v40, $0xF;
	v11 =	vadd.s32 v11, v40  }
0x392: {  	v62 =	vxor.u32 v13, v55;
	v63 =	vshrl.u32 v59, $0x6;
	v40 =	vxor.u32 v15, v57  }
0x393: {  	v19 =	vxor.u32 v16, v58;
	v41 =	vshll.u32 v59, $0x1A;
	v43 =	vshrl.u32 v61, $0x6  }
0x394: {  	v44 =	vshll.u32 v61, $0x1A;
	v52 =	vor.u32 v26, v42;
	v14 =	vadd.s32 v14, v59  }
0x395: {  	v12 =	vadd.s32 v12, v61;
	v56 =	vor.u32 v48, v49;
	v45 =	vshrl.u32 v62, $0x6  }
0x396: {  	v46 =	vshll.u32 v62, $0x1A;
	v49 =	vshrl.u32 v40, $0x6;
	v50 =	vshll.u32 v40, $0x1A  }
0x397: {  	v51 =	vshrl.u32 v19, $0x6;
	v23 =	vor.u32 v63, v41;
	v53 =	vshll.u32 v19, $0x1A  }
0x398: {  	v54 =	vor.u32 v43, v44;
	v13 =	vadd.s32 v13, v62;
	v15 =	vadd.s32 v15, v40  }
0x399: {  	v16 =	vadd.s32 v16, v19;
	v60 =	vxor.u32 v10, v52;
	v17 =	vxor.u32 v11, v56  }
0x39a: {  	v55 =	vor.u32 v45, v46;
	v57 =	vor.u32 v49, v50;
	v58 =	vor.u32 v51, v53  }
0x39b: {  	v59 =	vxor.u32 v14, v23;
	v61 =	vxor.u32 v12, v54;
	v41 =	vshrl.u32 v60, $0x1A  }
0x39c: {  	v42 =	vshll.u32 v60, $0x6;
	v10 =	vadd.s32 v10, v60;
	v47 =	vshrl.u32 v17, $0x6  }
0x39d: {  	v48 =	vshll.u32 v17, $0x1A;
	v11 =	vadd.s32 v11, v17;
	v22 =	vxor.u32 v13, v55  }
0x39e: {  	v20 =	vxor.u32 v15, v57;
	v63 =	vshrl.u32 v59, $0x1A;
	v40 =	vshll.u32 v59, $0x6  }
0x39f: {  	v17 =	vxor.u32 v16, v58;
	v43 =	vshrl.u32 v61, $0x1A;
	v44 =	vshll.u32 v61, $0x6  }
0x3a0: {  	v53 =	vor.u32 v41, v42;
	v14 =	vadd.s32 v14, v59;
	v12 =	vadd.s32 v12, v61  }
0x3a1: {  	v56 =	vor.u32 v47, v48;
	v45 =	vshrl.u32 v22, $0x1A;
	v46 =	vshll.u32 v22, $0x6  }
0x3a2: {  	v49 =	vshrl.u32 v20, $0x1A;
	v50 =	vshll.u32 v20, $0x6;
	v51 =	vshrl.u32 v17, $0x1A  }
0x3a3: {  	v52 =	vshll.u32 v17, $0x6;
	v24 =	vor.u32 v63, v40;
	v54 =	vor.u32 v43, v44  }
0x3a4: {  	v13 =	vadd.s32 v13, v22;
	v15 =	vadd.s32 v15, v20;
	v16 =	vadd.s32 v16, v17  }
0x3a5: {  	v19 =	vxor.u32 v10, v53;
	v10 =	vadd.s32 v3, v10;
	v62 =	vxor.u32 v11, v56  }
0x3a6: {  	v55 =	vor.u32 v45, v46;
	v57 =	vor.u32 v49, v50;
	v18 =	vxor.u32 v14, v24  }
0x3a7: {  	v58 =	vor.u32 v51, v52;
	v59 =	vxor.u32 v12, v54;
	v19 =	vadd.s32 v19, v8  }
0x3a8: {  	v14 =	vadd.s32 v3, v14;
	v12 =	vadd.s32 v3, v12;
	v63 =	vadd.s32 v3, v13  }
0x3a9: {  	v47 =	vshrl.u32 v62, $0x1A;
	v48 =	vshll.u32 v62, $0x6;
	v11 =	vadd.s32 v11, v62  }
0x3aa: {  	v60 =	vxor.u32 v13, v55;
	v62 =	vxor.u32 v15, v57;
	v17 =	vxor.u32 v16, v58  }
0x3ab: {  	v18 =	vadd.s32 v18, v8;
	v20 =	vadd.s32 v59, v8;
	v56 =	vor.u32 v47, v48  }
0x3ac: {  	s21 =	simm.s32 $0x2440;
	v21 =	vadd.s32 v60, v8;
	v23 =	vadd.s32 v62, v8;
	v17 =	vadd.s32 v17, v8  }
0x3ad: {  	[tilespmem:s21+$0x20] =	vst v9;
	v9 =	vxor.u32 v14, v18;
	v14 =	vadd.s32 v3, v15;
	v15 =	vadd.s32 v3, v16  }
0x3ae: {  	v13 =	vxor.u32 v12, v20;
	v61 =	vxor.u32 v11, v56;
	v11 =	vadd.s32 v3, v11  }
0x3af: {  	s20 =	sor.u32 $0x1, s20;
	[tilespmem:s21+$0xFFFFFFC0] =	vst v9;
	v9 =	vxor.u32 v10, v19;
	v12 =	vxor.u32 v63, v21;
	v22 =	vadd.s32 v61, v8  }
0x3b0: {  	s22 =	sor.u32 s5, s20;
	s23 =	simm.s32 $0x0;
	s24 =	sadd.s32 $0x80, s17;
	v10 =	vxor.u32 v14, v23;
	[tilespmem:s21+$0xFFFFFFD0] =	vst v9;
	v9 =	vxor.u32 v15, v17;
	v11 =	vxor.u32 v11, v22  }
.LBB2_5:
0x3b1: {  	s25 =	sadd.s32 $0xFFFFFFA0, s24;
	s26 =	sadd.s32 $0xFFFFFFF0, s24;
	v14 =	vadd.s32 s24, v2;
	s23 =	sadd.s32 $0x8, s23;
	[tilespmem:s21+$0xFFFFFFE0] =	vst v13  }
0x3b2: {  	s28 =	sadd.s32 $0xFFFFFFC0, s24;
	v13 =	vadd.s32 s25, v2;
	s25 =	sadd.s32 $0xFFFFFFB0, s24;
	v15 =	vadd.s32 s26, v2;
	v14 =	vadd.s32 v0, v14;
	p0 =	slt.u32 s23, $0x1F8;
	[tilespmem:s21+$0xFFFFFFF0] =	vst v12  }
0x3b3: {  	s26 =	sadd.s32 $0xFFFFFF90, s24;
	v16 =	vadd.s32 s28, v2;
	s28 =	sadd.s32 $0xFFFFFFE0, s24;
	v12 =	vadd.s32 s25, v2;
	s25 =	sadd.s32 $0xFFFFFFD0, s24;
	v15 =	vadd.s32 v0, v15;
	[tilespmem:s21+$0x0] =	vst v11  }
0x3b4: {  	v11 =	vadd.s32 s26, v2;
	v17 =	vshrl.u32 v15, $0x13;
	v18 =	vshll.u32 v15, $0xD;
	[tilespmem:s21+$0x10] =	vst v10  }
0x3b5: {  	v10 =	vadd.s32 s25, v2;
	v15 =	vadd.s32 v1, v15;
	v17 =	vor.u32 v17, v18;
	[tilespmem:s21+$0x30] =	vst v9  }
0x3b6: {  	v9 =	vadd.s32 v0, v11;
	v11 =	vadd.s32 s28, v2;
	v17 =	vxor.u32 v15, v17  }
0x3b7: {  	v13 =	vadd.s32 v0, v13;
	v18 =	vshrl.u32 v17, $0x11;
	v19 =	vshll.u32 v17, $0xF  }
0x3b8: {  	v12 =	vadd.s32 v0, v12;
	v15 =	vadd.s32 v15, v17;
	v17 =	vor.u32 v18, v19  }
0x3b9: {  	v16 =	vadd.s32 v0, v16;
	v10 =	vadd.s32 v0, v10;
	v17 =	vxor.u32 v15, v17  }
0x3ba: {  	v11 =	vadd.s32 v0, v11;
	v18 =	vshrl.u32 v17, $0x6;
	v19 =	vshll.u32 v17, $0x1A  }
0x3bb: {  	v20 =	vshrl.u32 v9, $0x13;
	v15 =	vadd.s32 v15, v17;
	v17 =	vor.u32 v18, v19  }
0x3bc: {  	v18 =	vshll.u32 v9, $0xD;
	v19 =	vshrl.u32 v13, $0x13;
	v17 =	vxor.u32 v15, v17  }
0x3bd: {  	v21 =	vshll.u32 v13, $0xD;
	v22 =	vshrl.u32 v17, $0x1A;
	v23 =	vshll.u32 v17, $0x6  }
0x3be: {  	v24 =	vshrl.u32 v12, $0x13;
	v15 =	vadd.s32 v15, v17;
	v17 =	vor.u32 v22, v23  }
0x3bf: {  	v22 =	vshll.u32 v12, $0xD;
	v23 =	vshrl.u32 v16, $0x13;
	v17 =	vxor.u32 v15, v17  }
0x3c0: {  	v25 =	vshll.u32 v16, $0xD;
	v26 =	vshrl.u32 v10, $0x13;
	v17 =	vadd.s32 v17, v4  }
0x3c1: {  	v15 =	vadd.s32 v2, v15;
	v27 =	vshrl.u32 v17, $0xF;
	v28 =	vshll.u32 v17, $0x11  }
0x3c2: {  	v29 =	vshll.u32 v10, $0xD;
	v15 =	vadd.s32 v17, v15;
	v17 =	vor.u32 v27, v28  }
0x3c3: {  	v27 =	vshrl.u32 v11, $0x13;
	v28 =	vshll.u32 v11, $0xD;
	v17 =	vxor.u32 v15, v17  }
0x3c4: {  	v32 =	vshrl.u32 v14, $0x13;
	v30 =	vshrl.u32 v17, $0x3;
	v31 =	vshll.u32 v17, $0x1D  }
0x3c5: {  	v15 =	vadd.s32 v15, v17;
	v17 =	vor.u32 v30, v31;
	v30 =	vshll.u32 v14, $0xD  }
0x3c6: {  	v18 =	vor.u32 v20, v18;
	v19 =	vor.u32 v19, v21;
	v17 =	vxor.u32 v15, v17  }
0x3c7: {  	v20 =	vor.u32 v24, v22;
	v21 =	vshrl.u32 v17, $0x10;
	v22 =	vshll.u32 v17, $0x10  }
0x3c8: {  	v23 =	vor.u32 v23, v25;
	v15 =	vadd.s32 v15, v17;
	v17 =	vor.u32 v21, v22  }
0x3c9: {  	v21 =	vor.u32 v26, v29;
	v22 =	vor.u32 v27, v28;
	v17 =	vxor.u32 v15, v17  }
0x3ca: {  	v9 =	vadd.s32 v1, v9;
	v24 =	vshrl.u32 v17, $0x8;
	v25 =	vshll.u32 v17, $0x18  }
0x3cb: {  	v13 =	vadd.s32 v1, v13;
	v15 =	vadd.s32 v15, v17;
	v17 =	vor.u32 v24, v25  }
0x3cc: {  	v12 =	vadd.s32 v1, v12;
	v16 =	vadd.s32 v1, v16;
	v17 =	vxor.u32 v15, v17  }
0x3cd: {  	v10 =	vadd.s32 v1, v10;
	v11 =	vadd.s32 v1, v11;
	v17 =	vadd.s32 v17, v5  }
0x3ce: {  	v15 =	vadd.s32 v3, v15;
	v24 =	vshrl.u32 v17, $0x13;
	v25 =	vshll.u32 v17, $0xD  }
0x3cf: {  	v15 =	vadd.s32 v17, v15;
	v17 =	vor.u32 v24, v25;
	v24 =	vor.u32 v32, v30  }
0x3d0: {  	v18 =	vxor.u32 v9, v18;
	v14 =	vadd.s32 v1, v14;
	v17 =	vxor.u32 v15, v17  }
0x3d1: {  	v19 =	vxor.u32 v13, v19;
	v25 =	vshrl.u32 v17, $0x11;
	v26 =	vshll.u32 v17, $0xF  }
0x3d2: {  	v20 =	vxor.u32 v12, v20;
	v15 =	vadd.s32 v15, v17;
	v17 =	vor.u32 v25, v26  }
0x3d3: {  	v23 =	vxor.u32 v16, v23;
	v21 =	vxor.u32 v10, v21;
	v17 =	vxor.u32 v15, v17  }
0x3d4: {  	v22 =	vxor.u32 v11, v22;
	v25 =	vshrl.u32 v17, $0x6;
	v26 =	vshll.u32 v17, $0x1A  }
0x3d5: {  	v24 =	vxor.u32 v14, v24;
	v15 =	vadd.s32 v15, v17;
	v17 =	vor.u32 v25, v26  }
0x3d6: {  	v25 =	vshrl.u32 v18, $0x11;
	v26 =	vshll.u32 v18, $0xF;
	v17 =	vxor.u32 v15, v17  }
0x3d7: {  	v27 =	vshrl.u32 v19, $0x11;
	v28 =	vshrl.u32 v17, $0x1A;
	v29 =	vshll.u32 v17, $0x6  }
0x3d8: {  	v30 =	vshll.u32 v19, $0xF;
	v15 =	vadd.s32 v15, v17;
	v17 =	vor.u32 v28, v29  }
0x3d9: {  	v28 =	vshrl.u32 v20, $0x11;
	v29 =	vshll.u32 v20, $0xF;
	v17 =	vxor.u32 v15, v17  }
0x3da: {  	v31 =	vshrl.u32 v23, $0x11;
	v32 =	vshll.u32 v23, $0xF;
	v17 =	vadd.s32 v17, v6  }
0x3db: {  	v15 =	vadd.s32 v1, v15;
	v33 =	vshrl.u32 v17, $0xF;
	v34 =	vshll.u32 v17, $0x11  }
0x3dc: {  	v35 =	vshrl.u32 v21, $0x11;
	v15 =	vadd.s32 v17, v15;
	v17 =	vor.u32 v33, v34  }
0x3dd: {  	v33 =	vshll.u32 v21, $0xF;
	v34 =	vshrl.u32 v22, $0x11;
	v17 =	vxor.u32 v15, v17  }
0x3de: {  	v36 =	vshll.u32 v22, $0xF;
	v37 =	vshrl.u32 v17, $0x3;
	v38 =	vshll.u32 v17, $0x1D  }
0x3df: {  	v15 =	vadd.s32 v15, v17;
	v17 =	vor.u32 v37, v38;
	v37 =	vshrl.u32 v24, $0x11  }
0x3e0: {  	v25 =	vor.u32 v25, v26;
	v26 =	vshll.u32 v24, $0xF;
	v17 =	vxor.u32 v15, v17  }
0x3e1: {  	v27 =	vor.u32 v27, v30;
	v30 =	vshrl.u32 v17, $0x10;
	v38 =	vshll.u32 v17, $0x10  }
0x3e2: {  	v28 =	vor.u32 v28, v29;
	v15 =	vadd.s32 v15, v17;
	v17 =	vor.u32 v30, v38  }
0x3e3: {  	v29 =	vor.u32 v31, v32;
	v30 =	vor.u32 v35, v33;
	v17 =	vxor.u32 v15, v17  }
0x3e4: {  	v31 =	vor.u32 v34, v36;
	v32 =	vshrl.u32 v17, $0x8;
	v33 =	vshll.u32 v17, $0x18  }
0x3e5: {  	v9 =	vadd.s32 v9, v18;
	v15 =	vadd.s32 v15, v17;
	v17 =	vor.u32 v32, v33  }
0x3e6: {  	v13 =	vadd.s32 v13, v19;
	v12 =	vadd.s32 v12, v20;
	v17 =	vxor.u32 v15, v17  }
0x3e7: {  	v16 =	vadd.s32 v16, v23;
	v10 =	vadd.s32 v10, v21;
	v17 =	vadd.s32 v17, v7  }
0x3e8: {  	v15 =	vadd.s32 v2, v15;
	v18 =	vshrl.u32 v17, $0x13;
	v19 =	vshll.u32 v17, $0xD  }
0x3e9: {  	v11 =	vadd.s32 v11, v22;
	v15 =	vadd.s32 v17, v15;
	v17 =	vor.u32 v18, v19  }
0x3ea: {  	v14 =	vadd.s32 v14, v24;
	v18 =	vor.u32 v37, v26;
	v17 =	vxor.u32 v15, v17  }
0x3eb: {  	v19 =	vxor.u32 v9, v25;
	v20 =	vshrl.u32 v17, $0x11;
	v21 =	vshll.u32 v17, $0xF  }
0x3ec: {  	v22 =	vxor.u32 v13, v27;
	v15 =	vadd.s32 v15, v17;
	v17 =	vor.u32 v20, v21  }
0x3ed: {  	v20 =	vxor.u32 v12, v28;
	v21 =	vxor.u32 v16, v29;
	v17 =	vxor.u32 v15, v17  }
0x3ee: {  	v23 =	vxor.u32 v10, v30;
	v24 =	vshrl.u32 v17, $0x6;
	v25 =	vshll.u32 v17, $0x1A  }
0x3ef: {  	v26 =	vxor.u32 v11, v31;
	v15 =	vadd.s32 v15, v17;
	v17 =	vor.u32 v24, v25  }
0x3f0: {  	v18 =	vxor.u32 v14, v18;
	v24 =	vshrl.u32 v19, $0x6;
	v17 =	vxor.u32 v15, v17  }
0x3f1: {  	v25 =	vshll.u32 v19, $0x1A;
	v27 =	vshrl.u32 v17, $0x1A;
	v28 =	vshll.u32 v17, $0x6  }
0x3f2: {  	v29 =	vshrl.u32 v22, $0x6;
	v15 =	vadd.s32 v15, v17;
	v17 =	vor.u32 v27, v28  }
0x3f3: {  	v27 =	vshll.u32 v22, $0x1A;
	v28 =	vshrl.u32 v20, $0x6;
	v17 =	vxor.u32 v15, v17  }
0x3f4: {  	v30 =	vshll.u32 v20, $0x1A;
	v15 =	vadd.s32 v3, v15;
	v17 =	vadd.s32 v17, v8  }
0x3f5: {  	s21 =	sadd.s32 $0x80, s21;
	v31 =	vshrl.u32 v21, $0x6;
	v32 =	vshll.u32 v21, $0x1A;
	v15 =	vxor.u32 v15, v17  }
0x3f6: {  	v33 =	vshll.u32 v23, $0x1A;
	v34 =	vshrl.u32 v26, $0x6;
	v17 =	vshrl.u32 v23, $0x6;
	[tilespmem:s21+$0x20] =	vst v15  }
0x3f7: {  	v35 =	vshrl.u32 v18, $0x6;
	v36 =	vshll.u32 v18, $0x1A;
	v15 =	vshll.u32 v26, $0x1A  }
0x3f8: {  	v24 =	vor.u32 v24, v25;
	v25 =	vor.u32 v29, v27;
	v27 =	vor.u32 v28, v30  }
0x3f9: {  	v28 =	vor.u32 v31, v32;
	v17 =	vor.u32 v17, v33;
	v15 =	vor.u32 v34, v15  }
0x3fa: {  	v13 =	vadd.s32 v13, v22;
	v9 =	vadd.s32 v9, v19;
	v12 =	vadd.s32 v12, v20  }
0x3fb: {  	v10 =	vadd.s32 v10, v23;
	v11 =	vadd.s32 v11, v26;
	v16 =	vadd.s32 v16, v21  }
0x3fc: {  	v14 =	vadd.s32 v14, v18;
	v18 =	vor.u32 v35, v36;
	v19 =	vxor.u32 v9, v24  }
0x3fd: {  	v20 =	vxor.u32 v13, v25;
	v21 =	vxor.u32 v12, v27;
	v22 =	vxor.u32 v16, v28  }
0x3fe: {  	v18 =	vxor.u32 v14, v18;
	v17 =	vxor.u32 v10, v17;
	v15 =	vxor.u32 v11, v15  }
0x3ff: {  	v24 =	vshll.u32 v19, $0x6;
	v23 =	vshrl.u32 v19, $0x1A;
	v25 =	vshrl.u32 v20, $0x1A  }
0x400: {  	v27 =	vshrl.u32 v21, $0x1A;
	v28 =	vshll.u32 v21, $0x6;
	v26 =	vshll.u32 v20, $0x6  }
0x401: {  	v29 =	vshrl.u32 v22, $0x1A;
	v30 =	vshll.u32 v22, $0x6;
	v31 =	vshrl.u32 v17, $0x1A  }
0x402: {  	v32 =	vshll.u32 v17, $0x6;
	v33 =	vshrl.u32 v15, $0x1A;
	v34 =	vshll.u32 v15, $0x6  }
0x403: {  	v35 =	vshll.u32 v18, $0x6;
	v23 =	vor.u32 v23, v24;
	v24 =	vshrl.u32 v18, $0x1A  }
0x404: {  	v25 =	vor.u32 v25, v26;
	v26 =	vor.u32 v27, v28;
	v27 =	vor.u32 v29, v30  }
0x405: {  	v9 =	vadd.s32 v9, v19;
	v19 =	vor.u32 v31, v32;
	v28 =	vor.u32 v33, v34  }
0x406: {  	v13 =	vadd.s32 v13, v20;
	v12 =	vadd.s32 v12, v21;
	v16 =	vadd.s32 v16, v22  }
0x407: {  	v10 =	vadd.s32 v10, v17;
	v11 =	vadd.s32 v11, v15;
	v15 =	vor.u32 v24, v35  }
0x408: {  	v14 =	vadd.s32 v14, v18;
	v17 =	vxor.u32 v9, v23;
	v20 =	vxor.u32 v13, v25  }
0x409: {  	v18 =	vxor.u32 v12, v26;
	v21 =	vxor.u32 v16, v27;
	v19 =	vxor.u32 v10, v19  }
0x40a: {  	v17 =	vadd.s32 v17, v4;
	v15 =	vxor.u32 v14, v15;
	v22 =	vxor.u32 v11, v28  }
0x40b: {  	v20 =	vadd.s32 v20, v4;
	v18 =	vadd.s32 v18, v4;
	v21 =	vadd.s32 v21, v4  }
0x40c: {  	v19 =	vadd.s32 v19, v4;
	v15 =	vadd.s32 v15, v4;
	v22 =	vadd.s32 v22, v4  }
0x40d: {  	v23 =	vshrl.u32 v17, $0xF;
	v24 =	vshll.u32 v17, $0x11;
	v25 =	vshrl.u32 v20, $0xF  }
0x40e: {  	v26 =	vshll.u32 v20, $0x11;
	v27 =	vshrl.u32 v18, $0xF;
	v28 =	vshll.u32 v18, $0x11  }
0x40f: {  	v29 =	vshrl.u32 v21, $0xF;
	v30 =	vshll.u32 v21, $0x11;
	v31 =	vshrl.u32 v19, $0xF  }
0x410: {  	v32 =	vshll.u32 v19, $0x11;
	v33 =	vshrl.u32 v22, $0xF;
	v34 =	vshll.u32 v22, $0x11  }
0x411: {  	v9 =	vadd.s32 v2, v9;
	v35 =	vshrl.u32 v15, $0xF;
	v36 =	vshll.u32 v15, $0x11  }
0x412: {  	v13 =	vadd.s32 v2, v13;
	v12 =	vadd.s32 v2, v12;
	v16 =	vadd.s32 v2, v16  }
0x413: {  	v10 =	vadd.s32 v2, v10;
	v14 =	vadd.s32 v2, v14;
	v11 =	vadd.s32 v2, v11  }
0x414: {  	v23 =	vor.u32 v23, v24;
	v24 =	vor.u32 v25, v26;
	v25 =	vor.u32 v27, v28  }
0x415: {  	v26 =	vor.u32 v29, v30;
	v27 =	vor.u32 v31, v32;
	v28 =	vor.u32 v33, v34  }
0x416: {  	v9 =	vadd.s32 v17, v9;
	v13 =	vadd.s32 v20, v13;
	v12 =	vadd.s32 v18, v12  }
0x417: {  	v16 =	vadd.s32 v21, v16;
	v10 =	vadd.s32 v19, v10;
	v11 =	vadd.s32 v22, v11  }
0x418: {  	v17 =	vxor.u32 v9, v23;
	v14 =	vadd.s32 v15, v14;
	v15 =	vor.u32 v35, v36  }
0x419: {  	v18 =	vxor.u32 v13, v24;
	v20 =	vxor.u32 v16, v26;
	v19 =	vxor.u32 v12, v25  }
0x41a: {  	v21 =	vxor.u32 v10, v27;
	v15 =	vxor.u32 v14, v15;
	v22 =	vxor.u32 v11, v28  }
0x41b: {  	v23 =	vshrl.u32 v17, $0x3;
	v24 =	vshll.u32 v17, $0x1D;
	v25 =	vshrl.u32 v18, $0x3  }
0x41c: {  	v26 =	vshll.u32 v18, $0x1D;
	v27 =	vshrl.u32 v19, $0x3;
	v28 =	vshll.u32 v19, $0x1D  }
0x41d: {  	v29 =	vshrl.u32 v20, $0x3;
	v30 =	vshll.u32 v20, $0x1D;
	v31 =	vshrl.u32 v21, $0x3  }
0x41e: {  	v32 =	vshll.u32 v21, $0x1D;
	v33 =	vshrl.u32 v22, $0x3;
	v34 =	vshll.u32 v22, $0x1D  }
0x41f: {  	v23 =	vor.u32 v23, v24;
	v24 =	vshrl.u32 v15, $0x3;
	v35 =	vshll.u32 v15, $0x1D  }
0x420: {  	v25 =	vor.u32 v25, v26;
	v26 =	vor.u32 v27, v28;
	v27 =	vor.u32 v29, v30  }
0x421: {  	v9 =	vadd.s32 v9, v17;
	v17 =	vor.u32 v31, v32;
	v28 =	vor.u32 v33, v34  }
0x422: {  	v13 =	vadd.s32 v13, v18;
	v16 =	vadd.s32 v16, v20;
	v12 =	vadd.s32 v12, v19  }
0x423: {  	v10 =	vadd.s32 v10, v21;
	v11 =	vadd.s32 v11, v22;
	v18 =	vor.u32 v24, v35  }
0x424: {  	v19 =	vxor.u32 v9, v23;
	v20 =	vxor.u32 v13, v25;
	v14 =	vadd.s32 v14, v15  }
0x425: {  	v15 =	vxor.u32 v12, v26;
	v21 =	vxor.u32 v16, v27;
	v17 =	vxor.u32 v10, v17  }
0x426: {  	v22 =	vshrl.u32 v19, $0x10;
	v18 =	vxor.u32 v14, v18;
	v23 =	vxor.u32 v11, v28  }
0x427: {  	v24 =	vshll.u32 v19, $0x10;
	v25 =	vshrl.u32 v20, $0x10;
	v26 =	vshll.u32 v20, $0x10  }
0x428: {  	v27 =	vshrl.u32 v15, $0x10;
	v28 =	vshll.u32 v15, $0x10;
	v29 =	vshrl.u32 v21, $0x10  }
0x429: {  	v30 =	vshll.u32 v21, $0x10;
	v31 =	vshrl.u32 v17, $0x10;
	v32 =	vshll.u32 v17, $0x10  }
0x42a: {  	v35 =	vshrl.u32 v18, $0x10;
	v33 =	vshrl.u32 v23, $0x10;
	v34 =	vshll.u32 v23, $0x10  }
0x42b: {  	v22 =	vor.u32 v22, v24;
	v24 =	vor.u32 v25, v26;
	v25 =	vshll.u32 v18, $0x10  }
0x42c: {  	v26 =	vor.u32 v27, v28;
	v27 =	vor.u32 v29, v30;
	v28 =	vor.u32 v31, v32  }
0x42d: {  	v9 =	vadd.s32 v9, v19;
	v13 =	vadd.s32 v13, v20;
	v19 =	vor.u32 v33, v34  }
0x42e: {  	v12 =	vadd.s32 v12, v15;
	v15 =	vadd.s32 v16, v21;
	v10 =	vadd.s32 v10, v17  }
0x42f: {  	v14 =	vadd.s32 v14, v18;
	v11 =	vadd.s32 v11, v23;
	v16 =	vor.u32 v35, v25  }
0x430: {  	v17 =	vxor.u32 v9, v22;
	v18 =	vxor.u32 v13, v24;
	v20 =	vxor.u32 v12, v26  }
0x431: {  	v21 =	vxor.u32 v15, v27;
	v22 =	vxor.u32 v10, v28;
	v19 =	vxor.u32 v11, v19  }
0x432: {  	v23 =	vshrl.u32 v17, $0x8;
	v24 =	vshll.u32 v17, $0x18;
	v16 =	vxor.u32 v14, v16  }
0x433: {  	v25 =	vshrl.u32 v18, $0x8;
	v26 =	vshll.u32 v18, $0x18;
	v27 =	vshrl.u32 v20, $0x8  }
0x434: {  	v28 =	vshll.u32 v20, $0x18;
	v29 =	vshrl.u32 v21, $0x8;
	v30 =	vshll.u32 v21, $0x18  }
0x435: {  	v31 =	vshrl.u32 v22, $0x8;
	v32 =	vshll.u32 v22, $0x18;
	v33 =	vshrl.u32 v19, $0x8  }
0x436: {  	v35 =	vshrl.u32 v16, $0x8;
	v36 =	vshll.u32 v16, $0x18;
	v34 =	vshll.u32 v19, $0x18  }
0x437: {  	v23 =	vor.u32 v23, v24;
	v24 =	vor.u32 v25, v26;
	v25 =	vor.u32 v27, v28  }
0x438: {  	v26 =	vor.u32 v29, v30;
	v27 =	vor.u32 v31, v32;
	v28 =	vor.u32 v33, v34  }
0x439: {  	v9 =	vadd.s32 v9, v17;
	v13 =	vadd.s32 v13, v18;
	v12 =	vadd.s32 v12, v20  }
0x43a: {  	v15 =	vadd.s32 v15, v21;
	v10 =	vadd.s32 v10, v22;
	v11 =	vadd.s32 v11, v19  }
0x43b: {  	v17 =	vxor.u32 v9, v23;
	v14 =	vadd.s32 v14, v16;
	v16 =	vor.u32 v35, v36  }
0x43c: {  	v18 =	vxor.u32 v13, v24;
	v19 =	vxor.u32 v12, v25;
	v20 =	vxor.u32 v15, v26  }
0x43d: {  	v21 =	vxor.u32 v10, v27;
	v16 =	vxor.u32 v14, v16;
	v22 =	vxor.u32 v11, v28  }
0x43e: {  	v17 =	vadd.s32 v17, v5;
	v18 =	vadd.s32 v18, v5;
	v19 =	vadd.s32 v19, v5  }
0x43f: {  	v20 =	vadd.s32 v20, v5;
	v21 =	vadd.s32 v21, v5;
	v22 =	vadd.s32 v22, v5  }
0x440: {  	v23 =	vshrl.u32 v17, $0x13;
	v24 =	vshll.u32 v17, $0xD;
	v16 =	vadd.s32 v16, v5  }
0x441: {  	v25 =	vshrl.u32 v18, $0x13;
	v26 =	vshll.u32 v18, $0xD;
	v27 =	vshrl.u32 v19, $0x13  }
0x442: {  	v28 =	vshll.u32 v19, $0xD;
	v29 =	vshrl.u32 v20, $0x13;
	v30 =	vshll.u32 v20, $0xD  }
0x443: {  	v31 =	vshrl.u32 v21, $0x13;
	v32 =	vshll.u32 v21, $0xD;
	v33 =	vshrl.u32 v22, $0x13  }
0x444: {  	v35 =	vshrl.u32 v16, $0x13;
	v36 =	vshll.u32 v16, $0xD;
	v34 =	vshll.u32 v22, $0xD  }
0x445: {  	v9 =	vadd.s32 v3, v9;
	v13 =	vadd.s32 v3, v13;
	v12 =	vadd.s32 v3, v12  }
0x446: {  	v15 =	vadd.s32 v3, v15;
	v10 =	vadd.s32 v3, v10;
	v11 =	vadd.s32 v3, v11  }
0x447: {  	v14 =	vadd.s32 v3, v14;
	v23 =	vor.u32 v23, v24;
	v24 =	vor.u32 v25, v26  }
0x448: {  	v25 =	vor.u32 v27, v28;
	v26 =	vor.u32 v29, v30;
	v27 =	vor.u32 v31, v32  }
0x449: {  	v9 =	vadd.s32 v17, v9;
	v13 =	vadd.s32 v18, v13;
	v17 =	vor.u32 v33, v34  }
0x44a: {  	v12 =	vadd.s32 v19, v12;
	v15 =	vadd.s32 v20, v15;
	v10 =	vadd.s32 v21, v10  }
0x44b: {  	v14 =	vadd.s32 v16, v14;
	v11 =	vadd.s32 v22, v11;
	v16 =	vor.u32 v35, v36  }
0x44c: {  	v18 =	vxor.u32 v9, v23;
	v19 =	vxor.u32 v13, v24;
	v20 =	vxor.u32 v12, v25  }
0x44d: {  	v21 =	vxor.u32 v15, v26;
	v22 =	vxor.u32 v10, v27;
	v17 =	vxor.u32 v11, v17  }
0x44e: {  	v23 =	vshrl.u32 v18, $0x11;
	v24 =	vshll.u32 v18, $0xF;
	v16 =	vxor.u32 v14, v16  }
0x44f: {  	v25 =	vshrl.u32 v19, $0x11;
	v26 =	vshll.u32 v19, $0xF;
	v27 =	vshrl.u32 v20, $0x11  }
0x450: {  	v28 =	vshll.u32 v20, $0xF;
	v29 =	vshrl.u32 v21, $0x11;
	v30 =	vshll.u32 v21, $0xF  }
0x451: {  	v31 =	vshrl.u32 v22, $0x11;
	v32 =	vshll.u32 v22, $0xF;
	v33 =	vshrl.u32 v17, $0x11  }
0x452: {  	v35 =	vshrl.u32 v16, $0x11;
	v36 =	vshll.u32 v16, $0xF;
	v34 =	vshll.u32 v17, $0xF  }
0x453: {  	v23 =	vor.u32 v23, v24;
	v24 =	vor.u32 v25, v26;
	v25 =	vor.u32 v27, v28  }
0x454: {  	v26 =	vor.u32 v29, v30;
	v27 =	vor.u32 v31, v32;
	v28 =	vor.u32 v33, v34  }
0x455: {  	v9 =	vadd.s32 v9, v18;
	v13 =	vadd.s32 v13, v19;
	v12 =	vadd.s32 v12, v20  }
0x456: {  	v15 =	vadd.s32 v15, v21;
	v10 =	vadd.s32 v10, v22;
	v11 =	vadd.s32 v11, v17  }
0x457: {  	v14 =	vadd.s32 v14, v16;
	v17 =	vxor.u32 v9, v23;
	v16 =	vor.u32 v35, v36  }
0x458: {  	v18 =	vxor.u32 v13, v24;
	v19 =	vxor.u32 v12, v25;
	v20 =	vxor.u32 v15, v26  }
0x459: {  	v21 =	vxor.u32 v10, v27;
	v16 =	vxor.u32 v14, v16;
	v22 =	vxor.u32 v11, v28  }
0x45a: {  	v23 =	vshrl.u32 v17, $0x6;
	v24 =	vshll.u32 v17, $0x1A;
	v25 =	vshrl.u32 v18, $0x6  }
0x45b: {  	v26 =	vshll.u32 v18, $0x1A;
	v27 =	vshrl.u32 v19, $0x6;
	v28 =	vshll.u32 v19, $0x1A  }
0x45c: {  	v29 =	vshrl.u32 v20, $0x6;
	v30 =	vshll.u32 v20, $0x1A;
	v31 =	vshrl.u32 v21, $0x6  }
0x45d: {  	v32 =	vshll.u32 v21, $0x1A;
	v33 =	vshrl.u32 v22, $0x6;
	v34 =	vshll.u32 v22, $0x1A  }
0x45e: {  	v23 =	vor.u32 v23, v24;
	v24 =	vshrl.u32 v16, $0x6;
	v35 =	vshll.u32 v16, $0x1A  }
0x45f: {  	v25 =	vor.u32 v25, v26;
	v26 =	vor.u32 v27, v28;
	v27 =	vor.u32 v29, v30  }
0x460: {  	v9 =	vadd.s32 v9, v17;
	v17 =	vor.u32 v31, v32;
	v28 =	vor.u32 v33, v34  }
0x461: {  	v13 =	vadd.s32 v13, v18;
	v12 =	vadd.s32 v12, v19;
	v15 =	vadd.s32 v15, v20  }
0x462: {  	v10 =	vadd.s32 v10, v21;
	v11 =	vadd.s32 v11, v22;
	v18 =	vor.u32 v24, v35  }
0x463: {  	v14 =	vadd.s32 v14, v16;
	v19 =	vxor.u32 v9, v23;
	v20 =	vxor.u32 v13, v25  }
0x464: {  	v16 =	vxor.u32 v12, v26;
	v21 =	vxor.u32 v15, v27;
	v17 =	vxor.u32 v10, v17  }
0x465: {  	v22 =	vshrl.u32 v19, $0x1A;
	v18 =	vxor.u32 v14, v18;
	v23 =	vxor.u32 v11, v28  }
0x466: {  	v24 =	vshll.u32 v19, $0x6;
	v25 =	vshrl.u32 v20, $0x1A;
	v26 =	vshll.u32 v20, $0x6  }
0x467: {  	v27 =	vshrl.u32 v16, $0x1A;
	v28 =	vshll.u32 v16, $0x6;
	v29 =	vshrl.u32 v21, $0x1A  }
0x468: {  	v30 =	vshll.u32 v21, $0x6;
	v31 =	vshrl.u32 v17, $0x1A;
	v32 =	vshll.u32 v17, $0x6  }
0x469: {  	v35 =	vshrl.u32 v18, $0x1A;
	v33 =	vshrl.u32 v23, $0x1A;
	v34 =	vshll.u32 v23, $0x6  }
0x46a: {  	v22 =	vor.u32 v22, v24;
	v24 =	vor.u32 v25, v26;
	v25 =	vshll.u32 v18, $0x6  }
0x46b: {  	v26 =	vor.u32 v27, v28;
	v27 =	vor.u32 v29, v30;
	v28 =	vor.u32 v31, v32  }
0x46c: {  	v9 =	vadd.s32 v9, v19;
	v13 =	vadd.s32 v13, v20;
	v19 =	vor.u32 v33, v34  }
0x46d: {  	v12 =	vadd.s32 v12, v16;
	v15 =	vadd.s32 v15, v21;
	v10 =	vadd.s32 v10, v17  }
0x46e: {  	v14 =	vadd.s32 v14, v18;
	v11 =	vadd.s32 v11, v23;
	v16 =	vor.u32 v35, v25  }
0x46f: {  	v17 =	vxor.u32 v9, v22;
	v18 =	vxor.u32 v13, v24;
	v20 =	vxor.u32 v12, v26  }
0x470: {  	v21 =	vxor.u32 v15, v27;
	v22 =	vxor.u32 v10, v28;
	v19 =	vxor.u32 v11, v19  }
0x471: {  	v17 =	vadd.s32 v17, v6;
	v18 =	vadd.s32 v18, v6;
	v16 =	vxor.u32 v14, v16  }
0x472: {  	v20 =	vadd.s32 v20, v6;
	v21 =	vadd.s32 v21, v6;
	v22 =	vadd.s32 v22, v6  }
0x473: {  	v23 =	vshrl.u32 v17, $0xF;
	v16 =	vadd.s32 v16, v6;
	v19 =	vadd.s32 v19, v6  }
0x474: {  	v24 =	vshll.u32 v17, $0x11;
	v25 =	vshrl.u32 v18, $0xF;
	v26 =	vshll.u32 v18, $0x11  }
0x475: {  	v27 =	vshrl.u32 v20, $0xF;
	v28 =	vshll.u32 v20, $0x11;
	v29 =	vshrl.u32 v21, $0xF  }
0x476: {  	v30 =	vshll.u32 v21, $0x11;
	v31 =	vshrl.u32 v22, $0xF;
	v32 =	vshll.u32 v22, $0x11  }
0x477: {  	v35 =	vshrl.u32 v16, $0xF;
	v33 =	vshrl.u32 v19, $0xF;
	v34 =	vshll.u32 v19, $0x11  }
0x478: {  	v9 =	vadd.s32 v1, v9;
	v13 =	vadd.s32 v1, v13;
	v36 =	vshll.u32 v16, $0x11  }
0x479: {  	v12 =	vadd.s32 v1, v12;
	v15 =	vadd.s32 v1, v15;
	v10 =	vadd.s32 v1, v10  }
0x47a: {  	v14 =	vadd.s32 v1, v14;
	v11 =	vadd.s32 v1, v11;
	v23 =	vor.u32 v23, v24  }
0x47b: {  	v24 =	vor.u32 v25, v26;
	v25 =	vor.u32 v27, v28;
	v26 =	vor.u32 v29, v30  }
0x47c: {  	v9 =	vadd.s32 v17, v9;
	v17 =	vor.u32 v31, v32;
	v27 =	vor.u32 v33, v34  }
0x47d: {  	v13 =	vadd.s32 v18, v13;
	v12 =	vadd.s32 v20, v12;
	v15 =	vadd.s32 v21, v15  }
0x47e: {  	v10 =	vadd.s32 v22, v10;
	v11 =	vadd.s32 v19, v11;
	v18 =	vor.u32 v35, v36  }
0x47f: {  	v14 =	vadd.s32 v16, v14;
	v19 =	vxor.u32 v9, v23;
	v20 =	vxor.u32 v13, v24  }
0x480: {  	v16 =	vxor.u32 v12, v25;
	v21 =	vxor.u32 v15, v26;
	v17 =	vxor.u32 v10, v17  }
0x481: {  	v22 =	vshrl.u32 v19, $0x3;
	v18 =	vxor.u32 v14, v18;
	v23 =	vxor.u32 v11, v27  }
0x482: {  	v24 =	vshll.u32 v19, $0x1D;
	v25 =	vshrl.u32 v20, $0x3;
	v26 =	vshll.u32 v20, $0x1D  }
0x483: {  	v27 =	vshrl.u32 v16, $0x3;
	v28 =	vshll.u32 v16, $0x1D;
	v29 =	vshrl.u32 v21, $0x3  }
0x484: {  	v30 =	vshll.u32 v21, $0x1D;
	v31 =	vshrl.u32 v17, $0x3;
	v32 =	vshll.u32 v17, $0x1D  }
0x485: {  	v35 =	vshrl.u32 v18, $0x3;
	v33 =	vshrl.u32 v23, $0x3;
	v34 =	vshll.u32 v23, $0x1D  }
0x486: {  	v22 =	vor.u32 v22, v24;
	v24 =	vor.u32 v25, v26;
	v25 =	vshll.u32 v18, $0x1D  }
0x487: {  	v26 =	vor.u32 v27, v28;
	v27 =	vor.u32 v29, v30;
	v28 =	vor.u32 v31, v32  }
0x488: {  	v9 =	vadd.s32 v9, v19;
	v13 =	vadd.s32 v13, v20;
	v19 =	vor.u32 v33, v34  }
0x489: {  	v12 =	vadd.s32 v12, v16;
	v15 =	vadd.s32 v15, v21;
	v10 =	vadd.s32 v10, v17  }
0x48a: {  	v14 =	vadd.s32 v14, v18;
	v11 =	vadd.s32 v11, v23;
	v16 =	vor.u32 v35, v25  }
0x48b: {  	v17 =	vxor.u32 v9, v22;
	v18 =	vxor.u32 v13, v24;
	v20 =	vxor.u32 v12, v26  }
0x48c: {  	v21 =	vxor.u32 v15, v27;
	v22 =	vxor.u32 v10, v28;
	v19 =	vxor.u32 v11, v19  }
0x48d: {  	v23 =	vshrl.u32 v17, $0x10;
	v24 =	vshll.u32 v17, $0x10;
	v16 =	vxor.u32 v14, v16  }
0x48e: {  	v25 =	vshrl.u32 v18, $0x10;
	v26 =	vshll.u32 v18, $0x10;
	v27 =	vshrl.u32 v20, $0x10  }
0x48f: {  	v28 =	vshll.u32 v20, $0x10;
	v29 =	vshrl.u32 v21, $0x10;
	v30 =	vshll.u32 v21, $0x10  }
0x490: {  	v31 =	vshrl.u32 v22, $0x10;
	v32 =	vshll.u32 v22, $0x10;
	v33 =	vshrl.u32 v19, $0x10  }
0x491: {  	v35 =	vshrl.u32 v16, $0x10;
	v36 =	vshll.u32 v16, $0x10;
	v34 =	vshll.u32 v19, $0x10  }
0x492: {  	v23 =	vor.u32 v23, v24;
	v24 =	vor.u32 v25, v26;
	v25 =	vor.u32 v27, v28  }
0x493: {  	v26 =	vor.u32 v29, v30;
	v27 =	vor.u32 v31, v32;
	v28 =	vor.u32 v33, v34  }
0x494: {  	v9 =	vadd.s32 v9, v17;
	v13 =	vadd.s32 v13, v18;
	v12 =	vadd.s32 v12, v20  }
0x495: {  	v15 =	vadd.s32 v15, v21;
	v10 =	vadd.s32 v10, v22;
	v11 =	vadd.s32 v11, v19  }
0x496: {  	v14 =	vadd.s32 v14, v16;
	v17 =	vxor.u32 v9, v23;
	v16 =	vor.u32 v35, v36  }
0x497: {  	v18 =	vxor.u32 v13, v24;
	v19 =	vxor.u32 v12, v25;
	v20 =	vxor.u32 v15, v26  }
0x498: {  	v21 =	vxor.u32 v10, v27;
	v16 =	vxor.u32 v14, v16;
	v22 =	vxor.u32 v11, v28  }
0x499: {  	v23 =	vshrl.u32 v17, $0x8;
	v24 =	vshll.u32 v17, $0x18;
	v25 =	vshrl.u32 v18, $0x8  }
0x49a: {  	v26 =	vshll.u32 v18, $0x18;
	v27 =	vshrl.u32 v19, $0x8;
	v28 =	vshll.u32 v19, $0x18  }
0x49b: {  	v29 =	vshrl.u32 v20, $0x8;
	v30 =	vshll.u32 v20, $0x18;
	v31 =	vshrl.u32 v21, $0x8  }
0x49c: {  	v32 =	vshll.u32 v21, $0x18;
	v33 =	vshrl.u32 v22, $0x8;
	v34 =	vshll.u32 v22, $0x18  }
0x49d: {  	v23 =	vor.u32 v23, v24;
	v24 =	vshrl.u32 v16, $0x8;
	v35 =	vshll.u32 v16, $0x18  }
0x49e: {  	v25 =	vor.u32 v25, v26;
	v26 =	vor.u32 v27, v28;
	v27 =	vor.u32 v29, v30  }
0x49f: {  	v9 =	vadd.s32 v9, v17;
	v17 =	vor.u32 v31, v32;
	v28 =	vor.u32 v33, v34  }
0x4a0: {  	v13 =	vadd.s32 v13, v18;
	v12 =	vadd.s32 v12, v19;
	v15 =	vadd.s32 v15, v20  }
0x4a1: {  	v10 =	vadd.s32 v10, v21;
	v11 =	vadd.s32 v11, v22;
	v18 =	vor.u32 v24, v35  }
0x4a2: {  	v14 =	vadd.s32 v14, v16;
	v19 =	vxor.u32 v9, v23;
	v20 =	vxor.u32 v13, v25  }
0x4a3: {  	v16 =	vxor.u32 v12, v26;
	v21 =	vxor.u32 v15, v27;
	v17 =	vxor.u32 v10, v17  }
0x4a4: {  	v19 =	vadd.s32 v19, v7;
	v18 =	vxor.u32 v14, v18;
	v22 =	vxor.u32 v11, v28  }
0x4a5: {  	v20 =	vadd.s32 v20, v7;
	v16 =	vadd.s32 v16, v7;
	v21 =	vadd.s32 v21, v7  }
0x4a6: {  	v17 =	vadd.s32 v17, v7;
	v18 =	vadd.s32 v18, v7;
	v22 =	vadd.s32 v22, v7  }
0x4a7: {  	v23 =	vshrl.u32 v19, $0x13;
	v24 =	vshll.u32 v19, $0xD;
	v25 =	vshrl.u32 v20, $0x13  }
0x4a8: {  	v26 =	vshll.u32 v20, $0xD;
	v27 =	vshrl.u32 v16, $0x13;
	v28 =	vshll.u32 v16, $0xD  }
0x4a9: {  	v29 =	vshrl.u32 v21, $0x13;
	v30 =	vshll.u32 v21, $0xD;
	v31 =	vshrl.u32 v17, $0x13  }
0x4aa: {  	v32 =	vshll.u32 v17, $0xD;
	v33 =	vshrl.u32 v22, $0x13;
	v34 =	vshll.u32 v22, $0xD  }
0x4ab: {  	v9 =	vadd.s32 v2, v9;
	v35 =	vshrl.u32 v18, $0x13;
	v36 =	vshll.u32 v18, $0xD  }
0x4ac: {  	v13 =	vadd.s32 v2, v13;
	v12 =	vadd.s32 v2, v12;
	v15 =	vadd.s32 v2, v15  }
0x4ad: {  	v10 =	vadd.s32 v2, v10;
	v14 =	vadd.s32 v2, v14;
	v11 =	vadd.s32 v2, v11  }
0x4ae: {  	v23 =	vor.u32 v23, v24;
	v24 =	vor.u32 v25, v26;
	v25 =	vor.u32 v27, v28  }
0x4af: {  	v26 =	vor.u32 v29, v30;
	v27 =	vor.u32 v31, v32;
	v28 =	vor.u32 v33, v34  }
0x4b0: {  	v9 =	vadd.s32 v19, v9;
	v13 =	vadd.s32 v20, v13;
	v12 =	vadd.s32 v16, v12  }
0x4b1: {  	v15 =	vadd.s32 v21, v15;
	v10 =	vadd.s32 v17, v10;
	v11 =	vadd.s32 v22, v11  }
0x4b2: {  	v14 =	vadd.s32 v18, v14;
	v16 =	vxor.u32 v9, v23;
	v17 =	vor.u32 v35, v36  }
0x4b3: {  	v18 =	vxor.u32 v13, v24;
	v19 =	vxor.u32 v12, v25;
	v20 =	vxor.u32 v15, v26  }
0x4b4: {  	v21 =	vxor.u32 v10, v27;
	v17 =	vxor.u32 v14, v17;
	v22 =	vxor.u32 v11, v28  }
0x4b5: {  	v23 =	vshrl.u32 v16, $0x11;
	v24 =	vshll.u32 v16, $0xF;
	v25 =	vshrl.u32 v18, $0x11  }
0x4b6: {  	v26 =	vshll.u32 v18, $0xF;
	v27 =	vshrl.u32 v19, $0x11;
	v28 =	vshll.u32 v19, $0xF  }
0x4b7: {  	v29 =	vshrl.u32 v20, $0x11;
	v30 =	vshll.u32 v20, $0xF;
	v31 =	vshrl.u32 v21, $0x11  }
0x4b8: {  	v32 =	vshll.u32 v21, $0xF;
	v33 =	vshrl.u32 v22, $0x11;
	v34 =	vshll.u32 v22, $0xF  }
0x4b9: {  	v23 =	vor.u32 v23, v24;
	v24 =	vshrl.u32 v17, $0x11;
	v35 =	vshll.u32 v17, $0xF  }
0x4ba: {  	v25 =	vor.u32 v25, v26;
	v26 =	vor.u32 v27, v28;
	v27 =	vor.u32 v29, v30  }
0x4bb: {  	v9 =	vadd.s32 v9, v16;
	v16 =	vor.u32 v31, v32;
	v28 =	vor.u32 v33, v34  }
0x4bc: {  	v13 =	vadd.s32 v13, v18;
	v12 =	vadd.s32 v12, v19;
	v15 =	vadd.s32 v15, v20  }
0x4bd: {  	v10 =	vadd.s32 v10, v21;
	v11 =	vadd.s32 v11, v22;
	v18 =	vor.u32 v24, v35  }
0x4be: {  	v14 =	vadd.s32 v14, v17;
	v19 =	vxor.u32 v9, v23;
	v20 =	vxor.u32 v13, v25  }
0x4bf: {  	v17 =	vxor.u32 v12, v26;
	v21 =	vxor.u32 v15, v27;
	v16 =	vxor.u32 v10, v16  }
0x4c0: {  	v22 =	vshrl.u32 v19, $0x6;
	v18 =	vxor.u32 v14, v18;
	v23 =	vxor.u32 v11, v28  }
0x4c1: {  	v24 =	vshll.u32 v19, $0x1A;
	v25 =	vshrl.u32 v20, $0x6;
	v26 =	vshll.u32 v20, $0x1A  }
0x4c2: {  	v27 =	vshrl.u32 v17, $0x6;
	v28 =	vshll.u32 v17, $0x1A;
	v29 =	vshrl.u32 v21, $0x6  }
0x4c3: {  	v30 =	vshll.u32 v21, $0x1A;
	v31 =	vshrl.u32 v16, $0x6;
	v32 =	vshll.u32 v16, $0x1A  }
0x4c4: {  	v35 =	vshrl.u32 v18, $0x6;
	v33 =	vshrl.u32 v23, $0x6;
	v34 =	vshll.u32 v23, $0x1A  }
0x4c5: {  	v22 =	vor.u32 v22, v24;
	v24 =	vor.u32 v25, v26;
	v25 =	vshll.u32 v18, $0x1A  }
0x4c6: {  	v26 =	vor.u32 v27, v28;
	v27 =	vor.u32 v29, v30;
	v28 =	vor.u32 v31, v32  }
0x4c7: {  	v9 =	vadd.s32 v9, v19;
	v13 =	vadd.s32 v13, v20;
	v19 =	vor.u32 v33, v34  }
0x4c8: {  	v12 =	vadd.s32 v12, v17;
	v15 =	vadd.s32 v15, v21;
	v10 =	vadd.s32 v10, v16  }
0x4c9: {  	v14 =	vadd.s32 v14, v18;
	v11 =	vadd.s32 v11, v23;
	v16 =	vor.u32 v35, v25  }
0x4ca: {  	v17 =	vxor.u32 v9, v22;
	v18 =	vxor.u32 v13, v24;
	v20 =	vxor.u32 v12, v26  }
0x4cb: {  	v21 =	vxor.u32 v15, v27;
	v22 =	vxor.u32 v10, v28;
	v19 =	vxor.u32 v11, v19  }
0x4cc: {  	v23 =	vshrl.u32 v17, $0x1A;
	v24 =	vshll.u32 v17, $0x6;
	v16 =	vxor.u32 v14, v16  }
0x4cd: {  	v25 =	vshrl.u32 v18, $0x1A;
	v26 =	vshll.u32 v18, $0x6;
	v27 =	vshrl.u32 v20, $0x1A  }
0x4ce: {  	v28 =	vshll.u32 v20, $0x6;
	v29 =	vshrl.u32 v21, $0x1A;
	v30 =	vshll.u32 v21, $0x6  }
0x4cf: {  	v31 =	vshrl.u32 v22, $0x1A;
	v32 =	vshll.u32 v22, $0x6;
	v33 =	vshrl.u32 v19, $0x1A  }
0x4d0: {  	v35 =	vshrl.u32 v16, $0x1A;
	v36 =	vshll.u32 v16, $0x6;
	v34 =	vshll.u32 v19, $0x6  }
0x4d1: {  	v23 =	vor.u32 v23, v24;
	v24 =	vor.u32 v25, v26;
	v25 =	vor.u32 v27, v28  }
0x4d2: {  	v26 =	vor.u32 v29, v30;
	v27 =	vor.u32 v31, v32;
	v28 =	vor.u32 v33, v34  }
0x4d3: {  	v9 =	vadd.s32 v9, v17;
	v13 =	vadd.s32 v13, v18;
	v12 =	vadd.s32 v12, v20  }
0x4d4: {  	v15 =	vadd.s32 v15, v21;
	v10 =	vadd.s32 v10, v22;
	v11 =	vadd.s32 v11, v19  }
0x4d5: {  	v14 =	vadd.s32 v14, v16;
	v17 =	vxor.u32 v9, v23;
	v16 =	vor.u32 v35, v36  }
0x4d6: {  	v18 =	vxor.u32 v13, v24;
	v19 =	vxor.u32 v12, v25;
	v20 =	vxor.u32 v15, v26  }
0x4d7: {  	v21 =	vxor.u32 v10, v27;
	v16 =	vxor.u32 v14, v16;
	v22 =	vxor.u32 v11, v28  }
0x4d8: {  	v17 =	vadd.s32 v17, v8;
	v18 =	vadd.s32 v18, v8;
	v19 =	vadd.s32 v19, v8  }
0x4d9: {  	v20 =	vadd.s32 v20, v8;
	v21 =	vadd.s32 v21, v8;
	v22 =	vadd.s32 v22, v8  }
.Ltmp1:
0x4da: {  	v9 =	vadd.s32 v3, v9;
	v13 =	vadd.s32 v3, v13;
	v16 =	vadd.s32 v16, v8;
	(pc) =	sbr.rel @p0 .LBB2_5-.Ltmp1, $4  }
0x4db: {  	v12 =	vadd.s32 v3, v12;
	v15 =	vadd.s32 v3, v15;
	v10 =	vadd.s32 v3, v10  }
0x4dc: {  	v14 =	vadd.s32 v3, v14;
	v9 =	vxor.u32 v9, v17;
	v17 =	vadd.s32 v3, v11  }
0x4dd: {  	[tilespmem:s21+$0xFFFFFFC0] =	vst v9;
	v9 =	vxor.u32 v13, v18;
	v13 =	vxor.u32 v12, v19;
	v12 =	vxor.u32 v15, v20  }
0x4de: {  	s24 =	sadd.s32 $0x80, s24;
	v11 =	vxor.u32 v10, v21;
	v10 =	vxor.u32 v17, v22;
	[tilespmem:s21+$0xFFFFFFD0] =	vst v9;
	v9 =	vxor.u32 v14, v16  }
0x4df: {  	s19 =	sadd.s32 $0x1, s19  }
0x4e0: {  	[tilespmem:s21+$0xFFFFFFE0] =	vst v13;
	p0 =	sne.s32 s19, $0x8  }
.Ltmp2:
0x4e1: {  	[tilespmem:s21+$0xFFFFFFF0] =	vst v12;
	s20 =	sshll.u32 s20, $0x4;
	(pc) =	sbr.rel @p0 .LBB2_2-.Ltmp2, $4  }
0x4e2: {  	[tilespmem:s21+$0x0] =	vst v11;
	s22 =	sshll.u32 s22, $0xA;
	s20 =	sand.u32 $0x70, s20  }
0x4e3: {  	[tilespmem:s21+$0x10] =	vst v10;
	s22 =	sand.u32 $0x7E000, s22;
	s20 =	sadd.s32 s4, s20  }
0x4e4: {  	[tilespmem:s21+$0x30] =	vst v9;
	s18 =	sadd.s32 $0x10000, s18;
	s17 =	sadd.s32 $0x10000, s17;
	s20 =	sadd.s32 s22, s20  }
0x4e5: {  	[hbm4b:s20+s11] =	stream.strided.scatter [tilespmem:s13], [sflag:$0x2], $0x2000, s12, s11, $0x38;
	[tilespmem:$0x4400] =	vst v63  }
0x4e6: {  	s16 =	sadd.s32 $0x1, s16  }
0x4e7: {  	_ =	swait.ge [sflag:s14], $0x2000;
	p0 =	sne.s32 s16, s7  }
.Ltmp3:
0x4e8: {  	[sflag:s14] =	ssyncset.done $0x0;
	(pc) =	sbr.rel @p0 .LBB2_1-.Ltmp3, $4  }
0x4e9: {  	[sflag:s14] =	ssyncadd.s32 $0xFFFFE000  }
0x4ea: {  	_ =	swait.ge [sflag:s15], $0x2000  }
0x4eb: {  	[sflag:s15] =	ssyncset.done $0x0  }
0x4ec: {  	[sflag:s15] =	ssyncadd.s32 $0xFFFFE000  }
0x4ed: {  	_ =	sfence.sel $0x180000  }
0x4ee: {  	[bflag:$0x0] =	sbarrier.arrive $0xFFFF  }
0x4ef: {  	p0 =	sne.s32 s2, $0x0;
	_ =	strace $0x90000047  }
0x4f0: {  	s0 =	sadd.s32 @!p0 $0x100000, s0;
	[bflag:$0x2] =	sbarrier.arrive $0xFFFF  }
0x4f1: {  	[sflag:s0] =	ssyncadd.tile.s32 @!p0 $0x1;
	_ =	shalt  }
.Lfunc_end2:
_tile_overlayer_lowered:
.L_overlay_start_2:
0x4f2: {  	(tag) =	ssettag $0x2  }
0x4f3: {  	s0 =	rddreg [dreg:$0x0];
	s2 =	stileid.u32  }
0x4f4: {  	s1 =	rddreg [dreg:$0x1];
	p0 =	sne.s32 s2, $0x0  }
0x4f5: {  	s3 =	rddreg [dreg:$0x2];
	[bflag:$0x3] =	sbarrier.arrive $0xFFFF;
	s2 =	simm.s32 @!p0 $0x1C03  }
0x4f6: {  	[timem:s3], [sflag:s2] =	dma.local @!p0 [hbm:s0], s1  }
0x4f7: {  	s0 =	simm.s32 @!p0 $0x3  }
0x4f8: {  	_ =	swait.ge @!p0 [sflag:s0], s1  }
0x4f9: {  	s1 =	ssub.s32 @!p0 $0x0, s1;
	[sflag:s0] =	ssyncset.done @!p0 $0x0  }
0x4fa: {  	[sflag:s0] =	ssyncadd.s32 @!p0 s1  }
0x4fb: {  	[bflag:$0x3] =	sbarrier.arrive $0xFFFF  }
0x4fc: {  	_ =	shalt  }

</sc_bundles>
